<compile_context>
chip_gen: v7x
topology: tpu7x:2x2x1
jax: 0.10.2.dev20260603
libtpu: 0.0.44.dev20260713+nightly
codegen_flags: <defaults>
</compile_context>

<pallas_src>
import functools

import jax
import jax.numpy as jnp
from jax import lax
from jax.experimental import pallas as pl
from jax.experimental.pallas import tpu as pltpu
from jax.experimental.pallas import tpu_sc as plsc

_LANES = 16
_B = 128
_BA = 120
_NBUF = 4


def _sc_mesh():
    return plsc.VectorSubcoreMesh(core_axis_name="c", subcore_axis_name="s")




@functools.lru_cache(maxsize=None)
def _make_deg_kernel(n_pad, e_pad, nc, ns):
    nw = nc * ns
    chunks = e_pad // (nw * _B)
    rpt = n_pad // ns
    throttle = 8

    @functools.partial(
        pl.kernel,
        out_type=jax.ShapeDtypeStruct((nc, n_pad, _LANES), jnp.float32),
        mesh=_sc_mesh(),
        scratch_types=[
            [pltpu.VMEM((_B,), jnp.int32)] * 4,
            pltpu.VMEM((_B, _LANES), jnp.float32),
            pltpu.VMEM_SHARED((n_pad, _LANES), jnp.float32),
            [pltpu.SemaphoreType.DMA] * 4,
        ],
    )
    def deg_kernel(dst_h, out_h, didx, buf, acc, isem):
        c = lax.axis_index("c")
        s = lax.axis_index("s")
        wid = s * nc + c
        cbase = wid * chunks

        zero16 = jnp.zeros((_LANES,), jnp.float32)

        def zrow(r, _):
            buf[r, :] = zero16
            return 0

        lax.fori_loop(0, _B, zrow, 0, unroll=8)

        for q in range(rpt // _B):
            pltpu.sync_copy(buf, acc.at[pl.ds(s * rpt + q * _B, _B)])

        one16 = jnp.where(lax.iota(jnp.int32, _LANES) == 0, 1.0, 0.0).astype(
            jnp.float32
        )

        def orow(r, _):
            buf[r, :] = one16
            return 0

        lax.fori_loop(0, _B, orow, 0, unroll=8)
        plsc.subcore_barrier()

        def idx_load(i, j):
            pltpu.async_copy(dst_h.at[cbase + i], didx[j], isem[j])

        def wait_idx(j):
            pltpu.make_async_copy(dst_h.at[0], didx[j], isem[j]).wait()

        for k in range(3):
            idx_load(k, k)

        def group(g, _):
            base = g * 4
            for j in range(4):
                i = base + j
                idx_load(i + 3, (j + 3) % 4)
                wait_idx(j)
                pltpu.sync_copy(buf, acc.at[didx[j]], add=True)
            return 0

        lax.fori_loop(0, chunks // 4 - 1, group, 0)

        for j in range(4):
            i = chunks - 4 + j
            if i + 3 < chunks:
                idx_load(i + 3, (j + 3) % 4)
            wait_idx(j)
            pltpu.sync_copy(buf, acc.at[didx[j]], add=True)
        plsc.subcore_barrier()

        pltpu.sync_copy(
            acc.at[pl.ds(s * rpt, rpt)], out_h.at[c, pl.ds(s * rpt, rpt)]
        )

    return deg_kernel


@functools.lru_cache(maxsize=None)
def _make_agg_kernel(n_pad, e_pad, d, nc, ns):
    nw = nc * ns
    dh = d
    chunks = e_pad // (nw * _BA)
    rpt = n_pad // ns
    assert chunks % 6 == 0 and chunks >= 12

    @functools.partial(
        pl.kernel,
        out_type=jax.ShapeDtypeStruct((nc, n_pad, dh), jnp.float32),
        mesh=_sc_mesh(),
        scratch_types=[
            [pltpu.VMEM((_BA,), jnp.int32)] * 6,
            [pltpu.VMEM((_BA,), jnp.int32)] * 6,
            [pltpu.VMEM((_BA, dh), jnp.float32)] * 3,
            pltpu.VMEM_SHARED((n_pad, dh), jnp.float32),
            [pltpu.SemaphoreType.DMA] * 6,
            [pltpu.SemaphoreType.DMA] * 3,
            [pltpu.SemaphoreType.DMA] * 3,
        ],
    )
    def agg_kernel(g_h, src_h, dst_h, out_h, sidx, didx, rows, acc, isem,
                   gsem, ssem):
        c = lax.axis_index("c")
        s = lax.axis_index("s")
        wid = s * nc + c
        cbase = wid * chunks

        zero16 = jnp.zeros((_LANES,), jnp.float32)

        def zrow(r, _):
            for k in range(dh // _LANES):
                rows[0][r, pl.ds(k * _LANES, _LANES)] = zero16
            return 0

        lax.fori_loop(0, _BA, zrow, 0)

        nfull = rpt // _BA
        for q in range(nfull):
            pltpu.sync_copy(rows[0].at[pl.ds(0, _BA)],
                            acc.at[pl.ds(s * rpt + q * _BA, _BA)])
        rem = rpt - nfull * _BA
        if rem:
            pltpu.sync_copy(rows[0].at[pl.ds(0, rem)],
                            acc.at[pl.ds(s * rpt + nfull * _BA, rem)])
        plsc.subcore_barrier()

        def idx_load(i, j):
            pltpu.async_copy(src_h.at[cbase + i], sidx[j], isem[j])
            pltpu.async_copy(dst_h.at[cbase + i], didx[j], isem[j])

        def wait_idx(j):
            pltpu.make_async_copy(src_h.at[0], sidx[j], isem[j]).wait()
            pltpu.make_async_copy(dst_h.at[0], didx[j], isem[j]).wait()

        def gather(jr, j6):
            pltpu.async_copy(g_h.at[sidx[j6]], rows[jr], gsem[jr])

        def wait_gather(jr, j6):
            pltpu.make_async_copy(g_h.at[sidx[j6]], rows[jr],
                                  gsem[jr]).wait()

        def scatter(jr, j6):
            pltpu.sync_copy(rows[jr], acc.at[didx[j6]], add=True)

        def wait_scatter(jr):
            pass

        def step(i, j, last_grp=False):
            if not last_grp or j < 2:
                idx_load(i + 4, (j + 4) % 6)
            if not last_grp or j < 4:
                wait_idx((j + 2) % 6)
                gather((j + 2) % 3, (j + 2) % 6)
            wait_gather(j % 3, j)
            scatter(j % 3, j)

        for k in range(4):
            idx_load(k, k)
        for k in range(2):
            wait_idx(k)
            gather(k, k)

        for j in range(6):
            step(j, j)

        def group(g, _):
            base = g * 6
            for j in range(6):
                step(base + j, j)
            return 0

        lax.fori_loop(1, chunks // 6 - 1, group, 0)

        base = chunks - 6
        for j in range(6):
            step(base + j, j, last_grp=True)
        plsc.subcore_barrier()

        pltpu.sync_copy(
            acc.at[pl.ds(s * rpt, rpt)], out_h.at[c, pl.ds(s * rpt, rpt)]
        )

    return agg_kernel




def _dinv_of(degp_ref):
    deg = degp_ref[0, :, 0:1] + degp_ref[1, :, 0:1] + 1.0
    return lax.rsqrt(deg)


def _tc1_body(x_ref, w_ref, degp_ref, o_ref):
    dinv = _dinv_of(degp_ref)
    h = jnp.dot(x_ref[...], w_ref[...], preferred_element_type=jnp.float32)
    o_ref[...] = h * dinv


def _tc2_body(degp_ref, p_ref, g_ref, bg_ref, w_ref, o_ref):
    dinv = _dinv_of(degp_ref)
    agg = (p_ref[0] + p_ref[1] + g_ref[...]) * dinv + bg_ref[...]
    h = jnp.maximum(agg, 0.0)
    h = jnp.dot(h, w_ref[...], preferred_element_type=jnp.float32)
    o_ref[...] = h * dinv


def _elu(v):
    return jnp.where(v > 0.0, v, jnp.exp(jnp.minimum(v, 0.0)) - 1.0)


def _tc3_body(degp_ref, p_ref, g_ref, bg_ref, w1, b1, w2, b2, w3, b3, w4, b4,
              o_ref):
    dinv = _dinv_of(degp_ref)
    h = (p_ref[0] + p_ref[1] + g_ref[...]) * dinv + bg_ref[...]
    h = _elu(jnp.dot(h, w1[...], preferred_element_type=jnp.float32) + b1[...])
    h = _elu(jnp.dot(h, w2[...], preferred_element_type=jnp.float32) + b2[...])
    h = _elu(jnp.dot(h, w3[...], preferred_element_type=jnp.float32) + b3[...])
    h = _elu(jnp.dot(h, w4[...], preferred_element_type=jnp.float32) + b4[...])
    o_ref[...] = 1.0 / (1.0 + jnp.exp(-h))


def _row_spec(blk, d):
    return pl.BlockSpec((blk, d), lambda i: (i, 0))


def _full_spec(shape):
    nd = len(shape)
    return pl.BlockSpec(shape, lambda i: (0,) * nd)


def _degp_spec(blk):
    return pl.BlockSpec((2, blk, _LANES), lambda i: (0, i, 0))


def _part_spec(blk, dh):
    return pl.BlockSpec((2, blk, dh), lambda i: (0, i, 0))




def kernel(x, edge_index, Wg1, bg1, Wg2, bg2, W1, b1, W2, b2, W3, b3, W4, b4):
    n, d = x.shape
    e = edge_index.shape[1]
    info = plsc.get_sparse_core_info()
    nc, ns = info.num_cores, info.num_subcores
    nw = nc * ns

    blk = 1024
    n_pad = -(-n // blk) * blk
    grid = (n_pad // blk,)
    cpt = -(-e // (nw * _B))
    cpt = -(-cpt // _NBUF) * _NBUF
    e_pad = cpt * nw * _B
    cpa = -(-e // (nw * _BA))
    cpa = -(-cpa // 6) * 6
    e_pad_a = cpa * nw * _BA

    src = edge_index[0]
    dst = edge_index[1]
    pad = n + (jnp.arange(e_pad - e, dtype=jnp.int32) % (n_pad - n))
    pad_a = n + (jnp.arange(e_pad_a - e, dtype=jnp.int32) % (n_pad - n))
    dst_p2 = jnp.concatenate([dst, pad]).reshape(e_pad // _B, _B)
    src_a2 = jnp.concatenate([src, pad_a]).reshape(e_pad_a // _BA, _BA)
    dst_a2 = jnp.concatenate([dst, pad_a]).reshape(e_pad_a // _BA, _BA)
    x_p = jnp.pad(x, ((0, n_pad - n), (0, 0)))
    dh = d
    degp = _make_deg_kernel(n_pad, e_pad, nc, ns)(dst_p2)

    g1 = pl.pallas_call(
        _tc1_body,
        grid=grid,
        in_specs=[
            _row_spec(blk, d),
            _full_spec((d, d)),
            _degp_spec(blk),
        ],
        out_specs=_row_spec(blk, d),
        out_shape=jax.ShapeDtypeStruct((n_pad, d), jnp.float32),
    )(x_p, Wg1, degp)

    agg = _make_agg_kernel(n_pad, e_pad_a, d, nc, ns)

    p1 = agg(g1, src_a2, dst_a2)

    g2 = pl.pallas_call(
        _tc2_body,
        grid=grid,
        in_specs=[
            _degp_spec(blk),
            _part_spec(blk, dh),
            _row_spec(blk, d),
            _full_spec((1, d)),
            _full_spec((d, d)),
        ],
        out_specs=_row_spec(blk, d),
        out_shape=jax.ShapeDtypeStruct((n_pad, d), jnp.float32),
    )(degp, p1, g1, bg1[None, :], Wg2)

    p2 = agg(g2, src_a2, dst_a2)

    w4p = jnp.pad(W4, ((0, 0), (0, d - W4.shape[1])))
    b4p = jnp.pad(b4, (0, d - b4.shape[0]))

    out = pl.pallas_call(
        _tc3_body,
        grid=grid,
        in_specs=[
            _degp_spec(blk),
            _part_spec(blk, dh),
            _row_spec(blk, d),
            _full_spec((1, d)),
            _full_spec((d, d)),
            _full_spec((1, d)),
            _full_spec((d, d)),
            _full_spec((1, d)),
            _full_spec((d, d)),
            _full_spec((1, d)),
            _full_spec((d, d)),
            _full_spec((1, d)),
        ],
        out_specs=_row_spec(blk, d),
        out_shape=jax.ShapeDtypeStruct((n_pad, d), jnp.float32),
    )(degp, p2, g2, bg2[None, :], W1, b1[None, :], W2, b2[None, :],
      W3, b3[None, :], w4p, b4p[None, :])

    return out[:n, :1]

# --- scband reference (transcript-rebuilt; emitter-appended) ---
"""Pipeline reference for scband-my-gcn-63788854280505 (READ-ONLY COPY).

The authoritative reference and input builder live on the scoring server;
editing this copy changes nothing except your own understanding.
"""

import jax, jax.numpy as jnp
import numpy as np

N = 10000
E = 320000
D = 128
H = 128

def _glorot(key, shape):
    fan_in, fan_out = shape[0], shape[1]
    limit = np.sqrt(6.0 / (fan_in + fan_out))
    return jax.random.uniform(key, shape, dtype=jnp.float32, minval=-limit, maxval=limit)

def setup_inputs(seed: int = 0) -> dict:
    key = jax.random.key(seed)
    ks = jax.random.split(key, 16)
    inp = {}
    inp['x'] = jax.random.normal(ks[0], (N, D), dtype=jnp.float32)
    inp['edge_index'] = jax.random.randint(ks[1], (2, E), 0, N, dtype=jnp.int32)
    # GCN conv layers (num_layers=2): in->hidden, hidden->hidden
    inp['Wg1'] = _glorot(ks[2], (D, H)); inp['bg1'] = jnp.zeros((H,), jnp.float32)
    inp['Wg2'] = _glorot(ks[3], (H, H)); inp['bg2'] = jnp.zeros((H,), jnp.float32)
    # MLP head: 3x (H->H) + (H->1)
    inp['W1'] = _glorot(ks[4], (H, H)); inp['b1'] = jnp.zeros((H,), jnp.float32)
    inp['W2'] = _glorot(ks[5], (H, H)); inp['b2'] = jnp.zeros((H,), jnp.float32)
    inp['W3'] = _glorot(ks[6], (H, H)); inp['b3'] = jnp.zeros((H,), jnp.float32)
    inp['W4'] = _glorot(ks[7], (H, 1)); inp['b4'] = jnp.zeros((1,), jnp.float32)
    return inp

def reference(x, edge_index, Wg1, bg1, Wg2, bg2, W1, b1, W2, b2, W3, b3, W4, b4):
    src = edge_index[0]
    dst = edge_index[1]
    n = x.shape[0]
    # GCN symmetric normalization with self-loops (weight 1)
    deg = jnp.zeros((n,), x.dtype).at[dst].add(1.0) + 1.0
    dinv = jax.lax.rsqrt(deg)
    norm = dinv[src] * dinv[dst]
    self_norm = dinv * dinv

    def gcn_conv(h, W, b):
        h = h @ W
        agg = jnp.zeros_like(h).at[dst].add(h[src] * norm[:, None])
        agg = agg + h * self_norm[:, None]
        return agg + b

    h = gcn_conv(x, Wg1, bg1)
    h = jax.nn.relu(h)  # act between GCN layers (not after last)
    h = gcn_conv(h, Wg2, bg2)
    # head: ELU after every Linear (including last), then sigmoid
    h = jax.nn.elu(h @ W1 + b1)
    h = jax.nn.elu(h @ W2 + b2)
    h = jax.nn.elu(h @ W3 + b3)
    h = jax.nn.elu(h @ W4 + b4)
    return jax.nn.sigmoid(h)

if __name__ == "__main__":
    import jax
    _d = setup_inputs()
    print(jax.jit(kernel)(*tuple(_d.values())))

</pallas_src>

<mosaic_0001>
#map = affine_map<(d0, d1) -> (0, 0)>
#map1 = affine_map<(d0, d1) -> (0, 0, 0)>
module attributes {stable_mosaic.version = 14 : i64} {
  func.func @agg_kernel(%arg0: i32, %arg1: i32, %arg2: memref<10240x128xf32, #tpu.memory_space<hbm>>, %arg3: memref<2688x120xi32, #tpu.memory_space<hbm>>, %arg4: memref<2688x120xi32, #tpu.memory_space<hbm>>, %arg5: memref<2x10240x128xf32, #tpu.memory_space<hbm>>, %arg6: memref<120xi32, #tpu.memory_space<vmem>>, %arg7: memref<120xi32, #tpu.memory_space<vmem>>, %arg8: memref<120xi32, #tpu.memory_space<vmem>>, %arg9: memref<120xi32, #tpu.memory_space<vmem>>, %arg10: memref<120xi32, #tpu.memory_space<vmem>>, %arg11: memref<120xi32, #tpu.memory_space<vmem>>, %arg12: memref<120xi32, #tpu.memory_space<vmem>>, %arg13: memref<120xi32, #tpu.memory_space<vmem>>, %arg14: memref<120xi32, #tpu.memory_space<vmem>>, %arg15: memref<120xi32, #tpu.memory_space<vmem>>, %arg16: memref<120xi32, #tpu.memory_space<vmem>>, %arg17: memref<120xi32, #tpu.memory_space<vmem>>, %arg18: memref<120x128xf32, #tpu.memory_space<vmem>>, %arg19: memref<120x128xf32, #tpu.memory_space<vmem>>, %arg20: memref<120x128xf32, #tpu.memory_space<vmem>>, %arg21: memref<10240x128xf32, #tpu.memory_space<vmem_shared>>, %arg22: memref<!tpu.dma_semaphore, #tpu.memory_space<semaphore_mem>>, %arg23: memref<!tpu.dma_semaphore, #tpu.memory_space<semaphore_mem>>, %arg24: memref<!tpu.dma_semaphore, #tpu.memory_space<semaphore_mem>>, %arg25: memref<!tpu.dma_semaphore, #tpu.memory_space<semaphore_mem>>, %arg26: memref<!tpu.dma_semaphore, #tpu.memory_space<semaphore_mem>>, %arg27: memref<!tpu.dma_semaphore, #tpu.memory_space<semaphore_mem>>, %arg28: memref<!tpu.dma_semaphore, #tpu.memory_space<semaphore_mem>>, %arg29: memref<!tpu.dma_semaphore, #tpu.memory_space<semaphore_mem>>, %arg30: memref<!tpu.dma_semaphore, #tpu.memory_space<semaphore_mem>>, %arg31: memref<!tpu.dma_semaphore, #tpu.memory_space<semaphore_mem>>, %arg32: memref<!tpu.dma_semaphore, #tpu.memory_space<semaphore_mem>>, %arg33: memref<!tpu.dma_semaphore, #tpu.memory_space<semaphore_mem>>) attributes {dimension_semantics = [#tpu.dimension_semantics<core_parallel>, #tpu.dimension_semantics<subcore_parallel>], iteration_bounds = array<i64: 2, 16>, scalar_prefetch = 0 : i64, scratch_operands = 28 : i64, tpu.core_type = #tpu.core_type<sc_vector_subcore>, window_params = [{transform_indices = #map}, {transform_indices = #map}, {transform_indices = #map}, {transform_indices = #map1}]} {
    %mul3A = arith.constant 2 : i32
    %mul3A_0 = arith.muli %arg1, %mul3A : i32
    %add3A = arith.addi %mul3A_0, %arg0 : i32
    %mul3A_1 = arith.constant 84 : i32
    %mul3A_2 = arith.muli %add3A, %mul3A_1 : i32
    %broadcast_in_dim3A = arith.constant 0.000000e+00 : f32
    %broadcast_in_dim3A_3 = vector.broadcast %broadcast_in_dim3A : f32 to vector<16xf32>
    %scan3A = arith.constant 0 : i32
    %scan3A_4 = arith.constant 0 : i32
    %scan3A_5 = arith.constant 120 : i32
    %scan3A_6 = arith.addi %scan3A_4, %scan3A_5 : i32
    %scan3A_7 = arith.constant 1 : i32
    %scan3A_8 = scf.for %scan3A_476 = %scan3A_4 to %scan3A_6 step %scan3A_7 iter_args(%scan3A_477 = %scan3A) -> (i32)  : i32 {
      %swap3A = arith.index_cast %scan3A_476 : i32 to index
      %swap3A_478 = arith.constant 0 : index
      %swap3A_479 = tpu.vector_load %arg18[%swap3A, %swap3A_478] {strides = array<i32>} : memref<120x128xf32, #tpu.memory_space<vmem>>, vector<1x16xf32>,
      %swap3A_480 = vector.shape_cast %swap3A_479 : vector<1x16xf32> to vector<16xf32>
      %swap3A_481 = vector.shape_cast %broadcast_in_dim3A_3 : vector<16xf32> to vector<1x16xf32>
      tpu.vector_store %arg18[%swap3A, %swap3A_478], %swap3A_481 {strides = array<i32>} : memref<120x128xf32, #tpu.memory_space<vmem>>, vector<1x16xf32>,
      %swap3A_482 = arith.index_cast %scan3A_476 : i32 to index
      %swap3A_483 = arith.constant 16 : index
      %swap3A_484 = tpu.vector_load %arg18[%swap3A_482, %swap3A_483] {strides = array<i32>} : memref<120x128xf32, #tpu.memory_space<vmem>>, vector<1x16xf32>,
      %swap3A_485 = vector.shape_cast %swap3A_484 : vector<1x16xf32> to vector<16xf32>
      %swap3A_486 = vector.shape_cast %broadcast_in_dim3A_3 : vector<16xf32> to vector<1x16xf32>
      tpu.vector_store %arg18[%swap3A_482, %swap3A_483], %swap3A_486 {strides = array<i32>} : memref<120x128xf32, #tpu.memory_space<vmem>>, vector<1x16xf32>,
      %swap3A_487 = arith.index_cast %scan3A_476 : i32 to index
      %swap3A_488 = arith.constant 32 : index
      %swap3A_489 = tpu.vector_load %arg18[%swap3A_487, %swap3A_488] {strides = array<i32>} : memref<120x128xf32, #tpu.memory_space<vmem>>, vector<1x16xf32>,
      %swap3A_490 = vector.shape_cast %swap3A_489 : vector<1x16xf32> to vector<16xf32>
      %swap3A_491 = vector.shape_cast %broadcast_in_dim3A_3 : vector<16xf32> to vector<1x16xf32>
      tpu.vector_store %arg18[%swap3A_487, %swap3A_488], %swap3A_491 {strides = array<i32>} : memref<120x128xf32, #tpu.memory_space<vmem>>, vector<1x16xf32>,
      %swap3A_492 = arith.index_cast %scan3A_476 : i32 to index
      %swap3A_493 = arith.constant 48 : index
      %swap3A_494 = tpu.vector_load %arg18[%swap3A_492, %swap3A_493] {strides = array<i32>} : memref<120x128xf32, #tpu.memory_space<vmem>>, vector<1x16xf32>,
      %swap3A_495 = vector.shape_cast %swap3A_494 : vector<1x16xf32> to vector<16xf32>
      %swap3A_496 = vector.shape_cast %broadcast_in_dim3A_3 : vector<16xf32> to vector<1x16xf32>
      tpu.vector_store %arg18[%swap3A_492, %swap3A_493], %swap3A_496 {strides = array<i32>} : memref<120x128xf32, #tpu.memory_space<vmem>>, vector<1x16xf32>,
      %swap3A_497 = arith.index_cast %scan3A_476 : i32 to index
      %swap3A_498 = arith.constant 64 : index
      %swap3A_499 = tpu.vector_load %arg18[%swap3A_497, %swap3A_498] {strides = array<i32>} : memref<120x128xf32, #tpu.memory_space<vmem>>, vector<1x16xf32>,
      %swap3A_500 = vector.shape_cast %swap3A_499 : vector<1x16xf32> to vector<16xf32>
      %swap3A_501 = vector.shape_cast %broadcast_in_dim3A_3 : vector<16xf32> to vector<1x16xf32>
      tpu.vector_store %arg18[%swap3A_497, %swap3A_498], %swap3A_501 {strides = array<i32>} : memref<120x128xf32, #tpu.memory_space<vmem>>, vector<1x16xf32>,
      %swap3A_502 = arith.index_cast %scan3A_476 : i32 to index
      %swap3A_503 = arith.constant 80 : index
      %swap3A_504 = tpu.vector_load %arg18[%swap3A_502, %swap3A_503] {strides = array<i32>} : memref<120x128xf32, #tpu.memory_space<vmem>>, vector<1x16xf32>,
      %swap3A_505 = vector.shape_cast %swap3A_504 : vector<1x16xf32> to vector<16xf32>
      %swap3A_506 = vector.shape_cast %broadcast_in_dim3A_3 : vector<16xf32> to vector<1x16xf32>
      tpu.vector_store %arg18[%swap3A_502, %swap3A_503], %swap3A_506 {strides = array<i32>} : memref<120x128xf32, #tpu.memory_space<vmem>>, vector<1x16xf32>,
      %swap3A_507 = arith.index_cast %scan3A_476 : i32 to index
      %swap3A_508 = arith.constant 96 : index
      %swap3A_509 = tpu.vector_load %arg18[%swap3A_507, %swap3A_508] {strides = array<i32>} : memref<120x128xf32, #tpu.memory_space<vmem>>, vector<1x16xf32>,
      %swap3A_510 = vector.shape_cast %swap3A_509 : vector<1x16xf32> to vector<16xf32>
      %swap3A_511 = vector.shape_cast %broadcast_in_dim3A_3 : vector<16xf32> to vector<1x16xf32>
      tpu.vector_store %arg18[%swap3A_507, %swap3A_508], %swap3A_511 {strides = array<i32>} : memref<120x128xf32, #tpu.memory_space<vmem>>, vector<1x16xf32>,
      %swap3A_512 = arith.index_cast %scan3A_476 : i32 to index
      %swap3A_513 = arith.constant 112 : index
      %swap3A_514 = tpu.vector_load %arg18[%swap3A_512, %swap3A_513] {strides = array<i32>} : memref<120x128xf32, #tpu.memory_space<vmem>>, vector<1x16xf32>,
      %swap3A_515 = vector.shape_cast %swap3A_514 : vector<1x16xf32> to vector<16xf32>
      %swap3A_516 = vector.shape_cast %broadcast_in_dim3A_3 : vector<16xf32> to vector<1x16xf32>
      tpu.vector_store %arg18[%swap3A_512, %swap3A_513], %swap3A_516 {strides = array<i32>} : memref<120x128xf32, #tpu.memory_space<vmem>>, vector<1x16xf32>,
      %scan3A_517 = arith.constant 0 : i32
      scf.yield %scan3A_517 : i32
    }
    %scan3A_9 = arith.constant 120 : i32
    %mul3A_10 = arith.constant 640 : i32
    %mul3A_11 = arith.muli %arg1, %mul3A_10 : i32
    %add3A_12 = arith.constant 0 : i32
    %add3A_13 = arith.addi %mul3A_11, %add3A_12 : i32
    "tpu.region"() ({
      %run_scoped3A = tpu.sem_alloc : memref<!tpu.dma_semaphore, #tpu.memory_space<semaphore_mem>>
      %dma_start3A_476 = arith.constant 0 : i32
      %dma_start3A_477 = arith.constant 0 : i32
      %dma_start3A_478 = tpu.memref_slice %arg18[%dma_start3A_476, %dma_start3A_477] : memref<120x128xf32, #tpu.memory_space<vmem>> -> memref<120x128xf32, #tpu.memory_space<vmem>>
      %dma_start3A_479 = arith.constant 0 : i32
      %dma_start3A_480 = tpu.memref_slice %arg21[%add3A_13, %dma_start3A_479] : memref<10240x128xf32, #tpu.memory_space<vmem_shared>> -> memref<120x128xf32, #tpu.memory_space<vmem_shared>>
      %dma_start3A_481 = arith.constant 0 : i32
      %dma_start3A_482 = tpu.memref_slice %arg21[%add3A_13, %dma_start3A_481] : memref<10240x128xf32, #tpu.memory_space<vmem_shared>> -> memref<120x128xf32, #tpu.memory_space<vmem_shared>>
      %dma_start3A_483 = arith.constant 0 : i32
      %dma_start3A_484 = arith.constant 0 : i32
      %dma_start3A_485 = tpu.memref_slice %arg18[%dma_start3A_483, %dma_start3A_484] : memref<120x128xf32, #tpu.memory_space<vmem>> -> memref<120x128xf32, #tpu.memory_space<vmem>>
      tpu.enqueue_dma source(%dma_start3A_485 : memref<120x128xf32, #tpu.memory_space<vmem>>) target(%dma_start3A_482 : memref<120x128xf32, #tpu.memory_space<vmem_shared>>) target_semaphore(%run_scoped3A : memref<!tpu.dma_semaphore, #tpu.memory_space<semaphore_mem>>)
      %dma_wait3A_486 = arith.constant 0 : i32
      %dma_wait3A_487 = arith.constant 0 : i32
      %dma_wait3A_488 = tpu.memref_slice %arg18[%dma_wait3A_486, %dma_wait3A_487] : memref<120x128xf32, #tpu.memory_space<vmem>> -> memref<120x128xf32, #tpu.memory_space<vmem>>
      %dma_wait3A_489 = arith.constant 0 : i32
      %dma_wait3A_490 = tpu.memref_slice %arg21[%add3A_13, %dma_wait3A_489] : memref<10240x128xf32, #tpu.memory_space<vmem_shared>> -> memref<120x128xf32, #tpu.memory_space<vmem_shared>>
      %dma_wait3A_491 = arith.constant 0 : i32
      %dma_wait3A_492 = tpu.memref_slice %arg21[%add3A_13, %dma_wait3A_491] : memref<10240x128xf32, #tpu.memory_space<vmem_shared>> -> memref<120x128xf32, #tpu.memory_space<vmem_shared>>
      %dma_wait3A_493 = arith.constant 0 : i32
      %dma_wait3A_494 = arith.constant 0 : i32
      %dma_wait3A_495 = tpu.memref_slice %arg18[%dma_wait3A_493, %dma_wait3A_494] : memref<120x128xf32, #tpu.memory_space<vmem>> -> memref<120x128xf32, #tpu.memory_space<vmem>>
      tpu.wait_dma2 semaphore(%run_scoped3A : memref<!tpu.dma_semaphore, #tpu.memory_space<semaphore_mem>>) src(%dma_wait3A_495 : memref<120x128xf32, #tpu.memory_space<vmem>>) dst(%dma_wait3A_492 : memref<120x128xf32, #tpu.memory_space<vmem_shared>>)
      tpu.yield
    }) : () -> ()
    %mul3A_14 = arith.constant 640 : i32
    %mul3A_15 = arith.muli %arg1, %mul3A_14 : i32
    %add3A_16 = arith.constant 120 : i32
    %add3A_17 = arith.addi %mul3A_15, %add3A_16 : i32
    "tpu.region"() ({
      %run_scoped3A = tpu.sem_alloc : memref<!tpu.dma_semaphore, #tpu.memory_space<semaphore_mem>>
      %dma_start3A_476 = arith.constant 0 : i32
      %dma_start3A_477 = arith.constant 0 : i32
      %dma_start3A_478 = tpu.memref_slice %arg18[%dma_start3A_476, %dma_start3A_477] : memref<120x128xf32, #tpu.memory_space<vmem>> -> memref<120x128xf32, #tpu.memory_space<vmem>>
      %dma_start3A_479 = arith.constant 0 : i32
      %dma_start3A_480 = tpu.memref_slice %arg21[%add3A_17, %dma_start3A_479] : memref<10240x128xf32, #tpu.memory_space<vmem_shared>> -> memref<120x128xf32, #tpu.memory_space<vmem_shared>>
      %dma_start3A_481 = arith.constant 0 : i32
      %dma_start3A_482 = tpu.memref_slice %arg21[%add3A_17, %dma_start3A_481] : memref<10240x128xf32, #tpu.memory_space<vmem_shared>> -> memref<120x128xf32, #tpu.memory_space<vmem_shared>>
      %dma_start3A_483 = arith.constant 0 : i32
      %dma_start3A_484 = arith.constant 0 : i32
      %dma_start3A_485 = tpu.memref_slice %arg18[%dma_start3A_483, %dma_start3A_484] : memref<120x128xf32, #tpu.memory_space<vmem>> -> memref<120x128xf32, #tpu.memory_space<vmem>>
      tpu.enqueue_dma source(%dma_start3A_485 : memref<120x128xf32, #tpu.memory_space<vmem>>) target(%dma_start3A_482 : memref<120x128xf32, #tpu.memory_space<vmem_shared>>) target_semaphore(%run_scoped3A : memref<!tpu.dma_semaphore, #tpu.memory_space<semaphore_mem>>)
      %dma_wait3A_486 = arith.constant 0 : i32
      %dma_wait3A_487 = arith.constant 0 : i32
      %dma_wait3A_488 = tpu.memref_slice %arg18[%dma_wait3A_486, %dma_wait3A_487] : memref<120x128xf32, #tpu.memory_space<vmem>> -> memref<120x128xf32, #tpu.memory_space<vmem>>
      %dma_wait3A_489 = arith.constant 0 : i32
      %dma_wait3A_490 = tpu.memref_slice %arg21[%add3A_17, %dma_wait3A_489] : memref<10240x128xf32, #tpu.memory_space<vmem_shared>> -> memref<120x128xf32, #tpu.memory_space<vmem_shared>>
      %dma_wait3A_491 = arith.constant 0 : i32
      %dma_wait3A_492 = tpu.memref_slice %arg21[%add3A_17, %dma_wait3A_491] : memref<10240x128xf32, #tpu.memory_space<vmem_shared>> -> memref<120x128xf32, #tpu.memory_space<vmem_shared>>
      %dma_wait3A_493 = arith.constant 0 : i32
      %dma_wait3A_494 = arith.constant 0 : i32
      %dma_wait3A_495 = tpu.memref_slice %arg18[%dma_wait3A_493, %dma_wait3A_494] : memref<120x128xf32, #tpu.memory_space<vmem>> -> memref<120x128xf32, #tpu.memory_space<vmem>>
      tpu.wait_dma2 semaphore(%run_scoped3A : memref<!tpu.dma_semaphore, #tpu.memory_space<semaphore_mem>>) src(%dma_wait3A_495 : memref<120x128xf32, #tpu.memory_space<vmem>>) dst(%dma_wait3A_492 : memref<120x128xf32, #tpu.memory_space<vmem_shared>>)
      tpu.yield
    }) : () -> ()
    %mul3A_18 = arith.constant 640 : i32
    %mul3A_19 = arith.muli %arg1, %mul3A_18 : i32
    %add3A_20 = arith.constant 240 : i32
    %add3A_21 = arith.addi %mul3A_19, %add3A_20 : i32
    "tpu.region"() ({
      %run_scoped3A = tpu.sem_alloc : memref<!tpu.dma_semaphore, #tpu.memory_space<semaphore_mem>>
      %dma_start3A_476 = arith.constant 0 : i32
      %dma_start3A_477 = arith.constant 0 : i32
      %dma_start3A_478 = tpu.memref_slice %arg18[%dma_start3A_476, %dma_start3A_477] : memref<120x128xf32, #tpu.memory_space<vmem>> -> memref<120x128xf32, #tpu.memory_space<vmem>>
      %dma_start3A_479 = arith.constant 0 : i32
      %dma_start3A_480 = tpu.memref_slice %arg21[%add3A_21, %dma_start3A_479] : memref<10240x128xf32, #tpu.memory_space<vmem_shared>> -> memref<120x128xf32, #tpu.memory_space<vmem_shared>>
      %dma_start3A_481 = arith.constant 0 : i32
      %dma_start3A_482 = tpu.memref_slice %arg21[%add3A_21, %dma_start3A_481] : memref<10240x128xf32, #tpu.memory_space<vmem_shared>> -> memref<120x128xf32, #tpu.memory_space<vmem_shared>>
      %dma_start3A_483 = arith.constant 0 : i32
      %dma_start3A_484 = arith.constant 0 : i32
      %dma_start3A_485 = tpu.memref_slice %arg18[%dma_start3A_483, %dma_start3A_484] : memref<120x128xf32, #tpu.memory_space<vmem>> -> memref<120x128xf32, #tpu.memory_space<vmem>>
      tpu.enqueue_dma source(%dma_start3A_485 : memref<120x128xf32, #tpu.memory_space<vmem>>) target(%dma_start3A_482 : memref<120x128xf32, #tpu.memory_space<vmem_shared>>) target_semaphore(%run_scoped3A : memref<!tpu.dma_semaphore, #tpu.memory_space<semaphore_mem>>)
      %dma_wait3A_486 = arith.constant 0 : i32
      %dma_wait3A_487 = arith.constant 0 : i32
      %dma_wait3A_488 = tpu.memref_slice %arg18[%dma_wait3A_486, %dma_wait3A_487] : memref<120x128xf32, #tpu.memory_space<vmem>> -> memref<120x128xf32, #tpu.memory_space<vmem>>
      %dma_wait3A_489 = arith.constant 0 : i32
      %dma_wait3A_490 = tpu.memref_slice %arg21[%add3A_21, %dma_wait3A_489] : memref<10240x128xf32, #tpu.memory_space<vmem_shared>> -> memref<120x128xf32, #tpu.memory_space<vmem_shared>>
      %dma_wait3A_491 = arith.constant 0 : i32
      %dma_wait3A_492 = tpu.memref_slice %arg21[%add3A_21, %dma_wait3A_491] : memref<10240x128xf32, #tpu.memory_space<vmem_shared>> -> memref<120x128xf32, #tpu.memory_space<vmem_shared>>
      %dma_wait3A_493 = arith.constant 0 : i32
      %dma_wait3A_494 = arith.constant 0 : i32
      %dma_wait3A_495 = tpu.memref_slice %arg18[%dma_wait3A_493, %dma_wait3A_494] : memref<120x128xf32, #tpu.memory_space<vmem>> -> memref<120x128xf32, #tpu.memory_space<vmem>>
      tpu.wait_dma2 semaphore(%run_scoped3A : memref<!tpu.dma_semaphore, #tpu.memory_space<semaphore_mem>>) src(%dma_wait3A_495 : memref<120x128xf32, #tpu.memory_space<vmem>>) dst(%dma_wait3A_492 : memref<120x128xf32, #tpu.memory_space<vmem_shared>>)
      tpu.yield
    }) : () -> ()
    %mul3A_22 = arith.constant 640 : i32
    %mul3A_23 = arith.muli %arg1, %mul3A_22 : i32
    %add3A_24 = arith.constant 360 : i32
    %add3A_25 = arith.addi %mul3A_23, %add3A_24 : i32
    "tpu.region"() ({
      %run_scoped3A = tpu.sem_alloc : memref<!tpu.dma_semaphore, #tpu.memory_space<semaphore_mem>>
      %dma_start3A_476 = arith.constant 0 : i32
      %dma_start3A_477 = arith.constant 0 : i32
      %dma_start3A_478 = tpu.memref_slice %arg18[%dma_start3A_476, %dma_start3A_477] : memref<120x128xf32, #tpu.memory_space<vmem>> -> memref<120x128xf32, #tpu.memory_space<vmem>>
      %dma_start3A_479 = arith.constant 0 : i32
      %dma_start3A_480 = tpu.memref_slice %arg21[%add3A_25, %dma_start3A_479] : memref<10240x128xf32, #tpu.memory_space<vmem_shared>> -> memref<120x128xf32, #tpu.memory_space<vmem_shared>>
      %dma_start3A_481 = arith.constant 0 : i32
      %dma_start3A_482 = tpu.memref_slice %arg21[%add3A_25, %dma_start3A_481] : memref<10240x128xf32, #tpu.memory_space<vmem_shared>> -> memref<120x128xf32, #tpu.memory_space<vmem_shared>>
      %dma_start3A_483 = arith.constant 0 : i32
      %dma_start3A_484 = arith.constant 0 : i32
      %dma_start3A_485 = tpu.memref_slice %arg18[%dma_start3A_483, %dma_start3A_484] : memref<120x128xf32, #tpu.memory_space<vmem>> -> memref<120x128xf32, #tpu.memory_space<vmem>>
      tpu.enqueue_dma source(%dma_start3A_485 : memref<120x128xf32, #tpu.memory_space<vmem>>) target(%dma_start3A_482 : memref<120x128xf32, #tpu.memory_space<vmem_shared>>) target_semaphore(%run_scoped3A : memref<!tpu.dma_semaphore, #tpu.memory_space<semaphore_mem>>)
      %dma_wait3A_486 = arith.constant 0 : i32
      %dma_wait3A_487 = arith.constant 0 : i32
      %dma_wait3A_488 = tpu.memref_slice %arg18[%dma_wait3A_486, %dma_wait3A_487] : memref<120x128xf32, #tpu.memory_space<vmem>> -> memref<120x128xf32, #tpu.memory_space<vmem>>
      %dma_wait3A_489 = arith.constant 0 : i32
      %dma_wait3A_490 = tpu.memref_slice %arg21[%add3A_25, %dma_wait3A_489] : memref<10240x128xf32, #tpu.memory_space<vmem_shared>> -> memref<120x128xf32, #tpu.memory_space<vmem_shared>>
      %dma_wait3A_491 = arith.constant 0 : i32
      %dma_wait3A_492 = tpu.memref_slice %arg21[%add3A_25, %dma_wait3A_491] : memref<10240x128xf32, #tpu.memory_space<vmem_shared>> -> memref<120x128xf32, #tpu.memory_space<vmem_shared>>
      %dma_wait3A_493 = arith.constant 0 : i32
      %dma_wait3A_494 = arith.constant 0 : i32
      %dma_wait3A_495 = tpu.memref_slice %arg18[%dma_wait3A_493, %dma_wait3A_494] : memref<120x128xf32, #tpu.memory_space<vmem>> -> memref<120x128xf32, #tpu.memory_space<vmem>>
      tpu.wait_dma2 semaphore(%run_scoped3A : memref<!tpu.dma_semaphore, #tpu.memory_space<semaphore_mem>>) src(%dma_wait3A_495 : memref<120x128xf32, #tpu.memory_space<vmem>>) dst(%dma_wait3A_492 : memref<120x128xf32, #tpu.memory_space<vmem_shared>>)
      tpu.yield
    }) : () -> ()
    %mul3A_26 = arith.constant 640 : i32
    %mul3A_27 = arith.muli %arg1, %mul3A_26 : i32
    %add3A_28 = arith.constant 480 : i32
    %add3A_29 = arith.addi %mul3A_27, %add3A_28 : i32
    "tpu.region"() ({
      %run_scoped3A = tpu.sem_alloc : memref<!tpu.dma_semaphore, #tpu.memory_space<semaphore_mem>>
      %dma_start3A_476 = arith.constant 0 : i32
      %dma_start3A_477 = arith.constant 0 : i32
      %dma_start3A_478 = tpu.memref_slice %arg18[%dma_start3A_476, %dma_start3A_477] : memref<120x128xf32, #tpu.memory_space<vmem>> -> memref<120x128xf32, #tpu.memory_space<vmem>>
      %dma_start3A_479 = arith.constant 0 : i32
      %dma_start3A_480 = tpu.memref_slice %arg21[%add3A_29, %dma_start3A_479] : memref<10240x128xf32, #tpu.memory_space<vmem_shared>> -> memref<120x128xf32, #tpu.memory_space<vmem_shared>>
      %dma_start3A_481 = arith.constant 0 : i32
      %dma_start3A_482 = tpu.memref_slice %arg21[%add3A_29, %dma_start3A_481] : memref<10240x128xf32, #tpu.memory_space<vmem_shared>> -> memref<120x128xf32, #tpu.memory_space<vmem_shared>>
      %dma_start3A_483 = arith.constant 0 : i32
      %dma_start3A_484 = arith.constant 0 : i32
      %dma_start3A_485 = tpu.memref_slice %arg18[%dma_start3A_483, %dma_start3A_484] : memref<120x128xf32, #tpu.memory_space<vmem>> -> memref<120x128xf32, #tpu.memory_space<vmem>>
      tpu.enqueue_dma source(%dma_start3A_485 : memref<120x128xf32, #tpu.memory_space<vmem>>) target(%dma_start3A_482 : memref<120x128xf32, #tpu.memory_space<vmem_shared>>) target_semaphore(%run_scoped3A : memref<!tpu.dma_semaphore, #tpu.memory_space<semaphore_mem>>)
      %dma_wait3A_486 = arith.constant 0 : i32
      %dma_wait3A_487 = arith.constant 0 : i32
      %dma_wait3A_488 = tpu.memref_slice %arg18[%dma_wait3A_486, %dma_wait3A_487] : memref<120x128xf32, #tpu.memory_space<vmem>> -> memref<120x128xf32, #tpu.memory_space<vmem>>
      %dma_wait3A_489 = arith.constant 0 : i32
      %dma_wait3A_490 = tpu.memref_slice %arg21[%add3A_29, %dma_wait3A_489] : memref<10240x128xf32, #tpu.memory_space<vmem_shared>> -> memref<120x128xf32, #tpu.memory_space<vmem_shared>>
      %dma_wait3A_491 = arith.constant 0 : i32
      %dma_wait3A_492 = tpu.memref_slice %arg21[%add3A_29, %dma_wait3A_491] : memref<10240x128xf32, #tpu.memory_space<vmem_shared>> -> memref<120x128xf32, #tpu.memory_space<vmem_shared>>
      %dma_wait3A_493 = arith.constant 0 : i32
      %dma_wait3A_494 = arith.constant 0 : i32
      %dma_wait3A_495 = tpu.memref_slice %arg18[%dma_wait3A_493, %dma_wait3A_494] : memref<120x128xf32, #tpu.memory_space<vmem>> -> memref<120x128xf32, #tpu.memory_space<vmem>>
      tpu.wait_dma2 semaphore(%run_scoped3A : memref<!tpu.dma_semaphore, #tpu.memory_space<semaphore_mem>>) src(%dma_wait3A_495 : memref<120x128xf32, #tpu.memory_space<vmem>>) dst(%dma_wait3A_492 : memref<120x128xf32, #tpu.memory_space<vmem_shared>>)
      tpu.yield
    }) : () -> ()
    %mul3A_30 = arith.constant 640 : i32
    %mul3A_31 = arith.muli %arg1, %mul3A_30 : i32
    %add3A_32 = arith.constant 600 : i32
    %add3A_33 = arith.addi %mul3A_31, %add3A_32 : i32
    "tpu.region"() ({
      %run_scoped3A = tpu.sem_alloc : memref<!tpu.dma_semaphore, #tpu.memory_space<semaphore_mem>>
      %dma_start3A_476 = arith.constant 0 : i32
      %dma_start3A_477 = arith.constant 0 : i32
      %dma_start3A_478 = tpu.memref_slice %arg18[%dma_start3A_476, %dma_start3A_477] : memref<120x128xf32, #tpu.memory_space<vmem>> -> memref<40x128xf32, #tpu.memory_space<vmem>>
      %dma_start3A_479 = arith.constant 0 : i32
      %dma_start3A_480 = tpu.memref_slice %arg21[%add3A_33, %dma_start3A_479] : memref<10240x128xf32, #tpu.memory_space<vmem_shared>> -> memref<40x128xf32, #tpu.memory_space<vmem_shared>>
      %dma_start3A_481 = arith.constant 0 : i32
      %dma_start3A_482 = tpu.memref_slice %arg21[%add3A_33, %dma_start3A_481] : memref<10240x128xf32, #tpu.memory_space<vmem_shared>> -> memref<40x128xf32, #tpu.memory_space<vmem_shared>>
      %dma_start3A_483 = arith.constant 0 : i32
      %dma_start3A_484 = arith.constant 0 : i32
      %dma_start3A_485 = tpu.memref_slice %arg18[%dma_start3A_483, %dma_start3A_484] : memref<120x128xf32, #tpu.memory_space<vmem>> -> memref<40x128xf32, #tpu.memory_space<vmem>>
      tpu.enqueue_dma source(%dma_start3A_485 : memref<40x128xf32, #tpu.memory_space<vmem>>) target(%dma_start3A_482 : memref<40x128xf32, #tpu.memory_space<vmem_shared>>) target_semaphore(%run_scoped3A : memref<!tpu.dma_semaphore, #tpu.memory_space<semaphore_mem>>)
      %dma_wait3A_486 = arith.constant 0 : i32
      %dma_wait3A_487 = arith.constant 0 : i32
      %dma_wait3A_488 = tpu.memref_slice %arg18[%dma_wait3A_486, %dma_wait3A_487] : memref<120x128xf32, #tpu.memory_space<vmem>> -> memref<40x128xf32, #tpu.memory_space<vmem>>
      %dma_wait3A_489 = arith.constant 0 : i32
      %dma_wait3A_490 = tpu.memref_slice %arg21[%add3A_33, %dma_wait3A_489] : memref<10240x128xf32, #tpu.memory_space<vmem_shared>> -> memref<40x128xf32, #tpu.memory_space<vmem_shared>>
      %dma_wait3A_491 = arith.constant 0 : i32
      %dma_wait3A_492 = tpu.memref_slice %arg21[%add3A_33, %dma_wait3A_491] : memref<10240x128xf32, #tpu.memory_space<vmem_shared>> -> memref<40x128xf32, #tpu.memory_space<vmem_shared>>
      %dma_wait3A_493 = arith.constant 0 : i32
      %dma_wait3A_494 = arith.constant 0 : i32
      %dma_wait3A_495 = tpu.memref_slice %arg18[%dma_wait3A_493, %dma_wait3A_494] : memref<120x128xf32, #tpu.memory_space<vmem>> -> memref<40x128xf32, #tpu.memory_space<vmem>>
      tpu.wait_dma2 semaphore(%run_scoped3A : memref<!tpu.dma_semaphore, #tpu.memory_space<semaphore_mem>>) src(%dma_wait3A_495 : memref<40x128xf32, #tpu.memory_space<vmem>>) dst(%dma_wait3A_492 : memref<40x128xf32, #tpu.memory_space<vmem_shared>>)
      tpu.yield
    }) : () -> ()
    %barrier3A = arith.constant 0 : index
    tpu.barrier barrier_id(%barrier3A)
    %add3A_34 = arith.constant 0 : i32
    %add3A_35 = arith.addi %mul3A_2, %add3A_34 : i32
    %dma_start3A = arith.constant 0 : i32
    %dma_start3A_36 = tpu.memref_slice %arg3[%add3A_35, %dma_start3A] : memref<2688x120xi32, #tpu.memory_space<hbm>> -> memref<1x120xi32, #tpu.memory_space<hbm>>
    %dma_start3A_37 = tpu.memref_squeeze %dma_start3A_36 : memref<1x120xi32, #tpu.memory_space<hbm>> -> memref<120xi32, #tpu.memory_space<hbm>>
    %dma_start3A_38 = arith.constant 0 : i32
    %dma_start3A_39 = tpu.memref_slice %arg3[%add3A_35, %dma_start3A_38] : memref<2688x120xi32, #tpu.memory_space<hbm>> -> memref<1x120xi32, #tpu.memory_space<hbm>>
    %dma_start3A_40 = tpu.memref_squeeze %dma_start3A_39 : memref<1x120xi32, #tpu.memory_space<hbm>> -> memref<120xi32, #tpu.memory_space<hbm>>
    tpu.enqueue_dma source(%dma_start3A_40 : memref<120xi32, #tpu.memory_space<hbm>>) target(%arg6 : memref<120xi32, #tpu.memory_space<vmem>>) target_semaphore(%arg22 : memref<!tpu.dma_semaphore, #tpu.memory_space<semaphore_mem>>)
    %add3A_41 = arith.constant 0 : i32
    %add3A_42 = arith.addi %mul3A_2, %add3A_41 : i32
    %dma_start3A_43 = arith.constant 0 : i32
    %dma_start3A_44 = tpu.memref_slice %arg4[%add3A_42, %dma_start3A_43] : memref<2688x120xi32, #tpu.memory_space<hbm>> -> memref<1x120xi32, #tpu.memory_space<hbm>>
    %dma_start3A_45 = tpu.memref_squeeze %dma_start3A_44 : memref<1x120xi32, #tpu.memory_space<hbm>> -> memref<120xi32, #tpu.memory_space<hbm>>
    %dma_start3A_46 = arith.constant 0 : i32
    %dma_start3A_47 = tpu.memref_slice %arg4[%add3A_42, %dma_start3A_46] : memref<2688x120xi32, #tpu.memory_space<hbm>> -> memref<1x120xi32, #tpu.memory_space<hbm>>
    %dma_start3A_48 = tpu.memref_squeeze %dma_start3A_47 : memref<1x120xi32, #tpu.memory_space<hbm>> -> memref<120xi32, #tpu.memory_space<hbm>>
    tpu.enqueue_dma source(%dma_start3A_48 : memref<120xi32, #tpu.memory_space<hbm>>) target(%arg12 : memref<120xi32, #tpu.memory_space<vmem>>) target_semaphore(%arg22 : memref<!tpu.dma_semaphore, #tpu.memory_space<semaphore_mem>>)
    %add3A_49 = arith.constant 1 : i32
    %add3A_50 = arith.addi %mul3A_2, %add3A_49 : i32
    %dma_start3A_51 = arith.constant 0 : i32
    %dma_start3A_52 = tpu.memref_slice %arg3[%add3A_50, %dma_start3A_51] : memref<2688x120xi32, #tpu.memory_space<hbm>> -> memref<1x120xi32, #tpu.memory_space<hbm>>
    %dma_start3A_53 = tpu.memref_squeeze %dma_start3A_52 : memref<1x120xi32, #tpu.memory_space<hbm>> -> memref<120xi32, #tpu.memory_space<hbm>>
    %dma_start3A_54 = arith.constant 0 : i32
    %dma_start3A_55 = tpu.memref_slice %arg3[%add3A_50, %dma_start3A_54] : memref<2688x120xi32, #tpu.memory_space<hbm>> -> memref<1x120xi32, #tpu.memory_space<hbm>>
    %dma_start3A_56 = tpu.memref_squeeze %dma_start3A_55 : memref<1x120xi32, #tpu.memory_space<hbm>> -> memref<120xi32, #tpu.memory_space<hbm>>
    tpu.enqueue_dma source(%dma_start3A_56 : memref<120xi32, #tpu.memory_space<hbm>>) target(%arg7 : memref<120xi32, #tpu.memory_space<vmem>>) target_semaphore(%arg23 : memref<!tpu.dma_semaphore, #tpu.memory_space<semaphore_mem>>)
    %add3A_57 = arith.constant 1 : i32
    %add3A_58 = arith.addi %mul3A_2, %add3A_57 : i32
    %dma_start3A_59 = arith.constant 0 : i32
    %dma_start3A_60 = tpu.memref_slice %arg4[%add3A_58, %dma_start3A_59] : memref<2688x120xi32, #tpu.memory_space<hbm>> -> memref<1x120xi32, #tpu.memory_space<hbm>>
    %dma_start3A_61 = tpu.memref_squeeze %dma_start3A_60 : memref<1x120xi32, #tpu.memory_space<hbm>> -> memref<120xi32, #tpu.memory_space<hbm>>
    %dma_start3A_62 = arith.constant 0 : i32
    %dma_start3A_63 = tpu.memref_slice %arg4[%add3A_58, %dma_start3A_62] : memref<2688x120xi32, #tpu.memory_space<hbm>> -> memref<1x120xi32, #tpu.memory_space<hbm>>
    %dma_start3A_64 = tpu.memref_squeeze %dma_start3A_63 : memref<1x120xi32, #tpu.memory_space<hbm>> -> memref<120xi32, #tpu.memory_space<hbm>>
    tpu.enqueue_dma source(%dma_start3A_64 : memref<120xi32, #tpu.memory_space<hbm>>) target(%arg13 : memref<120xi32, #tpu.memory_space<vmem>>) target_semaphore(%arg23 : memref<!tpu.dma_semaphore, #tpu.memory_space<semaphore_mem>>)
    %add3A_65 = arith.constant 2 : i32
    %add3A_66 = arith.addi %mul3A_2, %add3A_65 : i32
    %dma_start3A_67 = arith.constant 0 : i32
    %dma_start3A_68 = tpu.memref_slice %arg3[%add3A_66, %dma_start3A_67] : memref<2688x120xi32, #tpu.memory_space<hbm>> -> memref<1x120xi32, #tpu.memory_space<hbm>>
    %dma_start3A_69 = tpu.memref_squeeze %dma_start3A_68 : memref<1x120xi32, #tpu.memory_space<hbm>> -> memref<120xi32, #tpu.memory_space<hbm>>
    %dma_start3A_70 = arith.constant 0 : i32
    %dma_start3A_71 = tpu.memref_slice %arg3[%add3A_66, %dma_start3A_70] : memref<2688x120xi32, #tpu.memory_space<hbm>> -> memref<1x120xi32, #tpu.memory_space<hbm>>
    %dma_start3A_72 = tpu.memref_squeeze %dma_start3A_71 : memref<1x120xi32, #tpu.memory_space<hbm>> -> memref<120xi32, #tpu.memory_space<hbm>>
    tpu.enqueue_dma source(%dma_start3A_72 : memref<120xi32, #tpu.memory_space<hbm>>) target(%arg8 : memref<120xi32, #tpu.memory_space<vmem>>) target_semaphore(%arg24 : memref<!tpu.dma_semaphore, #tpu.memory_space<semaphore_mem>>)
    %add3A_73 = arith.constant 2 : i32
    %add3A_74 = arith.addi %mul3A_2, %add3A_73 : i32
    %dma_start3A_75 = arith.constant 0 : i32
    %dma_start3A_76 = tpu.memref_slice %arg4[%add3A_74, %dma_start3A_75] : memref<2688x120xi32, #tpu.memory_space<hbm>> -> memref<1x120xi32, #tpu.memory_space<hbm>>
    %dma_start3A_77 = tpu.memref_squeeze %dma_start3A_76 : memref<1x120xi32, #tpu.memory_space<hbm>> -> memref<120xi32, #tpu.memory_space<hbm>>
    %dma_start3A_78 = arith.constant 0 : i32
    %dma_start3A_79 = tpu.memref_slice %arg4[%add3A_74, %dma_start3A_78] : memref<2688x120xi32, #tpu.memory_space<hbm>> -> memref<1x120xi32, #tpu.memory_space<hbm>>
    %dma_start3A_80 = tpu.memref_squeeze %dma_start3A_79 : memref<1x120xi32, #tpu.memory_space<hbm>> -> memref<120xi32, #tpu.memory_space<hbm>>
    tpu.enqueue_dma source(%dma_start3A_80 : memref<120xi32, #tpu.memory_space<hbm>>) target(%arg14 : memref<120xi32, #tpu.memory_space<vmem>>) target_semaphore(%arg24 : memref<!tpu.dma_semaphore, #tpu.memory_space<semaphore_mem>>)
    %add3A_81 = arith.constant 3 : i32
    %add3A_82 = arith.addi %mul3A_2, %add3A_81 : i32
    %dma_start3A_83 = arith.constant 0 : i32
    %dma_start3A_84 = tpu.memref_slice %arg3[%add3A_82, %dma_start3A_83] : memref<2688x120xi32, #tpu.memory_space<hbm>> -> memref<1x120xi32, #tpu.memory_space<hbm>>
    %dma_start3A_85 = tpu.memref_squeeze %dma_start3A_84 : memref<1x120xi32, #tpu.memory_space<hbm>> -> memref<120xi32, #tpu.memory_space<hbm>>
    %dma_start3A_86 = arith.constant 0 : i32
    %dma_start3A_87 = tpu.memref_slice %arg3[%add3A_82, %dma_start3A_86] : memref<2688x120xi32, #tpu.memory_space<hbm>> -> memref<1x120xi32, #tpu.memory_space<hbm>>
    %dma_start3A_88 = tpu.memref_squeeze %dma_start3A_87 : memref<1x120xi32, #tpu.memory_space<hbm>> -> memref<120xi32, #tpu.memory_space<hbm>>
    tpu.enqueue_dma source(%dma_start3A_88 : memref<120xi32, #tpu.memory_space<hbm>>) target(%arg9 : memref<120xi32, #tpu.memory_space<vmem>>) target_semaphore(%arg25 : memref<!tpu.dma_semaphore, #tpu.memory_space<semaphore_mem>>)
    %add3A_89 = arith.constant 3 : i32
    %add3A_90 = arith.addi %mul3A_2, %add3A_89 : i32
    %dma_start3A_91 = arith.constant 0 : i32
    %dma_start3A_92 = tpu.memref_slice %arg4[%add3A_90, %dma_start3A_91] : memref<2688x120xi32, #tpu.memory_space<hbm>> -> memref<1x120xi32, #tpu.memory_space<hbm>>
    %dma_start3A_93 = tpu.memref_squeeze %dma_start3A_92 : memref<1x120xi32, #tpu.memory_space<hbm>> -> memref<120xi32, #tpu.memory_space<hbm>>
    %dma_start3A_94 = arith.constant 0 : i32
    %dma_start3A_95 = tpu.memref_slice %arg4[%add3A_90, %dma_start3A_94] : memref<2688x120xi32, #tpu.memory_space<hbm>> -> memref<1x120xi32, #tpu.memory_space<hbm>>
    %dma_start3A_96 = tpu.memref_squeeze %dma_start3A_95 : memref<1x120xi32, #tpu.memory_space<hbm>> -> memref<120xi32, #tpu.memory_space<hbm>>
    tpu.enqueue_dma source(%dma_start3A_96 : memref<120xi32, #tpu.memory_space<hbm>>) target(%arg15 : memref<120xi32, #tpu.memory_space<vmem>>) target_semaphore(%arg25 : memref<!tpu.dma_semaphore, #tpu.memory_space<semaphore_mem>>)
    %dma_wait3A = arith.constant 0 : i32
    %dma_wait3A_97 = arith.constant 0 : i32
    %dma_wait3A_98 = tpu.memref_slice %arg3[%dma_wait3A, %dma_wait3A_97] : memref<2688x120xi32, #tpu.memory_space<hbm>> -> memref<1x120xi32, #tpu.memory_space<hbm>>
    %dma_wait3A_99 = tpu.memref_squeeze %dma_wait3A_98 : memref<1x120xi32, #tpu.memory_space<hbm>> -> memref<120xi32, #tpu.memory_space<hbm>>
    %dma_wait3A_100 = arith.constant 0 : i32
    %dma_wait3A_101 = tpu.memref_slice %arg3[%dma_wait3A, %dma_wait3A_100] : memref<2688x120xi32, #tpu.memory_space<hbm>> -> memref<1x120xi32, #tpu.memory_space<hbm>>
    %dma_wait3A_102 = tpu.memref_squeeze %dma_wait3A_101 : memref<1x120xi32, #tpu.memory_space<hbm>> -> memref<120xi32, #tpu.memory_space<hbm>>
    tpu.wait_dma2 semaphore(%arg22 : memref<!tpu.dma_semaphore, #tpu.memory_space<semaphore_mem>>) src(%dma_wait3A_102 : memref<120xi32, #tpu.memory_space<hbm>>) dst(%arg6 : memref<120xi32, #tpu.memory_space<vmem>>)
    %dma_wait3A_103 = arith.constant 0 : i32
    %dma_wait3A_104 = arith.constant 0 : i32
    %dma_wait3A_105 = tpu.memref_slice %arg4[%dma_wait3A_103, %dma_wait3A_104] : memref<2688x120xi32, #tpu.memory_space<hbm>> -> memref<1x120xi32, #tpu.memory_space<hbm>>
    %dma_wait3A_106 = tpu.memref_squeeze %dma_wait3A_105 : memref<1x120xi32, #tpu.memory_space<hbm>> -> memref<120xi32, #tpu.memory_space<hbm>>
    %dma_wait3A_107 = arith.constant 0 : i32
    %dma_wait3A_108 = tpu.memref_slice %arg4[%dma_wait3A_103, %dma_wait3A_107] : memref<2688x120xi32, #tpu.memory_space<hbm>> -> memref<1x120xi32, #tpu.memory_space<hbm>>
    %dma_wait3A_109 = tpu.memref_squeeze %dma_wait3A_108 : memref<1x120xi32, #tpu.memory_space<hbm>> -> memref<120xi32, #tpu.memory_space<hbm>>
    tpu.wait_dma2 semaphore(%arg22 : memref<!tpu.dma_semaphore, #tpu.memory_space<semaphore_mem>>) src(%dma_wait3A_109 : memref<120xi32, #tpu.memory_space<hbm>>) dst(%arg12 : memref<120xi32, #tpu.memory_space<vmem>>)
    %dma_start3A_110 = arith.constant 0 : i32
    %dma_start3A_111 = arith.constant 0 : i32
    %dma_start3A_112 = tpu.memref_slice %arg2[%dma_start3A_110, %dma_start3A_111] : memref<10240x128xf32, #tpu.memory_space<hbm>> -> memref<10240x128xf32, #tpu.memory_space<hbm>>
    tpu.enqueue_indirect_dma source(%dma_start3A_112 : memref<10240x128xf32, #tpu.memory_space<hbm>>) target(%arg18 : memref<120x128xf32, #tpu.memory_space<vmem>>) offsets(%arg6 : memref<120xi32, #tpu.memory_space<vmem>>) semaphore(%arg28 : memref<!tpu.dma_semaphore, #tpu.memory_space<semaphore_mem>>)
    %dma_wait3A_113 = arith.constant 0 : i32
    %dma_wait3A_114 = arith.constant 0 : i32
    %dma_wait3A_115 = tpu.memref_slice %arg3[%dma_wait3A_113, %dma_wait3A_114] : memref<2688x120xi32, #tpu.memory_space<hbm>> -> memref<1x120xi32, #tpu.memory_space<hbm>>
    %dma_wait3A_116 = tpu.memref_squeeze %dma_wait3A_115 : memref<1x120xi32, #tpu.memory_space<hbm>> -> memref<120xi32, #tpu.memory_space<hbm>>
    %dma_wait3A_117 = arith.constant 0 : i32
    %dma_wait3A_118 = tpu.memref_slice %arg3[%dma_wait3A_113, %dma_wait3A_117] : memref<2688x120xi32, #tpu.memory_space<hbm>> -> memref<1x120xi32, #tpu.memory_space<hbm>>
    %dma_wait3A_119 = tpu.memref_squeeze %dma_wait3A_118 : memref<1x120xi32, #tpu.memory_space<hbm>> -> memref<120xi32, #tpu.memory_space<hbm>>
    tpu.wait_dma2 semaphore(%arg23 : memref<!tpu.dma_semaphore, #tpu.memory_space<semaphore_mem>>) src(%dma_wait3A_119 : memref<120xi32, #tpu.memory_space<hbm>>) dst(%arg7 : memref<120xi32, #tpu.memory_space<vmem>>)
    %dma_wait3A_120 = arith.constant 0 : i32
    %dma_wait3A_121 = arith.constant 0 : i32
    %dma_wait3A_122 = tpu.memref_slice %arg4[%dma_wait3A_120, %dma_wait3A_121] : memref<2688x120xi32, #tpu.memory_space<hbm>> -> memref<1x120xi32, #tpu.memory_space<hbm>>
    %dma_wait3A_123 = tpu.memref_squeeze %dma_wait3A_122 : memref<1x120xi32, #tpu.memory_space<hbm>> -> memref<120xi32, #tpu.memory_space<hbm>>
    %dma_wait3A_124 = arith.constant 0 : i32
    %dma_wait3A_125 = tpu.memref_slice %arg4[%dma_wait3A_120, %dma_wait3A_124] : memref<2688x120xi32, #tpu.memory_space<hbm>> -> memref<1x120xi32, #tpu.memory_space<hbm>>
    %dma_wait3A_126 = tpu.memref_squeeze %dma_wait3A_125 : memref<1x120xi32, #tpu.memory_space<hbm>> -> memref<120xi32, #tpu.memory_space<hbm>>
    tpu.wait_dma2 semaphore(%arg23 : memref<!tpu.dma_semaphore, #tpu.memory_space<semaphore_mem>>) src(%dma_wait3A_126 : memref<120xi32, #tpu.memory_space<hbm>>) dst(%arg13 : memref<120xi32, #tpu.memory_space<vmem>>)
    %dma_start3A_127 = arith.constant 0 : i32
    %dma_start3A_128 = arith.constant 0 : i32
    %dma_start3A_129 = tpu.memref_slice %arg2[%dma_start3A_127, %dma_start3A_128] : memref<10240x128xf32, #tpu.memory_space<hbm>> -> memref<10240x128xf32, #tpu.memory_space<hbm>>
    tpu.enqueue_indirect_dma source(%dma_start3A_129 : memref<10240x128xf32, #tpu.memory_space<hbm>>) target(%arg19 : memref<120x128xf32, #tpu.memory_space<vmem>>) offsets(%arg7 : memref<120xi32, #tpu.memory_space<vmem>>) semaphore(%arg29 : memref<!tpu.dma_semaphore, #tpu.memory_space<semaphore_mem>>)
    %add3A_130 = arith.constant 4 : i32
    %add3A_131 = arith.addi %mul3A_2, %add3A_130 : i32
    %dma_start3A_132 = arith.constant 0 : i32
    %dma_start3A_133 = tpu.memref_slice %arg3[%add3A_131, %dma_start3A_132] : memref<2688x120xi32, #tpu.memory_space<hbm>> -> memref<1x120xi32, #tpu.memory_space<hbm>>
    %dma_start3A_134 = tpu.memref_squeeze %dma_start3A_133 : memref<1x120xi32, #tpu.memory_space<hbm>> -> memref<120xi32, #tpu.memory_space<hbm>>
    %dma_start3A_135 = arith.constant 0 : i32
    %dma_start3A_136 = tpu.memref_slice %arg3[%add3A_131, %dma_start3A_135] : memref<2688x120xi32, #tpu.memory_space<hbm>> -> memref<1x120xi32, #tpu.memory_space<hbm>>
    %dma_start3A_137 = tpu.memref_squeeze %dma_start3A_136 : memref<1x120xi32, #tpu.memory_space<hbm>> -> memref<120xi32, #tpu.memory_space<hbm>>
    tpu.enqueue_dma source(%dma_start3A_137 : memref<120xi32, #tpu.memory_space<hbm>>) target(%arg10 : memref<120xi32, #tpu.memory_space<vmem>>) target_semaphore(%arg26 : memref<!tpu.dma_semaphore, #tpu.memory_space<semaphore_mem>>)
    %add3A_138 = arith.constant 4 : i32
    %add3A_139 = arith.addi %mul3A_2, %add3A_138 : i32
    %dma_start3A_140 = arith.constant 0 : i32
    %dma_start3A_141 = tpu.memref_slice %arg4[%add3A_139, %dma_start3A_140] : memref<2688x120xi32, #tpu.memory_space<hbm>> -> memref<1x120xi32, #tpu.memory_space<hbm>>
    %dma_start3A_142 = tpu.memref_squeeze %dma_start3A_141 : memref<1x120xi32, #tpu.memory_space<hbm>> -> memref<120xi32, #tpu.memory_space<hbm>>
    %dma_start3A_143 = arith.constant 0 : i32
    %dma_start3A_144 = tpu.memref_slice %arg4[%add3A_139, %dma_start3A_143] : memref<2688x120xi32, #tpu.memory_space<hbm>> -> memref<1x120xi32, #tpu.memory_space<hbm>>
    %dma_start3A_145 = tpu.memref_squeeze %dma_start3A_144 : memref<1x120xi32, #tpu.memory_space<hbm>> -> memref<120xi32, #tpu.memory_space<hbm>>
    tpu.enqueue_dma source(%dma_start3A_145 : memref<120xi32, #tpu.memory_space<hbm>>) target(%arg16 : memref<120xi32, #tpu.memory_space<vmem>>) target_semaphore(%arg26 : memref<!tpu.dma_semaphore, #tpu.memory_space<semaphore_mem>>)
    %dma_wait3A_146 = arith.constant 0 : i32
    %dma_wait3A_147 = arith.constant 0 : i32
    %dma_wait3A_148 = tpu.memref_slice %arg3[%dma_wait3A_146, %dma_wait3A_147] : memref<2688x120xi32, #tpu.memory_space<hbm>> -> memref<1x120xi32, #tpu.memory_space<hbm>>
    %dma_wait3A_149 = tpu.memref_squeeze %dma_wait3A_148 : memref<1x120xi32, #tpu.memory_space<hbm>> -> memref<120xi32, #tpu.memory_space<hbm>>
    %dma_wait3A_150 = arith.constant 0 : i32
    %dma_wait3A_151 = tpu.memref_slice %arg3[%dma_wait3A_146, %dma_wait3A_150] : memref<2688x120xi32, #tpu.memory_space<hbm>> -> memref<1x120xi32, #tpu.memory_space<hbm>>
    %dma_wait3A_152 = tpu.memref_squeeze %dma_wait3A_151 : memref<1x120xi32, #tpu.memory_space<hbm>> -> memref<120xi32, #tpu.memory_space<hbm>>
    tpu.wait_dma2 semaphore(%arg24 : memref<!tpu.dma_semaphore, #tpu.memory_space<semaphore_mem>>) src(%dma_wait3A_152 : memref<120xi32, #tpu.memory_space<hbm>>) dst(%arg8 : memref<120xi32, #tpu.memory_space<vmem>>)
    %dma_wait3A_153 = arith.constant 0 : i32
    %dma_wait3A_154 = arith.constant 0 : i32
    %dma_wait3A_155 = tpu.memref_slice %arg4[%dma_wait3A_153, %dma_wait3A_154] : memref<2688x120xi32, #tpu.memory_space<hbm>> -> memref<1x120xi32, #tpu.memory_space<hbm>>
    %dma_wait3A_156 = tpu.memref_squeeze %dma_wait3A_155 : memref<1x120xi32, #tpu.memory_space<hbm>> -> memref<120xi32, #tpu.memory_space<hbm>>
    %dma_wait3A_157 = arith.constant 0 : i32
    %dma_wait3A_158 = tpu.memref_slice %arg4[%dma_wait3A_153, %dma_wait3A_157] : memref<2688x120xi32, #tpu.memory_space<hbm>> -> memref<1x120xi32, #tpu.memory_space<hbm>>
    %dma_wait3A_159 = tpu.memref_squeeze %dma_wait3A_158 : memref<1x120xi32, #tpu.memory_space<hbm>> -> memref<120xi32, #tpu.memory_space<hbm>>
    tpu.wait_dma2 semaphore(%arg24 : memref<!tpu.dma_semaphore, #tpu.memory_space<semaphore_mem>>) src(%dma_wait3A_159 : memref<120xi32, #tpu.memory_space<hbm>>) dst(%arg14 : memref<120xi32, #tpu.memory_space<vmem>>)
    %dma_start3A_160 = arith.constant 0 : i32
    %dma_start3A_161 = arith.constant 0 : i32
    %dma_start3A_162 = tpu.memref_slice %arg2[%dma_start3A_160, %dma_start3A_161] : memref<10240x128xf32, #tpu.memory_space<hbm>> -> memref<10240x128xf32, #tpu.memory_space<hbm>>
    tpu.enqueue_indirect_dma source(%dma_start3A_162 : memref<10240x128xf32, #tpu.memory_space<hbm>>) target(%arg20 : memref<120x128xf32, #tpu.memory_space<vmem>>) offsets(%arg8 : memref<120xi32, #tpu.memory_space<vmem>>) semaphore(%arg30 : memref<!tpu.dma_semaphore, #tpu.memory_space<semaphore_mem>>)
    %dma_wait3A_163 = arith.constant 0 : i32
    %dma_wait3A_164 = arith.constant 0 : i32
    %dma_wait3A_165 = tpu.memref_slice %arg2[%dma_wait3A_163, %dma_wait3A_164] : memref<10240x128xf32, #tpu.memory_space<hbm>> -> memref<10240x128xf32, #tpu.memory_space<hbm>>
    tpu.wait_indirect_dma semaphore(%arg28 : memref<!tpu.dma_semaphore, #tpu.memory_space<semaphore_mem>>) src(%dma_wait3A_165 : memref<10240x128xf32, #tpu.memory_space<hbm>>) dst(%arg18 : memref<120x128xf32, #tpu.memory_space<vmem>>)
    "tpu.region"() ({
      %run_scoped3A = tpu.sem_alloc : memref<!tpu.dma_semaphore, #tpu.memory_space<semaphore_mem>>
      %dma_start3A_476 = arith.constant 0 : i32
      %dma_start3A_477 = arith.constant 0 : i32
      %dma_start3A_478 = tpu.memref_slice %arg21[%dma_start3A_476, %dma_start3A_477] : memref<10240x128xf32, #tpu.memory_space<vmem_shared>> -> memref<10240x128xf32, #tpu.memory_space<vmem_shared>>
      tpu.enqueue_indirect_dma source(%arg18 : memref<120x128xf32, #tpu.memory_space<vmem>>) target(%dma_start3A_478 : memref<10240x128xf32, #tpu.memory_space<vmem_shared>>) offsets(%arg12 : memref<120xi32, #tpu.memory_space<vmem>>) semaphore(%run_scoped3A : memref<!tpu.dma_semaphore, #tpu.memory_space<semaphore_mem>>) {add = true}
      %dma_wait3A_479 = arith.constant 0 : i32
      %dma_wait3A_480 = arith.constant 0 : i32
      %dma_wait3A_481 = tpu.memref_slice %arg21[%dma_wait3A_479, %dma_wait3A_480] : memref<10240x128xf32, #tpu.memory_space<vmem_shared>> -> memref<10240x128xf32, #tpu.memory_space<vmem_shared>>
      tpu.wait_indirect_dma semaphore(%run_scoped3A : memref<!tpu.dma_semaphore, #tpu.memory_space<semaphore_mem>>) src(%arg18 : memref<120x128xf32, #tpu.memory_space<vmem>>) dst(%dma_wait3A_481 : memref<10240x128xf32, #tpu.memory_space<vmem_shared>>)
      tpu.yield
    }) : () -> ()
    %add3A_166 = arith.constant 5 : i32
    %add3A_167 = arith.addi %mul3A_2, %add3A_166 : i32
    %dma_start3A_168 = arith.constant 0 : i32
    %dma_start3A_169 = tpu.memref_slice %arg3[%add3A_167, %dma_start3A_168] : memref<2688x120xi32, #tpu.memory_space<hbm>> -> memref<1x120xi32, #tpu.memory_space<hbm>>
    %dma_start3A_170 = tpu.memref_squeeze %dma_start3A_169 : memref<1x120xi32, #tpu.memory_space<hbm>> -> memref<120xi32, #tpu.memory_space<hbm>>
    %dma_start3A_171 = arith.constant 0 : i32
    %dma_start3A_172 = tpu.memref_slice %arg3[%add3A_167, %dma_start3A_171] : memref<2688x120xi32, #tpu.memory_space<hbm>> -> memref<1x120xi32, #tpu.memory_space<hbm>>
    %dma_start3A_173 = tpu.memref_squeeze %dma_start3A_172 : memref<1x120xi32, #tpu.memory_space<hbm>> -> memref<120xi32, #tpu.memory_space<hbm>>
    tpu.enqueue_dma source(%dma_start3A_173 : memref<120xi32, #tpu.memory_space<hbm>>) target(%arg11 : memref<120xi32, #tpu.memory_space<vmem>>) target_semaphore(%arg27 : memref<!tpu.dma_semaphore, #tpu.memory_space<semaphore_mem>>)
    %add3A_174 = arith.constant 5 : i32
    %add3A_175 = arith.addi %mul3A_2, %add3A_174 : i32
    %dma_start3A_176 = arith.constant 0 : i32
    %dma_start3A_177 = tpu.memref_slice %arg4[%add3A_175, %dma_start3A_176] : memref<2688x120xi32, #tpu.memory_space<hbm>> -> memref<1x120xi32, #tpu.memory_space<hbm>>
    %dma_start3A_178 = tpu.memref_squeeze %dma_start3A_177 : memref<1x120xi32, #tpu.memory_space<hbm>> -> memref<120xi32, #tpu.memory_space<hbm>>
    %dma_start3A_179 = arith.constant 0 : i32
    %dma_start3A_180 = tpu.memref_slice %arg4[%add3A_175, %dma_start3A_179] : memref<2688x120xi32, #tpu.memory_space<hbm>> -> memref<1x120xi32, #tpu.memory_space<hbm>>
    %dma_start3A_181 = tpu.memref_squeeze %dma_start3A_180 : memref<1x120xi32, #tpu.memory_space<hbm>> -> memref<120xi32, #tpu.memory_space<hbm>>
    tpu.enqueue_dma source(%dma_start3A_181 : memref<120xi32, #tpu.memory_space<hbm>>) target(%arg17 : memref<120xi32, #tpu.memory_space<vmem>>) target_semaphore(%arg27 : memref<!tpu.dma_semaphore, #tpu.memory_space<semaphore_mem>>)
    %dma_wait3A_182 = arith.constant 0 : i32
    %dma_wait3A_183 = arith.constant 0 : i32
    %dma_wait3A_184 = tpu.memref_slice %arg3[%dma_wait3A_182, %dma_wait3A_183] : memref<2688x120xi32, #tpu.memory_space<hbm>> -> memref<1x120xi32, #tpu.memory_space<hbm>>
    %dma_wait3A_185 = tpu.memref_squeeze %dma_wait3A_184 : memref<1x120xi32, #tpu.memory_space<hbm>> -> memref<120xi32, #tpu.memory_space<hbm>>
    %dma_wait3A_186 = arith.constant 0 : i32
    %dma_wait3A_187 = tpu.memref_slice %arg3[%dma_wait3A_182, %dma_wait3A_186] : memref<2688x120xi32, #tpu.memory_space<hbm>> -> memref<1x120xi32, #tpu.memory_space<hbm>>
    %dma_wait3A_188 = tpu.memref_squeeze %dma_wait3A_187 : memref<1x120xi32, #tpu.memory_space<hbm>> -> memref<120xi32, #tpu.memory_space<hbm>>
    tpu.wait_dma2 semaphore(%arg25 : memref<!tpu.dma_semaphore, #tpu.memory_space<semaphore_mem>>) src(%dma_wait3A_188 : memref<120xi32, #tpu.memory_space<hbm>>) dst(%arg9 : memref<120xi32, #tpu.memory_space<vmem>>)
    %dma_wait3A_189 = arith.constant 0 : i32
    %dma_wait3A_190 = arith.constant 0 : i32
    %dma_wait3A_191 = tpu.memref_slice %arg4[%dma_wait3A_189, %dma_wait3A_190] : memref<2688x120xi32, #tpu.memory_space<hbm>> -> memref<1x120xi32, #tpu.memory_space<hbm>>
    %dma_wait3A_192 = tpu.memref_squeeze %dma_wait3A_191 : memref<1x120xi32, #tpu.memory_space<hbm>> -> memref<120xi32, #tpu.memory_space<hbm>>
    %dma_wait3A_193 = arith.constant 0 : i32
    %dma_wait3A_194 = tpu.memref_slice %arg4[%dma_wait3A_189, %dma_wait3A_193] : memref<2688x120xi32, #tpu.memory_space<hbm>> -> memref<1x120xi32, #tpu.memory_space<hbm>>
    %dma_wait3A_195 = tpu.memref_squeeze %dma_wait3A_194 : memref<1x120xi32, #tpu.memory_space<hbm>> -> memref<120xi32, #tpu.memory_space<hbm>>
    tpu.wait_dma2 semaphore(%arg25 : memref<!tpu.dma_semaphore, #tpu.memory_space<semaphore_mem>>) src(%dma_wait3A_195 : memref<120xi32, #tpu.memory_space<hbm>>) dst(%arg15 : memref<120xi32, #tpu.memory_space<vmem>>)
    %dma_start3A_196 = arith.constant 0 : i32
    %dma_start3A_197 = arith.constant 0 : i32
    %dma_start3A_198 = tpu.memref_slice %arg2[%dma_start3A_196, %dma_start3A_197] : memref<10240x128xf32, #tpu.memory_space<hbm>> -> memref<10240x128xf32, #tpu.memory_space<hbm>>
    tpu.enqueue_indirect_dma source(%dma_start3A_198 : memref<10240x128xf32, #tpu.memory_space<hbm>>) target(%arg18 : memref<120x128xf32, #tpu.memory_space<vmem>>) offsets(%arg9 : memref<120xi32, #tpu.memory_space<vmem>>) semaphore(%arg28 : memref<!tpu.dma_semaphore, #tpu.memory_space<semaphore_mem>>)
    %dma_wait3A_199 = arith.constant 0 : i32
    %dma_wait3A_200 = arith.constant 0 : i32
    %dma_wait3A_201 = tpu.memref_slice %arg2[%dma_wait3A_199, %dma_wait3A_200] : memref<10240x128xf32, #tpu.memory_space<hbm>> -> memref<10240x128xf32, #tpu.memory_space<hbm>>
    tpu.wait_indirect_dma semaphore(%arg29 : memref<!tpu.dma_semaphore, #tpu.memory_space<semaphore_mem>>) src(%dma_wait3A_201 : memref<10240x128xf32, #tpu.memory_space<hbm>>) dst(%arg19 : memref<120x128xf32, #tpu.memory_space<vmem>>)
    "tpu.region"() ({
      %run_scoped3A = tpu.sem_alloc : memref<!tpu.dma_semaphore, #tpu.memory_space<semaphore_mem>>
      %dma_start3A_476 = arith.constant 0 : i32
      %dma_start3A_477 = arith.constant 0 : i32
      %dma_start3A_478 = tpu.memref_slice %arg21[%dma_start3A_476, %dma_start3A_477] : memref<10240x128xf32, #tpu.memory_space<vmem_shared>> -> memref<10240x128xf32, #tpu.memory_space<vmem_shared>>
      tpu.enqueue_indirect_dma source(%arg19 : memref<120x128xf32, #tpu.memory_space<vmem>>) target(%dma_start3A_478 : memref<10240x128xf32, #tpu.memory_space<vmem_shared>>) offsets(%arg13 : memref<120xi32, #tpu.memory_space<vmem>>) semaphore(%run_scoped3A : memref<!tpu.dma_semaphore, #tpu.memory_space<semaphore_mem>>) {add = true}
      %dma_wait3A_479 = arith.constant 0 : i32
      %dma_wait3A_480 = arith.constant 0 : i32
      %dma_wait3A_481 = tpu.memref_slice %arg21[%dma_wait3A_479, %dma_wait3A_480] : memref<10240x128xf32, #tpu.memory_space<vmem_shared>> -> memref<10240x128xf32, #tpu.memory_space<vmem_shared>>
      tpu.wait_indirect_dma semaphore(%run_scoped3A : memref<!tpu.dma_semaphore, #tpu.memory_space<semaphore_mem>>) src(%arg19 : memref<120x128xf32, #tpu.memory_space<vmem>>) dst(%dma_wait3A_481 : memref<10240x128xf32, #tpu.memory_space<vmem_shared>>)
      tpu.yield
    }) : () -> ()
    %add3A_202 = arith.constant 6 : i32
    %add3A_203 = arith.addi %mul3A_2, %add3A_202 : i32
    %dma_start3A_204 = arith.constant 0 : i32
    %dma_start3A_205 = tpu.memref_slice %arg3[%add3A_203, %dma_start3A_204] : memref<2688x120xi32, #tpu.memory_space<hbm>> -> memref<1x120xi32, #tpu.memory_space<hbm>>
    %dma_start3A_206 = tpu.memref_squeeze %dma_start3A_205 : memref<1x120xi32, #tpu.memory_space<hbm>> -> memref<120xi32, #tpu.memory_space<hbm>>
    %dma_start3A_207 = arith.constant 0 : i32
    %dma_start3A_208 = tpu.memref_slice %arg3[%add3A_203, %dma_start3A_207] : memref<2688x120xi32, #tpu.memory_space<hbm>> -> memref<1x120xi32, #tpu.memory_space<hbm>>
    %dma_start3A_209 = tpu.memref_squeeze %dma_start3A_208 : memref<1x120xi32, #tpu.memory_space<hbm>> -> memref<120xi32, #tpu.memory_space<hbm>>
    tpu.enqueue_dma source(%dma_start3A_209 : memref<120xi32, #tpu.memory_space<hbm>>) target(%arg6 : memref<120xi32, #tpu.memory_space<vmem>>) target_semaphore(%arg22 : memref<!tpu.dma_semaphore, #tpu.memory_space<semaphore_mem>>)
    %add3A_210 = arith.constant 6 : i32
    %add3A_211 = arith.addi %mul3A_2, %add3A_210 : i32
    %dma_start3A_212 = arith.constant 0 : i32
    %dma_start3A_213 = tpu.memref_slice %arg4[%add3A_211, %dma_start3A_212] : memref<2688x120xi32, #tpu.memory_space<hbm>> -> memref<1x120xi32, #tpu.memory_space<hbm>>
    %dma_start3A_214 = tpu.memref_squeeze %dma_start3A_213 : memref<1x120xi32, #tpu.memory_space<hbm>> -> memref<120xi32, #tpu.memory_space<hbm>>
    %dma_start3A_215 = arith.constant 0 : i32
    %dma_start3A_216 = tpu.memref_slice %arg4[%add3A_211, %dma_start3A_215] : memref<2688x120xi32, #tpu.memory_space<hbm>> -> memref<1x120xi32, #tpu.memory_space<hbm>>
    %dma_start3A_217 = tpu.memref_squeeze %dma_start3A_216 : memref<1x120xi32, #tpu.memory_space<hbm>> -> memref<120xi32, #tpu.memory_space<hbm>>
    tpu.enqueue_dma source(%dma_start3A_217 : memref<120xi32, #tpu.memory_space<hbm>>) target(%arg12 : memref<120xi32, #tpu.memory_space<vmem>>) target_semaphore(%arg22 : memref<!tpu.dma_semaphore, #tpu.memory_space<semaphore_mem>>)
    %dma_wait3A_218 = arith.constant 0 : i32
    %dma_wait3A_219 = arith.constant 0 : i32
    %dma_wait3A_220 = tpu.memref_slice %arg3[%dma_wait3A_218, %dma_wait3A_219] : memref<2688x120xi32, #tpu.memory_space<hbm>> -> memref<1x120xi32, #tpu.memory_space<hbm>>
    %dma_wait3A_221 = tpu.memref_squeeze %dma_wait3A_220 : memref<1x120xi32, #tpu.memory_space<hbm>> -> memref<120xi32, #tpu.memory_space<hbm>>
    %dma_wait3A_222 = arith.constant 0 : i32
    %dma_wait3A_223 = tpu.memref_slice %arg3[%dma_wait3A_218, %dma_wait3A_222] : memref<2688x120xi32, #tpu.memory_space<hbm>> -> memref<1x120xi32, #tpu.memory_space<hbm>>
    %dma_wait3A_224 = tpu.memref_squeeze %dma_wait3A_223 : memref<1x120xi32, #tpu.memory_space<hbm>> -> memref<120xi32, #tpu.memory_space<hbm>>
    tpu.wait_dma2 semaphore(%arg26 : memref<!tpu.dma_semaphore, #tpu.memory_space<semaphore_mem>>) src(%dma_wait3A_224 : memref<120xi32, #tpu.memory_space<hbm>>) dst(%arg10 : memref<120xi32, #tpu.memory_space<vmem>>)
    %dma_wait3A_225 = arith.constant 0 : i32
    %dma_wait3A_226 = arith.constant 0 : i32
    %dma_wait3A_227 = tpu.memref_slice %arg4[%dma_wait3A_225, %dma_wait3A_226] : memref<2688x120xi32, #tpu.memory_space<hbm>> -> memref<1x120xi32, #tpu.memory_space<hbm>>
    %dma_wait3A_228 = tpu.memref_squeeze %dma_wait3A_227 : memref<1x120xi32, #tpu.memory_space<hbm>> -> memref<120xi32, #tpu.memory_space<hbm>>
    %dma_wait3A_229 = arith.constant 0 : i32
    %dma_wait3A_230 = tpu.memref_slice %arg4[%dma_wait3A_225, %dma_wait3A_229] : memref<2688x120xi32, #tpu.memory_space<hbm>> -> memref<1x120xi32, #tpu.memory_space<hbm>>
    %dma_wait3A_231 = tpu.memref_squeeze %dma_wait3A_230 : memref<1x120xi32, #tpu.memory_space<hbm>> -> memref<120xi32, #tpu.memory_space<hbm>>
    tpu.wait_dma2 semaphore(%arg26 : memref<!tpu.dma_semaphore, #tpu.memory_space<semaphore_mem>>) src(%dma_wait3A_231 : memref<120xi32, #tpu.memory_space<hbm>>) dst(%arg16 : memref<120xi32, #tpu.memory_space<vmem>>)
    %dma_start3A_232 = arith.constant 0 : i32
    %dma_start3A_233 = arith.constant 0 : i32
    %dma_start3A_234 = tpu.memref_slice %arg2[%dma_start3A_232, %dma_start3A_233] : memref<10240x128xf32, #tpu.memory_space<hbm>> -> memref<10240x128xf32, #tpu.memory_space<hbm>>
    tpu.enqueue_indirect_dma source(%dma_start3A_234 : memref<10240x128xf32, #tpu.memory_space<hbm>>) target(%arg19 : memref<120x128xf32, #tpu.memory_space<vmem>>) offsets(%arg10 : memref<120xi32, #tpu.memory_space<vmem>>) semaphore(%arg29 : memref<!tpu.dma_semaphore, #tpu.memory_space<semaphore_mem>>)
    %dma_wait3A_235 = arith.constant 0 : i32
    %dma_wait3A_236 = arith.constant 0 : i32
    %dma_wait3A_237 = tpu.memref_slice %arg2[%dma_wait3A_235, %dma_wait3A_236] : memref<10240x128xf32, #tpu.memory_space<hbm>> -> memref<10240x128xf32, #tpu.memory_space<hbm>>
    tpu.wait_indirect_dma semaphore(%arg30 : memref<!tpu.dma_semaphore, #tpu.memory_space<semaphore_mem>>) src(%dma_wait3A_237 : memref<10240x128xf32, #tpu.memory_space<hbm>>) dst(%arg20 : memref<120x128xf32, #tpu.memory_space<vmem>>)
    "tpu.region"() ({
      %run_scoped3A = tpu.sem_alloc : memref<!tpu.dma_semaphore, #tpu.memory_space<semaphore_mem>>
      %dma_start3A_476 = arith.constant 0 : i32
      %dma_start3A_477 = arith.constant 0 : i32
      %dma_start3A_478 = tpu.memref_slice %arg21[%dma_start3A_476, %dma_start3A_477] : memref<10240x128xf32, #tpu.memory_space<vmem_shared>> -> memref<10240x128xf32, #tpu.memory_space<vmem_shared>>
      tpu.enqueue_indirect_dma source(%arg20 : memref<120x128xf32, #tpu.memory_space<vmem>>) target(%dma_start3A_478 : memref<10240x128xf32, #tpu.memory_space<vmem_shared>>) offsets(%arg14 : memref<120xi32, #tpu.memory_space<vmem>>) semaphore(%run_scoped3A : memref<!tpu.dma_semaphore, #tpu.memory_space<semaphore_mem>>) {add = true}
      %dma_wait3A_479 = arith.constant 0 : i32
      %dma_wait3A_480 = arith.constant 0 : i32
      %dma_wait3A_481 = tpu.memref_slice %arg21[%dma_wait3A_479, %dma_wait3A_480] : memref<10240x128xf32, #tpu.memory_space<vmem_shared>> -> memref<10240x128xf32, #tpu.memory_space<vmem_shared>>
      tpu.wait_indirect_dma semaphore(%run_scoped3A : memref<!tpu.dma_semaphore, #tpu.memory_space<semaphore_mem>>) src(%arg20 : memref<120x128xf32, #tpu.memory_space<vmem>>) dst(%dma_wait3A_481 : memref<10240x128xf32, #tpu.memory_space<vmem_shared>>)
      tpu.yield
    }) : () -> ()
    %add3A_238 = arith.constant 7 : i32
    %add3A_239 = arith.addi %mul3A_2, %add3A_238 : i32
    %dma_start3A_240 = arith.constant 0 : i32
    %dma_start3A_241 = tpu.memref_slice %arg3[%add3A_239, %dma_start3A_240] : memref<2688x120xi32, #tpu.memory_space<hbm>> -> memref<1x120xi32, #tpu.memory_space<hbm>>
    %dma_start3A_242 = tpu.memref_squeeze %dma_start3A_241 : memref<1x120xi32, #tpu.memory_space<hbm>> -> memref<120xi32, #tpu.memory_space<hbm>>
    %dma_start3A_243 = arith.constant 0 : i32
    %dma_start3A_244 = tpu.memref_slice %arg3[%add3A_239, %dma_start3A_243] : memref<2688x120xi32, #tpu.memory_space<hbm>> -> memref<1x120xi32, #tpu.memory_space<hbm>>
    %dma_start3A_245 = tpu.memref_squeeze %dma_start3A_244 : memref<1x120xi32, #tpu.memory_space<hbm>> -> memref<120xi32, #tpu.memory_space<hbm>>
    tpu.enqueue_dma source(%dma_start3A_245 : memref<120xi32, #tpu.memory_space<hbm>>) target(%arg7 : memref<120xi32, #tpu.memory_space<vmem>>) target_semaphore(%arg23 : memref<!tpu.dma_semaphore, #tpu.memory_space<semaphore_mem>>)
    %add3A_246 = arith.constant 7 : i32
    %add3A_247 = arith.addi %mul3A_2, %add3A_246 : i32
    %dma_start3A_248 = arith.constant 0 : i32
    %dma_start3A_249 = tpu.memref_slice %arg4[%add3A_247, %dma_start3A_248] : memref<2688x120xi32, #tpu.memory_space<hbm>> -> memref<1x120xi32, #tpu.memory_space<hbm>>
    %dma_start3A_250 = tpu.memref_squeeze %dma_start3A_249 : memref<1x120xi32, #tpu.memory_space<hbm>> -> memref<120xi32, #tpu.memory_space<hbm>>
    %dma_start3A_251 = arith.constant 0 : i32
    %dma_start3A_252 = tpu.memref_slice %arg4[%add3A_247, %dma_start3A_251] : memref<2688x120xi32, #tpu.memory_space<hbm>> -> memref<1x120xi32, #tpu.memory_space<hbm>>
    %dma_start3A_253 = tpu.memref_squeeze %dma_start3A_252 : memref<1x120xi32, #tpu.memory_space<hbm>> -> memref<120xi32, #tpu.memory_space<hbm>>
    tpu.enqueue_dma source(%dma_start3A_253 : memref<120xi32, #tpu.memory_space<hbm>>) target(%arg13 : memref<120xi32, #tpu.memory_space<vmem>>) target_semaphore(%arg23 : memref<!tpu.dma_semaphore, #tpu.memory_space<semaphore_mem>>)
    %dma_wait3A_254 = arith.constant 0 : i32
    %dma_wait3A_255 = arith.constant 0 : i32
    %dma_wait3A_256 = tpu.memref_slice %arg3[%dma_wait3A_254, %dma_wait3A_255] : memref<2688x120xi32, #tpu.memory_space<hbm>> -> memref<1x120xi32, #tpu.memory_space<hbm>>
    %dma_wait3A_257 = tpu.memref_squeeze %dma_wait3A_256 : memref<1x120xi32, #tpu.memory_space<hbm>> -> memref<120xi32, #tpu.memory_space<hbm>>
    %dma_wait3A_258 = arith.constant 0 : i32
    %dma_wait3A_259 = tpu.memref_slice %arg3[%dma_wait3A_254, %dma_wait3A_258] : memref<2688x120xi32, #tpu.memory_space<hbm>> -> memref<1x120xi32, #tpu.memory_space<hbm>>
    %dma_wait3A_260 = tpu.memref_squeeze %dma_wait3A_259 : memref<1x120xi32, #tpu.memory_space<hbm>> -> memref<120xi32, #tpu.memory_space<hbm>>
    tpu.wait_dma2 semaphore(%arg27 : memref<!tpu.dma_semaphore, #tpu.memory_space<semaphore_mem>>) src(%dma_wait3A_260 : memref<120xi32, #tpu.memory_space<hbm>>) dst(%arg11 : memref<120xi32, #tpu.memory_space<vmem>>)
    %dma_wait3A_261 = arith.constant 0 : i32
    %dma_wait3A_262 = arith.constant 0 : i32
    %dma_wait3A_263 = tpu.memref_slice %arg4[%dma_wait3A_261, %dma_wait3A_262] : memref<2688x120xi32, #tpu.memory_space<hbm>> -> memref<1x120xi32, #tpu.memory_space<hbm>>
    %dma_wait3A_264 = tpu.memref_squeeze %dma_wait3A_263 : memref<1x120xi32, #tpu.memory_space<hbm>> -> memref<120xi32, #tpu.memory_space<hbm>>
    %dma_wait3A_265 = arith.constant 0 : i32
    %dma_wait3A_266 = tpu.memref_slice %arg4[%dma_wait3A_261, %dma_wait3A_265] : memref<2688x120xi32, #tpu.memory_space<hbm>> -> memref<1x120xi32, #tpu.memory_space<hbm>>
    %dma_wait3A_267 = tpu.memref_squeeze %dma_wait3A_266 : memref<1x120xi32, #tpu.memory_space<hbm>> -> memref<120xi32, #tpu.memory_space<hbm>>
    tpu.wait_dma2 semaphore(%arg27 : memref<!tpu.dma_semaphore, #tpu.memory_space<semaphore_mem>>) src(%dma_wait3A_267 : memref<120xi32, #tpu.memory_space<hbm>>) dst(%arg17 : memref<120xi32, #tpu.memory_space<vmem>>)
    %dma_start3A_268 = arith.constant 0 : i32
    %dma_start3A_269 = arith.constant 0 : i32
    %dma_start3A_270 = tpu.memref_slice %arg2[%dma_start3A_268, %dma_start3A_269] : memref<10240x128xf32, #tpu.memory_space<hbm>> -> memref<10240x128xf32, #tpu.memory_space<hbm>>
    tpu.enqueue_indirect_dma source(%dma_start3A_270 : memref<10240x128xf32, #tpu.memory_space<hbm>>) target(%arg20 : memref<120x128xf32, #tpu.memory_space<vmem>>) offsets(%arg11 : memref<120xi32, #tpu.memory_space<vmem>>) semaphore(%arg30 : memref<!tpu.dma_semaphore, #tpu.memory_space<semaphore_mem>>)
    %dma_wait3A_271 = arith.constant 0 : i32
    %dma_wait3A_272 = arith.constant 0 : i32
    %dma_wait3A_273 = tpu.memref_slice %arg2[%dma_wait3A_271, %dma_wait3A_272] : memref<10240x128xf32, #tpu.memory_space<hbm>> -> memref<10240x128xf32, #tpu.memory_space<hbm>>
    tpu.wait_indirect_dma semaphore(%arg28 : memref<!tpu.dma_semaphore, #tpu.memory_space<semaphore_mem>>) src(%dma_wait3A_273 : memref<10240x128xf32, #tpu.memory_space<hbm>>) dst(%arg18 : memref<120x128xf32, #tpu.memory_space<vmem>>)
    "tpu.region"() ({
      %run_scoped3A = tpu.sem_alloc : memref<!tpu.dma_semaphore, #tpu.memory_space<semaphore_mem>>
      %dma_start3A_476 = arith.constant 0 : i32
      %dma_start3A_477 = arith.constant 0 : i32
      %dma_start3A_478 = tpu.memref_slice %arg21[%dma_start3A_476, %dma_start3A_477] : memref<10240x128xf32, #tpu.memory_space<vmem_shared>> -> memref<10240x128xf32, #tpu.memory_space<vmem_shared>>
      tpu.enqueue_indirect_dma source(%arg18 : memref<120x128xf32, #tpu.memory_space<vmem>>) target(%dma_start3A_478 : memref<10240x128xf32, #tpu.memory_space<vmem_shared>>) offsets(%arg15 : memref<120xi32, #tpu.memory_space<vmem>>) semaphore(%run_scoped3A : memref<!tpu.dma_semaphore, #tpu.memory_space<semaphore_mem>>) {add = true}
      %dma_wait3A_479 = arith.constant 0 : i32
      %dma_wait3A_480 = arith.constant 0 : i32
      %dma_wait3A_481 = tpu.memref_slice %arg21[%dma_wait3A_479, %dma_wait3A_480] : memref<10240x128xf32, #tpu.memory_space<vmem_shared>> -> memref<10240x128xf32, #tpu.memory_space<vmem_shared>>
      tpu.wait_indirect_dma semaphore(%run_scoped3A : memref<!tpu.dma_semaphore, #tpu.memory_space<semaphore_mem>>) src(%arg18 : memref<120x128xf32, #tpu.memory_space<vmem>>) dst(%dma_wait3A_481 : memref<10240x128xf32, #tpu.memory_space<vmem_shared>>)
      tpu.yield
    }) : () -> ()
    %add3A_274 = arith.constant 8 : i32
    %add3A_275 = arith.addi %mul3A_2, %add3A_274 : i32
    %dma_start3A_276 = arith.constant 0 : i32
    %dma_start3A_277 = tpu.memref_slice %arg3[%add3A_275, %dma_start3A_276] : memref<2688x120xi32, #tpu.memory_space<hbm>> -> memref<1x120xi32, #tpu.memory_space<hbm>>
    %dma_start3A_278 = tpu.memref_squeeze %dma_start3A_277 : memref<1x120xi32, #tpu.memory_space<hbm>> -> memref<120xi32, #tpu.memory_space<hbm>>
    %dma_start3A_279 = arith.constant 0 : i32
    %dma_start3A_280 = tpu.memref_slice %arg3[%add3A_275, %dma_start3A_279] : memref<2688x120xi32, #tpu.memory_space<hbm>> -> memref<1x120xi32, #tpu.memory_space<hbm>>
    %dma_start3A_281 = tpu.memref_squeeze %dma_start3A_280 : memref<1x120xi32, #tpu.memory_space<hbm>> -> memref<120xi32, #tpu.memory_space<hbm>>
    tpu.enqueue_dma source(%dma_start3A_281 : memref<120xi32, #tpu.memory_space<hbm>>) target(%arg8 : memref<120xi32, #tpu.memory_space<vmem>>) target_semaphore(%arg24 : memref<!tpu.dma_semaphore, #tpu.memory_space<semaphore_mem>>)
    %add3A_282 = arith.constant 8 : i32
    %add3A_283 = arith.addi %mul3A_2, %add3A_282 : i32
    %dma_start3A_284 = arith.constant 0 : i32
    %dma_start3A_285 = tpu.memref_slice %arg4[%add3A_283, %dma_start3A_284] : memref<2688x120xi32, #tpu.memory_space<hbm>> -> memref<1x120xi32, #tpu.memory_space<hbm>>
    %dma_start3A_286 = tpu.memref_squeeze %dma_start3A_285 : memref<1x120xi32, #tpu.memory_space<hbm>> -> memref<120xi32, #tpu.memory_space<hbm>>
    %dma_start3A_287 = arith.constant 0 : i32
    %dma_start3A_288 = tpu.memref_slice %arg4[%add3A_283, %dma_start3A_287] : memref<2688x120xi32, #tpu.memory_space<hbm>> -> memref<1x120xi32, #tpu.memory_space<hbm>>
    %dma_start3A_289 = tpu.memref_squeeze %dma_start3A_288 : memref<1x120xi32, #tpu.memory_space<hbm>> -> memref<120xi32, #tpu.memory_space<hbm>>
    tpu.enqueue_dma source(%dma_start3A_289 : memref<120xi32, #tpu.memory_space<hbm>>) target(%arg14 : memref<120xi32, #tpu.memory_space<vmem>>) target_semaphore(%arg24 : memref<!tpu.dma_semaphore, #tpu.memory_space<semaphore_mem>>)
    %dma_wait3A_290 = arith.constant 0 : i32
    %dma_wait3A_291 = arith.constant 0 : i32
    %dma_wait3A_292 = tpu.memref_slice %arg3[%dma_wait3A_290, %dma_wait3A_291] : memref<2688x120xi32, #tpu.memory_space<hbm>> -> memref<1x120xi32, #tpu.memory_space<hbm>>
    %dma_wait3A_293 = tpu.memref_squeeze %dma_wait3A_292 : memref<1x120xi32, #tpu.memory_space<hbm>> -> memref<120xi32, #tpu.memory_space<hbm>>
    %dma_wait3A_294 = arith.constant 0 : i32
    %dma_wait3A_295 = tpu.memref_slice %arg3[%dma_wait3A_290, %dma_wait3A_294] : memref<2688x120xi32, #tpu.memory_space<hbm>> -> memref<1x120xi32, #tpu.memory_space<hbm>>
    %dma_wait3A_296 = tpu.memref_squeeze %dma_wait3A_295 : memref<1x120xi32, #tpu.memory_space<hbm>> -> memref<120xi32, #tpu.memory_space<hbm>>
    tpu.wait_dma2 semaphore(%arg22 : memref<!tpu.dma_semaphore, #tpu.memory_space<semaphore_mem>>) src(%dma_wait3A_296 : memref<120xi32, #tpu.memory_space<hbm>>) dst(%arg6 : memref<120xi32, #tpu.memory_space<vmem>>)
    %dma_wait3A_297 = arith.constant 0 : i32
    %dma_wait3A_298 = arith.constant 0 : i32
    %dma_wait3A_299 = tpu.memref_slice %arg4[%dma_wait3A_297, %dma_wait3A_298] : memref<2688x120xi32, #tpu.memory_space<hbm>> -> memref<1x120xi32, #tpu.memory_space<hbm>>
    %dma_wait3A_300 = tpu.memref_squeeze %dma_wait3A_299 : memref<1x120xi32, #tpu.memory_space<hbm>> -> memref<120xi32, #tpu.memory_space<hbm>>
    %dma_wait3A_301 = arith.constant 0 : i32
    %dma_wait3A_302 = tpu.memref_slice %arg4[%dma_wait3A_297, %dma_wait3A_301] : memref<2688x120xi32, #tpu.memory_space<hbm>> -> memref<1x120xi32, #tpu.memory_space<hbm>>
    %dma_wait3A_303 = tpu.memref_squeeze %dma_wait3A_302 : memref<1x120xi32, #tpu.memory_space<hbm>> -> memref<120xi32, #tpu.memory_space<hbm>>
    tpu.wait_dma2 semaphore(%arg22 : memref<!tpu.dma_semaphore, #tpu.memory_space<semaphore_mem>>) src(%dma_wait3A_303 : memref<120xi32, #tpu.memory_space<hbm>>) dst(%arg12 : memref<120xi32, #tpu.memory_space<vmem>>)
    %dma_start3A_304 = arith.constant 0 : i32
    %dma_start3A_305 = arith.constant 0 : i32
    %dma_start3A_306 = tpu.memref_slice %arg2[%dma_start3A_304, %dma_start3A_305] : memref<10240x128xf32, #tpu.memory_space<hbm>> -> memref<10240x128xf32, #tpu.memory_space<hbm>>
    tpu.enqueue_indirect_dma source(%dma_start3A_306 : memref<10240x128xf32, #tpu.memory_space<hbm>>) target(%arg18 : memref<120x128xf32, #tpu.memory_space<vmem>>) offsets(%arg6 : memref<120xi32, #tpu.memory_space<vmem>>) semaphore(%arg28 : memref<!tpu.dma_semaphore, #tpu.memory_space<semaphore_mem>>)
    %dma_wait3A_307 = arith.constant 0 : i32
    %dma_wait3A_308 = arith.constant 0 : i32
    %dma_wait3A_309 = tpu.memref_slice %arg2[%dma_wait3A_307, %dma_wait3A_308] : memref<10240x128xf32, #tpu.memory_space<hbm>> -> memref<10240x128xf32, #tpu.memory_space<hbm>>
    tpu.wait_indirect_dma semaphore(%arg29 : memref<!tpu.dma_semaphore, #tpu.memory_space<semaphore_mem>>) src(%dma_wait3A_309 : memref<10240x128xf32, #tpu.memory_space<hbm>>) dst(%arg19 : memref<120x128xf32, #tpu.memory_space<vmem>>)
    "tpu.region"() ({
      %run_scoped3A = tpu.sem_alloc : memref<!tpu.dma_semaphore, #tpu.memory_space<semaphore_mem>>
      %dma_start3A_476 = arith.constant 0 : i32
      %dma_start3A_477 = arith.constant 0 : i32
      %dma_start3A_478 = tpu.memref_slice %arg21[%dma_start3A_476, %dma_start3A_477] : memref<10240x128xf32, #tpu.memory_space<vmem_shared>> -> memref<10240x128xf32, #tpu.memory_space<vmem_shared>>
      tpu.enqueue_indirect_dma source(%arg19 : memref<120x128xf32, #tpu.memory_space<vmem>>) target(%dma_start3A_478 : memref<10240x128xf32, #tpu.memory_space<vmem_shared>>) offsets(%arg16 : memref<120xi32, #tpu.memory_space<vmem>>) semaphore(%run_scoped3A : memref<!tpu.dma_semaphore, #tpu.memory_space<semaphore_mem>>) {add = true}
      %dma_wait3A_479 = arith.constant 0 : i32
      %dma_wait3A_480 = arith.constant 0 : i32
      %dma_wait3A_481 = tpu.memref_slice %arg21[%dma_wait3A_479, %dma_wait3A_480] : memref<10240x128xf32, #tpu.memory_space<vmem_shared>> -> memref<10240x128xf32, #tpu.memory_space<vmem_shared>>
      tpu.wait_indirect_dma semaphore(%run_scoped3A : memref<!tpu.dma_semaphore, #tpu.memory_space<semaphore_mem>>) src(%arg19 : memref<120x128xf32, #tpu.memory_space<vmem>>) dst(%dma_wait3A_481 : memref<10240x128xf32, #tpu.memory_space<vmem_shared>>)
      tpu.yield
    }) : () -> ()
    %add3A_310 = arith.constant 9 : i32
    %add3A_311 = arith.addi %mul3A_2, %add3A_310 : i32
    %dma_start3A_312 = arith.constant 0 : i32
    %dma_start3A_313 = tpu.memref_slice %arg3[%add3A_311, %dma_start3A_312] : memref<2688x120xi32, #tpu.memory_space<hbm>> -> memref<1x120xi32, #tpu.memory_space<hbm>>
    %dma_start3A_314 = tpu.memref_squeeze %dma_start3A_313 : memref<1x120xi32, #tpu.memory_space<hbm>> -> memref<120xi32, #tpu.memory_space<hbm>>
    %dma_start3A_315 = arith.constant 0 : i32
    %dma_start3A_316 = tpu.memref_slice %arg3[%add3A_311, %dma_start3A_315] : memref<2688x120xi32, #tpu.memory_space<hbm>> -> memref<1x120xi32, #tpu.memory_space<hbm>>
    %dma_start3A_317 = tpu.memref_squeeze %dma_start3A_316 : memref<1x120xi32, #tpu.memory_space<hbm>> -> memref<120xi32, #tpu.memory_space<hbm>>
    tpu.enqueue_dma source(%dma_start3A_317 : memref<120xi32, #tpu.memory_space<hbm>>) target(%arg9 : memref<120xi32, #tpu.memory_space<vmem>>) target_semaphore(%arg25 : memref<!tpu.dma_semaphore, #tpu.memory_space<semaphore_mem>>)
    %add3A_318 = arith.constant 9 : i32
    %add3A_319 = arith.addi %mul3A_2, %add3A_318 : i32
    %dma_start3A_320 = arith.constant 0 : i32
    %dma_start3A_321 = tpu.memref_slice %arg4[%add3A_319, %dma_start3A_320] : memref<2688x120xi32, #tpu.memory_space<hbm>> -> memref<1x120xi32, #tpu.memory_space<hbm>>
    %dma_start3A_322 = tpu.memref_squeeze %dma_start3A_321 : memref<1x120xi32, #tpu.memory_space<hbm>> -> memref<120xi32, #tpu.memory_space<hbm>>
    %dma_start3A_323 = arith.constant 0 : i32
    %dma_start3A_324 = tpu.memref_slice %arg4[%add3A_319, %dma_start3A_323] : memref<2688x120xi32, #tpu.memory_space<hbm>> -> memref<1x120xi32, #tpu.memory_space<hbm>>
    %dma_start3A_325 = tpu.memref_squeeze %dma_start3A_324 : memref<1x120xi32, #tpu.memory_space<hbm>> -> memref<120xi32, #tpu.memory_space<hbm>>
    tpu.enqueue_dma source(%dma_start3A_325 : memref<120xi32, #tpu.memory_space<hbm>>) target(%arg15 : memref<120xi32, #tpu.memory_space<vmem>>) target_semaphore(%arg25 : memref<!tpu.dma_semaphore, #tpu.memory_space<semaphore_mem>>)
    %dma_wait3A_326 = arith.constant 0 : i32
    %dma_wait3A_327 = arith.constant 0 : i32
    %dma_wait3A_328 = tpu.memref_slice %arg3[%dma_wait3A_326, %dma_wait3A_327] : memref<2688x120xi32, #tpu.memory_space<hbm>> -> memref<1x120xi32, #tpu.memory_space<hbm>>
    %dma_wait3A_329 = tpu.memref_squeeze %dma_wait3A_328 : memref<1x120xi32, #tpu.memory_space<hbm>> -> memref<120xi32, #tpu.memory_space<hbm>>
    %dma_wait3A_330 = arith.constant 0 : i32
    %dma_wait3A_331 = tpu.memref_slice %arg3[%dma_wait3A_326, %dma_wait3A_330] : memref<2688x120xi32, #tpu.memory_space<hbm>> -> memref<1x120xi32, #tpu.memory_space<hbm>>
    %dma_wait3A_332 = tpu.memref_squeeze %dma_wait3A_331 : memref<1x120xi32, #tpu.memory_space<hbm>> -> memref<120xi32, #tpu.memory_space<hbm>>
    tpu.wait_dma2 semaphore(%arg23 : memref<!tpu.dma_semaphore, #tpu.memory_space<semaphore_mem>>) src(%dma_wait3A_332 : memref<120xi32, #tpu.memory_space<hbm>>) dst(%arg7 : memref<120xi32, #tpu.memory_space<vmem>>)
    %dma_wait3A_333 = arith.constant 0 : i32
    %dma_wait3A_334 = arith.constant 0 : i32
    %dma_wait3A_335 = tpu.memref_slice %arg4[%dma_wait3A_333, %dma_wait3A_334] : memref<2688x120xi32, #tpu.memory_space<hbm>> -> memref<1x120xi32, #tpu.memory_space<hbm>>
    %dma_wait3A_336 = tpu.memref_squeeze %dma_wait3A_335 : memref<1x120xi32, #tpu.memory_space<hbm>> -> memref<120xi32, #tpu.memory_space<hbm>>
    %dma_wait3A_337 = arith.constant 0 : i32
    %dma_wait3A_338 = tpu.memref_slice %arg4[%dma_wait3A_333, %dma_wait3A_337] : memref<2688x120xi32, #tpu.memory_space<hbm>> -> memref<1x120xi32, #tpu.memory_space<hbm>>
    %dma_wait3A_339 = tpu.memref_squeeze %dma_wait3A_338 : memref<1x120xi32, #tpu.memory_space<hbm>> -> memref<120xi32, #tpu.memory_space<hbm>>
    tpu.wait_dma2 semaphore(%arg23 : memref<!tpu.dma_semaphore, #tpu.memory_space<semaphore_mem>>) src(%dma_wait3A_339 : memref<120xi32, #tpu.memory_space<hbm>>) dst(%arg13 : memref<120xi32, #tpu.memory_space<vmem>>)
    %dma_start3A_340 = arith.constant 0 : i32
    %dma_start3A_341 = arith.constant 0 : i32
    %dma_start3A_342 = tpu.memref_slice %arg2[%dma_start3A_340, %dma_start3A_341] : memref<10240x128xf32, #tpu.memory_space<hbm>> -> memref<10240x128xf32, #tpu.memory_space<hbm>>
    tpu.enqueue_indirect_dma source(%dma_start3A_342 : memref<10240x128xf32, #tpu.memory_space<hbm>>) target(%arg19 : memref<120x128xf32, #tpu.memory_space<vmem>>) offsets(%arg7 : memref<120xi32, #tpu.memory_space<vmem>>) semaphore(%arg29 : memref<!tpu.dma_semaphore, #tpu.memory_space<semaphore_mem>>)
    %dma_wait3A_343 = arith.constant 0 : i32
    %dma_wait3A_344 = arith.constant 0 : i32
    %dma_wait3A_345 = tpu.memref_slice %arg2[%dma_wait3A_343, %dma_wait3A_344] : memref<10240x128xf32, #tpu.memory_space<hbm>> -> memref<10240x128xf32, #tpu.memory_space<hbm>>
    tpu.wait_indirect_dma semaphore(%arg30 : memref<!tpu.dma_semaphore, #tpu.memory_space<semaphore_mem>>) src(%dma_wait3A_345 : memref<10240x128xf32, #tpu.memory_space<hbm>>) dst(%arg20 : memref<120x128xf32, #tpu.memory_space<vmem>>)
    "tpu.region"() ({
      %run_scoped3A = tpu.sem_alloc : memref<!tpu.dma_semaphore, #tpu.memory_space<semaphore_mem>>
      %dma_start3A_476 = arith.constant 0 : i32
      %dma_start3A_477 = arith.constant 0 : i32
      %dma_start3A_478 = tpu.memref_slice %arg21[%dma_start3A_476, %dma_start3A_477] : memref<10240x128xf32, #tpu.memory_space<vmem_shared>> -> memref<10240x128xf32, #tpu.memory_space<vmem_shared>>
      tpu.enqueue_indirect_dma source(%arg20 : memref<120x128xf32, #tpu.memory_space<vmem>>) target(%dma_start3A_478 : memref<10240x128xf32, #tpu.memory_space<vmem_shared>>) offsets(%arg17 : memref<120xi32, #tpu.memory_space<vmem>>) semaphore(%run_scoped3A : memref<!tpu.dma_semaphore, #tpu.memory_space<semaphore_mem>>) {add = true}
      %dma_wait3A_479 = arith.constant 0 : i32
      %dma_wait3A_480 = arith.constant 0 : i32
      %dma_wait3A_481 = tpu.memref_slice %arg21[%dma_wait3A_479, %dma_wait3A_480] : memref<10240x128xf32, #tpu.memory_space<vmem_shared>> -> memref<10240x128xf32, #tpu.memory_space<vmem_shared>>
      tpu.wait_indirect_dma semaphore(%run_scoped3A : memref<!tpu.dma_semaphore, #tpu.memory_space<semaphore_mem>>) src(%arg20 : memref<120x128xf32, #tpu.memory_space<vmem>>) dst(%dma_wait3A_481 : memref<10240x128xf32, #tpu.memory_space<vmem_shared>>)
      tpu.yield
    }) : () -> ()
    %scan3A_346 = arith.constant 0 : i32
    %scan3A_347 = arith.constant 1 : i32
    %scan3A_348 = arith.constant 12 : i32
    %scan3A_349 = arith.addi %scan3A_347, %scan3A_348 : i32
    %scan3A_350 = arith.constant 1 : i32
    %scan3A_351 = scf.for %scan3A_476 = %scan3A_347 to %scan3A_349 step %scan3A_350 iter_args(%scan3A_477 = %scan3A_346) -> (i32)  : i32 {
      %mul3A_478 = arith.constant 6 : i32
      %mul3A_479 = arith.muli %scan3A_476, %mul3A_478 : i32
      %add3A_480 = arith.constant 0 : i32
      %add3A_481 = arith.addi %mul3A_479, %add3A_480 : i32
      %add3A_482 = arith.constant 4 : i32
      %add3A_483 = arith.addi %add3A_481, %add3A_482 : i32
      %add3A_484 = arith.addi %mul3A_2, %add3A_483 : i32
      %dma_start3A_485 = arith.constant 0 : i32
      %dma_start3A_486 = tpu.memref_slice %arg3[%add3A_484, %dma_start3A_485] : memref<2688x120xi32, #tpu.memory_space<hbm>> -> memref<1x120xi32, #tpu.memory_space<hbm>>
      %dma_start3A_487 = tpu.memref_squeeze %dma_start3A_486 : memref<1x120xi32, #tpu.memory_space<hbm>> -> memref<120xi32, #tpu.memory_space<hbm>>
      %dma_start3A_488 = arith.constant 0 : i32
      %dma_start3A_489 = tpu.memref_slice %arg3[%add3A_484, %dma_start3A_488] : memref<2688x120xi32, #tpu.memory_space<hbm>> -> memref<1x120xi32, #tpu.memory_space<hbm>>
      %dma_start3A_490 = tpu.memref_squeeze %dma_start3A_489 : memref<1x120xi32, #tpu.memory_space<hbm>> -> memref<120xi32, #tpu.memory_space<hbm>>
      tpu.enqueue_dma source(%dma_start3A_490 : memref<120xi32, #tpu.memory_space<hbm>>) target(%arg10 : memref<120xi32, #tpu.memory_space<vmem>>) target_semaphore(%arg26 : memref<!tpu.dma_semaphore, #tpu.memory_space<semaphore_mem>>)
      %add3A_491 = arith.addi %mul3A_2, %add3A_483 : i32
      %dma_start3A_492 = arith.constant 0 : i32
      %dma_start3A_493 = tpu.memref_slice %arg4[%add3A_491, %dma_start3A_492] : memref<2688x120xi32, #tpu.memory_space<hbm>> -> memref<1x120xi32, #tpu.memory_space<hbm>>
      %dma_start3A_494 = tpu.memref_squeeze %dma_start3A_493 : memref<1x120xi32, #tpu.memory_space<hbm>> -> memref<120xi32, #tpu.memory_space<hbm>>
      %dma_start3A_495 = arith.constant 0 : i32
      %dma_start3A_496 = tpu.memref_slice %arg4[%add3A_491, %dma_start3A_495] : memref<2688x120xi32, #tpu.memory_space<hbm>> -> memref<1x120xi32, #tpu.memory_space<hbm>>
      %dma_start3A_497 = tpu.memref_squeeze %dma_start3A_496 : memref<1x120xi32, #tpu.memory_space<hbm>> -> memref<120xi32, #tpu.memory_space<hbm>>
      tpu.enqueue_dma source(%dma_start3A_497 : memref<120xi32, #tpu.memory_space<hbm>>) target(%arg16 : memref<120xi32, #tpu.memory_space<vmem>>) target_semaphore(%arg26 : memref<!tpu.dma_semaphore, #tpu.memory_space<semaphore_mem>>)
      %dma_wait3A_498 = arith.constant 0 : i32
      %dma_wait3A_499 = arith.constant 0 : i32
      %dma_wait3A_500 = tpu.memref_slice %arg3[%dma_wait3A_498, %dma_wait3A_499] : memref<2688x120xi32, #tpu.memory_space<hbm>> -> memref<1x120xi32, #tpu.memory_space<hbm>>
      %dma_wait3A_501 = tpu.memref_squeeze %dma_wait3A_500 : memref<1x120xi32, #tpu.memory_space<hbm>> -> memref<120xi32, #tpu.memory_space<hbm>>
      %dma_wait3A_502 = arith.constant 0 : i32
      %dma_wait3A_503 = tpu.memref_slice %arg3[%dma_wait3A_498, %dma_wait3A_502] : memref<2688x120xi32, #tpu.memory_space<hbm>> -> memref<1x120xi32, #tpu.memory_space<hbm>>
      %dma_wait3A_504 = tpu.memref_squeeze %dma_wait3A_503 : memref<1x120xi32, #tpu.memory_space<hbm>> -> memref<120xi32, #tpu.memory_space<hbm>>
      tpu.wait_dma2 semaphore(%arg24 : memref<!tpu.dma_semaphore, #tpu.memory_space<semaphore_mem>>) src(%dma_wait3A_504 : memref<120xi32, #tpu.memory_space<hbm>>) dst(%arg8 : memref<120xi32, #tpu.memory_space<vmem>>)
      %dma_wait3A_505 = arith.constant 0 : i32
      %dma_wait3A_506 = arith.constant 0 : i32
      %dma_wait3A_507 = tpu.memref_slice %arg4[%dma_wait3A_505, %dma_wait3A_506] : memref<2688x120xi32, #tpu.memory_space<hbm>> -> memref<1x120xi32, #tpu.memory_space<hbm>>
      %dma_wait3A_508 = tpu.memref_squeeze %dma_wait3A_507 : memref<1x120xi32, #tpu.memory_space<hbm>> -> memref<120xi32, #tpu.memory_space<hbm>>
      %dma_wait3A_509 = arith.constant 0 : i32
      %dma_wait3A_510 = tpu.memref_slice %arg4[%dma_wait3A_505, %dma_wait3A_509] : memref<2688x120xi32, #tpu.memory_space<hbm>> -> memref<1x120xi32, #tpu.memory_space<hbm>>
      %dma_wait3A_511 = tpu.memref_squeeze %dma_wait3A_510 : memref<1x120xi32, #tpu.memory_space<hbm>> -> memref<120xi32, #tpu.memory_space<hbm>>
      tpu.wait_dma2 semaphore(%arg24 : memref<!tpu.dma_semaphore, #tpu.memory_space<semaphore_mem>>) src(%dma_wait3A_511 : memref<120xi32, #tpu.memory_space<hbm>>) dst(%arg14 : memref<120xi32, #tpu.memory_space<vmem>>)
      %dma_start3A_512 = arith.constant 0 : i32
      %dma_start3A_513 = arith.constant 0 : i32
      %dma_start3A_514 = tpu.memref_slice %arg2[%dma_start3A_512, %dma_start3A_513] : memref<10240x128xf32, #tpu.memory_space<hbm>> -> memref<10240x128xf32, #tpu.memory_space<hbm>>
      tpu.enqueue_indirect_dma source(%dma_start3A_514 : memref<10240x128xf32, #tpu.memory_space<hbm>>) target(%arg20 : memref<120x128xf32, #tpu.memory_space<vmem>>) offsets(%arg8 : memref<120xi32, #tpu.memory_space<vmem>>) semaphore(%arg30 : memref<!tpu.dma_semaphore, #tpu.memory_space<semaphore_mem>>)
      %dma_wait3A_515 = arith.constant 0 : i32
      %dma_wait3A_516 = arith.constant 0 : i32
      %dma_wait3A_517 = tpu.memref_slice %arg2[%dma_wait3A_515, %dma_wait3A_516] : memref<10240x128xf32, #tpu.memory_space<hbm>> -> memref<10240x128xf32, #tpu.memory_space<hbm>>
      tpu.wait_indirect_dma semaphore(%arg28 : memref<!tpu.dma_semaphore, #tpu.memory_space<semaphore_mem>>) src(%dma_wait3A_517 : memref<10240x128xf32, #tpu.memory_space<hbm>>) dst(%arg18 : memref<120x128xf32, #tpu.memory_space<vmem>>)
      "tpu.region"() ({
        %run_scoped3A = tpu.sem_alloc : memref<!tpu.dma_semaphore, #tpu.memory_space<semaphore_mem>>
        %dma_start3A_709 = arith.constant 0 : i32
        %dma_start3A_710 = arith.constant 0 : i32
        %dma_start3A_711 = tpu.memref_slice %arg21[%dma_start3A_709, %dma_start3A_710] : memref<10240x128xf32, #tpu.memory_space<vmem_shared>> -> memref<10240x128xf32, #tpu.memory_space<vmem_shared>>
        tpu.enqueue_indirect_dma source(%arg18 : memref<120x128xf32, #tpu.memory_space<vmem>>) target(%dma_start3A_711 : memref<10240x128xf32, #tpu.memory_space<vmem_shared>>) offsets(%arg12 : memref<120xi32, #tpu.memory_space<vmem>>) semaphore(%run_scoped3A : memref<!tpu.dma_semaphore, #tpu.memory_space<semaphore_mem>>) {add = true}
        %dma_wait3A_712 = arith.constant 0 : i32
        %dma_wait3A_713 = arith.constant 0 : i32
        %dma_wait3A_714 = tpu.memref_slice %arg21[%dma_wait3A_712, %dma_wait3A_713] : memref<10240x128xf32, #tpu.memory_space<vmem_shared>> -> memref<10240x128xf32, #tpu.memory_space<vmem_shared>>
        tpu.wait_indirect_dma semaphore(%run_scoped3A : memref<!tpu.dma_semaphore, #tpu.memory_space<semaphore_mem>>) src(%arg18 : memref<120x128xf32, #tpu.memory_space<vmem>>) dst(%dma_wait3A_714 : memref<10240x128xf32, #tpu.memory_space<vmem_shared>>)
        tpu.yield
      }) : () -> ()
      %add3A_518 = arith.constant 1 : i32
      %add3A_519 = arith.addi %mul3A_479, %add3A_518 : i32
      %add3A_520 = arith.constant 4 : i32
      %add3A_521 = arith.addi %add3A_519, %add3A_520 : i32
      %add3A_522 = arith.addi %mul3A_2, %add3A_521 : i32
      %dma_start3A_523 = arith.constant 0 : i32
      %dma_start3A_524 = tpu.memref_slice %arg3[%add3A_522, %dma_start3A_523] : memref<2688x120xi32, #tpu.memory_space<hbm>> -> memref<1x120xi32, #tpu.memory_space<hbm>>
      %dma_start3A_525 = tpu.memref_squeeze %dma_start3A_524 : memref<1x120xi32, #tpu.memory_space<hbm>> -> memref<120xi32, #tpu.memory_space<hbm>>
      %dma_start3A_526 = arith.constant 0 : i32
      %dma_start3A_527 = tpu.memref_slice %arg3[%add3A_522, %dma_start3A_526] : memref<2688x120xi32, #tpu.memory_space<hbm>> -> memref<1x120xi32, #tpu.memory_space<hbm>>
      %dma_start3A_528 = tpu.memref_squeeze %dma_start3A_527 : memref<1x120xi32, #tpu.memory_space<hbm>> -> memref<120xi32, #tpu.memory_space<hbm>>
      tpu.enqueue_dma source(%dma_start3A_528 : memref<120xi32, #tpu.memory_space<hbm>>) target(%arg11 : memref<120xi32, #tpu.memory_space<vmem>>) target_semaphore(%arg27 : memref<!tpu.dma_semaphore, #tpu.memory_space<semaphore_mem>>)
      %add3A_529 = arith.addi %mul3A_2, %add3A_521 : i32
      %dma_start3A_530 = arith.constant 0 : i32
      %dma_start3A_531 = tpu.memref_slice %arg4[%add3A_529, %dma_start3A_530] : memref<2688x120xi32, #tpu.memory_space<hbm>> -> memref<1x120xi32, #tpu.memory_space<hbm>>
      %dma_start3A_532 = tpu.memref_squeeze %dma_start3A_531 : memref<1x120xi32, #tpu.memory_space<hbm>> -> memref<120xi32, #tpu.memory_space<hbm>>
      %dma_start3A_533 = arith.constant 0 : i32
      %dma_start3A_534 = tpu.memref_slice %arg4[%add3A_529, %dma_start3A_533] : memref<2688x120xi32, #tpu.memory_space<hbm>> -> memref<1x120xi32, #tpu.memory_space<hbm>>
      %dma_start3A_535 = tpu.memref_squeeze %dma_start3A_534 : memref<1x120xi32, #tpu.memory_space<hbm>> -> memref<120xi32, #tpu.memory_space<hbm>>
      tpu.enqueue_dma source(%dma_start3A_535 : memref<120xi32, #tpu.memory_space<hbm>>) target(%arg17 : memref<120xi32, #tpu.memory_space<vmem>>) target_semaphore(%arg27 : memref<!tpu.dma_semaphore, #tpu.memory_space<semaphore_mem>>)
      %dma_wait3A_536 = arith.constant 0 : i32
      %dma_wait3A_537 = arith.constant 0 : i32
      %dma_wait3A_538 = tpu.memref_slice %arg3[%dma_wait3A_536, %dma_wait3A_537] : memref<2688x120xi32, #tpu.memory_space<hbm>> -> memref<1x120xi32, #tpu.memory_space<hbm>>
      %dma_wait3A_539 = tpu.memref_squeeze %dma_wait3A_538 : memref<1x120xi32, #tpu.memory_space<hbm>> -> memref<120xi32, #tpu.memory_space<hbm>>
      %dma_wait3A_540 = arith.constant 0 : i32
      %dma_wait3A_541 = tpu.memref_slice %arg3[%dma_wait3A_536, %dma_wait3A_540] : memref<2688x120xi32, #tpu.memory_space<hbm>> -> memref<1x120xi32, #tpu.memory_space<hbm>>
      %dma_wait3A_542 = tpu.memref_squeeze %dma_wait3A_541 : memref<1x120xi32, #tpu.memory_space<hbm>> -> memref<120xi32, #tpu.memory_space<hbm>>
      tpu.wait_dma2 semaphore(%arg25 : memref<!tpu.dma_semaphore, #tpu.memory_space<semaphore_mem>>) src(%dma_wait3A_542 : memref<120xi32, #tpu.memory_space<hbm>>) dst(%arg9 : memref<120xi32, #tpu.memory_space<vmem>>)
      %dma_wait3A_543 = arith.constant 0 : i32
      %dma_wait3A_544 = arith.constant 0 : i32
      %dma_wait3A_545 = tpu.memref_slice %arg4[%dma_wait3A_543, %dma_wait3A_544] : memref<2688x120xi32, #tpu.memory_space<hbm>> -> memref<1x120xi32, #tpu.memory_space<hbm>>
      %dma_wait3A_546 = tpu.memref_squeeze %dma_wait3A_545 : memref<1x120xi32, #tpu.memory_space<hbm>> -> memref<120xi32, #tpu.memory_space<hbm>>
      %dma_wait3A_547 = arith.constant 0 : i32
      %dma_wait3A_548 = tpu.memref_slice %arg4[%dma_wait3A_543, %dma_wait3A_547] : memref<2688x120xi32, #tpu.memory_space<hbm>> -> memref<1x120xi32, #tpu.memory_space<hbm>>
      %dma_wait3A_549 = tpu.memref_squeeze %dma_wait3A_548 : memref<1x120xi32, #tpu.memory_space<hbm>> -> memref<120xi32, #tpu.memory_space<hbm>>
      tpu.wait_dma2 semaphore(%arg25 : memref<!tpu.dma_semaphore, #tpu.memory_space<semaphore_mem>>) src(%dma_wait3A_549 : memref<120xi32, #tpu.memory_space<hbm>>) dst(%arg15 : memref<120xi32, #tpu.memory_space<vmem>>)
      %dma_start3A_550 = arith.constant 0 : i32
      %dma_start3A_551 = arith.constant 0 : i32
      %dma_start3A_552 = tpu.memref_slice %arg2[%dma_start3A_550, %dma_start3A_551] : memref<10240x128xf32, #tpu.memory_space<hbm>> -> memref<10240x128xf32, #tpu.memory_space<hbm>>
      tpu.enqueue_indirect_dma source(%dma_start3A_552 : memref<10240x128xf32, #tpu.memory_space<hbm>>) target(%arg18 : memref<120x128xf32, #tpu.memory_space<vmem>>) offsets(%arg9 : memref<120xi32, #tpu.memory_space<vmem>>) semaphore(%arg28 : memref<!tpu.dma_semaphore, #tpu.memory_space<semaphore_mem>>)
      %dma_wait3A_553 = arith.constant 0 : i32
      %dma_wait3A_554 = arith.constant 0 : i32
      %dma_wait3A_555 = tpu.memref_slice %arg2[%dma_wait3A_553, %dma_wait3A_554] : memref<10240x128xf32, #tpu.memory_space<hbm>> -> memref<10240x128xf32, #tpu.memory_space<hbm>>
      tpu.wait_indirect_dma semaphore(%arg29 : memref<!tpu.dma_semaphore, #tpu.memory_space<semaphore_mem>>) src(%dma_wait3A_555 : memref<10240x128xf32, #tpu.memory_space<hbm>>) dst(%arg19 : memref<120x128xf32, #tpu.memory_space<vmem>>)
      "tpu.region"() ({
        %run_scoped3A = tpu.sem_alloc : memref<!tpu.dma_semaphore, #tpu.memory_space<semaphore_mem>>
        %dma_start3A_709 = arith.constant 0 : i32
        %dma_start3A_710 = arith.constant 0 : i32
        %dma_start3A_711 = tpu.memref_slice %arg21[%dma_start3A_709, %dma_start3A_710] : memref<10240x128xf32, #tpu.memory_space<vmem_shared>> -> memref<10240x128xf32, #tpu.memory_space<vmem_shared>>
        tpu.enqueue_indirect_dma source(%arg19 : memref<120x128xf32, #tpu.memory_space<vmem>>) target(%dma_start3A_711 : memref<10240x128xf32, #tpu.memory_space<vmem_shared>>) offsets(%arg13 : memref<120xi32, #tpu.memory_space<vmem>>) semaphore(%run_scoped3A : memref<!tpu.dma_semaphore, #tpu.memory_space<semaphore_mem>>) {add = true}
        %dma_wait3A_712 = arith.constant 0 : i32
        %dma_wait3A_713 = arith.constant 0 : i32
        %dma_wait3A_714 = tpu.memref_slice %arg21[%dma_wait3A_712, %dma_wait3A_713] : memref<10240x128xf32, #tpu.memory_space<vmem_shared>> -> memref<10240x128xf32, #tpu.memory_space<vmem_shared>>
        tpu.wait_indirect_dma semaphore(%run_scoped3A : memref<!tpu.dma_semaphore, #tpu.memory_space<semaphore_mem>>) src(%arg19 : memref<120x128xf32, #tpu.memory_space<vmem>>) dst(%dma_wait3A_714 : memref<10240x128xf32, #tpu.memory_space<vmem_shared>>)
        tpu.yield
      }) : () -> ()
      %add3A_556 = arith.constant 2 : i32
      %add3A_557 = arith.addi %mul3A_479, %add3A_556 : i32
      %add3A_558 = arith.constant 4 : i32
      %add3A_559 = arith.addi %add3A_557, %add3A_558 : i32
      %add3A_560 = arith.addi %mul3A_2, %add3A_559 : i32
      %dma_start3A_561 = arith.constant 0 : i32
      %dma_start3A_562 = tpu.memref_slice %arg3[%add3A_560, %dma_start3A_561] : memref<2688x120xi32, #tpu.memory_space<hbm>> -> memref<1x120xi32, #tpu.memory_space<hbm>>
      %dma_start3A_563 = tpu.memref_squeeze %dma_start3A_562 : memref<1x120xi32, #tpu.memory_space<hbm>> -> memref<120xi32, #tpu.memory_space<hbm>>
      %dma_start3A_564 = arith.constant 0 : i32
      %dma_start3A_565 = tpu.memref_slice %arg3[%add3A_560, %dma_start3A_564] : memref<2688x120xi32, #tpu.memory_space<hbm>> -> memref<1x120xi32, #tpu.memory_space<hbm>>
      %dma_start3A_566 = tpu.memref_squeeze %dma_start3A_565 : memref<1x120xi32, #tpu.memory_space<hbm>> -> memref<120xi32, #tpu.memory_space<hbm>>
      tpu.enqueue_dma source(%dma_start3A_566 : memref<120xi32, #tpu.memory_space<hbm>>) target(%arg6 : memref<120xi32, #tpu.memory_space<vmem>>) target_semaphore(%arg22 : memref<!tpu.dma_semaphore, #tpu.memory_space<semaphore_mem>>)
      %add3A_567 = arith.addi %mul3A_2, %add3A_559 : i32
      %dma_start3A_568 = arith.constant 0 : i32
      %dma_start3A_569 = tpu.memref_slice %arg4[%add3A_567, %dma_start3A_568] : memref<2688x120xi32, #tpu.memory_space<hbm>> -> memref<1x120xi32, #tpu.memory_space<hbm>>
      %dma_start3A_570 = tpu.memref_squeeze %dma_start3A_569 : memref<1x120xi32, #tpu.memory_space<hbm>> -> memref<120xi32, #tpu.memory_space<hbm>>
      %dma_start3A_571 = arith.constant 0 : i32
      %dma_start3A_572 = tpu.memref_slice %arg4[%add3A_567, %dma_start3A_571] : memref<2688x120xi32, #tpu.memory_space<hbm>> -> memref<1x120xi32, #tpu.memory_space<hbm>>
      %dma_start3A_573 = tpu.memref_squeeze %dma_start3A_572 : memref<1x120xi32, #tpu.memory_space<hbm>> -> memref<120xi32, #tpu.memory_space<hbm>>
      tpu.enqueue_dma source(%dma_start3A_573 : memref<120xi32, #tpu.memory_space<hbm>>) target(%arg12 : memref<120xi32, #tpu.memory_space<vmem>>) target_semaphore(%arg22 : memref<!tpu.dma_semaphore, #tpu.memory_space<semaphore_mem>>)
      %dma_wait3A_574 = arith.constant 0 : i32
      %dma_wait3A_575 = arith.constant 0 : i32
      %dma_wait3A_576 = tpu.memref_slice %arg3[%dma_wait3A_574, %dma_wait3A_575] : memref<2688x120xi32, #tpu.memory_space<hbm>> -> memref<1x120xi32, #tpu.memory_space<hbm>>
      %dma_wait3A_577 = tpu.memref_squeeze %dma_wait3A_576 : memref<1x120xi32, #tpu.memory_space<hbm>> -> memref<120xi32, #tpu.memory_space<hbm>>
      %dma_wait3A_578 = arith.constant 0 : i32
      %dma_wait3A_579 = tpu.memref_slice %arg3[%dma_wait3A_574, %dma_wait3A_578] : memref<2688x120xi32, #tpu.memory_space<hbm>> -> memref<1x120xi32, #tpu.memory_space<hbm>>
      %dma_wait3A_580 = tpu.memref_squeeze %dma_wait3A_579 : memref<1x120xi32, #tpu.memory_space<hbm>> -> memref<120xi32, #tpu.memory_space<hbm>>
      tpu.wait_dma2 semaphore(%arg26 : memref<!tpu.dma_semaphore, #tpu.memory_space<semaphore_mem>>) src(%dma_wait3A_580 : memref<120xi32, #tpu.memory_space<hbm>>) dst(%arg10 : memref<120xi32, #tpu.memory_space<vmem>>)
      %dma_wait3A_581 = arith.constant 0 : i32
      %dma_wait3A_582 = arith.constant 0 : i32
      %dma_wait3A_583 = tpu.memref_slice %arg4[%dma_wait3A_581, %dma_wait3A_582] : memref<2688x120xi32, #tpu.memory_space<hbm>> -> memref<1x120xi32, #tpu.memory_space<hbm>>
      %dma_wait3A_584 = tpu.memref_squeeze %dma_wait3A_583 : memref<1x120xi32, #tpu.memory_space<hbm>> -> memref<120xi32, #tpu.memory_space<hbm>>
      %dma_wait3A_585 = arith.constant 0 : i32
      %dma_wait3A_586 = tpu.memref_slice %arg4[%dma_wait3A_581, %dma_wait3A_585] : memref<2688x120xi32, #tpu.memory_space<hbm>> -> memref<1x120xi32, #tpu.memory_space<hbm>>
      %dma_wait3A_587 = tpu.memref_squeeze %dma_wait3A_586 : memref<1x120xi32, #tpu.memory_space<hbm>> -> memref<120xi32, #tpu.memory_space<hbm>>
      tpu.wait_dma2 semaphore(%arg26 : memref<!tpu.dma_semaphore, #tpu.memory_space<semaphore_mem>>) src(%dma_wait3A_587 : memref<120xi32, #tpu.memory_space<hbm>>) dst(%arg16 : memref<120xi32, #tpu.memory_space<vmem>>)
      %dma_start3A_588 = arith.constant 0 : i32
      %dma_start3A_589 = arith.constant 0 : i32
      %dma_start3A_590 = tpu.memref_slice %arg2[%dma_start3A_588, %dma_start3A_589] : memref<10240x128xf32, #tpu.memory_space<hbm>> -> memref<10240x128xf32, #tpu.memory_space<hbm>>
      tpu.enqueue_indirect_dma source(%dma_start3A_590 : memref<10240x128xf32, #tpu.memory_space<hbm>>) target(%arg19 : memref<120x128xf32, #tpu.memory_space<vmem>>) offsets(%arg10 : memref<120xi32, #tpu.memory_space<vmem>>) semaphore(%arg29 : memref<!tpu.dma_semaphore, #tpu.memory_space<semaphore_mem>>)
      %dma_wait3A_591 = arith.constant 0 : i32
      %dma_wait3A_592 = arith.constant 0 : i32
      %dma_wait3A_593 = tpu.memref_slice %arg2[%dma_wait3A_591, %dma_wait3A_592] : memref<10240x128xf32, #tpu.memory_space<hbm>> -> memref<10240x128xf32, #tpu.memory_space<hbm>>
      tpu.wait_indirect_dma semaphore(%arg30 : memref<!tpu.dma_semaphore, #tpu.memory_space<semaphore_mem>>) src(%dma_wait3A_593 : memref<10240x128xf32, #tpu.memory_space<hbm>>) dst(%arg20 : memref<120x128xf32, #tpu.memory_space<vmem>>)
      "tpu.region"() ({
        %run_scoped3A = tpu.sem_alloc : memref<!tpu.dma_semaphore, #tpu.memory_space<semaphore_mem>>
        %dma_start3A_709 = arith.constant 0 : i32
        %dma_start3A_710 = arith.constant 0 : i32
        %dma_start3A_711 = tpu.memref_slice %arg21[%dma_start3A_709, %dma_start3A_710] : memref<10240x128xf32, #tpu.memory_space<vmem_shared>> -> memref<10240x128xf32, #tpu.memory_space<vmem_shared>>
        tpu.enqueue_indirect_dma source(%arg20 : memref<120x128xf32, #tpu.memory_space<vmem>>) target(%dma_start3A_711 : memref<10240x128xf32, #tpu.memory_space<vmem_shared>>) offsets(%arg14 : memref<120xi32, #tpu.memory_space<vmem>>) semaphore(%run_scoped3A : memref<!tpu.dma_semaphore, #tpu.memory_space<semaphore_mem>>) {add = true}
        %dma_wait3A_712 = arith.constant 0 : i32
        %dma_wait3A_713 = arith.constant 0 : i32
        %dma_wait3A_714 = tpu.memref_slice %arg21[%dma_wait3A_712, %dma_wait3A_713] : memref<10240x128xf32, #tpu.memory_space<vmem_shared>> -> memref<10240x128xf32, #tpu.memory_space<vmem_shared>>
        tpu.wait_indirect_dma semaphore(%run_scoped3A : memref<!tpu.dma_semaphore, #tpu.memory_space<semaphore_mem>>) src(%arg20 : memref<120x128xf32, #tpu.memory_space<vmem>>) dst(%dma_wait3A_714 : memref<10240x128xf32, #tpu.memory_space<vmem_shared>>)
        tpu.yield
      }) : () -> ()
      %add3A_594 = arith.constant 3 : i32
      %add3A_595 = arith.addi %mul3A_479, %add3A_594 : i32
      %add3A_596 = arith.constant 4 : i32
      %add3A_597 = arith.addi %add3A_595, %add3A_596 : i32
      %add3A_598 = arith.addi %mul3A_2, %add3A_597 : i32
      %dma_start3A_599 = arith.constant 0 : i32
      %dma_start3A_600 = tpu.memref_slice %arg3[%add3A_598, %dma_start3A_599] : memref<2688x120xi32, #tpu.memory_space<hbm>> -> memref<1x120xi32, #tpu.memory_space<hbm>>
      %dma_start3A_601 = tpu.memref_squeeze %dma_start3A_600 : memref<1x120xi32, #tpu.memory_space<hbm>> -> memref<120xi32, #tpu.memory_space<hbm>>
      %dma_start3A_602 = arith.constant 0 : i32
      %dma_start3A_603 = tpu.memref_slice %arg3[%add3A_598, %dma_start3A_602] : memref<2688x120xi32, #tpu.memory_space<hbm>> -> memref<1x120xi32, #tpu.memory_space<hbm>>
      %dma_start3A_604 = tpu.memref_squeeze %dma_start3A_603 : memref<1x120xi32, #tpu.memory_space<hbm>> -> memref<120xi32, #tpu.memory_space<hbm>>
      tpu.enqueue_dma source(%dma_start3A_604 : memref<120xi32, #tpu.memory_space<hbm>>) target(%arg7 : memref<120xi32, #tpu.memory_space<vmem>>) target_semaphore(%arg23 : memref<!tpu.dma_semaphore, #tpu.memory_space<semaphore_mem>>)
      %add3A_605 = arith.addi %mul3A_2, %add3A_597 : i32
      %dma_start3A_606 = arith.constant 0 : i32
      %dma_start3A_607 = tpu.memref_slice %arg4[%add3A_605, %dma_start3A_606] : memref<2688x120xi32, #tpu.memory_space<hbm>> -> memref<1x120xi32, #tpu.memory_space<hbm>>
      %dma_start3A_608 = tpu.memref_squeeze %dma_start3A_607 : memref<1x120xi32, #tpu.memory_space<hbm>> -> memref<120xi32, #tpu.memory_space<hbm>>
      %dma_start3A_609 = arith.constant 0 : i32
      %dma_start3A_610 = tpu.memref_slice %arg4[%add3A_605, %dma_start3A_609] : memref<2688x120xi32, #tpu.memory_space<hbm>> -> memref<1x120xi32, #tpu.memory_space<hbm>>
      %dma_start3A_611 = tpu.memref_squeeze %dma_start3A_610 : memref<1x120xi32, #tpu.memory_space<hbm>> -> memref<120xi32, #tpu.memory_space<hbm>>
      tpu.enqueue_dma source(%dma_start3A_611 : memref<120xi32, #tpu.memory_space<hbm>>) target(%arg13 : memref<120xi32, #tpu.memory_space<vmem>>) target_semaphore(%arg23 : memref<!tpu.dma_semaphore, #tpu.memory_space<semaphore_mem>>)
      %dma_wait3A_612 = arith.constant 0 : i32
      %dma_wait3A_613 = arith.constant 0 : i32
      %dma_wait3A_614 = tpu.memref_slice %arg3[%dma_wait3A_612, %dma_wait3A_613] : memref<2688x120xi32, #tpu.memory_space<hbm>> -> memref<1x120xi32, #tpu.memory_space<hbm>>
      %dma_wait3A_615 = tpu.memref_squeeze %dma_wait3A_614 : memref<1x120xi32, #tpu.memory_space<hbm>> -> memref<120xi32, #tpu.memory_space<hbm>>
      %dma_wait3A_616 = arith.constant 0 : i32
      %dma_wait3A_617 = tpu.memref_slice %arg3[%dma_wait3A_612, %dma_wait3A_616] : memref<2688x120xi32, #tpu.memory_space<hbm>> -> memref<1x120xi32, #tpu.memory_space<hbm>>
      %dma_wait3A_618 = tpu.memref_squeeze %dma_wait3A_617 : memref<1x120xi32, #tpu.memory_space<hbm>> -> memref<120xi32, #tpu.memory_space<hbm>>
      tpu.wait_dma2 semaphore(%arg27 : memref<!tpu.dma_semaphore, #tpu.memory_space<semaphore_mem>>) src(%dma_wait3A_618 : memref<120xi32, #tpu.memory_space<hbm>>) dst(%arg11 : memref<120xi32, #tpu.memory_space<vmem>>)
      %dma_wait3A_619 = arith.constant 0 : i32
      %dma_wait3A_620 = arith.constant 0 : i32
      %dma_wait3A_621 = tpu.memref_slice %arg4[%dma_wait3A_619, %dma_wait3A_620] : memref<2688x120xi32, #tpu.memory_space<hbm>> -> memref<1x120xi32, #tpu.memory_space<hbm>>
      %dma_wait3A_622 = tpu.memref_squeeze %dma_wait3A_621 : memref<1x120xi32, #tpu.memory_space<hbm>> -> memref<120xi32, #tpu.memory_space<hbm>>
      %dma_wait3A_623 = arith.constant 0 : i32
      %dma_wait3A_624 = tpu.memref_slice %arg4[%dma_wait3A_619, %dma_wait3A_623] : memref<2688x120xi32, #tpu.memory_space<hbm>> -> memref<1x120xi32, #tpu.memory_space<hbm>>
      %dma_wait3A_625 = tpu.memref_squeeze %dma_wait3A_624 : memref<1x120xi32, #tpu.memory_space<hbm>> -> memref<120xi32, #tpu.memory_space<hbm>>
      tpu.wait_dma2 semaphore(%arg27 : memref<!tpu.dma_semaphore, #tpu.memory_space<semaphore_mem>>) src(%dma_wait3A_625 : memref<120xi32, #tpu.memory_space<hbm>>) dst(%arg17 : memref<120xi32, #tpu.memory_space<vmem>>)
      %dma_start3A_626 = arith.constant 0 : i32
      %dma_start3A_627 = arith.constant 0 : i32
      %dma_start3A_628 = tpu.memref_slice %arg2[%dma_start3A_626, %dma_start3A_627] : memref<10240x128xf32, #tpu.memory_space<hbm>> -> memref<10240x128xf32, #tpu.memory_space<hbm>>
      tpu.enqueue_indirect_dma source(%dma_start3A_628 : memref<10240x128xf32, #tpu.memory_space<hbm>>) target(%arg20 : memref<120x128xf32, #tpu.memory_space<vmem>>) offsets(%arg11 : memref<120xi32, #tpu.memory_space<vmem>>) semaphore(%arg30 : memref<!tpu.dma_semaphore, #tpu.memory_space<semaphore_mem>>)
      %dma_wait3A_629 = arith.constant 0 : i32
      %dma_wait3A_630 = arith.constant 0 : i32
      %dma_wait3A_631 = tpu.memref_slice %arg2[%dma_wait3A_629, %dma_wait3A_630] : memref<10240x128xf32, #tpu.memory_space<hbm>> -> memref<10240x128xf32, #tpu.memory_space<hbm>>
      tpu.wait_indirect_dma semaphore(%arg28 : memref<!tpu.dma_semaphore, #tpu.memory_space<semaphore_mem>>) src(%dma_wait3A_631 : memref<10240x128xf32, #tpu.memory_space<hbm>>) dst(%arg18 : memref<120x128xf32, #tpu.memory_space<vmem>>)
      "tpu.region"() ({
        %run_scoped3A = tpu.sem_alloc : memref<!tpu.dma_semaphore, #tpu.memory_space<semaphore_mem>>
        %dma_start3A_709 = arith.constant 0 : i32
        %dma_start3A_710 = arith.constant 0 : i32
        %dma_start3A_711 = tpu.memref_slice %arg21[%dma_start3A_709, %dma_start3A_710] : memref<10240x128xf32, #tpu.memory_space<vmem_shared>> -> memref<10240x128xf32, #tpu.memory_space<vmem_shared>>
        tpu.enqueue_indirect_dma source(%arg18 : memref<120x128xf32, #tpu.memory_space<vmem>>) target(%dma_start3A_711 : memref<10240x128xf32, #tpu.memory_space<vmem_shared>>) offsets(%arg15 : memref<120xi32, #tpu.memory_space<vmem>>) semaphore(%run_scoped3A : memref<!tpu.dma_semaphore, #tpu.memory_space<semaphore_mem>>) {add = true}
        %dma_wait3A_712 = arith.constant 0 : i32
        %dma_wait3A_713 = arith.constant 0 : i32
        %dma_wait3A_714 = tpu.memref_slice %arg21[%dma_wait3A_712, %dma_wait3A_713] : memref<10240x128xf32, #tpu.memory_space<vmem_shared>> -> memref<10240x128xf32, #tpu.memory_space<vmem_shared>>
        tpu.wait_indirect_dma semaphore(%run_scoped3A : memref<!tpu.dma_semaphore, #tpu.memory_space<semaphore_mem>>) src(%arg18 : memref<120x128xf32, #tpu.memory_space<vmem>>) dst(%dma_wait3A_714 : memref<10240x128xf32, #tpu.memory_space<vmem_shared>>)
        tpu.yield
      }) : () -> ()
      %add3A_632 = arith.constant 4 : i32
      %add3A_633 = arith.addi %mul3A_479, %add3A_632 : i32
      %add3A_634 = arith.constant 4 : i32
      %add3A_635 = arith.addi %add3A_633, %add3A_634 : i32
      %add3A_636 = arith.addi %mul3A_2, %add3A_635 : i32
      %dma_start3A_637 = arith.constant 0 : i32
      %dma_start3A_638 = tpu.memref_slice %arg3[%add3A_636, %dma_start3A_637] : memref<2688x120xi32, #tpu.memory_space<hbm>> -> memref<1x120xi32, #tpu.memory_space<hbm>>
      %dma_start3A_639 = tpu.memref_squeeze %dma_start3A_638 : memref<1x120xi32, #tpu.memory_space<hbm>> -> memref<120xi32, #tpu.memory_space<hbm>>
      %dma_start3A_640 = arith.constant 0 : i32
      %dma_start3A_641 = tpu.memref_slice %arg3[%add3A_636, %dma_start3A_640] : memref<2688x120xi32, #tpu.memory_space<hbm>> -> memref<1x120xi32, #tpu.memory_space<hbm>>
      %dma_start3A_642 = tpu.memref_squeeze %dma_start3A_641 : memref<1x120xi32, #tpu.memory_space<hbm>> -> memref<120xi32, #tpu.memory_space<hbm>>
      tpu.enqueue_dma source(%dma_start3A_642 : memref<120xi32, #tpu.memory_space<hbm>>) target(%arg8 : memref<120xi32, #tpu.memory_space<vmem>>) target_semaphore(%arg24 : memref<!tpu.dma_semaphore, #tpu.memory_space<semaphore_mem>>)
      %add3A_643 = arith.addi %mul3A_2, %add3A_635 : i32
      %dma_start3A_644 = arith.constant 0 : i32
      %dma_start3A_645 = tpu.memref_slice %arg4[%add3A_643, %dma_start3A_644] : memref<2688x120xi32, #tpu.memory_space<hbm>> -> memref<1x120xi32, #tpu.memory_space<hbm>>
      %dma_start3A_646 = tpu.memref_squeeze %dma_start3A_645 : memref<1x120xi32, #tpu.memory_space<hbm>> -> memref<120xi32, #tpu.memory_space<hbm>>
      %dma_start3A_647 = arith.constant 0 : i32
      %dma_start3A_648 = tpu.memref_slice %arg4[%add3A_643, %dma_start3A_647] : memref<2688x120xi32, #tpu.memory_space<hbm>> -> memref<1x120xi32, #tpu.memory_space<hbm>>
      %dma_start3A_649 = tpu.memref_squeeze %dma_start3A_648 : memref<1x120xi32, #tpu.memory_space<hbm>> -> memref<120xi32, #tpu.memory_space<hbm>>
      tpu.enqueue_dma source(%dma_start3A_649 : memref<120xi32, #tpu.memory_space<hbm>>) target(%arg14 : memref<120xi32, #tpu.memory_space<vmem>>) target_semaphore(%arg24 : memref<!tpu.dma_semaphore, #tpu.memory_space<semaphore_mem>>)
      %dma_wait3A_650 = arith.constant 0 : i32
      %dma_wait3A_651 = arith.constant 0 : i32
      %dma_wait3A_652 = tpu.memref_slice %arg3[%dma_wait3A_650, %dma_wait3A_651] : memref<2688x120xi32, #tpu.memory_space<hbm>> -> memref<1x120xi32, #tpu.memory_space<hbm>>
      %dma_wait3A_653 = tpu.memref_squeeze %dma_wait3A_652 : memref<1x120xi32, #tpu.memory_space<hbm>> -> memref<120xi32, #tpu.memory_space<hbm>>
      %dma_wait3A_654 = arith.constant 0 : i32
      %dma_wait3A_655 = tpu.memref_slice %arg3[%dma_wait3A_650, %dma_wait3A_654] : memref<2688x120xi32, #tpu.memory_space<hbm>> -> memref<1x120xi32, #tpu.memory_space<hbm>>
      %dma_wait3A_656 = tpu.memref_squeeze %dma_wait3A_655 : memref<1x120xi32, #tpu.memory_space<hbm>> -> memref<120xi32, #tpu.memory_space<hbm>>
      tpu.wait_dma2 semaphore(%arg22 : memref<!tpu.dma_semaphore, #tpu.memory_space<semaphore_mem>>) src(%dma_wait3A_656 : memref<120xi32, #tpu.memory_space<hbm>>) dst(%arg6 : memref<120xi32, #tpu.memory_space<vmem>>)
      %dma_wait3A_657 = arith.constant 0 : i32
      %dma_wait3A_658 = arith.constant 0 : i32
      %dma_wait3A_659 = tpu.memref_slice %arg4[%dma_wait3A_657, %dma_wait3A_658] : memref<2688x120xi32, #tpu.memory_space<hbm>> -> memref<1x120xi32, #tpu.memory_space<hbm>>
      %dma_wait3A_660 = tpu.memref_squeeze %dma_wait3A_659 : memref<1x120xi32, #tpu.memory_space<hbm>> -> memref<120xi32, #tpu.memory_space<hbm>>
      %dma_wait3A_661 = arith.constant 0 : i32
      %dma_wait3A_662 = tpu.memref_slice %arg4[%dma_wait3A_657, %dma_wait3A_661] : memref<2688x120xi32, #tpu.memory_space<hbm>> -> memref<1x120xi32, #tpu.memory_space<hbm>>
      %dma_wait3A_663 = tpu.memref_squeeze %dma_wait3A_662 : memref<1x120xi32, #tpu.memory_space<hbm>> -> memref<120xi32, #tpu.memory_space<hbm>>
      tpu.wait_dma2 semaphore(%arg22 : memref<!tpu.dma_semaphore, #tpu.memory_space<semaphore_mem>>) src(%dma_wait3A_663 : memref<120xi32, #tpu.memory_space<hbm>>) dst(%arg12 : memref<120xi32, #tpu.memory_space<vmem>>)
      %dma_start3A_664 = arith.constant 0 : i32
      %dma_start3A_665 = arith.constant 0 : i32
      %dma_start3A_666 = tpu.memref_slice %arg2[%dma_start3A_664, %dma_start3A_665] : memref<10240x128xf32, #tpu.memory_space<hbm>> -> memref<10240x128xf32, #tpu.memory_space<hbm>>
      tpu.enqueue_indirect_dma source(%dma_start3A_666 : memref<10240x128xf32, #tpu.memory_space<hbm>>) target(%arg18 : memref<120x128xf32, #tpu.memory_space<vmem>>) offsets(%arg6 : memref<120xi32, #tpu.memory_space<vmem>>) semaphore(%arg28 : memref<!tpu.dma_semaphore, #tpu.memory_space<semaphore_mem>>)
      %dma_wait3A_667 = arith.constant 0 : i32
      %dma_wait3A_668 = arith.constant 0 : i32
      %dma_wait3A_669 = tpu.memref_slice %arg2[%dma_wait3A_667, %dma_wait3A_668] : memref<10240x128xf32, #tpu.memory_space<hbm>> -> memref<10240x128xf32, #tpu.memory_space<hbm>>
      tpu.wait_indirect_dma semaphore(%arg29 : memref<!tpu.dma_semaphore, #tpu.memory_space<semaphore_mem>>) src(%dma_wait3A_669 : memref<10240x128xf32, #tpu.memory_space<hbm>>) dst(%arg19 : memref<120x128xf32, #tpu.memory_space<vmem>>)
      "tpu.region"() ({
        %run_scoped3A = tpu.sem_alloc : memref<!tpu.dma_semaphore, #tpu.memory_space<semaphore_mem>>
        %dma_start3A_709 = arith.constant 0 : i32
        %dma_start3A_710 = arith.constant 0 : i32
        %dma_start3A_711 = tpu.memref_slice %arg21[%dma_start3A_709, %dma_start3A_710] : memref<10240x128xf32, #tpu.memory_space<vmem_shared>> -> memref<10240x128xf32, #tpu.memory_space<vmem_shared>>
        tpu.enqueue_indirect_dma source(%arg19 : memref<120x128xf32, #tpu.memory_space<vmem>>) target(%dma_start3A_711 : memref<10240x128xf32, #tpu.memory_space<vmem_shared>>) offsets(%arg16 : memref<120xi32, #tpu.memory_space<vmem>>) semaphore(%run_scoped3A : memref<!tpu.dma_semaphore, #tpu.memory_space<semaphore_mem>>) {add = true}
        %dma_wait3A_712 = arith.constant 0 : i32
        %dma_wait3A_713 = arith.constant 0 : i32
        %dma_wait3A_714 = tpu.memref_slice %arg21[%dma_wait3A_712, %dma_wait3A_713] : memref<10240x128xf32, #tpu.memory_space<vmem_shared>> -> memref<10240x128xf32, #tpu.memory_space<vmem_shared>>
        tpu.wait_indirect_dma semaphore(%run_scoped3A : memref<!tpu.dma_semaphore, #tpu.memory_space<semaphore_mem>>) src(%arg19 : memref<120x128xf32, #tpu.memory_space<vmem>>) dst(%dma_wait3A_714 : memref<10240x128xf32, #tpu.memory_space<vmem_shared>>)
        tpu.yield
      }) : () -> ()
      %add3A_670 = arith.constant 5 : i32
      %add3A_671 = arith.addi %mul3A_479, %add3A_670 : i32
      %add3A_672 = arith.constant 4 : i32
      %add3A_673 = arith.addi %add3A_671, %add3A_672 : i32
      %add3A_674 = arith.addi %mul3A_2, %add3A_673 : i32
      %dma_start3A_675 = arith.constant 0 : i32
      %dma_start3A_676 = tpu.memref_slice %arg3[%add3A_674, %dma_start3A_675] : memref<2688x120xi32, #tpu.memory_space<hbm>> -> memref<1x120xi32, #tpu.memory_space<hbm>>
      %dma_start3A_677 = tpu.memref_squeeze %dma_start3A_676 : memref<1x120xi32, #tpu.memory_space<hbm>> -> memref<120xi32, #tpu.memory_space<hbm>>
      %dma_start3A_678 = arith.constant 0 : i32
      %dma_start3A_679 = tpu.memref_slice %arg3[%add3A_674, %dma_start3A_678] : memref<2688x120xi32, #tpu.memory_space<hbm>> -> memref<1x120xi32, #tpu.memory_space<hbm>>
      %dma_start3A_680 = tpu.memref_squeeze %dma_start3A_679 : memref<1x120xi32, #tpu.memory_space<hbm>> -> memref<120xi32, #tpu.memory_space<hbm>>
      tpu.enqueue_dma source(%dma_start3A_680 : memref<120xi32, #tpu.memory_space<hbm>>) target(%arg9 : memref<120xi32, #tpu.memory_space<vmem>>) target_semaphore(%arg25 : memref<!tpu.dma_semaphore, #tpu.memory_space<semaphore_mem>>)
      %add3A_681 = arith.addi %mul3A_2, %add3A_673 : i32
      %dma_start3A_682 = arith.constant 0 : i32
      %dma_start3A_683 = tpu.memref_slice %arg4[%add3A_681, %dma_start3A_682] : memref<2688x120xi32, #tpu.memory_space<hbm>> -> memref<1x120xi32, #tpu.memory_space<hbm>>
      %dma_start3A_684 = tpu.memref_squeeze %dma_start3A_683 : memref<1x120xi32, #tpu.memory_space<hbm>> -> memref<120xi32, #tpu.memory_space<hbm>>
      %dma_start3A_685 = arith.constant 0 : i32
      %dma_start3A_686 = tpu.memref_slice %arg4[%add3A_681, %dma_start3A_685] : memref<2688x120xi32, #tpu.memory_space<hbm>> -> memref<1x120xi32, #tpu.memory_space<hbm>>
      %dma_start3A_687 = tpu.memref_squeeze %dma_start3A_686 : memref<1x120xi32, #tpu.memory_space<hbm>> -> memref<120xi32, #tpu.memory_space<hbm>>
      tpu.enqueue_dma source(%dma_start3A_687 : memref<120xi32, #tpu.memory_space<hbm>>) target(%arg15 : memref<120xi32, #tpu.memory_space<vmem>>) target_semaphore(%arg25 : memref<!tpu.dma_semaphore, #tpu.memory_space<semaphore_mem>>)
      %dma_wait3A_688 = arith.constant 0 : i32
      %dma_wait3A_689 = arith.constant 0 : i32
      %dma_wait3A_690 = tpu.memref_slice %arg3[%dma_wait3A_688, %dma_wait3A_689] : memref<2688x120xi32, #tpu.memory_space<hbm>> -> memref<1x120xi32, #tpu.memory_space<hbm>>
      %dma_wait3A_691 = tpu.memref_squeeze %dma_wait3A_690 : memref<1x120xi32, #tpu.memory_space<hbm>> -> memref<120xi32, #tpu.memory_space<hbm>>
      %dma_wait3A_692 = arith.constant 0 : i32
      %dma_wait3A_693 = tpu.memref_slice %arg3[%dma_wait3A_688, %dma_wait3A_692] : memref<2688x120xi32, #tpu.memory_space<hbm>> -> memref<1x120xi32, #tpu.memory_space<hbm>>
      %dma_wait3A_694 = tpu.memref_squeeze %dma_wait3A_693 : memref<1x120xi32, #tpu.memory_space<hbm>> -> memref<120xi32, #tpu.memory_space<hbm>>
      tpu.wait_dma2 semaphore(%arg23 : memref<!tpu.dma_semaphore, #tpu.memory_space<semaphore_mem>>) src(%dma_wait3A_694 : memref<120xi32, #tpu.memory_space<hbm>>) dst(%arg7 : memref<120xi32, #tpu.memory_space<vmem>>)
      %dma_wait3A_695 = arith.constant 0 : i32
      %dma_wait3A_696 = arith.constant 0 : i32
      %dma_wait3A_697 = tpu.memref_slice %arg4[%dma_wait3A_695, %dma_wait3A_696] : memref<2688x120xi32, #tpu.memory_space<hbm>> -> memref<1x120xi32, #tpu.memory_space<hbm>>
      %dma_wait3A_698 = tpu.memref_squeeze %dma_wait3A_697 : memref<1x120xi32, #tpu.memory_space<hbm>> -> memref<120xi32, #tpu.memory_space<hbm>>
      %dma_wait3A_699 = arith.constant 0 : i32
      %dma_wait3A_700 = tpu.memref_slice %arg4[%dma_wait3A_695, %dma_wait3A_699] : memref<2688x120xi32, #tpu.memory_space<hbm>> -> memref<1x120xi32, #tpu.memory_space<hbm>>
      %dma_wait3A_701 = tpu.memref_squeeze %dma_wait3A_700 : memref<1x120xi32, #tpu.memory_space<hbm>> -> memref<120xi32, #tpu.memory_space<hbm>>
      tpu.wait_dma2 semaphore(%arg23 : memref<!tpu.dma_semaphore, #tpu.memory_space<semaphore_mem>>) src(%dma_wait3A_701 : memref<120xi32, #tpu.memory_space<hbm>>) dst(%arg13 : memref<120xi32, #tpu.memory_space<vmem>>)
      %dma_start3A_702 = arith.constant 0 : i32
      %dma_start3A_703 = arith.constant 0 : i32
      %dma_start3A_704 = tpu.memref_slice %arg2[%dma_start3A_702, %dma_start3A_703] : memref<10240x128xf32, #tpu.memory_space<hbm>> -> memref<10240x128xf32, #tpu.memory_space<hbm>>
      tpu.enqueue_indirect_dma source(%dma_start3A_704 : memref<10240x128xf32, #tpu.memory_space<hbm>>) target(%arg19 : memref<120x128xf32, #tpu.memory_space<vmem>>) offsets(%arg7 : memref<120xi32, #tpu.memory_space<vmem>>) semaphore(%arg29 : memref<!tpu.dma_semaphore, #tpu.memory_space<semaphore_mem>>)
      %dma_wait3A_705 = arith.constant 0 : i32
      %dma_wait3A_706 = arith.constant 0 : i32
      %dma_wait3A_707 = tpu.memref_slice %arg2[%dma_wait3A_705, %dma_wait3A_706] : memref<10240x128xf32, #tpu.memory_space<hbm>> -> memref<10240x128xf32, #tpu.memory_space<hbm>>
      tpu.wait_indirect_dma semaphore(%arg30 : memref<!tpu.dma_semaphore, #tpu.memory_space<semaphore_mem>>) src(%dma_wait3A_707 : memref<10240x128xf32, #tpu.memory_space<hbm>>) dst(%arg20 : memref<120x128xf32, #tpu.memory_space<vmem>>)
      "tpu.region"() ({
        %run_scoped3A = tpu.sem_alloc : memref<!tpu.dma_semaphore, #tpu.memory_space<semaphore_mem>>
        %dma_start3A_709 = arith.constant 0 : i32
        %dma_start3A_710 = arith.constant 0 : i32
        %dma_start3A_711 = tpu.memref_slice %arg21[%dma_start3A_709, %dma_start3A_710] : memref<10240x128xf32, #tpu.memory_space<vmem_shared>> -> memref<10240x128xf32, #tpu.memory_space<vmem_shared>>
        tpu.enqueue_indirect_dma source(%arg20 : memref<120x128xf32, #tpu.memory_space<vmem>>) target(%dma_start3A_711 : memref<10240x128xf32, #tpu.memory_space<vmem_shared>>) offsets(%arg17 : memref<120xi32, #tpu.memory_space<vmem>>) semaphore(%run_scoped3A : memref<!tpu.dma_semaphore, #tpu.memory_space<semaphore_mem>>) {add = true}
        %dma_wait3A_712 = arith.constant 0 : i32
        %dma_wait3A_713 = arith.constant 0 : i32
        %dma_wait3A_714 = tpu.memref_slice %arg21[%dma_wait3A_712, %dma_wait3A_713] : memref<10240x128xf32, #tpu.memory_space<vmem_shared>> -> memref<10240x128xf32, #tpu.memory_space<vmem_shared>>
        tpu.wait_indirect_dma semaphore(%run_scoped3A : memref<!tpu.dma_semaphore, #tpu.memory_space<semaphore_mem>>) src(%arg20 : memref<120x128xf32, #tpu.memory_space<vmem>>) dst(%dma_wait3A_714 : memref<10240x128xf32, #tpu.memory_space<vmem_shared>>)
        tpu.yield
      }) : () -> ()
      %scan3A_708 = arith.constant 0 : i32
      scf.yield %scan3A_708 : i32
    }
    %scan3A_352 = arith.constant 12 : i32
    %add3A_353 = arith.constant 82 : i32
    %add3A_354 = arith.addi %mul3A_2, %add3A_353 : i32
    %dma_start3A_355 = arith.constant 0 : i32
    %dma_start3A_356 = tpu.memref_slice %arg3[%add3A_354, %dma_start3A_355] : memref<2688x120xi32, #tpu.memory_space<hbm>> -> memref<1x120xi32, #tpu.memory_space<hbm>>
    %dma_start3A_357 = tpu.memref_squeeze %dma_start3A_356 : memref<1x120xi32, #tpu.memory_space<hbm>> -> memref<120xi32, #tpu.memory_space<hbm>>
    %dma_start3A_358 = arith.constant 0 : i32
    %dma_start3A_359 = tpu.memref_slice %arg3[%add3A_354, %dma_start3A_358] : memref<2688x120xi32, #tpu.memory_space<hbm>> -> memref<1x120xi32, #tpu.memory_space<hbm>>
    %dma_start3A_360 = tpu.memref_squeeze %dma_start3A_359 : memref<1x120xi32, #tpu.memory_space<hbm>> -> memref<120xi32, #tpu.memory_space<hbm>>
    tpu.enqueue_dma source(%dma_start3A_360 : memref<120xi32, #tpu.memory_space<hbm>>) target(%arg10 : memref<120xi32, #tpu.memory_space<vmem>>) target_semaphore(%arg26 : memref<!tpu.dma_semaphore, #tpu.memory_space<semaphore_mem>>)
    %add3A_361 = arith.constant 82 : i32
    %add3A_362 = arith.addi %mul3A_2, %add3A_361 : i32
    %dma_start3A_363 = arith.constant 0 : i32
    %dma_start3A_364 = tpu.memref_slice %arg4[%add3A_362, %dma_start3A_363] : memref<2688x120xi32, #tpu.memory_space<hbm>> -> memref<1x120xi32, #tpu.memory_space<hbm>>
    %dma_start3A_365 = tpu.memref_squeeze %dma_start3A_364 : memref<1x120xi32, #tpu.memory_space<hbm>> -> memref<120xi32, #tpu.memory_space<hbm>>
    %dma_start3A_366 = arith.constant 0 : i32
    %dma_start3A_367 = tpu.memref_slice %arg4[%add3A_362, %dma_start3A_366] : memref<2688x120xi32, #tpu.memory_space<hbm>> -> memref<1x120xi32, #tpu.memory_space<hbm>>
    %dma_start3A_368 = tpu.memref_squeeze %dma_start3A_367 : memref<1x120xi32, #tpu.memory_space<hbm>> -> memref<120xi32, #tpu.memory_space<hbm>>
    tpu.enqueue_dma source(%dma_start3A_368 : memref<120xi32, #tpu.memory_space<hbm>>) target(%arg16 : memref<120xi32, #tpu.memory_space<vmem>>) target_semaphore(%arg26 : memref<!tpu.dma_semaphore, #tpu.memory_space<semaphore_mem>>)
    %dma_wait3A_369 = arith.constant 0 : i32
    %dma_wait3A_370 = arith.constant 0 : i32
    %dma_wait3A_371 = tpu.memref_slice %arg3[%dma_wait3A_369, %dma_wait3A_370] : memref<2688x120xi32, #tpu.memory_space<hbm>> -> memref<1x120xi32, #tpu.memory_space<hbm>>
    %dma_wait3A_372 = tpu.memref_squeeze %dma_wait3A_371 : memref<1x120xi32, #tpu.memory_space<hbm>> -> memref<120xi32, #tpu.memory_space<hbm>>
    %dma_wait3A_373 = arith.constant 0 : i32
    %dma_wait3A_374 = tpu.memref_slice %arg3[%dma_wait3A_369, %dma_wait3A_373] : memref<2688x120xi32, #tpu.memory_space<hbm>> -> memref<1x120xi32, #tpu.memory_space<hbm>>
    %dma_wait3A_375 = tpu.memref_squeeze %dma_wait3A_374 : memref<1x120xi32, #tpu.memory_space<hbm>> -> memref<120xi32, #tpu.memory_space<hbm>>
    tpu.wait_dma2 semaphore(%arg24 : memref<!tpu.dma_semaphore, #tpu.memory_space<semaphore_mem>>) src(%dma_wait3A_375 : memref<120xi32, #tpu.memory_space<hbm>>) dst(%arg8 : memref<120xi32, #tpu.memory_space<vmem>>)
    %dma_wait3A_376 = arith.constant 0 : i32
    %dma_wait3A_377 = arith.constant 0 : i32
    %dma_wait3A_378 = tpu.memref_slice %arg4[%dma_wait3A_376, %dma_wait3A_377] : memref<2688x120xi32, #tpu.memory_space<hbm>> -> memref<1x120xi32, #tpu.memory_space<hbm>>
    %dma_wait3A_379 = tpu.memref_squeeze %dma_wait3A_378 : memref<1x120xi32, #tpu.memory_space<hbm>> -> memref<120xi32, #tpu.memory_space<hbm>>
    %dma_wait3A_380 = arith.constant 0 : i32
    %dma_wait3A_381 = tpu.memref_slice %arg4[%dma_wait3A_376, %dma_wait3A_380] : memref<2688x120xi32, #tpu.memory_space<hbm>> -> memref<1x120xi32, #tpu.memory_space<hbm>>
    %dma_wait3A_382 = tpu.memref_squeeze %dma_wait3A_381 : memref<1x120xi32, #tpu.memory_space<hbm>> -> memref<120xi32, #tpu.memory_space<hbm>>
    tpu.wait_dma2 semaphore(%arg24 : memref<!tpu.dma_semaphore, #tpu.memory_space<semaphore_mem>>) src(%dma_wait3A_382 : memref<120xi32, #tpu.memory_space<hbm>>) dst(%arg14 : memref<120xi32, #tpu.memory_space<vmem>>)
    %dma_start3A_383 = arith.constant 0 : i32
    %dma_start3A_384 = arith.constant 0 : i32
    %dma_start3A_385 = tpu.memref_slice %arg2[%dma_start3A_383, %dma_start3A_384] : memref<10240x128xf32, #tpu.memory_space<hbm>> -> memref<10240x128xf32, #tpu.memory_space<hbm>>
    tpu.enqueue_indirect_dma source(%dma_start3A_385 : memref<10240x128xf32, #tpu.memory_space<hbm>>) target(%arg20 : memref<120x128xf32, #tpu.memory_space<vmem>>) offsets(%arg8 : memref<120xi32, #tpu.memory_space<vmem>>) semaphore(%arg30 : memref<!tpu.dma_semaphore, #tpu.memory_space<semaphore_mem>>)
    %dma_wait3A_386 = arith.constant 0 : i32
    %dma_wait3A_387 = arith.constant 0 : i32
    %dma_wait3A_388 = tpu.memref_slice %arg2[%dma_wait3A_386, %dma_wait3A_387] : memref<10240x128xf32, #tpu.memory_space<hbm>> -> memref<10240x128xf32, #tpu.memory_space<hbm>>
    tpu.wait_indirect_dma semaphore(%arg28 : memref<!tpu.dma_semaphore, #tpu.memory_space<semaphore_mem>>) src(%dma_wait3A_388 : memref<10240x128xf32, #tpu.memory_space<hbm>>) dst(%arg18 : memref<120x128xf32, #tpu.memory_space<vmem>>)
    "tpu.region"() ({
      %run_scoped3A = tpu.sem_alloc : memref<!tpu.dma_semaphore, #tpu.memory_space<semaphore_mem>>
      %dma_start3A_476 = arith.constant 0 : i32
      %dma_start3A_477 = arith.constant 0 : i32
      %dma_start3A_478 = tpu.memref_slice %arg21[%dma_start3A_476, %dma_start3A_477] : memref<10240x128xf32, #tpu.memory_space<vmem_shared>> -> memref<10240x128xf32, #tpu.memory_space<vmem_shared>>
      tpu.enqueue_indirect_dma source(%arg18 : memref<120x128xf32, #tpu.memory_space<vmem>>) target(%dma_start3A_478 : memref<10240x128xf32, #tpu.memory_space<vmem_shared>>) offsets(%arg12 : memref<120xi32, #tpu.memory_space<vmem>>) semaphore(%run_scoped3A : memref<!tpu.dma_semaphore, #tpu.memory_space<semaphore_mem>>) {add = true}
      %dma_wait3A_479 = arith.constant 0 : i32
      %dma_wait3A_480 = arith.constant 0 : i32
      %dma_wait3A_481 = tpu.memref_slice %arg21[%dma_wait3A_479, %dma_wait3A_480] : memref<10240x128xf32, #tpu.memory_space<vmem_shared>> -> memref<10240x128xf32, #tpu.memory_space<vmem_shared>>
      tpu.wait_indirect_dma semaphore(%run_scoped3A : memref<!tpu.dma_semaphore, #tpu.memory_space<semaphore_mem>>) src(%arg18 : memref<120x128xf32, #tpu.memory_space<vmem>>) dst(%dma_wait3A_481 : memref<10240x128xf32, #tpu.memory_space<vmem_shared>>)
      tpu.yield
    }) : () -> ()
    %add3A_389 = arith.constant 83 : i32
    %add3A_390 = arith.addi %mul3A_2, %add3A_389 : i32
    %dma_start3A_391 = arith.constant 0 : i32
    %dma_start3A_392 = tpu.memref_slice %arg3[%add3A_390, %dma_start3A_391] : memref<2688x120xi32, #tpu.memory_space<hbm>> -> memref<1x120xi32, #tpu.memory_space<hbm>>
    %dma_start3A_393 = tpu.memref_squeeze %dma_start3A_392 : memref<1x120xi32, #tpu.memory_space<hbm>> -> memref<120xi32, #tpu.memory_space<hbm>>
    %dma_start3A_394 = arith.constant 0 : i32
    %dma_start3A_395 = tpu.memref_slice %arg3[%add3A_390, %dma_start3A_394] : memref<2688x120xi32, #tpu.memory_space<hbm>> -> memref<1x120xi32, #tpu.memory_space<hbm>>
    %dma_start3A_396 = tpu.memref_squeeze %dma_start3A_395 : memref<1x120xi32, #tpu.memory_space<hbm>> -> memref<120xi32, #tpu.memory_space<hbm>>
    tpu.enqueue_dma source(%dma_start3A_396 : memref<120xi32, #tpu.memory_space<hbm>>) target(%arg11 : memref<120xi32, #tpu.memory_space<vmem>>) target_semaphore(%arg27 : memref<!tpu.dma_semaphore, #tpu.memory_space<semaphore_mem>>)
    %add3A_397 = arith.constant 83 : i32
    %add3A_398 = arith.addi %mul3A_2, %add3A_397 : i32
    %dma_start3A_399 = arith.constant 0 : i32
    %dma_start3A_400 = tpu.memref_slice %arg4[%add3A_398, %dma_start3A_399] : memref<2688x120xi32, #tpu.memory_space<hbm>> -> memref<1x120xi32, #tpu.memory_space<hbm>>
    %dma_start3A_401 = tpu.memref_squeeze %dma_start3A_400 : memref<1x120xi32, #tpu.memory_space<hbm>> -> memref<120xi32, #tpu.memory_space<hbm>>
    %dma_start3A_402 = arith.constant 0 : i32
    %dma_start3A_403 = tpu.memref_slice %arg4[%add3A_398, %dma_start3A_402] : memref<2688x120xi32, #tpu.memory_space<hbm>> -> memref<1x120xi32, #tpu.memory_space<hbm>>
    %dma_start3A_404 = tpu.memref_squeeze %dma_start3A_403 : memref<1x120xi32, #tpu.memory_space<hbm>> -> memref<120xi32, #tpu.memory_space<hbm>>
    tpu.enqueue_dma source(%dma_start3A_404 : memref<120xi32, #tpu.memory_space<hbm>>) target(%arg17 : memref<120xi32, #tpu.memory_space<vmem>>) target_semaphore(%arg27 : memref<!tpu.dma_semaphore, #tpu.memory_space<semaphore_mem>>)
    %dma_wait3A_405 = arith.constant 0 : i32
    %dma_wait3A_406 = arith.constant 0 : i32
    %dma_wait3A_407 = tpu.memref_slice %arg3[%dma_wait3A_405, %dma_wait3A_406] : memref<2688x120xi32, #tpu.memory_space<hbm>> -> memref<1x120xi32, #tpu.memory_space<hbm>>
    %dma_wait3A_408 = tpu.memref_squeeze %dma_wait3A_407 : memref<1x120xi32, #tpu.memory_space<hbm>> -> memref<120xi32, #tpu.memory_space<hbm>>
    %dma_wait3A_409 = arith.constant 0 : i32
    %dma_wait3A_410 = tpu.memref_slice %arg3[%dma_wait3A_405, %dma_wait3A_409] : memref<2688x120xi32, #tpu.memory_space<hbm>> -> memref<1x120xi32, #tpu.memory_space<hbm>>
    %dma_wait3A_411 = tpu.memref_squeeze %dma_wait3A_410 : memref<1x120xi32, #tpu.memory_space<hbm>> -> memref<120xi32, #tpu.memory_space<hbm>>
    tpu.wait_dma2 semaphore(%arg25 : memref<!tpu.dma_semaphore, #tpu.memory_space<semaphore_mem>>) src(%dma_wait3A_411 : memref<120xi32, #tpu.memory_space<hbm>>) dst(%arg9 : memref<120xi32, #tpu.memory_space<vmem>>)
    %dma_wait3A_412 = arith.constant 0 : i32
    %dma_wait3A_413 = arith.constant 0 : i32
    %dma_wait3A_414 = tpu.memref_slice %arg4[%dma_wait3A_412, %dma_wait3A_413] : memref<2688x120xi32, #tpu.memory_space<hbm>> -> memref<1x120xi32, #tpu.memory_space<hbm>>
    %dma_wait3A_415 = tpu.memref_squeeze %dma_wait3A_414 : memref<1x120xi32, #tpu.memory_space<hbm>> -> memref<120xi32, #tpu.memory_space<hbm>>
    %dma_wait3A_416 = arith.constant 0 : i32
    %dma_wait3A_417 = tpu.memref_slice %arg4[%dma_wait3A_412, %dma_wait3A_416] : memref<2688x120xi32, #tpu.memory_space<hbm>> -> memref<1x120xi32, #tpu.memory_space<hbm>>
    %dma_wait3A_418 = tpu.memref_squeeze %dma_wait3A_417 : memref<1x120xi32, #tpu.memory_space<hbm>> -> memref<120xi32, #tpu.memory_space<hbm>>
    tpu.wait_dma2 semaphore(%arg25 : memref<!tpu.dma_semaphore, #tpu.memory_space<semaphore_mem>>) src(%dma_wait3A_418 : memref<120xi32, #tpu.memory_space<hbm>>) dst(%arg15 : memref<120xi32, #tpu.memory_space<vmem>>)
    %dma_start3A_419 = arith.constant 0 : i32
    %dma_start3A_420 = arith.constant 0 : i32
    %dma_start3A_421 = tpu.memref_slice %arg2[%dma_start3A_419, %dma_start3A_420] : memref<10240x128xf32, #tpu.memory_space<hbm>> -> memref<10240x128xf32, #tpu.memory_space<hbm>>
    tpu.enqueue_indirect_dma source(%dma_start3A_421 : memref<10240x128xf32, #tpu.memory_space<hbm>>) target(%arg18 : memref<120x128xf32, #tpu.memory_space<vmem>>) offsets(%arg9 : memref<120xi32, #tpu.memory_space<vmem>>) semaphore(%arg28 : memref<!tpu.dma_semaphore, #tpu.memory_space<semaphore_mem>>)
    %dma_wait3A_422 = arith.constant 0 : i32
    %dma_wait3A_423 = arith.constant 0 : i32
    %dma_wait3A_424 = tpu.memref_slice %arg2[%dma_wait3A_422, %dma_wait3A_423] : memref<10240x128xf32, #tpu.memory_space<hbm>> -> memref<10240x128xf32, #tpu.memory_space<hbm>>
    tpu.wait_indirect_dma semaphore(%arg29 : memref<!tpu.dma_semaphore, #tpu.memory_space<semaphore_mem>>) src(%dma_wait3A_424 : memref<10240x128xf32, #tpu.memory_space<hbm>>) dst(%arg19 : memref<120x128xf32, #tpu.memory_space<vmem>>)
    "tpu.region"() ({
      %run_scoped3A = tpu.sem_alloc : memref<!tpu.dma_semaphore, #tpu.memory_space<semaphore_mem>>
      %dma_start3A_476 = arith.constant 0 : i32
      %dma_start3A_477 = arith.constant 0 : i32
      %dma_start3A_478 = tpu.memref_slice %arg21[%dma_start3A_476, %dma_start3A_477] : memref<10240x128xf32, #tpu.memory_space<vmem_shared>> -> memref<10240x128xf32, #tpu.memory_space<vmem_shared>>
      tpu.enqueue_indirect_dma source(%arg19 : memref<120x128xf32, #tpu.memory_space<vmem>>) target(%dma_start3A_478 : memref<10240x128xf32, #tpu.memory_space<vmem_shared>>) offsets(%arg13 : memref<120xi32, #tpu.memory_space<vmem>>) semaphore(%run_scoped3A : memref<!tpu.dma_semaphore, #tpu.memory_space<semaphore_mem>>) {add = true}
      %dma_wait3A_479 = arith.constant 0 : i32
      %dma_wait3A_480 = arith.constant 0 : i32
      %dma_wait3A_481 = tpu.memref_slice %arg21[%dma_wait3A_479, %dma_wait3A_480] : memref<10240x128xf32, #tpu.memory_space<vmem_shared>> -> memref<10240x128xf32, #tpu.memory_space<vmem_shared>>
      tpu.wait_indirect_dma semaphore(%run_scoped3A : memref<!tpu.dma_semaphore, #tpu.memory_space<semaphore_mem>>) src(%arg19 : memref<120x128xf32, #tpu.memory_space<vmem>>) dst(%dma_wait3A_481 : memref<10240x128xf32, #tpu.memory_space<vmem_shared>>)
      tpu.yield
    }) : () -> ()
    %dma_wait3A_425 = arith.constant 0 : i32
    %dma_wait3A_426 = arith.constant 0 : i32
    %dma_wait3A_427 = tpu.memref_slice %arg3[%dma_wait3A_425, %dma_wait3A_426] : memref<2688x120xi32, #tpu.memory_space<hbm>> -> memref<1x120xi32, #tpu.memory_space<hbm>>
    %dma_wait3A_428 = tpu.memref_squeeze %dma_wait3A_427 : memref<1x120xi32, #tpu.memory_space<hbm>> -> memref<120xi32, #tpu.memory_space<hbm>>
    %dma_wait3A_429 = arith.constant 0 : i32
    %dma_wait3A_430 = tpu.memref_slice %arg3[%dma_wait3A_425, %dma_wait3A_429] : memref<2688x120xi32, #tpu.memory_space<hbm>> -> memref<1x120xi32, #tpu.memory_space<hbm>>
    %dma_wait3A_431 = tpu.memref_squeeze %dma_wait3A_430 : memref<1x120xi32, #tpu.memory_space<hbm>> -> memref<120xi32, #tpu.memory_space<hbm>>
    tpu.wait_dma2 semaphore(%arg26 : memref<!tpu.dma_semaphore, #tpu.memory_space<semaphore_mem>>) src(%dma_wait3A_431 : memref<120xi32, #tpu.memory_space<hbm>>) dst(%arg10 : memref<120xi32, #tpu.memory_space<vmem>>)
    %dma_wait3A_432 = arith.constant 0 : i32
    %dma_wait3A_433 = arith.constant 0 : i32
    %dma_wait3A_434 = tpu.memref_slice %arg4[%dma_wait3A_432, %dma_wait3A_433] : memref<2688x120xi32, #tpu.memory_space<hbm>> -> memref<1x120xi32, #tpu.memory_space<hbm>>
    %dma_wait3A_435 = tpu.memref_squeeze %dma_wait3A_434 : memref<1x120xi32, #tpu.memory_space<hbm>> -> memref<120xi32, #tpu.memory_space<hbm>>
    %dma_wait3A_436 = arith.constant 0 : i32
    %dma_wait3A_437 = tpu.memref_slice %arg4[%dma_wait3A_432, %dma_wait3A_436] : memref<2688x120xi32, #tpu.memory_space<hbm>> -> memref<1x120xi32, #tpu.memory_space<hbm>>
    %dma_wait3A_438 = tpu.memref_squeeze %dma_wait3A_437 : memref<1x120xi32, #tpu.memory_space<hbm>> -> memref<120xi32, #tpu.memory_space<hbm>>
    tpu.wait_dma2 semaphore(%arg26 : memref<!tpu.dma_semaphore, #tpu.memory_space<semaphore_mem>>) src(%dma_wait3A_438 : memref<120xi32, #tpu.memory_space<hbm>>) dst(%arg16 : memref<120xi32, #tpu.memory_space<vmem>>)
    %dma_start3A_439 = arith.constant 0 : i32
    %dma_start3A_440 = arith.constant 0 : i32
    %dma_start3A_441 = tpu.memref_slice %arg2[%dma_start3A_439, %dma_start3A_440] : memref<10240x128xf32, #tpu.memory_space<hbm>> -> memref<10240x128xf32, #tpu.memory_space<hbm>>
    tpu.enqueue_indirect_dma source(%dma_start3A_441 : memref<10240x128xf32, #tpu.memory_space<hbm>>) target(%arg19 : memref<120x128xf32, #tpu.memory_space<vmem>>) offsets(%arg10 : memref<120xi32, #tpu.memory_space<vmem>>) semaphore(%arg29 : memref<!tpu.dma_semaphore, #tpu.memory_space<semaphore_mem>>)
    %dma_wait3A_442 = arith.constant 0 : i32
    %dma_wait3A_443 = arith.constant 0 : i32
    %dma_wait3A_444 = tpu.memref_slice %arg2[%dma_wait3A_442, %dma_wait3A_443] : memref<10240x128xf32, #tpu.memory_space<hbm>> -> memref<10240x128xf32, #tpu.memory_space<hbm>>
    tpu.wait_indirect_dma semaphore(%arg30 : memref<!tpu.dma_semaphore, #tpu.memory_space<semaphore_mem>>) src(%dma_wait3A_444 : memref<10240x128xf32, #tpu.memory_space<hbm>>) dst(%arg20 : memref<120x128xf32, #tpu.memory_space<vmem>>)
    "tpu.region"() ({
      %run_scoped3A = tpu.sem_alloc : memref<!tpu.dma_semaphore, #tpu.memory_space<semaphore_mem>>
      %dma_start3A_476 = arith.constant 0 : i32
      %dma_start3A_477 = arith.constant 0 : i32
      %dma_start3A_478 = tpu.memref_slice %arg21[%dma_start3A_476, %dma_start3A_477] : memref<10240x128xf32, #tpu.memory_space<vmem_shared>> -> memref<10240x128xf32, #tpu.memory_space<vmem_shared>>
      tpu.enqueue_indirect_dma source(%arg20 : memref<120x128xf32, #tpu.memory_space<vmem>>) target(%dma_start3A_478 : memref<10240x128xf32, #tpu.memory_space<vmem_shared>>) offsets(%arg14 : memref<120xi32, #tpu.memory_space<vmem>>) semaphore(%run_scoped3A : memref<!tpu.dma_semaphore, #tpu.memory_space<semaphore_mem>>) {add = true}
      %dma_wait3A_479 = arith.constant 0 : i32
      %dma_wait3A_480 = arith.constant 0 : i32
      %dma_wait3A_481 = tpu.memref_slice %arg21[%dma_wait3A_479, %dma_wait3A_480] : memref<10240x128xf32, #tpu.memory_space<vmem_shared>> -> memref<10240x128xf32, #tpu.memory_space<vmem_shared>>
      tpu.wait_indirect_dma semaphore(%run_scoped3A : memref<!tpu.dma_semaphore, #tpu.memory_space<semaphore_mem>>) src(%arg20 : memref<120x128xf32, #tpu.memory_space<vmem>>) dst(%dma_wait3A_481 : memref<10240x128xf32, #tpu.memory_space<vmem_shared>>)
      tpu.yield
    }) : () -> ()
    %dma_wait3A_445 = arith.constant 0 : i32
    %dma_wait3A_446 = arith.constant 0 : i32
    %dma_wait3A_447 = tpu.memref_slice %arg3[%dma_wait3A_445, %dma_wait3A_446] : memref<2688x120xi32, #tpu.memory_space<hbm>> -> memref<1x120xi32, #tpu.memory_space<hbm>>
    %dma_wait3A_448 = tpu.memref_squeeze %dma_wait3A_447 : memref<1x120xi32, #tpu.memory_space<hbm>> -> memref<120xi32, #tpu.memory_space<hbm>>
    %dma_wait3A_449 = arith.constant 0 : i32
    %dma_wait3A_450 = tpu.memref_slice %arg3[%dma_wait3A_445, %dma_wait3A_449] : memref<2688x120xi32, #tpu.memory_space<hbm>> -> memref<1x120xi32, #tpu.memory_space<hbm>>
    %dma_wait3A_451 = tpu.memref_squeeze %dma_wait3A_450 : memref<1x120xi32, #tpu.memory_space<hbm>> -> memref<120xi32, #tpu.memory_space<hbm>>
    tpu.wait_dma2 semaphore(%arg27 : memref<!tpu.dma_semaphore, #tpu.memory_space<semaphore_mem>>) src(%dma_wait3A_451 : memref<120xi32, #tpu.memory_space<hbm>>) dst(%arg11 : memref<120xi32, #tpu.memory_space<vmem>>)
    %dma_wait3A_452 = arith.constant 0 : i32
    %dma_wait3A_453 = arith.constant 0 : i32
    %dma_wait3A_454 = tpu.memref_slice %arg4[%dma_wait3A_452, %dma_wait3A_453] : memref<2688x120xi32, #tpu.memory_space<hbm>> -> memref<1x120xi32, #tpu.memory_space<hbm>>
    %dma_wait3A_455 = tpu.memref_squeeze %dma_wait3A_454 : memref<1x120xi32, #tpu.memory_space<hbm>> -> memref<120xi32, #tpu.memory_space<hbm>>
    %dma_wait3A_456 = arith.constant 0 : i32
    %dma_wait3A_457 = tpu.memref_slice %arg4[%dma_wait3A_452, %dma_wait3A_456] : memref<2688x120xi32, #tpu.memory_space<hbm>> -> memref<1x120xi32, #tpu.memory_space<hbm>>
    %dma_wait3A_458 = tpu.memref_squeeze %dma_wait3A_457 : memref<1x120xi32, #tpu.memory_space<hbm>> -> memref<120xi32, #tpu.memory_space<hbm>>
    tpu.wait_dma2 semaphore(%arg27 : memref<!tpu.dma_semaphore, #tpu.memory_space<semaphore_mem>>) src(%dma_wait3A_458 : memref<120xi32, #tpu.memory_space<hbm>>) dst(%arg17 : memref<120xi32, #tpu.memory_space<vmem>>)
    %dma_start3A_459 = arith.constant 0 : i32
    %dma_start3A_460 = arith.constant 0 : i32
    %dma_start3A_461 = tpu.memref_slice %arg2[%dma_start3A_459, %dma_start3A_460] : memref<10240x128xf32, #tpu.memory_space<hbm>> -> memref<10240x128xf32, #tpu.memory_space<hbm>>
    tpu.enqueue_indirect_dma source(%dma_start3A_461 : memref<10240x128xf32, #tpu.memory_space<hbm>>) target(%arg20 : memref<120x128xf32, #tpu.memory_space<vmem>>) offsets(%arg11 : memref<120xi32, #tpu.memory_space<vmem>>) semaphore(%arg30 : memref<!tpu.dma_semaphore, #tpu.memory_space<semaphore_mem>>)
    %dma_wait3A_462 = arith.constant 0 : i32
    %dma_wait3A_463 = arith.constant 0 : i32
    %dma_wait3A_464 = tpu.memref_slice %arg2[%dma_wait3A_462, %dma_wait3A_463] : memref<10240x128xf32, #tpu.memory_space<hbm>> -> memref<10240x128xf32, #tpu.memory_space<hbm>>
    tpu.wait_indirect_dma semaphore(%arg28 : memref<!tpu.dma_semaphore, #tpu.memory_space<semaphore_mem>>) src(%dma_wait3A_464 : memref<10240x128xf32, #tpu.memory_space<hbm>>) dst(%arg18 : memref<120x128xf32, #tpu.memory_space<vmem>>)
    "tpu.region"() ({
      %run_scoped3A = tpu.sem_alloc : memref<!tpu.dma_semaphore, #tpu.memory_space<semaphore_mem>>
      %dma_start3A_476 = arith.constant 0 : i32
      %dma_start3A_477 = arith.constant 0 : i32
      %dma_start3A_478 = tpu.memref_slice %arg21[%dma_start3A_476, %dma_start3A_477] : memref<10240x128xf32, #tpu.memory_space<vmem_shared>> -> memref<10240x128xf32, #tpu.memory_space<vmem_shared>>
      tpu.enqueue_indirect_dma source(%arg18 : memref<120x128xf32, #tpu.memory_space<vmem>>) target(%dma_start3A_478 : memref<10240x128xf32, #tpu.memory_space<vmem_shared>>) offsets(%arg15 : memref<120xi32, #tpu.memory_space<vmem>>) semaphore(%run_scoped3A : memref<!tpu.dma_semaphore, #tpu.memory_space<semaphore_mem>>) {add = true}
      %dma_wait3A_479 = arith.constant 0 : i32
      %dma_wait3A_480 = arith.constant 0 : i32
      %dma_wait3A_481 = tpu.memref_slice %arg21[%dma_wait3A_479, %dma_wait3A_480] : memref<10240x128xf32, #tpu.memory_space<vmem_shared>> -> memref<10240x128xf32, #tpu.memory_space<vmem_shared>>
      tpu.wait_indirect_dma semaphore(%run_scoped3A : memref<!tpu.dma_semaphore, #tpu.memory_space<semaphore_mem>>) src(%arg18 : memref<120x128xf32, #tpu.memory_space<vmem>>) dst(%dma_wait3A_481 : memref<10240x128xf32, #tpu.memory_space<vmem_shared>>)
      tpu.yield
    }) : () -> ()
    %dma_wait3A_465 = arith.constant 0 : i32
    %dma_wait3A_466 = arith.constant 0 : i32
    %dma_wait3A_467 = tpu.memref_slice %arg2[%dma_wait3A_465, %dma_wait3A_466] : memref<10240x128xf32, #tpu.memory_space<hbm>> -> memref<10240x128xf32, #tpu.memory_space<hbm>>
    tpu.wait_indirect_dma semaphore(%arg29 : memref<!tpu.dma_semaphore, #tpu.memory_space<semaphore_mem>>) src(%dma_wait3A_467 : memref<10240x128xf32, #tpu.memory_space<hbm>>) dst(%arg19 : memref<120x128xf32, #tpu.memory_space<vmem>>)
    "tpu.region"() ({
      %run_scoped3A = tpu.sem_alloc : memref<!tpu.dma_semaphore, #tpu.memory_space<semaphore_mem>>
      %dma_start3A_476 = arith.constant 0 : i32
      %dma_start3A_477 = arith.constant 0 : i32
      %dma_start3A_478 = tpu.memref_slice %arg21[%dma_start3A_476, %dma_start3A_477] : memref<10240x128xf32, #tpu.memory_space<vmem_shared>> -> memref<10240x128xf32, #tpu.memory_space<vmem_shared>>
      tpu.enqueue_indirect_dma source(%arg19 : memref<120x128xf32, #tpu.memory_space<vmem>>) target(%dma_start3A_478 : memref<10240x128xf32, #tpu.memory_space<vmem_shared>>) offsets(%arg16 : memref<120xi32, #tpu.memory_space<vmem>>) semaphore(%run_scoped3A : memref<!tpu.dma_semaphore, #tpu.memory_space<semaphore_mem>>) {add = true}
      %dma_wait3A_479 = arith.constant 0 : i32
      %dma_wait3A_480 = arith.constant 0 : i32
      %dma_wait3A_481 = tpu.memref_slice %arg21[%dma_wait3A_479, %dma_wait3A_480] : memref<10240x128xf32, #tpu.memory_space<vmem_shared>> -> memref<10240x128xf32, #tpu.memory_space<vmem_shared>>
      tpu.wait_indirect_dma semaphore(%run_scoped3A : memref<!tpu.dma_semaphore, #tpu.memory_space<semaphore_mem>>) src(%arg19 : memref<120x128xf32, #tpu.memory_space<vmem>>) dst(%dma_wait3A_481 : memref<10240x128xf32, #tpu.memory_space<vmem_shared>>)
      tpu.yield
    }) : () -> ()
    %dma_wait3A_468 = arith.constant 0 : i32
    %dma_wait3A_469 = arith.constant 0 : i32
    %dma_wait3A_470 = tpu.memref_slice %arg2[%dma_wait3A_468, %dma_wait3A_469] : memref<10240x128xf32, #tpu.memory_space<hbm>> -> memref<10240x128xf32, #tpu.memory_space<hbm>>
    tpu.wait_indirect_dma semaphore(%arg30 : memref<!tpu.dma_semaphore, #tpu.memory_space<semaphore_mem>>) src(%dma_wait3A_470 : memref<10240x128xf32, #tpu.memory_space<hbm>>) dst(%arg20 : memref<120x128xf32, #tpu.memory_space<vmem>>)
    "tpu.region"() ({
      %run_scoped3A = tpu.sem_alloc : memref<!tpu.dma_semaphore, #tpu.memory_space<semaphore_mem>>
      %dma_start3A_476 = arith.constant 0 : i32
      %dma_start3A_477 = arith.constant 0 : i32
      %dma_start3A_478 = tpu.memref_slice %arg21[%dma_start3A_476, %dma_start3A_477] : memref<10240x128xf32, #tpu.memory_space<vmem_shared>> -> memref<10240x128xf32, #tpu.memory_space<vmem_shared>>
      tpu.enqueue_indirect_dma source(%arg20 : memref<120x128xf32, #tpu.memory_space<vmem>>) target(%dma_start3A_478 : memref<10240x128xf32, #tpu.memory_space<vmem_shared>>) offsets(%arg17 : memref<120xi32, #tpu.memory_space<vmem>>) semaphore(%run_scoped3A : memref<!tpu.dma_semaphore, #tpu.memory_space<semaphore_mem>>) {add = true}
      %dma_wait3A_479 = arith.constant 0 : i32
      %dma_wait3A_480 = arith.constant 0 : i32
      %dma_wait3A_481 = tpu.memref_slice %arg21[%dma_wait3A_479, %dma_wait3A_480] : memref<10240x128xf32, #tpu.memory_space<vmem_shared>> -> memref<10240x128xf32, #tpu.memory_space<vmem_shared>>
      tpu.wait_indirect_dma semaphore(%run_scoped3A : memref<!tpu.dma_semaphore, #tpu.memory_space<semaphore_mem>>) src(%arg20 : memref<120x128xf32, #tpu.memory_space<vmem>>) dst(%dma_wait3A_481 : memref<10240x128xf32, #tpu.memory_space<vmem_shared>>)
      tpu.yield
    }) : () -> ()
    %barrier3A_471 = arith.constant 0 : index
    tpu.barrier barrier_id(%barrier3A_471)
    %mul3A_472 = arith.constant 640 : i32
    %mul3A_473 = arith.muli %arg1, %mul3A_472 : i32
    %mul3A_474 = arith.constant 640 : i32
    %mul3A_475 = arith.muli %arg1, %mul3A_474 : i32
    "tpu.region"() ({
      %run_scoped3A = tpu.sem_alloc : memref<!tpu.dma_semaphore, #tpu.memory_space<semaphore_mem>>
      %dma_start3A_476 = arith.constant 0 : i32
      %dma_start3A_477 = tpu.memref_slice %arg5[%arg0, %mul3A_475, %dma_start3A_476] : memref<2x10240x128xf32, #tpu.memory_space<hbm>> -> memref<1x640x128xf32, #tpu.memory_space<hbm>>
      %dma_start3A_478 = tpu.memref_squeeze %dma_start3A_477 : memref<1x640x128xf32, #tpu.memory_space<hbm>> -> memref<640x128xf32, #tpu.memory_space<hbm>>
      %dma_start3A_479 = arith.constant 0 : i32
      %dma_start3A_480 = tpu.memref_slice %arg21[%mul3A_473, %dma_start3A_479] : memref<10240x128xf32, #tpu.memory_space<vmem_shared>> -> memref<640x128xf32, #tpu.memory_space<vmem_shared>>
      tpu.enqueue_dma source(%dma_start3A_480 : memref<640x128xf32, #tpu.memory_space<vmem_shared>>) target(%dma_start3A_478 : memref<640x128xf32, #tpu.memory_space<hbm>>) target_semaphore(%run_scoped3A : memref<!tpu.dma_semaphore, #tpu.memory_space<semaphore_mem>>)
      %dma_wait3A_481 = arith.constant 0 : i32
      %dma_wait3A_482 = tpu.memref_slice %arg5[%arg0, %mul3A_475, %dma_wait3A_481] : memref<2x10240x128xf32, #tpu.memory_space<hbm>> -> memref<1x640x128xf32, #tpu.memory_space<hbm>>
      %dma_wait3A_483 = tpu.memref_squeeze %dma_wait3A_482 : memref<1x640x128xf32, #tpu.memory_space<hbm>> -> memref<640x128xf32, #tpu.memory_space<hbm>>
      %dma_wait3A_484 = arith.constant 0 : i32
      %dma_wait3A_485 = tpu.memref_slice %arg21[%mul3A_473, %dma_wait3A_484] : memref<10240x128xf32, #tpu.memory_space<vmem_shared>> -> memref<640x128xf32, #tpu.memory_space<vmem_shared>>
      tpu.wait_dma2 semaphore(%run_scoped3A : memref<!tpu.dma_semaphore, #tpu.memory_space<semaphore_mem>>) src(%dma_wait3A_485 : memref<640x128xf32, #tpu.memory_space<vmem_shared>>) dst(%dma_wait3A_483 : memref<640x128xf32, #tpu.memory_space<hbm>>)
      tpu.yield
    }) : () -> ()
    return
  }
}

#map = affine_map<(d0, d1) -> (0, 0)>
#map1 = affine_map<(d0, d1) -> (0, 0, 0)>
module attributes {stable_mosaic.version = 14 : i64} {
  func.func @deg_kernel(%arg0: i32, %arg1: i32, %arg2: memref<2560x128xi32, #tpu.memory_space<hbm>>, %arg3: memref<2x10240x16xf32, #tpu.memory_space<hbm>>, %arg4: memref<128xi32, #tpu.memory_space<vmem>>, %arg5: memref<128xi32, #tpu.memory_space<vmem>>, %arg6: memref<128xi32, #tpu.memory_space<vmem>>, %arg7: memref<128xi32, #tpu.memory_space<vmem>>, %arg8: memref<128x16xf32, #tpu.memory_space<vmem>>, %arg9: memref<10240x16xf32, #tpu.memory_space<vmem_shared>>, %arg10: memref<!tpu.dma_semaphore, #tpu.memory_space<semaphore_mem>>, %arg11: memref<!tpu.dma_semaphore, #tpu.memory_space<semaphore_mem>>, %arg12: memref<!tpu.dma_semaphore, #tpu.memory_space<semaphore_mem>>, %arg13: memref<!tpu.dma_semaphore, #tpu.memory_space<semaphore_mem>>) attributes {dimension_semantics = [#tpu.dimension_semantics<core_parallel>, #tpu.dimension_semantics<subcore_parallel>], iteration_bounds = array<i64: 2, 16>, scalar_prefetch = 0 : i64, scratch_operands = 10 : i64, tpu.core_type = #tpu.core_type<sc_vector_subcore>, window_params = [{transform_indices = #map}, {transform_indices = #map1}]} {
    %mul3A = arith.constant 2 : i32
    %mul3A_0 = arith.muli %arg1, %mul3A : i32
    %add3A = arith.addi %mul3A_0, %arg0 : i32
    %mul3A_1 = arith.constant 80 : i32
    %mul3A_2 = arith.muli %add3A, %mul3A_1 : i32
    %broadcast_in_dim3A = arith.constant 0.000000e+00 : f32
    %broadcast_in_dim3A_3 = vector.broadcast %broadcast_in_dim3A : f32 to vector<16xf32>
    %scan3A = arith.constant 0 : i32
    %scan3A_4 = arith.constant 0 : i32
    %scan3A_5 = arith.constant 128 : i32
    %scan3A_6 = arith.addi %scan3A_4, %scan3A_5 : i32
    %scan3A_7 = arith.constant 8 : i32
    %scan3A_8 = scf.for %scan3A_112 = %scan3A_4 to %scan3A_6 step %scan3A_7 iter_args(%scan3A_113 = %scan3A) -> (i32)  : i32 {
      %swap3A = arith.index_cast %scan3A_112 : i32 to index
      %swap3A_114 = arith.constant 0 : index
      %swap3A_115 = tpu.vector_load %arg8[%swap3A, %swap3A_114] {strides = array<i32>} : memref<128x16xf32, #tpu.memory_space<vmem>>, vector<1x16xf32>,
      %swap3A_116 = vector.shape_cast %swap3A_115 : vector<1x16xf32> to vector<16xf32>
      %swap3A_117 = vector.shape_cast %broadcast_in_dim3A_3 : vector<16xf32> to vector<1x16xf32>
      tpu.vector_store %arg8[%swap3A, %swap3A_114], %swap3A_117 {strides = array<i32>} : memref<128x16xf32, #tpu.memory_space<vmem>>, vector<1x16xf32>,
      %scan3A_118 = arith.constant 0 : i32
      %scan3A_119 = arith.constant 1 : i32
      %scan3A_120 = arith.addi %scan3A_112, %scan3A_119 : i32
      %swap3A_121 = arith.index_cast %scan3A_120 : i32 to index
      %swap3A_122 = arith.constant 0 : index
      %swap3A_123 = tpu.vector_load %arg8[%swap3A_121, %swap3A_122] {strides = array<i32>} : memref<128x16xf32, #tpu.memory_space<vmem>>, vector<1x16xf32>,
      %swap3A_124 = vector.shape_cast %swap3A_123 : vector<1x16xf32> to vector<16xf32>
      %swap3A_125 = vector.shape_cast %broadcast_in_dim3A_3 : vector<16xf32> to vector<1x16xf32>
      tpu.vector_store %arg8[%swap3A_121, %swap3A_122], %swap3A_125 {strides = array<i32>} : memref<128x16xf32, #tpu.memory_space<vmem>>, vector<1x16xf32>,
      %scan3A_126 = arith.constant 0 : i32
      %scan3A_127 = arith.constant 2 : i32
      %scan3A_128 = arith.addi %scan3A_112, %scan3A_127 : i32
      %swap3A_129 = arith.index_cast %scan3A_128 : i32 to index
      %swap3A_130 = arith.constant 0 : index
      %swap3A_131 = tpu.vector_load %arg8[%swap3A_129, %swap3A_130] {strides = array<i32>} : memref<128x16xf32, #tpu.memory_space<vmem>>, vector<1x16xf32>,
      %swap3A_132 = vector.shape_cast %swap3A_131 : vector<1x16xf32> to vector<16xf32>
      %swap3A_133 = vector.shape_cast %broadcast_in_dim3A_3 : vector<16xf32> to vector<1x16xf32>
      tpu.vector_store %arg8[%swap3A_129, %swap3A_130], %swap3A_133 {strides = array<i32>} : memref<128x16xf32, #tpu.memory_space<vmem>>, vector<1x16xf32>,
      %scan3A_134 = arith.constant 0 : i32
      %scan3A_135 = arith.constant 3 : i32
      %scan3A_136 = arith.addi %scan3A_112, %scan3A_135 : i32
      %swap3A_137 = arith.index_cast %scan3A_136 : i32 to index
      %swap3A_138 = arith.constant 0 : index
      %swap3A_139 = tpu.vector_load %arg8[%swap3A_137, %swap3A_138] {strides = array<i32>} : memref<128x16xf32, #tpu.memory_space<vmem>>, vector<1x16xf32>,
      %swap3A_140 = vector.shape_cast %swap3A_139 : vector<1x16xf32> to vector<16xf32>
      %swap3A_141 = vector.shape_cast %broadcast_in_dim3A_3 : vector<16xf32> to vector<1x16xf32>
      tpu.vector_store %arg8[%swap3A_137, %swap3A_138], %swap3A_141 {strides = array<i32>} : memref<128x16xf32, #tpu.memory_space<vmem>>, vector<1x16xf32>,
      %scan3A_142 = arith.constant 0 : i32
      %scan3A_143 = arith.constant 4 : i32
      %scan3A_144 = arith.addi %scan3A_112, %scan3A_143 : i32
      %swap3A_145 = arith.index_cast %scan3A_144 : i32 to index
      %swap3A_146 = arith.constant 0 : index
      %swap3A_147 = tpu.vector_load %arg8[%swap3A_145, %swap3A_146] {strides = array<i32>} : memref<128x16xf32, #tpu.memory_space<vmem>>, vector<1x16xf32>,
      %swap3A_148 = vector.shape_cast %swap3A_147 : vector<1x16xf32> to vector<16xf32>
      %swap3A_149 = vector.shape_cast %broadcast_in_dim3A_3 : vector<16xf32> to vector<1x16xf32>
      tpu.vector_store %arg8[%swap3A_145, %swap3A_146], %swap3A_149 {strides = array<i32>} : memref<128x16xf32, #tpu.memory_space<vmem>>, vector<1x16xf32>,
      %scan3A_150 = arith.constant 0 : i32
      %scan3A_151 = arith.constant 5 : i32
      %scan3A_152 = arith.addi %scan3A_112, %scan3A_151 : i32
      %swap3A_153 = arith.index_cast %scan3A_152 : i32 to index
      %swap3A_154 = arith.constant 0 : index
      %swap3A_155 = tpu.vector_load %arg8[%swap3A_153, %swap3A_154] {strides = array<i32>} : memref<128x16xf32, #tpu.memory_space<vmem>>, vector<1x16xf32>,
      %swap3A_156 = vector.shape_cast %swap3A_155 : vector<1x16xf32> to vector<16xf32>
      %swap3A_157 = vector.shape_cast %broadcast_in_dim3A_3 : vector<16xf32> to vector<1x16xf32>
      tpu.vector_store %arg8[%swap3A_153, %swap3A_154], %swap3A_157 {strides = array<i32>} : memref<128x16xf32, #tpu.memory_space<vmem>>, vector<1x16xf32>,
      %scan3A_158 = arith.constant 0 : i32
      %scan3A_159 = arith.constant 6 : i32
      %scan3A_160 = arith.addi %scan3A_112, %scan3A_159 : i32
      %swap3A_161 = arith.index_cast %scan3A_160 : i32 to index
      %swap3A_162 = arith.constant 0 : index
      %swap3A_163 = tpu.vector_load %arg8[%swap3A_161, %swap3A_162] {strides = array<i32>} : memref<128x16xf32, #tpu.memory_space<vmem>>, vector<1x16xf32>,
      %swap3A_164 = vector.shape_cast %swap3A_163 : vector<1x16xf32> to vector<16xf32>
      %swap3A_165 = vector.shape_cast %broadcast_in_dim3A_3 : vector<16xf32> to vector<1x16xf32>
      tpu.vector_store %arg8[%swap3A_161, %swap3A_162], %swap3A_165 {strides = array<i32>} : memref<128x16xf32, #tpu.memory_space<vmem>>, vector<1x16xf32>,
      %scan3A_166 = arith.constant 0 : i32
      %scan3A_167 = arith.constant 7 : i32
      %scan3A_168 = arith.addi %scan3A_112, %scan3A_167 : i32
      %swap3A_169 = arith.index_cast %scan3A_168 : i32 to index
      %swap3A_170 = arith.constant 0 : index
      %swap3A_171 = tpu.vector_load %arg8[%swap3A_169, %swap3A_170] {strides = array<i32>} : memref<128x16xf32, #tpu.memory_space<vmem>>, vector<1x16xf32>,
      %swap3A_172 = vector.shape_cast %swap3A_171 : vector<1x16xf32> to vector<16xf32>
      %swap3A_173 = vector.shape_cast %broadcast_in_dim3A_3 : vector<16xf32> to vector<1x16xf32>
      tpu.vector_store %arg8[%swap3A_169, %swap3A_170], %swap3A_173 {strides = array<i32>} : memref<128x16xf32, #tpu.memory_space<vmem>>, vector<1x16xf32>,
      %scan3A_174 = arith.constant 0 : i32
      scf.yield %scan3A_174 : i32
    }
    %scan3A_9 = arith.constant 128 : i32
    %mul3A_10 = arith.constant 640 : i32
    %mul3A_11 = arith.muli %arg1, %mul3A_10 : i32
    %add3A_12 = arith.constant 0 : i32
    %add3A_13 = arith.addi %mul3A_11, %add3A_12 : i32
    "tpu.region"() ({
      %run_scoped3A = tpu.sem_alloc : memref<!tpu.dma_semaphore, #tpu.memory_space<semaphore_mem>>
      %dma_start3A_112 = arith.constant 0 : i32
      %dma_start3A_113 = tpu.memref_slice %arg9[%add3A_13, %dma_start3A_112] : memref<10240x16xf32, #tpu.memory_space<vmem_shared>> -> memref<128x16xf32, #tpu.memory_space<vmem_shared>>
      %dma_start3A_114 = arith.constant 0 : i32
      %dma_start3A_115 = tpu.memref_slice %arg9[%add3A_13, %dma_start3A_114] : memref<10240x16xf32, #tpu.memory_space<vmem_shared>> -> memref<128x16xf32, #tpu.memory_space<vmem_shared>>
      tpu.enqueue_dma source(%arg8 : memref<128x16xf32, #tpu.memory_space<vmem>>) target(%dma_start3A_115 : memref<128x16xf32, #tpu.memory_space<vmem_shared>>) target_semaphore(%run_scoped3A : memref<!tpu.dma_semaphore, #tpu.memory_space<semaphore_mem>>)
      %dma_wait3A_116 = arith.constant 0 : i32
      %dma_wait3A_117 = tpu.memref_slice %arg9[%add3A_13, %dma_wait3A_116] : memref<10240x16xf32, #tpu.memory_space<vmem_shared>> -> memref<128x16xf32, #tpu.memory_space<vmem_shared>>
      %dma_wait3A_118 = arith.constant 0 : i32
      %dma_wait3A_119 = tpu.memref_slice %arg9[%add3A_13, %dma_wait3A_118] : memref<10240x16xf32, #tpu.memory_space<vmem_shared>> -> memref<128x16xf32, #tpu.memory_space<vmem_shared>>
      tpu.wait_dma2 semaphore(%run_scoped3A : memref<!tpu.dma_semaphore, #tpu.memory_space<semaphore_mem>>) src(%arg8 : memref<128x16xf32, #tpu.memory_space<vmem>>) dst(%dma_wait3A_119 : memref<128x16xf32, #tpu.memory_space<vmem_shared>>)
      tpu.yield
    }) : () -> ()
    %mul3A_14 = arith.constant 640 : i32
    %mul3A_15 = arith.muli %arg1, %mul3A_14 : i32
    %add3A_16 = arith.constant 128 : i32
    %add3A_17 = arith.addi %mul3A_15, %add3A_16 : i32
    "tpu.region"() ({
      %run_scoped3A = tpu.sem_alloc : memref<!tpu.dma_semaphore, #tpu.memory_space<semaphore_mem>>
      %dma_start3A_112 = arith.constant 0 : i32
      %dma_start3A_113 = tpu.memref_slice %arg9[%add3A_17, %dma_start3A_112] : memref<10240x16xf32, #tpu.memory_space<vmem_shared>> -> memref<128x16xf32, #tpu.memory_space<vmem_shared>>
      %dma_start3A_114 = arith.constant 0 : i32
      %dma_start3A_115 = tpu.memref_slice %arg9[%add3A_17, %dma_start3A_114] : memref<10240x16xf32, #tpu.memory_space<vmem_shared>> -> memref<128x16xf32, #tpu.memory_space<vmem_shared>>
      tpu.enqueue_dma source(%arg8 : memref<128x16xf32, #tpu.memory_space<vmem>>) target(%dma_start3A_115 : memref<128x16xf32, #tpu.memory_space<vmem_shared>>) target_semaphore(%run_scoped3A : memref<!tpu.dma_semaphore, #tpu.memory_space<semaphore_mem>>)
      %dma_wait3A_116 = arith.constant 0 : i32
      %dma_wait3A_117 = tpu.memref_slice %arg9[%add3A_17, %dma_wait3A_116] : memref<10240x16xf32, #tpu.memory_space<vmem_shared>> -> memref<128x16xf32, #tpu.memory_space<vmem_shared>>
      %dma_wait3A_118 = arith.constant 0 : i32
      %dma_wait3A_119 = tpu.memref_slice %arg9[%add3A_17, %dma_wait3A_118] : memref<10240x16xf32, #tpu.memory_space<vmem_shared>> -> memref<128x16xf32, #tpu.memory_space<vmem_shared>>
      tpu.wait_dma2 semaphore(%run_scoped3A : memref<!tpu.dma_semaphore, #tpu.memory_space<semaphore_mem>>) src(%arg8 : memref<128x16xf32, #tpu.memory_space<vmem>>) dst(%dma_wait3A_119 : memref<128x16xf32, #tpu.memory_space<vmem_shared>>)
      tpu.yield
    }) : () -> ()
    %mul3A_18 = arith.constant 640 : i32
    %mul3A_19 = arith.muli %arg1, %mul3A_18 : i32
    %add3A_20 = arith.constant 256 : i32
    %add3A_21 = arith.addi %mul3A_19, %add3A_20 : i32
    "tpu.region"() ({
      %run_scoped3A = tpu.sem_alloc : memref<!tpu.dma_semaphore, #tpu.memory_space<semaphore_mem>>
      %dma_start3A_112 = arith.constant 0 : i32
      %dma_start3A_113 = tpu.memref_slice %arg9[%add3A_21, %dma_start3A_112] : memref<10240x16xf32, #tpu.memory_space<vmem_shared>> -> memref<128x16xf32, #tpu.memory_space<vmem_shared>>
      %dma_start3A_114 = arith.constant 0 : i32
      %dma_start3A_115 = tpu.memref_slice %arg9[%add3A_21, %dma_start3A_114] : memref<10240x16xf32, #tpu.memory_space<vmem_shared>> -> memref<128x16xf32, #tpu.memory_space<vmem_shared>>
      tpu.enqueue_dma source(%arg8 : memref<128x16xf32, #tpu.memory_space<vmem>>) target(%dma_start3A_115 : memref<128x16xf32, #tpu.memory_space<vmem_shared>>) target_semaphore(%run_scoped3A : memref<!tpu.dma_semaphore, #tpu.memory_space<semaphore_mem>>)
      %dma_wait3A_116 = arith.constant 0 : i32
      %dma_wait3A_117 = tpu.memref_slice %arg9[%add3A_21, %dma_wait3A_116] : memref<10240x16xf32, #tpu.memory_space<vmem_shared>> -> memref<128x16xf32, #tpu.memory_space<vmem_shared>>
      %dma_wait3A_118 = arith.constant 0 : i32
      %dma_wait3A_119 = tpu.memref_slice %arg9[%add3A_21, %dma_wait3A_118] : memref<10240x16xf32, #tpu.memory_space<vmem_shared>> -> memref<128x16xf32, #tpu.memory_space<vmem_shared>>
      tpu.wait_dma2 semaphore(%run_scoped3A : memref<!tpu.dma_semaphore, #tpu.memory_space<semaphore_mem>>) src(%arg8 : memref<128x16xf32, #tpu.memory_space<vmem>>) dst(%dma_wait3A_119 : memref<128x16xf32, #tpu.memory_space<vmem_shared>>)
      tpu.yield
    }) : () -> ()
    %mul3A_22 = arith.constant 640 : i32
    %mul3A_23 = arith.muli %arg1, %mul3A_22 : i32
    %add3A_24 = arith.constant 384 : i32
    %add3A_25 = arith.addi %mul3A_23, %add3A_24 : i32
    "tpu.region"() ({
      %run_scoped3A = tpu.sem_alloc : memref<!tpu.dma_semaphore, #tpu.memory_space<semaphore_mem>>
      %dma_start3A_112 = arith.constant 0 : i32
      %dma_start3A_113 = tpu.memref_slice %arg9[%add3A_25, %dma_start3A_112] : memref<10240x16xf32, #tpu.memory_space<vmem_shared>> -> memref<128x16xf32, #tpu.memory_space<vmem_shared>>
      %dma_start3A_114 = arith.constant 0 : i32
      %dma_start3A_115 = tpu.memref_slice %arg9[%add3A_25, %dma_start3A_114] : memref<10240x16xf32, #tpu.memory_space<vmem_shared>> -> memref<128x16xf32, #tpu.memory_space<vmem_shared>>
      tpu.enqueue_dma source(%arg8 : memref<128x16xf32, #tpu.memory_space<vmem>>) target(%dma_start3A_115 : memref<128x16xf32, #tpu.memory_space<vmem_shared>>) target_semaphore(%run_scoped3A : memref<!tpu.dma_semaphore, #tpu.memory_space<semaphore_mem>>)
      %dma_wait3A_116 = arith.constant 0 : i32
      %dma_wait3A_117 = tpu.memref_slice %arg9[%add3A_25, %dma_wait3A_116] : memref<10240x16xf32, #tpu.memory_space<vmem_shared>> -> memref<128x16xf32, #tpu.memory_space<vmem_shared>>
      %dma_wait3A_118 = arith.constant 0 : i32
      %dma_wait3A_119 = tpu.memref_slice %arg9[%add3A_25, %dma_wait3A_118] : memref<10240x16xf32, #tpu.memory_space<vmem_shared>> -> memref<128x16xf32, #tpu.memory_space<vmem_shared>>
      tpu.wait_dma2 semaphore(%run_scoped3A : memref<!tpu.dma_semaphore, #tpu.memory_space<semaphore_mem>>) src(%arg8 : memref<128x16xf32, #tpu.memory_space<vmem>>) dst(%dma_wait3A_119 : memref<128x16xf32, #tpu.memory_space<vmem_shared>>)
      tpu.yield
    }) : () -> ()
    %mul3A_26 = arith.constant 640 : i32
    %mul3A_27 = arith.muli %arg1, %mul3A_26 : i32
    %add3A_28 = arith.constant 512 : i32
    %add3A_29 = arith.addi %mul3A_27, %add3A_28 : i32
    "tpu.region"() ({
      %run_scoped3A = tpu.sem_alloc : memref<!tpu.dma_semaphore, #tpu.memory_space<semaphore_mem>>
      %dma_start3A_112 = arith.constant 0 : i32
      %dma_start3A_113 = tpu.memref_slice %arg9[%add3A_29, %dma_start3A_112] : memref<10240x16xf32, #tpu.memory_space<vmem_shared>> -> memref<128x16xf32, #tpu.memory_space<vmem_shared>>
      %dma_start3A_114 = arith.constant 0 : i32
      %dma_start3A_115 = tpu.memref_slice %arg9[%add3A_29, %dma_start3A_114] : memref<10240x16xf32, #tpu.memory_space<vmem_shared>> -> memref<128x16xf32, #tpu.memory_space<vmem_shared>>
      tpu.enqueue_dma source(%arg8 : memref<128x16xf32, #tpu.memory_space<vmem>>) target(%dma_start3A_115 : memref<128x16xf32, #tpu.memory_space<vmem_shared>>) target_semaphore(%run_scoped3A : memref<!tpu.dma_semaphore, #tpu.memory_space<semaphore_mem>>)
      %dma_wait3A_116 = arith.constant 0 : i32
      %dma_wait3A_117 = tpu.memref_slice %arg9[%add3A_29, %dma_wait3A_116] : memref<10240x16xf32, #tpu.memory_space<vmem_shared>> -> memref<128x16xf32, #tpu.memory_space<vmem_shared>>
      %dma_wait3A_118 = arith.constant 0 : i32
      %dma_wait3A_119 = tpu.memref_slice %arg9[%add3A_29, %dma_wait3A_118] : memref<10240x16xf32, #tpu.memory_space<vmem_shared>> -> memref<128x16xf32, #tpu.memory_space<vmem_shared>>
      tpu.wait_dma2 semaphore(%run_scoped3A : memref<!tpu.dma_semaphore, #tpu.memory_space<semaphore_mem>>) src(%arg8 : memref<128x16xf32, #tpu.memory_space<vmem>>) dst(%dma_wait3A_119 : memref<128x16xf32, #tpu.memory_space<vmem_shared>>)
      tpu.yield
    }) : () -> ()
    %iota3A = tpu.iota {dimensions = array<i32: 0>} : vector<16xi32>
    %eq3A = arith.constant 0 : i32
    %eq3A_30 = vector.broadcast %eq3A : i32 to vector<16xi32>
    %eq3A_31 = arith.cmpi eq, %iota3A, %eq3A_30 : vector<16xi32>
    %jit3A = arith.constant 1.000000e+00 : f32
    %jit3A_32 = arith.constant 0.000000e+00 : f32
    %broadcast_in_dim3A_33 = vector.broadcast %jit3A : f32 to vector<16xf32>
    %broadcast_in_dim3A_34 = vector.broadcast %jit3A_32 : f32 to vector<16xf32>
    %select_n3A = arith.select %eq3A_31, %broadcast_in_dim3A_33, %broadcast_in_dim3A_34 : vector<16xi1>, vector<16xf32>
    %scan3A_35 = arith.constant 0 : i32
    %scan3A_36 = arith.constant 0 : i32
    %scan3A_37 = arith.constant 128 : i32
    %scan3A_38 = arith.addi %scan3A_36, %scan3A_37 : i32
    %scan3A_39 = arith.constant 8 : i32
    %scan3A_40 = scf.for %scan3A_112 = %scan3A_36 to %scan3A_38 step %scan3A_39 iter_args(%scan3A_113 = %scan3A_35) -> (i32)  : i32 {
      %swap3A = arith.index_cast %scan3A_112 : i32 to index
      %swap3A_114 = arith.constant 0 : index
      %swap3A_115 = tpu.vector_load %arg8[%swap3A, %swap3A_114] {strides = array<i32>} : memref<128x16xf32, #tpu.memory_space<vmem>>, vector<1x16xf32>,
      %swap3A_116 = vector.shape_cast %swap3A_115 : vector<1x16xf32> to vector<16xf32>
      %swap3A_117 = vector.shape_cast %select_n3A : vector<16xf32> to vector<1x16xf32>
      tpu.vector_store %arg8[%swap3A, %swap3A_114], %swap3A_117 {strides = array<i32>} : memref<128x16xf32, #tpu.memory_space<vmem>>, vector<1x16xf32>,
      %scan3A_118 = arith.constant 0 : i32
      %scan3A_119 = arith.constant 1 : i32
      %scan3A_120 = arith.addi %scan3A_112, %scan3A_119 : i32
      %swap3A_121 = arith.index_cast %scan3A_120 : i32 to index
      %swap3A_122 = arith.constant 0 : index
      %swap3A_123 = tpu.vector_load %arg8[%swap3A_121, %swap3A_122] {strides = array<i32>} : memref<128x16xf32, #tpu.memory_space<vmem>>, vector<1x16xf32>,
      %swap3A_124 = vector.shape_cast %swap3A_123 : vector<1x16xf32> to vector<16xf32>
      %swap3A_125 = vector.shape_cast %select_n3A : vector<16xf32> to vector<1x16xf32>
      tpu.vector_store %arg8[%swap3A_121, %swap3A_122], %swap3A_125 {strides = array<i32>} : memref<128x16xf32, #tpu.memory_space<vmem>>, vector<1x16xf32>,
      %scan3A_126 = arith.constant 0 : i32
      %scan3A_127 = arith.constant 2 : i32
      %scan3A_128 = arith.addi %scan3A_112, %scan3A_127 : i32
      %swap3A_129 = arith.index_cast %scan3A_128 : i32 to index
      %swap3A_130 = arith.constant 0 : index
      %swap3A_131 = tpu.vector_load %arg8[%swap3A_129, %swap3A_130] {strides = array<i32>} : memref<128x16xf32, #tpu.memory_space<vmem>>, vector<1x16xf32>,
      %swap3A_132 = vector.shape_cast %swap3A_131 : vector<1x16xf32> to vector<16xf32>
      %swap3A_133 = vector.shape_cast %select_n3A : vector<16xf32> to vector<1x16xf32>
      tpu.vector_store %arg8[%swap3A_129, %swap3A_130], %swap3A_133 {strides = array<i32>} : memref<128x16xf32, #tpu.memory_space<vmem>>, vector<1x16xf32>,
      %scan3A_134 = arith.constant 0 : i32
      %scan3A_135 = arith.constant 3 : i32
      %scan3A_136 = arith.addi %scan3A_112, %scan3A_135 : i32
      %swap3A_137 = arith.index_cast %scan3A_136 : i32 to index
      %swap3A_138 = arith.constant 0 : index
      %swap3A_139 = tpu.vector_load %arg8[%swap3A_137, %swap3A_138] {strides = array<i32>} : memref<128x16xf32, #tpu.memory_space<vmem>>, vector<1x16xf32>,
      %swap3A_140 = vector.shape_cast %swap3A_139 : vector<1x16xf32> to vector<16xf32>
      %swap3A_141 = vector.shape_cast %select_n3A : vector<16xf32> to vector<1x16xf32>
      tpu.vector_store %arg8[%swap3A_137, %swap3A_138], %swap3A_141 {strides = array<i32>} : memref<128x16xf32, #tpu.memory_space<vmem>>, vector<1x16xf32>,
      %scan3A_142 = arith.constant 0 : i32
      %scan3A_143 = arith.constant 4 : i32
      %scan3A_144 = arith.addi %scan3A_112, %scan3A_143 : i32
      %swap3A_145 = arith.index_cast %scan3A_144 : i32 to index
      %swap3A_146 = arith.constant 0 : index
      %swap3A_147 = tpu.vector_load %arg8[%swap3A_145, %swap3A_146] {strides = array<i32>} : memref<128x16xf32, #tpu.memory_space<vmem>>, vector<1x16xf32>,
      %swap3A_148 = vector.shape_cast %swap3A_147 : vector<1x16xf32> to vector<16xf32>
      %swap3A_149 = vector.shape_cast %select_n3A : vector<16xf32> to vector<1x16xf32>
      tpu.vector_store %arg8[%swap3A_145, %swap3A_146], %swap3A_149 {strides = array<i32>} : memref<128x16xf32, #tpu.memory_space<vmem>>, vector<1x16xf32>,
      %scan3A_150 = arith.constant 0 : i32
      %scan3A_151 = arith.constant 5 : i32
      %scan3A_152 = arith.addi %scan3A_112, %scan3A_151 : i32
      %swap3A_153 = arith.index_cast %scan3A_152 : i32 to index
      %swap3A_154 = arith.constant 0 : index
      %swap3A_155 = tpu.vector_load %arg8[%swap3A_153, %swap3A_154] {strides = array<i32>} : memref<128x16xf32, #tpu.memory_space<vmem>>, vector<1x16xf32>,
      %swap3A_156 = vector.shape_cast %swap3A_155 : vector<1x16xf32> to vector<16xf32>
      %swap3A_157 = vector.shape_cast %select_n3A : vector<16xf32> to vector<1x16xf32>
      tpu.vector_store %arg8[%swap3A_153, %swap3A_154], %swap3A_157 {strides = array<i32>} : memref<128x16xf32, #tpu.memory_space<vmem>>, vector<1x16xf32>,
      %scan3A_158 = arith.constant 0 : i32
      %scan3A_159 = arith.constant 6 : i32
      %scan3A_160 = arith.addi %scan3A_112, %scan3A_159 : i32
      %swap3A_161 = arith.index_cast %scan3A_160 : i32 to index
      %swap3A_162 = arith.constant 0 : index
      %swap3A_163 = tpu.vector_load %arg8[%swap3A_161, %swap3A_162] {strides = array<i32>} : memref<128x16xf32, #tpu.memory_space<vmem>>, vector<1x16xf32>,
      %swap3A_164 = vector.shape_cast %swap3A_163 : vector<1x16xf32> to vector<16xf32>
      %swap3A_165 = vector.shape_cast %select_n3A : vector<16xf32> to vector<1x16xf32>
      tpu.vector_store %arg8[%swap3A_161, %swap3A_162], %swap3A_165 {strides = array<i32>} : memref<128x16xf32, #tpu.memory_space<vmem>>, vector<1x16xf32>,
      %scan3A_166 = arith.constant 0 : i32
      %scan3A_167 = arith.constant 7 : i32
      %scan3A_168 = arith.addi %scan3A_112, %scan3A_167 : i32
      %swap3A_169 = arith.index_cast %scan3A_168 : i32 to index
      %swap3A_170 = arith.constant 0 : index
      %swap3A_171 = tpu.vector_load %arg8[%swap3A_169, %swap3A_170] {strides = array<i32>} : memref<128x16xf32, #tpu.memory_space<vmem>>, vector<1x16xf32>,
      %swap3A_172 = vector.shape_cast %swap3A_171 : vector<1x16xf32> to vector<16xf32>
      %swap3A_173 = vector.shape_cast %select_n3A : vector<16xf32> to vector<1x16xf32>
      tpu.vector_store %arg8[%swap3A_169, %swap3A_170], %swap3A_173 {strides = array<i32>} : memref<128x16xf32, #tpu.memory_space<vmem>>, vector<1x16xf32>,
      %scan3A_174 = arith.constant 0 : i32
      scf.yield %scan3A_174 : i32
    }
    %scan3A_41 = arith.constant 128 : i32
    %barrier3A = arith.constant 0 : index
    tpu.barrier barrier_id(%barrier3A)
    %add3A_42 = arith.constant 0 : i32
    %add3A_43 = arith.addi %mul3A_2, %add3A_42 : i32
    %dma_start3A = arith.constant 0 : i32
    %dma_start3A_44 = tpu.memref_slice %arg2[%add3A_43, %dma_start3A] : memref<2560x128xi32, #tpu.memory_space<hbm>> -> memref<1x128xi32, #tpu.memory_space<hbm>>
    %dma_start3A_45 = tpu.memref_squeeze %dma_start3A_44 : memref<1x128xi32, #tpu.memory_space<hbm>> -> memref<128xi32, #tpu.memory_space<hbm>>
    %dma_start3A_46 = arith.constant 0 : i32
    %dma_start3A_47 = tpu.memref_slice %arg2[%add3A_43, %dma_start3A_46] : memref<2560x128xi32, #tpu.memory_space<hbm>> -> memref<1x128xi32, #tpu.memory_space<hbm>>
    %dma_start3A_48 = tpu.memref_squeeze %dma_start3A_47 : memref<1x128xi32, #tpu.memory_space<hbm>> -> memref<128xi32, #tpu.memory_space<hbm>>
    tpu.enqueue_dma source(%dma_start3A_48 : memref<128xi32, #tpu.memory_space<hbm>>) target(%arg4 : memref<128xi32, #tpu.memory_space<vmem>>) target_semaphore(%arg10 : memref<!tpu.dma_semaphore, #tpu.memory_space<semaphore_mem>>)
    %add3A_49 = arith.constant 1 : i32
    %add3A_50 = arith.addi %mul3A_2, %add3A_49 : i32
    %dma_start3A_51 = arith.constant 0 : i32
    %dma_start3A_52 = tpu.memref_slice %arg2[%add3A_50, %dma_start3A_51] : memref<2560x128xi32, #tpu.memory_space<hbm>> -> memref<1x128xi32, #tpu.memory_space<hbm>>
    %dma_start3A_53 = tpu.memref_squeeze %dma_start3A_52 : memref<1x128xi32, #tpu.memory_space<hbm>> -> memref<128xi32, #tpu.memory_space<hbm>>
    %dma_start3A_54 = arith.constant 0 : i32
    %dma_start3A_55 = tpu.memref_slice %arg2[%add3A_50, %dma_start3A_54] : memref<2560x128xi32, #tpu.memory_space<hbm>> -> memref<1x128xi32, #tpu.memory_space<hbm>>
    %dma_start3A_56 = tpu.memref_squeeze %dma_start3A_55 : memref<1x128xi32, #tpu.memory_space<hbm>> -> memref<128xi32, #tpu.memory_space<hbm>>
    tpu.enqueue_dma source(%dma_start3A_56 : memref<128xi32, #tpu.memory_space<hbm>>) target(%arg5 : memref<128xi32, #tpu.memory_space<vmem>>) target_semaphore(%arg11 : memref<!tpu.dma_semaphore, #tpu.memory_space<semaphore_mem>>)
    %add3A_57 = arith.constant 2 : i32
    %add3A_58 = arith.addi %mul3A_2, %add3A_57 : i32
    %dma_start3A_59 = arith.constant 0 : i32
    %dma_start3A_60 = tpu.memref_slice %arg2[%add3A_58, %dma_start3A_59] : memref<2560x128xi32, #tpu.memory_space<hbm>> -> memref<1x128xi32, #tpu.memory_space<hbm>>
    %dma_start3A_61 = tpu.memref_squeeze %dma_start3A_60 : memref<1x128xi32, #tpu.memory_space<hbm>> -> memref<128xi32, #tpu.memory_space<hbm>>
    %dma_start3A_62 = arith.constant 0 : i32
    %dma_start3A_63 = tpu.memref_slice %arg2[%add3A_58, %dma_start3A_62] : memref<2560x128xi32, #tpu.memory_space<hbm>> -> memref<1x128xi32, #tpu.memory_space<hbm>>
    %dma_start3A_64 = tpu.memref_squeeze %dma_start3A_63 : memref<1x128xi32, #tpu.memory_space<hbm>> -> memref<128xi32, #tpu.memory_space<hbm>>
    tpu.enqueue_dma source(%dma_start3A_64 : memref<128xi32, #tpu.memory_space<hbm>>) target(%arg6 : memref<128xi32, #tpu.memory_space<vmem>>) target_semaphore(%arg12 : memref<!tpu.dma_semaphore, #tpu.memory_space<semaphore_mem>>)
    %scan3A_65 = arith.constant 0 : i32
    %scan3A_66 = arith.constant 0 : i32
    %scan3A_67 = arith.constant 19 : i32
    %scan3A_68 = arith.addi %scan3A_66, %scan3A_67 : i32
    %scan3A_69 = arith.constant 1 : i32
    %scan3A_70 = scf.for %scan3A_112 = %scan3A_66 to %scan3A_68 step %scan3A_69 iter_args(%scan3A_113 = %scan3A_65) -> (i32)  : i32 {
      %mul3A_114 = arith.constant 4 : i32
      %mul3A_115 = arith.muli %scan3A_112, %mul3A_114 : i32
      %add3A_116 = arith.constant 0 : i32
      %add3A_117 = arith.addi %mul3A_115, %add3A_116 : i32
      %add3A_118 = arith.constant 3 : i32
      %add3A_119 = arith.addi %add3A_117, %add3A_118 : i32
      %add3A_120 = arith.addi %mul3A_2, %add3A_119 : i32
      %dma_start3A_121 = arith.constant 0 : i32
      %dma_start3A_122 = tpu.memref_slice %arg2[%add3A_120, %dma_start3A_121] : memref<2560x128xi32, #tpu.memory_space<hbm>> -> memref<1x128xi32, #tpu.memory_space<hbm>>
      %dma_start3A_123 = tpu.memref_squeeze %dma_start3A_122 : memref<1x128xi32, #tpu.memory_space<hbm>> -> memref<128xi32, #tpu.memory_space<hbm>>
      %dma_start3A_124 = arith.constant 0 : i32
      %dma_start3A_125 = tpu.memref_slice %arg2[%add3A_120, %dma_start3A_124] : memref<2560x128xi32, #tpu.memory_space<hbm>> -> memref<1x128xi32, #tpu.memory_space<hbm>>
      %dma_start3A_126 = tpu.memref_squeeze %dma_start3A_125 : memref<1x128xi32, #tpu.memory_space<hbm>> -> memref<128xi32, #tpu.memory_space<hbm>>
      tpu.enqueue_dma source(%dma_start3A_126 : memref<128xi32, #tpu.memory_space<hbm>>) target(%arg7 : memref<128xi32, #tpu.memory_space<vmem>>) target_semaphore(%arg13 : memref<!tpu.dma_semaphore, #tpu.memory_space<semaphore_mem>>)
      %dma_wait3A_127 = arith.constant 0 : i32
      %dma_wait3A_128 = arith.constant 0 : i32
      %dma_wait3A_129 = tpu.memref_slice %arg2[%dma_wait3A_127, %dma_wait3A_128] : memref<2560x128xi32, #tpu.memory_space<hbm>> -> memref<1x128xi32, #tpu.memory_space<hbm>>
      %dma_wait3A_130 = tpu.memref_squeeze %dma_wait3A_129 : memref<1x128xi32, #tpu.memory_space<hbm>> -> memref<128xi32, #tpu.memory_space<hbm>>
      %dma_wait3A_131 = arith.constant 0 : i32
      %dma_wait3A_132 = tpu.memref_slice %arg2[%dma_wait3A_127, %dma_wait3A_131] : memref<2560x128xi32, #tpu.memory_space<hbm>> -> memref<1x128xi32, #tpu.memory_space<hbm>>
      %dma_wait3A_133 = tpu.memref_squeeze %dma_wait3A_132 : memref<1x128xi32, #tpu.memory_space<hbm>> -> memref<128xi32, #tpu.memory_space<hbm>>
      tpu.wait_dma2 semaphore(%arg10 : memref<!tpu.dma_semaphore, #tpu.memory_space<semaphore_mem>>) src(%dma_wait3A_133 : memref<128xi32, #tpu.memory_space<hbm>>) dst(%arg4 : memref<128xi32, #tpu.memory_space<vmem>>)
      "tpu.region"() ({
        %run_scoped3A = tpu.sem_alloc : memref<!tpu.dma_semaphore, #tpu.memory_space<semaphore_mem>>
        %dma_start3A_189 = arith.constant 0 : i32
        %dma_start3A_190 = arith.constant 0 : i32
        %dma_start3A_191 = tpu.memref_slice %arg9[%dma_start3A_189, %dma_start3A_190] : memref<10240x16xf32, #tpu.memory_space<vmem_shared>> -> memref<10240x16xf32, #tpu.memory_space<vmem_shared>>
        tpu.enqueue_indirect_dma source(%arg8 : memref<128x16xf32, #tpu.memory_space<vmem>>) target(%dma_start3A_191 : memref<10240x16xf32, #tpu.memory_space<vmem_shared>>) offsets(%arg4 : memref<128xi32, #tpu.memory_space<vmem>>) semaphore(%run_scoped3A : memref<!tpu.dma_semaphore, #tpu.memory_space<semaphore_mem>>) {add = true}
        %dma_wait3A_192 = arith.constant 0 : i32
        %dma_wait3A_193 = arith.constant 0 : i32
        %dma_wait3A_194 = tpu.memref_slice %arg9[%dma_wait3A_192, %dma_wait3A_193] : memref<10240x16xf32, #tpu.memory_space<vmem_shared>> -> memref<10240x16xf32, #tpu.memory_space<vmem_shared>>
        tpu.wait_indirect_dma semaphore(%run_scoped3A : memref<!tpu.dma_semaphore, #tpu.memory_space<semaphore_mem>>) src(%arg8 : memref<128x16xf32, #tpu.memory_space<vmem>>) dst(%dma_wait3A_194 : memref<10240x16xf32, #tpu.memory_space<vmem_shared>>)
        tpu.yield
      }) : () -> ()
      %add3A_134 = arith.constant 1 : i32
      %add3A_135 = arith.addi %mul3A_115, %add3A_134 : i32
      %add3A_136 = arith.constant 3 : i32
      %add3A_137 = arith.addi %add3A_135, %add3A_136 : i32
      %add3A_138 = arith.addi %mul3A_2, %add3A_137 : i32
      %dma_start3A_139 = arith.constant 0 : i32
      %dma_start3A_140 = tpu.memref_slice %arg2[%add3A_138, %dma_start3A_139] : memref<2560x128xi32, #tpu.memory_space<hbm>> -> memref<1x128xi32, #tpu.memory_space<hbm>>
      %dma_start3A_141 = tpu.memref_squeeze %dma_start3A_140 : memref<1x128xi32, #tpu.memory_space<hbm>> -> memref<128xi32, #tpu.memory_space<hbm>>
      %dma_start3A_142 = arith.constant 0 : i32
      %dma_start3A_143 = tpu.memref_slice %arg2[%add3A_138, %dma_start3A_142] : memref<2560x128xi32, #tpu.memory_space<hbm>> -> memref<1x128xi32, #tpu.memory_space<hbm>>
      %dma_start3A_144 = tpu.memref_squeeze %dma_start3A_143 : memref<1x128xi32, #tpu.memory_space<hbm>> -> memref<128xi32, #tpu.memory_space<hbm>>
      tpu.enqueue_dma source(%dma_start3A_144 : memref<128xi32, #tpu.memory_space<hbm>>) target(%arg4 : memref<128xi32, #tpu.memory_space<vmem>>) target_semaphore(%arg10 : memref<!tpu.dma_semaphore, #tpu.memory_space<semaphore_mem>>)
      %dma_wait3A_145 = arith.constant 0 : i32
      %dma_wait3A_146 = arith.constant 0 : i32
      %dma_wait3A_147 = tpu.memref_slice %arg2[%dma_wait3A_145, %dma_wait3A_146] : memref<2560x128xi32, #tpu.memory_space<hbm>> -> memref<1x128xi32, #tpu.memory_space<hbm>>
      %dma_wait3A_148 = tpu.memref_squeeze %dma_wait3A_147 : memref<1x128xi32, #tpu.memory_space<hbm>> -> memref<128xi32, #tpu.memory_space<hbm>>
      %dma_wait3A_149 = arith.constant 0 : i32
      %dma_wait3A_150 = tpu.memref_slice %arg2[%dma_wait3A_145, %dma_wait3A_149] : memref<2560x128xi32, #tpu.memory_space<hbm>> -> memref<1x128xi32, #tpu.memory_space<hbm>>
      %dma_wait3A_151 = tpu.memref_squeeze %dma_wait3A_150 : memref<1x128xi32, #tpu.memory_space<hbm>> -> memref<128xi32, #tpu.memory_space<hbm>>
      tpu.wait_dma2 semaphore(%arg11 : memref<!tpu.dma_semaphore, #tpu.memory_space<semaphore_mem>>) src(%dma_wait3A_151 : memref<128xi32, #tpu.memory_space<hbm>>) dst(%arg5 : memref<128xi32, #tpu.memory_space<vmem>>)
      "tpu.region"() ({
        %run_scoped3A = tpu.sem_alloc : memref<!tpu.dma_semaphore, #tpu.memory_space<semaphore_mem>>
        %dma_start3A_189 = arith.constant 0 : i32
        %dma_start3A_190 = arith.constant 0 : i32
        %dma_start3A_191 = tpu.memref_slice %arg9[%dma_start3A_189, %dma_start3A_190] : memref<10240x16xf32, #tpu.memory_space<vmem_shared>> -> memref<10240x16xf32, #tpu.memory_space<vmem_shared>>
        tpu.enqueue_indirect_dma source(%arg8 : memref<128x16xf32, #tpu.memory_space<vmem>>) target(%dma_start3A_191 : memref<10240x16xf32, #tpu.memory_space<vmem_shared>>) offsets(%arg5 : memref<128xi32, #tpu.memory_space<vmem>>) semaphore(%run_scoped3A : memref<!tpu.dma_semaphore, #tpu.memory_space<semaphore_mem>>) {add = true}
        %dma_wait3A_192 = arith.constant 0 : i32
        %dma_wait3A_193 = arith.constant 0 : i32
        %dma_wait3A_194 = tpu.memref_slice %arg9[%dma_wait3A_192, %dma_wait3A_193] : memref<10240x16xf32, #tpu.memory_space<vmem_shared>> -> memref<10240x16xf32, #tpu.memory_space<vmem_shared>>
        tpu.wait_indirect_dma semaphore(%run_scoped3A : memref<!tpu.dma_semaphore, #tpu.memory_space<semaphore_mem>>) src(%arg8 : memref<128x16xf32, #tpu.memory_space<vmem>>) dst(%dma_wait3A_194 : memref<10240x16xf32, #tpu.memory_space<vmem_shared>>)
        tpu.yield
      }) : () -> ()
      %add3A_152 = arith.constant 2 : i32
      %add3A_153 = arith.addi %mul3A_115, %add3A_152 : i32
      %add3A_154 = arith.constant 3 : i32
      %add3A_155 = arith.addi %add3A_153, %add3A_154 : i32
      %add3A_156 = arith.addi %mul3A_2, %add3A_155 : i32
      %dma_start3A_157 = arith.constant 0 : i32
      %dma_start3A_158 = tpu.memref_slice %arg2[%add3A_156, %dma_start3A_157] : memref<2560x128xi32, #tpu.memory_space<hbm>> -> memref<1x128xi32, #tpu.memory_space<hbm>>
      %dma_start3A_159 = tpu.memref_squeeze %dma_start3A_158 : memref<1x128xi32, #tpu.memory_space<hbm>> -> memref<128xi32, #tpu.memory_space<hbm>>
      %dma_start3A_160 = arith.constant 0 : i32
      %dma_start3A_161 = tpu.memref_slice %arg2[%add3A_156, %dma_start3A_160] : memref<2560x128xi32, #tpu.memory_space<hbm>> -> memref<1x128xi32, #tpu.memory_space<hbm>>
      %dma_start3A_162 = tpu.memref_squeeze %dma_start3A_161 : memref<1x128xi32, #tpu.memory_space<hbm>> -> memref<128xi32, #tpu.memory_space<hbm>>
      tpu.enqueue_dma source(%dma_start3A_162 : memref<128xi32, #tpu.memory_space<hbm>>) target(%arg5 : memref<128xi32, #tpu.memory_space<vmem>>) target_semaphore(%arg11 : memref<!tpu.dma_semaphore, #tpu.memory_space<semaphore_mem>>)
      %dma_wait3A_163 = arith.constant 0 : i32
      %dma_wait3A_164 = arith.constant 0 : i32
      %dma_wait3A_165 = tpu.memref_slice %arg2[%dma_wait3A_163, %dma_wait3A_164] : memref<2560x128xi32, #tpu.memory_space<hbm>> -> memref<1x128xi32, #tpu.memory_space<hbm>>
      %dma_wait3A_166 = tpu.memref_squeeze %dma_wait3A_165 : memref<1x128xi32, #tpu.memory_space<hbm>> -> memref<128xi32, #tpu.memory_space<hbm>>
      %dma_wait3A_167 = arith.constant 0 : i32
      %dma_wait3A_168 = tpu.memref_slice %arg2[%dma_wait3A_163, %dma_wait3A_167] : memref<2560x128xi32, #tpu.memory_space<hbm>> -> memref<1x128xi32, #tpu.memory_space<hbm>>
      %dma_wait3A_169 = tpu.memref_squeeze %dma_wait3A_168 : memref<1x128xi32, #tpu.memory_space<hbm>> -> memref<128xi32, #tpu.memory_space<hbm>>
      tpu.wait_dma2 semaphore(%arg12 : memref<!tpu.dma_semaphore, #tpu.memory_space<semaphore_mem>>) src(%dma_wait3A_169 : memref<128xi32, #tpu.memory_space<hbm>>) dst(%arg6 : memref<128xi32, #tpu.memory_space<vmem>>)
      "tpu.region"() ({
        %run_scoped3A = tpu.sem_alloc : memref<!tpu.dma_semaphore, #tpu.memory_space<semaphore_mem>>
        %dma_start3A_189 = arith.constant 0 : i32
        %dma_start3A_190 = arith.constant 0 : i32
        %dma_start3A_191 = tpu.memref_slice %arg9[%dma_start3A_189, %dma_start3A_190] : memref<10240x16xf32, #tpu.memory_space<vmem_shared>> -> memref<10240x16xf32, #tpu.memory_space<vmem_shared>>
        tpu.enqueue_indirect_dma source(%arg8 : memref<128x16xf32, #tpu.memory_space<vmem>>) target(%dma_start3A_191 : memref<10240x16xf32, #tpu.memory_space<vmem_shared>>) offsets(%arg6 : memref<128xi32, #tpu.memory_space<vmem>>) semaphore(%run_scoped3A : memref<!tpu.dma_semaphore, #tpu.memory_space<semaphore_mem>>) {add = true}
        %dma_wait3A_192 = arith.constant 0 : i32
        %dma_wait3A_193 = arith.constant 0 : i32
        %dma_wait3A_194 = tpu.memref_slice %arg9[%dma_wait3A_192, %dma_wait3A_193] : memref<10240x16xf32, #tpu.memory_space<vmem_shared>> -> memref<10240x16xf32, #tpu.memory_space<vmem_shared>>
        tpu.wait_indirect_dma semaphore(%run_scoped3A : memref<!tpu.dma_semaphore, #tpu.memory_space<semaphore_mem>>) src(%arg8 : memref<128x16xf32, #tpu.memory_space<vmem>>) dst(%dma_wait3A_194 : memref<10240x16xf32, #tpu.memory_space<vmem_shared>>)
        tpu.yield
      }) : () -> ()
      %add3A_170 = arith.constant 3 : i32
      %add3A_171 = arith.addi %mul3A_115, %add3A_170 : i32
      %add3A_172 = arith.constant 3 : i32
      %add3A_173 = arith.addi %add3A_171, %add3A_172 : i32
      %add3A_174 = arith.addi %mul3A_2, %add3A_173 : i32
      %dma_start3A_175 = arith.constant 0 : i32
      %dma_start3A_176 = tpu.memref_slice %arg2[%add3A_174, %dma_start3A_175] : memref<2560x128xi32, #tpu.memory_space<hbm>> -> memref<1x128xi32, #tpu.memory_space<hbm>>
      %dma_start3A_177 = tpu.memref_squeeze %dma_start3A_176 : memref<1x128xi32, #tpu.memory_space<hbm>> -> memref<128xi32, #tpu.memory_space<hbm>>
      %dma_start3A_178 = arith.constant 0 : i32
      %dma_start3A_179 = tpu.memref_slice %arg2[%add3A_174, %dma_start3A_178] : memref<2560x128xi32, #tpu.memory_space<hbm>> -> memref<1x128xi32, #tpu.memory_space<hbm>>
      %dma_start3A_180 = tpu.memref_squeeze %dma_start3A_179 : memref<1x128xi32, #tpu.memory_space<hbm>> -> memref<128xi32, #tpu.memory_space<hbm>>
      tpu.enqueue_dma source(%dma_start3A_180 : memref<128xi32, #tpu.memory_space<hbm>>) target(%arg6 : memref<128xi32, #tpu.memory_space<vmem>>) target_semaphore(%arg12 : memref<!tpu.dma_semaphore, #tpu.memory_space<semaphore_mem>>)
      %dma_wait3A_181 = arith.constant 0 : i32
      %dma_wait3A_182 = arith.constant 0 : i32
      %dma_wait3A_183 = tpu.memref_slice %arg2[%dma_wait3A_181, %dma_wait3A_182] : memref<2560x128xi32, #tpu.memory_space<hbm>> -> memref<1x128xi32, #tpu.memory_space<hbm>>
      %dma_wait3A_184 = tpu.memref_squeeze %dma_wait3A_183 : memref<1x128xi32, #tpu.memory_space<hbm>> -> memref<128xi32, #tpu.memory_space<hbm>>
      %dma_wait3A_185 = arith.constant 0 : i32
      %dma_wait3A_186 = tpu.memref_slice %arg2[%dma_wait3A_181, %dma_wait3A_185] : memref<2560x128xi32, #tpu.memory_space<hbm>> -> memref<1x128xi32, #tpu.memory_space<hbm>>
      %dma_wait3A_187 = tpu.memref_squeeze %dma_wait3A_186 : memref<1x128xi32, #tpu.memory_space<hbm>> -> memref<128xi32, #tpu.memory_space<hbm>>
      tpu.wait_dma2 semaphore(%arg13 : memref<!tpu.dma_semaphore, #tpu.memory_space<semaphore_mem>>) src(%dma_wait3A_187 : memref<128xi32, #tpu.memory_space<hbm>>) dst(%arg7 : memref<128xi32, #tpu.memory_space<vmem>>)
      "tpu.region"() ({
        %run_scoped3A = tpu.sem_alloc : memref<!tpu.dma_semaphore, #tpu.memory_space<semaphore_mem>>
        %dma_start3A_189 = arith.constant 0 : i32
        %dma_start3A_190 = arith.constant 0 : i32
        %dma_start3A_191 = tpu.memref_slice %arg9[%dma_start3A_189, %dma_start3A_190] : memref<10240x16xf32, #tpu.memory_space<vmem_shared>> -> memref<10240x16xf32, #tpu.memory_space<vmem_shared>>
        tpu.enqueue_indirect_dma source(%arg8 : memref<128x16xf32, #tpu.memory_space<vmem>>) target(%dma_start3A_191 : memref<10240x16xf32, #tpu.memory_space<vmem_shared>>) offsets(%arg7 : memref<128xi32, #tpu.memory_space<vmem>>) semaphore(%run_scoped3A : memref<!tpu.dma_semaphore, #tpu.memory_space<semaphore_mem>>) {add = true}
        %dma_wait3A_192 = arith.constant 0 : i32
        %dma_wait3A_193 = arith.constant 0 : i32
        %dma_wait3A_194 = tpu.memref_slice %arg9[%dma_wait3A_192, %dma_wait3A_193] : memref<10240x16xf32, #tpu.memory_space<vmem_shared>> -> memref<10240x16xf32, #tpu.memory_space<vmem_shared>>
        tpu.wait_indirect_dma semaphore(%run_scoped3A : memref<!tpu.dma_semaphore, #tpu.memory_space<semaphore_mem>>) src(%arg8 : memref<128x16xf32, #tpu.memory_space<vmem>>) dst(%dma_wait3A_194 : memref<10240x16xf32, #tpu.memory_space<vmem_shared>>)
        tpu.yield
      }) : () -> ()
      %scan3A_188 = arith.constant 0 : i32
      scf.yield %scan3A_188 : i32
    }
    %scan3A_71 = arith.constant 19 : i32
    %add3A_72 = arith.constant 79 : i32
    %add3A_73 = arith.addi %mul3A_2, %add3A_72 : i32
    %dma_start3A_74 = arith.constant 0 : i32
    %dma_start3A_75 = tpu.memref_slice %arg2[%add3A_73, %dma_start3A_74] : memref<2560x128xi32, #tpu.memory_space<hbm>> -> memref<1x128xi32, #tpu.memory_space<hbm>>
    %dma_start3A_76 = tpu.memref_squeeze %dma_start3A_75 : memref<1x128xi32, #tpu.memory_space<hbm>> -> memref<128xi32, #tpu.memory_space<hbm>>
    %dma_start3A_77 = arith.constant 0 : i32
    %dma_start3A_78 = tpu.memref_slice %arg2[%add3A_73, %dma_start3A_77] : memref<2560x128xi32, #tpu.memory_space<hbm>> -> memref<1x128xi32, #tpu.memory_space<hbm>>
    %dma_start3A_79 = tpu.memref_squeeze %dma_start3A_78 : memref<1x128xi32, #tpu.memory_space<hbm>> -> memref<128xi32, #tpu.memory_space<hbm>>
    tpu.enqueue_dma source(%dma_start3A_79 : memref<128xi32, #tpu.memory_space<hbm>>) target(%arg7 : memref<128xi32, #tpu.memory_space<vmem>>) target_semaphore(%arg13 : memref<!tpu.dma_semaphore, #tpu.memory_space<semaphore_mem>>)
    %dma_wait3A = arith.constant 0 : i32
    %dma_wait3A_80 = arith.constant 0 : i32
    %dma_wait3A_81 = tpu.memref_slice %arg2[%dma_wait3A, %dma_wait3A_80] : memref<2560x128xi32, #tpu.memory_space<hbm>> -> memref<1x128xi32, #tpu.memory_space<hbm>>
    %dma_wait3A_82 = tpu.memref_squeeze %dma_wait3A_81 : memref<1x128xi32, #tpu.memory_space<hbm>> -> memref<128xi32, #tpu.memory_space<hbm>>
    %dma_wait3A_83 = arith.constant 0 : i32
    %dma_wait3A_84 = tpu.memref_slice %arg2[%dma_wait3A, %dma_wait3A_83] : memref<2560x128xi32, #tpu.memory_space<hbm>> -> memref<1x128xi32, #tpu.memory_space<hbm>>
    %dma_wait3A_85 = tpu.memref_squeeze %dma_wait3A_84 : memref<1x128xi32, #tpu.memory_space<hbm>> -> memref<128xi32, #tpu.memory_space<hbm>>
    tpu.wait_dma2 semaphore(%arg10 : memref<!tpu.dma_semaphore, #tpu.memory_space<semaphore_mem>>) src(%dma_wait3A_85 : memref<128xi32, #tpu.memory_space<hbm>>) dst(%arg4 : memref<128xi32, #tpu.memory_space<vmem>>)
    "tpu.region"() ({
      %run_scoped3A = tpu.sem_alloc : memref<!tpu.dma_semaphore, #tpu.memory_space<semaphore_mem>>
      %dma_start3A_112 = arith.constant 0 : i32
      %dma_start3A_113 = arith.constant 0 : i32
      %dma_start3A_114 = tpu.memref_slice %arg9[%dma_start3A_112, %dma_start3A_113] : memref<10240x16xf32, #tpu.memory_space<vmem_shared>> -> memref<10240x16xf32, #tpu.memory_space<vmem_shared>>
      tpu.enqueue_indirect_dma source(%arg8 : memref<128x16xf32, #tpu.memory_space<vmem>>) target(%dma_start3A_114 : memref<10240x16xf32, #tpu.memory_space<vmem_shared>>) offsets(%arg4 : memref<128xi32, #tpu.memory_space<vmem>>) semaphore(%run_scoped3A : memref<!tpu.dma_semaphore, #tpu.memory_space<semaphore_mem>>) {add = true}
      %dma_wait3A_115 = arith.constant 0 : i32
      %dma_wait3A_116 = arith.constant 0 : i32
      %dma_wait3A_117 = tpu.memref_slice %arg9[%dma_wait3A_115, %dma_wait3A_116] : memref<10240x16xf32, #tpu.memory_space<vmem_shared>> -> memref<10240x16xf32, #tpu.memory_space<vmem_shared>>
      tpu.wait_indirect_dma semaphore(%run_scoped3A : memref<!tpu.dma_semaphore, #tpu.memory_space<semaphore_mem>>) src(%arg8 : memref<128x16xf32, #tpu.memory_space<vmem>>) dst(%dma_wait3A_117 : memref<10240x16xf32, #tpu.memory_space<vmem_shared>>)
      tpu.yield
    }) : () -> ()
    %dma_wait3A_86 = arith.constant 0 : i32
    %dma_wait3A_87 = arith.constant 0 : i32
    %dma_wait3A_88 = tpu.memref_slice %arg2[%dma_wait3A_86, %dma_wait3A_87] : memref<2560x128xi32, #tpu.memory_space<hbm>> -> memref<1x128xi32, #tpu.memory_space<hbm>>
    %dma_wait3A_89 = tpu.memref_squeeze %dma_wait3A_88 : memref<1x128xi32, #tpu.memory_space<hbm>> -> memref<128xi32, #tpu.memory_space<hbm>>
    %dma_wait3A_90 = arith.constant 0 : i32
    %dma_wait3A_91 = tpu.memref_slice %arg2[%dma_wait3A_86, %dma_wait3A_90] : memref<2560x128xi32, #tpu.memory_space<hbm>> -> memref<1x128xi32, #tpu.memory_space<hbm>>
    %dma_wait3A_92 = tpu.memref_squeeze %dma_wait3A_91 : memref<1x128xi32, #tpu.memory_space<hbm>> -> memref<128xi32, #tpu.memory_space<hbm>>
    tpu.wait_dma2 semaphore(%arg11 : memref<!tpu.dma_semaphore, #tpu.memory_space<semaphore_mem>>) src(%dma_wait3A_92 : memref<128xi32, #tpu.memory_space<hbm>>) dst(%arg5 : memref<128xi32, #tpu.memory_space<vmem>>)
    "tpu.region"() ({
      %run_scoped3A = tpu.sem_alloc : memref<!tpu.dma_semaphore, #tpu.memory_space<semaphore_mem>>
      %dma_start3A_112 = arith.constant 0 : i32
      %dma_start3A_113 = arith.constant 0 : i32
      %dma_start3A_114 = tpu.memref_slice %arg9[%dma_start3A_112, %dma_start3A_113] : memref<10240x16xf32, #tpu.memory_space<vmem_shared>> -> memref<10240x16xf32, #tpu.memory_space<vmem_shared>>
      tpu.enqueue_indirect_dma source(%arg8 : memref<128x16xf32, #tpu.memory_space<vmem>>) target(%dma_start3A_114 : memref<10240x16xf32, #tpu.memory_space<vmem_shared>>) offsets(%arg5 : memref<128xi32, #tpu.memory_space<vmem>>) semaphore(%run_scoped3A : memref<!tpu.dma_semaphore, #tpu.memory_space<semaphore_mem>>) {add = true}
      %dma_wait3A_115 = arith.constant 0 : i32
      %dma_wait3A_116 = arith.constant 0 : i32
      %dma_wait3A_117 = tpu.memref_slice %arg9[%dma_wait3A_115, %dma_wait3A_116] : memref<10240x16xf32, #tpu.memory_space<vmem_shared>> -> memref<10240x16xf32, #tpu.memory_space<vmem_shared>>
      tpu.wait_indirect_dma semaphore(%run_scoped3A : memref<!tpu.dma_semaphore, #tpu.memory_space<semaphore_mem>>) src(%arg8 : memref<128x16xf32, #tpu.memory_space<vmem>>) dst(%dma_wait3A_117 : memref<10240x16xf32, #tpu.memory_space<vmem_shared>>)
      tpu.yield
    }) : () -> ()
    %dma_wait3A_93 = arith.constant 0 : i32
    %dma_wait3A_94 = arith.constant 0 : i32
    %dma_wait3A_95 = tpu.memref_slice %arg2[%dma_wait3A_93, %dma_wait3A_94] : memref<2560x128xi32, #tpu.memory_space<hbm>> -> memref<1x128xi32, #tpu.memory_space<hbm>>
    %dma_wait3A_96 = tpu.memref_squeeze %dma_wait3A_95 : memref<1x128xi32, #tpu.memory_space<hbm>> -> memref<128xi32, #tpu.memory_space<hbm>>
    %dma_wait3A_97 = arith.constant 0 : i32
    %dma_wait3A_98 = tpu.memref_slice %arg2[%dma_wait3A_93, %dma_wait3A_97] : memref<2560x128xi32, #tpu.memory_space<hbm>> -> memref<1x128xi32, #tpu.memory_space<hbm>>
    %dma_wait3A_99 = tpu.memref_squeeze %dma_wait3A_98 : memref<1x128xi32, #tpu.memory_space<hbm>> -> memref<128xi32, #tpu.memory_space<hbm>>
    tpu.wait_dma2 semaphore(%arg12 : memref<!tpu.dma_semaphore, #tpu.memory_space<semaphore_mem>>) src(%dma_wait3A_99 : memref<128xi32, #tpu.memory_space<hbm>>) dst(%arg6 : memref<128xi32, #tpu.memory_space<vmem>>)
    "tpu.region"() ({
      %run_scoped3A = tpu.sem_alloc : memref<!tpu.dma_semaphore, #tpu.memory_space<semaphore_mem>>
      %dma_start3A_112 = arith.constant 0 : i32
      %dma_start3A_113 = arith.constant 0 : i32
      %dma_start3A_114 = tpu.memref_slice %arg9[%dma_start3A_112, %dma_start3A_113] : memref<10240x16xf32, #tpu.memory_space<vmem_shared>> -> memref<10240x16xf32, #tpu.memory_space<vmem_shared>>
      tpu.enqueue_indirect_dma source(%arg8 : memref<128x16xf32, #tpu.memory_space<vmem>>) target(%dma_start3A_114 : memref<10240x16xf32, #tpu.memory_space<vmem_shared>>) offsets(%arg6 : memref<128xi32, #tpu.memory_space<vmem>>) semaphore(%run_scoped3A : memref<!tpu.dma_semaphore, #tpu.memory_space<semaphore_mem>>) {add = true}
      %dma_wait3A_115 = arith.constant 0 : i32
      %dma_wait3A_116 = arith.constant 0 : i32
      %dma_wait3A_117 = tpu.memref_slice %arg9[%dma_wait3A_115, %dma_wait3A_116] : memref<10240x16xf32, #tpu.memory_space<vmem_shared>> -> memref<10240x16xf32, #tpu.memory_space<vmem_shared>>
      tpu.wait_indirect_dma semaphore(%run_scoped3A : memref<!tpu.dma_semaphore, #tpu.memory_space<semaphore_mem>>) src(%arg8 : memref<128x16xf32, #tpu.memory_space<vmem>>) dst(%dma_wait3A_117 : memref<10240x16xf32, #tpu.memory_space<vmem_shared>>)
      tpu.yield
    }) : () -> ()
    %dma_wait3A_100 = arith.constant 0 : i32
    %dma_wait3A_101 = arith.constant 0 : i32
    %dma_wait3A_102 = tpu.memref_slice %arg2[%dma_wait3A_100, %dma_wait3A_101] : memref<2560x128xi32, #tpu.memory_space<hbm>> -> memref<1x128xi32, #tpu.memory_space<hbm>>
    %dma_wait3A_103 = tpu.memref_squeeze %dma_wait3A_102 : memref<1x128xi32, #tpu.memory_space<hbm>> -> memref<128xi32, #tpu.memory_space<hbm>>
    %dma_wait3A_104 = arith.constant 0 : i32
    %dma_wait3A_105 = tpu.memref_slice %arg2[%dma_wait3A_100, %dma_wait3A_104] : memref<2560x128xi32, #tpu.memory_space<hbm>> -> memref<1x128xi32, #tpu.memory_space<hbm>>
    %dma_wait3A_106 = tpu.memref_squeeze %dma_wait3A_105 : memref<1x128xi32, #tpu.memory_space<hbm>> -> memref<128xi32, #tpu.memory_space<hbm>>
    tpu.wait_dma2 semaphore(%arg13 : memref<!tpu.dma_semaphore, #tpu.memory_space<semaphore_mem>>) src(%dma_wait3A_106 : memref<128xi32, #tpu.memory_space<hbm>>) dst(%arg7 : memref<128xi32, #tpu.memory_space<vmem>>)
    "tpu.region"() ({
      %run_scoped3A = tpu.sem_alloc : memref<!tpu.dma_semaphore, #tpu.memory_space<semaphore_mem>>
      %dma_start3A_112 = arith.constant 0 : i32
      %dma_start3A_113 = arith.constant 0 : i32
      %dma_start3A_114 = tpu.memref_slice %arg9[%dma_start3A_112, %dma_start3A_113] : memref<10240x16xf32, #tpu.memory_space<vmem_shared>> -> memref<10240x16xf32, #tpu.memory_space<vmem_shared>>
      tpu.enqueue_indirect_dma source(%arg8 : memref<128x16xf32, #tpu.memory_space<vmem>>) target(%dma_start3A_114 : memref<10240x16xf32, #tpu.memory_space<vmem_shared>>) offsets(%arg7 : memref<128xi32, #tpu.memory_space<vmem>>) semaphore(%run_scoped3A : memref<!tpu.dma_semaphore, #tpu.memory_space<semaphore_mem>>) {add = true}
      %dma_wait3A_115 = arith.constant 0 : i32
      %dma_wait3A_116 = arith.constant 0 : i32
      %dma_wait3A_117 = tpu.memref_slice %arg9[%dma_wait3A_115, %dma_wait3A_116] : memref<10240x16xf32, #tpu.memory_space<vmem_shared>> -> memref<10240x16xf32, #tpu.memory_space<vmem_shared>>
      tpu.wait_indirect_dma semaphore(%run_scoped3A : memref<!tpu.dma_semaphore, #tpu.memory_space<semaphore_mem>>) src(%arg8 : memref<128x16xf32, #tpu.memory_space<vmem>>) dst(%dma_wait3A_117 : memref<10240x16xf32, #tpu.memory_space<vmem_shared>>)
      tpu.yield
    }) : () -> ()
    %barrier3A_107 = arith.constant 0 : index
    tpu.barrier barrier_id(%barrier3A_107)
    %mul3A_108 = arith.constant 640 : i32
    %mul3A_109 = arith.muli %arg1, %mul3A_108 : i32
    %mul3A_110 = arith.constant 640 : i32
    %mul3A_111 = arith.muli %arg1, %mul3A_110 : i32
    "tpu.region"() ({
      %run_scoped3A = tpu.sem_alloc : memref<!tpu.dma_semaphore, #tpu.memory_space<semaphore_mem>>
      %dma_start3A_112 = arith.constant 0 : i32
      %dma_start3A_113 = tpu.memref_slice %arg3[%arg0, %mul3A_111, %dma_start3A_112] : memref<2x10240x16xf32, #tpu.memory_space<hbm>> -> memref<1x640x16xf32, #tpu.memory_space<hbm>>
      %dma_start3A_114 = tpu.memref_squeeze %dma_start3A_113 : memref<1x640x16xf32, #tpu.memory_space<hbm>> -> memref<640x16xf32, #tpu.memory_space<hbm>>
      %dma_start3A_115 = arith.constant 0 : i32
      %dma_start3A_116 = tpu.memref_slice %arg9[%mul3A_109, %dma_start3A_115] : memref<10240x16xf32, #tpu.memory_space<vmem_shared>> -> memref<640x16xf32, #tpu.memory_space<vmem_shared>>
      tpu.enqueue_dma source(%dma_start3A_116 : memref<640x16xf32, #tpu.memory_space<vmem_shared>>) target(%dma_start3A_114 : memref<640x16xf32, #tpu.memory_space<hbm>>) target_semaphore(%run_scoped3A : memref<!tpu.dma_semaphore, #tpu.memory_space<semaphore_mem>>)
      %dma_wait3A_117 = arith.constant 0 : i32
      %dma_wait3A_118 = tpu.memref_slice %arg3[%arg0, %mul3A_111, %dma_wait3A_117] : memref<2x10240x16xf32, #tpu.memory_space<hbm>> -> memref<1x640x16xf32, #tpu.memory_space<hbm>>
      %dma_wait3A_119 = tpu.memref_squeeze %dma_wait3A_118 : memref<1x640x16xf32, #tpu.memory_space<hbm>> -> memref<640x16xf32, #tpu.memory_space<hbm>>
      %dma_wait3A_120 = arith.constant 0 : i32
      %dma_wait3A_121 = tpu.memref_slice %arg9[%mul3A_109, %dma_wait3A_120] : memref<10240x16xf32, #tpu.memory_space<vmem_shared>> -> memref<640x16xf32, #tpu.memory_space<vmem_shared>>
      tpu.wait_dma2 semaphore(%run_scoped3A : memref<!tpu.dma_semaphore, #tpu.memory_space<semaphore_mem>>) src(%dma_wait3A_121 : memref<640x16xf32, #tpu.memory_space<vmem_shared>>) dst(%dma_wait3A_119 : memref<640x16xf32, #tpu.memory_space<hbm>>)
      tpu.yield
    }) : () -> ()
    return
  }
}

#map = affine_map<(d0, d1) -> (0, 0)>
#map1 = affine_map<(d0, d1) -> (0, 0, 0)>
module attributes {stable_mosaic.version = 14 : i64} {
  func.func @agg_kernel(%arg0: i32, %arg1: i32, %arg2: memref<10240x128xf32, #tpu.memory_space<hbm>>, %arg3: memref<2688x120xi32, #tpu.memory_space<hbm>>, %arg4: memref<2688x120xi32, #tpu.memory_space<hbm>>, %arg5: memref<2x10240x128xf32, #tpu.memory_space<hbm>>, %arg6: memref<120xi32, #tpu.memory_space<vmem>>, %arg7: memref<120xi32, #tpu.memory_space<vmem>>, %arg8: memref<120xi32, #tpu.memory_space<vmem>>, %arg9: memref<120xi32, #tpu.memory_space<vmem>>, %arg10: memref<120xi32, #tpu.memory_space<vmem>>, %arg11: memref<120xi32, #tpu.memory_space<vmem>>, %arg12: memref<120xi32, #tpu.memory_space<vmem>>, %arg13: memref<120xi32, #tpu.memory_space<vmem>>, %arg14: memref<120xi32, #tpu.memory_space<vmem>>, %arg15: memref<120xi32, #tpu.memory_space<vmem>>, %arg16: memref<120xi32, #tpu.memory_space<vmem>>, %arg17: memref<120xi32, #tpu.memory_space<vmem>>, %arg18: memref<120x128xf32, #tpu.memory_space<vmem>>, %arg19: memref<120x128xf32, #tpu.memory_space<vmem>>, %arg20: memref<120x128xf32, #tpu.memory_space<vmem>>, %arg21: memref<10240x128xf32, #tpu.memory_space<vmem_shared>>, %arg22: memref<!tpu.dma_semaphore, #tpu.memory_space<semaphore_mem>>, %arg23: memref<!tpu.dma_semaphore, #tpu.memory_space<semaphore_mem>>, %arg24: memref<!tpu.dma_semaphore, #tpu.memory_space<semaphore_mem>>, %arg25: memref<!tpu.dma_semaphore, #tpu.memory_space<semaphore_mem>>, %arg26: memref<!tpu.dma_semaphore, #tpu.memory_space<semaphore_mem>>, %arg27: memref<!tpu.dma_semaphore, #tpu.memory_space<semaphore_mem>>, %arg28: memref<!tpu.dma_semaphore, #tpu.memory_space<semaphore_mem>>, %arg29: memref<!tpu.dma_semaphore, #tpu.memory_space<semaphore_mem>>, %arg30: memref<!tpu.dma_semaphore, #tpu.memory_space<semaphore_mem>>, %arg31: memref<!tpu.dma_semaphore, #tpu.memory_space<semaphore_mem>>, %arg32: memref<!tpu.dma_semaphore, #tpu.memory_space<semaphore_mem>>, %arg33: memref<!tpu.dma_semaphore, #tpu.memory_space<semaphore_mem>>) attributes {dimension_semantics = [#tpu.dimension_semantics<core_parallel>, #tpu.dimension_semantics<subcore_parallel>], iteration_bounds = array<i64: 2, 16>, scalar_prefetch = 0 : i64, scratch_operands = 28 : i64, tpu.core_type = #tpu.core_type<sc_vector_subcore>, window_params = [{transform_indices = #map}, {transform_indices = #map}, {transform_indices = #map}, {transform_indices = #map1}]} {
    %mul3A = arith.constant 2 : i32
    %mul3A_0 = arith.muli %arg1, %mul3A : i32
    %add3A = arith.addi %mul3A_0, %arg0 : i32
    %mul3A_1 = arith.constant 84 : i32
    %mul3A_2 = arith.muli %add3A, %mul3A_1 : i32
    %broadcast_in_dim3A = arith.constant 0.000000e+00 : f32
    %broadcast_in_dim3A_3 = vector.broadcast %broadcast_in_dim3A : f32 to vector<16xf32>
    %scan3A = arith.constant 0 : i32
    %scan3A_4 = arith.constant 0 : i32
    %scan3A_5 = arith.constant 120 : i32
    %scan3A_6 = arith.addi %scan3A_4, %scan3A_5 : i32
    %scan3A_7 = arith.constant 1 : i32
    %scan3A_8 = scf.for %scan3A_476 = %scan3A_4 to %scan3A_6 step %scan3A_7 iter_args(%scan3A_477 = %scan3A) -> (i32)  : i32 {
      %swap3A = arith.index_cast %scan3A_476 : i32 to index
      %swap3A_478 = arith.constant 0 : index
      %swap3A_479 = tpu.vector_load %arg18[%swap3A, %swap3A_478] {strides = array<i32>} : memref<120x128xf32, #tpu.memory_space<vmem>>, vector<1x16xf32>,
      %swap3A_480 = vector.shape_cast %swap3A_479 : vector<1x16xf32> to vector<16xf32>
      %swap3A_481 = vector.shape_cast %broadcast_in_dim3A_3 : vector<16xf32> to vector<1x16xf32>
      tpu.vector_store %arg18[%swap3A, %swap3A_478], %swap3A_481 {strides = array<i32>} : memref<120x128xf32, #tpu.memory_space<vmem>>, vector<1x16xf32>,
      %swap3A_482 = arith.index_cast %scan3A_476 : i32 to index
      %swap3A_483 = arith.constant 16 : index
      %swap3A_484 = tpu.vector_load %arg18[%swap3A_482, %swap3A_483] {strides = array<i32>} : memref<120x128xf32, #tpu.memory_space<vmem>>, vector<1x16xf32>,
      %swap3A_485 = vector.shape_cast %swap3A_484 : vector<1x16xf32> to vector<16xf32>
      %swap3A_486 = vector.shape_cast %broadcast_in_dim3A_3 : vector<16xf32> to vector<1x16xf32>
      tpu.vector_store %arg18[%swap3A_482, %swap3A_483], %swap3A_486 {strides = array<i32>} : memref<120x128xf32, #tpu.memory_space<vmem>>, vector<1x16xf32>,
      %swap3A_487 = arith.index_cast %scan3A_476 : i32 to index
      %swap3A_488 = arith.constant 32 : index
      %swap3A_489 = tpu.vector_load %arg18[%swap3A_487, %swap3A_488] {strides = array<i32>} : memref<120x128xf32, #tpu.memory_space<vmem>>, vector<1x16xf32>,
      %swap3A_490 = vector.shape_cast %swap3A_489 : vector<1x16xf32> to vector<16xf32>
      %swap3A_491 = vector.shape_cast %broadcast_in_dim3A_3 : vector<16xf32> to vector<1x16xf32>
      tpu.vector_store %arg18[%swap3A_487, %swap3A_488], %swap3A_491 {strides = array<i32>} : memref<120x128xf32, #tpu.memory_space<vmem>>, vector<1x16xf32>,
      %swap3A_492 = arith.index_cast %scan3A_476 : i32 to index
      %swap3A_493 = arith.constant 48 : index
      %swap3A_494 = tpu.vector_load %arg18[%swap3A_492, %swap3A_493] {strides = array<i32>} : memref<120x128xf32, #tpu.memory_space<vmem>>, vector<1x16xf32>,
      %swap3A_495 = vector.shape_cast %swap3A_494 : vector<1x16xf32> to vector<16xf32>
      %swap3A_496 = vector.shape_cast %broadcast_in_dim3A_3 : vector<16xf32> to vector<1x16xf32>
      tpu.vector_store %arg18[%swap3A_492, %swap3A_493], %swap3A_496 {strides = array<i32>} : memref<120x128xf32, #tpu.memory_space<vmem>>, vector<1x16xf32>,
      %swap3A_497 = arith.index_cast %scan3A_476 : i32 to index
      %swap3A_498 = arith.constant 64 : index
      %swap3A_499 = tpu.vector_load %arg18[%swap3A_497, %swap3A_498] {strides = array<i32>} : memref<120x128xf32, #tpu.memory_space<vmem>>, vector<1x16xf32>,
      %swap3A_500 = vector.shape_cast %swap3A_499 : vector<1x16xf32> to vector<16xf32>
      %swap3A_501 = vector.shape_cast %broadcast_in_dim3A_3 : vector<16xf32> to vector<1x16xf32>
      tpu.vector_store %arg18[%swap3A_497, %swap3A_498], %swap3A_501 {strides = array<i32>} : memref<120x128xf32, #tpu.memory_space<vmem>>, vector<1x16xf32>,
      %swap3A_502 = arith.index_cast %scan3A_476 : i32 to index
      %swap3A_503 = arith.constant 80 : index
      %swap3A_504 = tpu.vector_load %arg18[%swap3A_502, %swap3A_503] {strides = array<i32>} : memref<120x128xf32, #tpu.memory_space<vmem>>, vector<1x16xf32>,
      %swap3A_505 = vector.shape_cast %swap3A_504 : vector<1x16xf32> to vector<16xf32>
      %swap3A_506 = vector.shape_cast %broadcast_in_dim3A_3 : vector<16xf32> to vector<1x16xf32>
      tpu.vector_store %arg18[%swap3A_502, %swap3A_503], %swap3A_506 {strides = array<i32>} : memref<120x128xf32, #tpu.memory_space<vmem>>, vector<1x16xf32>,
      %swap3A_507 = arith.index_cast %scan3A_476 : i32 to index
      %swap3A_508 = arith.constant 96 : index
      %swap3A_509 = tpu.vector_load %arg18[%swap3A_507, %swap3A_508] {strides = array<i32>} : memref<120x128xf32, #tpu.memory_space<vmem>>, vector<1x16xf32>,
      %swap3A_510 = vector.shape_cast %swap3A_509 : vector<1x16xf32> to vector<16xf32>
      %swap3A_511 = vector.shape_cast %broadcast_in_dim3A_3 : vector<16xf32> to vector<1x16xf32>
      tpu.vector_store %arg18[%swap3A_507, %swap3A_508], %swap3A_511 {strides = array<i32>} : memref<120x128xf32, #tpu.memory_space<vmem>>, vector<1x16xf32>,
      %swap3A_512 = arith.index_cast %scan3A_476 : i32 to index
      %swap3A_513 = arith.constant 112 : index
      %swap3A_514 = tpu.vector_load %arg18[%swap3A_512, %swap3A_513] {strides = array<i32>} : memref<120x128xf32, #tpu.memory_space<vmem>>, vector<1x16xf32>,
      %swap3A_515 = vector.shape_cast %swap3A_514 : vector<1x16xf32> to vector<16xf32>
      %swap3A_516 = vector.shape_cast %broadcast_in_dim3A_3 : vector<16xf32> to vector<1x16xf32>
      tpu.vector_store %arg18[%swap3A_512, %swap3A_513], %swap3A_516 {strides = array<i32>} : memref<120x128xf32, #tpu.memory_space<vmem>>, vector<1x16xf32>,
      %scan3A_517 = arith.constant 0 : i32
      scf.yield %scan3A_517 : i32
    }
    %scan3A_9 = arith.constant 120 : i32
    %mul3A_10 = arith.constant 640 : i32
    %mul3A_11 = arith.muli %arg1, %mul3A_10 : i32
    %add3A_12 = arith.constant 0 : i32
    %add3A_13 = arith.addi %mul3A_11, %add3A_12 : i32
    "tpu.region"() ({
      %run_scoped3A = tpu.sem_alloc : memref<!tpu.dma_semaphore, #tpu.memory_space<semaphore_mem>>
      %dma_start3A_476 = arith.constant 0 : i32
      %dma_start3A_477 = arith.constant 0 : i32
      %dma_start3A_478 = tpu.memref_slice %arg18[%dma_start3A_476, %dma_start3A_477] : memref<120x128xf32, #tpu.memory_space<vmem>> -> memref<120x128xf32, #tpu.memory_space<vmem>>
      %dma_start3A_479 = arith.constant 0 : i32
      %dma_start3A_480 = tpu.memref_slice %arg21[%add3A_13, %dma_start3A_479] : memref<10240x128xf32, #tpu.memory_space<vmem_shared>> -> memref<120x128xf32, #tpu.memory_space<vmem_shared>>
      %dma_start3A_481 = arith.constant 0 : i32
      %dma_start3A_482 = tpu.memref_slice %arg21[%add3A_13, %dma_start3A_481] : memref<10240x128xf32, #tpu.memory_space<vmem_shared>> -> memref<120x128xf32, #tpu.memory_space<vmem_shared>>
      %dma_start3A_483 = arith.constant 0 : i32
      %dma_start3A_484 = arith.constant 0 : i32
      %dma_start3A_485 = tpu.memref_slice %arg18[%dma_start3A_483, %dma_start3A_484] : memref<120x128xf32, #tpu.memory_space<vmem>> -> memref<120x128xf32, #tpu.memory_space<vmem>>
      tpu.enqueue_dma source(%dma_start3A_485 : memref<120x128xf32, #tpu.memory_space<vmem>>) target(%dma_start3A_482 : memref<120x128xf32, #tpu.memory_space<vmem_shared>>) target_semaphore(%run_scoped3A : memref<!tpu.dma_semaphore, #tpu.memory_space<semaphore_mem>>)
      %dma_wait3A_486 = arith.constant 0 : i32
      %dma_wait3A_487 = arith.constant 0 : i32
      %dma_wait3A_488 = tpu.memref_slice %arg18[%dma_wait3A_486, %dma_wait3A_487] : memref<120x128xf32, #tpu.memory_space<vmem>> -> memref<120x128xf32, #tpu.memory_space<vmem>>
      %dma_wait3A_489 = arith.constant 0 : i32
      %dma_wait3A_490 = tpu.memref_slice %arg21[%add3A_13, %dma_wait3A_489] : memref<10240x128xf32, #tpu.memory_space<vmem_shared>> -> memref<120x128xf32, #tpu.memory_space<vmem_shared>>
      %dma_wait3A_491 = arith.constant 0 : i32
      %dma_wait3A_492 = tpu.memref_slice %arg21[%add3A_13, %dma_wait3A_491] : memref<10240x128xf32, #tpu.memory_space<vmem_shared>> -> memref<120x128xf32, #tpu.memory_space<vmem_shared>>
      %dma_wait3A_493 = arith.constant 0 : i32
      %dma_wait3A_494 = arith.constant 0 : i32
      %dma_wait3A_495 = tpu.memref_slice %arg18[%dma_wait3A_493, %dma_wait3A_494] : memref<120x128xf32, #tpu.memory_space<vmem>> -> memref<120x128xf32, #tpu.memory_space<vmem>>
      tpu.wait_dma2 semaphore(%run_scoped3A : memref<!tpu.dma_semaphore, #tpu.memory_space<semaphore_mem>>) src(%dma_wait3A_495 : memref<120x128xf32, #tpu.memory_space<vmem>>) dst(%dma_wait3A_492 : memref<120x128xf32, #tpu.memory_space<vmem_shared>>)
      tpu.yield
    }) : () -> ()
    %mul3A_14 = arith.constant 640 : i32
    %mul3A_15 = arith.muli %arg1, %mul3A_14 : i32
    %add3A_16 = arith.constant 120 : i32
    %add3A_17 = arith.addi %mul3A_15, %add3A_16 : i32
    "tpu.region"() ({
      %run_scoped3A = tpu.sem_alloc : memref<!tpu.dma_semaphore, #tpu.memory_space<semaphore_mem>>
      %dma_start3A_476 = arith.constant 0 : i32
      %dma_start3A_477 = arith.constant 0 : i32
      %dma_start3A_478 = tpu.memref_slice %arg18[%dma_start3A_476, %dma_start3A_477] : memref<120x128xf32, #tpu.memory_space<vmem>> -> memref<120x128xf32, #tpu.memory_space<vmem>>
      %dma_start3A_479 = arith.constant 0 : i32
      %dma_start3A_480 = tpu.memref_slice %arg21[%add3A_17, %dma_start3A_479] : memref<10240x128xf32, #tpu.memory_space<vmem_shared>> -> memref<120x128xf32, #tpu.memory_space<vmem_shared>>
      %dma_start3A_481 = arith.constant 0 : i32
      %dma_start3A_482 = tpu.memref_slice %arg21[%add3A_17, %dma_start3A_481] : memref<10240x128xf32, #tpu.memory_space<vmem_shared>> -> memref<120x128xf32, #tpu.memory_space<vmem_shared>>
      %dma_start3A_483 = arith.constant 0 : i32
      %dma_start3A_484 = arith.constant 0 : i32
      %dma_start3A_485 = tpu.memref_slice %arg18[%dma_start3A_483, %dma_start3A_484] : memref<120x128xf32, #tpu.memory_space<vmem>> -> memref<120x128xf32, #tpu.memory_space<vmem>>
      tpu.enqueue_dma source(%dma_start3A_485 : memref<120x128xf32, #tpu.memory_space<vmem>>) target(%dma_start3A_482 : memref<120x128xf32, #tpu.memory_space<vmem_shared>>) target_semaphore(%run_scoped3A : memref<!tpu.dma_semaphore, #tpu.memory_space<semaphore_mem>>)
      %dma_wait3A_486 = arith.constant 0 : i32
      %dma_wait3A_487 = arith.constant 0 : i32
      %dma_wait3A_488 = tpu.memref_slice %arg18[%dma_wait3A_486, %dma_wait3A_487] : memref<120x128xf32, #tpu.memory_space<vmem>> -> memref<120x128xf32, #tpu.memory_space<vmem>>
      %dma_wait3A_489 = arith.constant 0 : i32
      %dma_wait3A_490 = tpu.memref_slice %arg21[%add3A_17, %dma_wait3A_489] : memref<10240x128xf32, #tpu.memory_space<vmem_shared>> -> memref<120x128xf32, #tpu.memory_space<vmem_shared>>
      %dma_wait3A_491 = arith.constant 0 : i32
      %dma_wait3A_492 = tpu.memref_slice %arg21[%add3A_17, %dma_wait3A_491] : memref<10240x128xf32, #tpu.memory_space<vmem_shared>> -> memref<120x128xf32, #tpu.memory_space<vmem_shared>>
      %dma_wait3A_493 = arith.constant 0 : i32
      %dma_wait3A_494 = arith.constant 0 : i32
      %dma_wait3A_495 = tpu.memref_slice %arg18[%dma_wait3A_493, %dma_wait3A_494] : memref<120x128xf32, #tpu.memory_space<vmem>> -> memref<120x128xf32, #tpu.memory_space<vmem>>
      tpu.wait_dma2 semaphore(%run_scoped3A : memref<!tpu.dma_semaphore, #tpu.memory_space<semaphore_mem>>) src(%dma_wait3A_495 : memref<120x128xf32, #tpu.memory_space<vmem>>) dst(%dma_wait3A_492 : memref<120x128xf32, #tpu.memory_space<vmem_shared>>)
      tpu.yield
    }) : () -> ()
    %mul3A_18 = arith.constant 640 : i32
    %mul3A_19 = arith.muli %arg1, %mul3A_18 : i32
    %add3A_20 = arith.constant 240 : i32
    %add3A_21 = arith.addi %mul3A_19, %add3A_20 : i32
    "tpu.region"() ({
      %run_scoped3A = tpu.sem_alloc : memref<!tpu.dma_semaphore, #tpu.memory_space<semaphore_mem>>
      %dma_start3A_476 = arith.constant 0 : i32
      %dma_start3A_477 = arith.constant 0 : i32
      %dma_start3A_478 = tpu.memref_slice %arg18[%dma_start3A_476, %dma_start3A_477] : memref<120x128xf32, #tpu.memory_space<vmem>> -> memref<120x128xf32, #tpu.memory_space<vmem>>
      %dma_start3A_479 = arith.constant 0 : i32
      %dma_start3A_480 = tpu.memref_slice %arg21[%add3A_21, %dma_start3A_479] : memref<10240x128xf32, #tpu.memory_space<vmem_shared>> -> memref<120x128xf32, #tpu.memory_space<vmem_shared>>
      %dma_start3A_481 = arith.constant 0 : i32
      %dma_start3A_482 = tpu.memref_slice %arg21[%add3A_21, %dma_start3A_481] : memref<10240x128xf32, #tpu.memory_space<vmem_shared>> -> memref<120x128xf32, #tpu.memory_space<vmem_shared>>
      %dma_start3A_483 = arith.constant 0 : i32
      %dma_start3A_484 = arith.constant 0 : i32
      %dma_start3A_485 = tpu.memref_slice %arg18[%dma_start3A_483, %dma_start3A_484] : memref<120x128xf32, #tpu.memory_space<vmem>> -> memref<120x128xf32, #tpu.memory_space<vmem>>
      tpu.enqueue_dma source(%dma_start3A_485 : memref<120x128xf32, #tpu.memory_space<vmem>>) target(%dma_start3A_482 : memref<120x128xf32, #tpu.memory_space<vmem_shared>>) target_semaphore(%run_scoped3A : memref<!tpu.dma_semaphore, #tpu.memory_space<semaphore_mem>>)
      %dma_wait3A_486 = arith.constant 0 : i32
      %dma_wait3A_487 = arith.constant 0 : i32
      %dma_wait3A_488 = tpu.memref_slice %arg18[%dma_wait3A_486, %dma_wait3A_487] : memref<120x128xf32, #tpu.memory_space<vmem>> -> memref<120x128xf32, #tpu.memory_space<vmem>>
      %dma_wait3A_489 = arith.constant 0 : i32
      %dma_wait3A_490 = tpu.memref_slice %arg21[%add3A_21, %dma_wait3A_489] : memref<10240x128xf32, #tpu.memory_space<vmem_shared>> -> memref<120x128xf32, #tpu.memory_space<vmem_shared>>
      %dma_wait3A_491 = arith.constant 0 : i32
      %dma_wait3A_492 = tpu.memref_slice %arg21[%add3A_21, %dma_wait3A_491] : memref<10240x128xf32, #tpu.memory_space<vmem_shared>> -> memref<120x128xf32, #tpu.memory_space<vmem_shared>>
      %dma_wait3A_493 = arith.constant 0 : i32
      %dma_wait3A_494 = arith.constant 0 : i32
      %dma_wait3A_495 = tpu.memref_slice %arg18[%dma_wait3A_493, %dma_wait3A_494] : memref<120x128xf32, #tpu.memory_space<vmem>> -> memref<120x128xf32, #tpu.memory_space<vmem>>
      tpu.wait_dma2 semaphore(%run_scoped3A : memref<!tpu.dma_semaphore, #tpu.memory_space<semaphore_mem>>) src(%dma_wait3A_495 : memref<120x128xf32, #tpu.memory_space<vmem>>) dst(%dma_wait3A_492 : memref<120x128xf32, #tpu.memory_space<vmem_shared>>)
      tpu.yield
    }) : () -> ()
    %mul3A_22 = arith.constant 640 : i32
    %mul3A_23 = arith.muli %arg1, %mul3A_22 : i32
    %add3A_24 = arith.constant 360 : i32
    %add3A_25 = arith.addi %mul3A_23, %add3A_24 : i32
    "tpu.region"() ({
      %run_scoped3A = tpu.sem_alloc : memref<!tpu.dma_semaphore, #tpu.memory_space<semaphore_mem>>
      %dma_start3A_476 = arith.constant 0 : i32
      %dma_start3A_477 = arith.constant 0 : i32
      %dma_start3A_478 = tpu.memref_slice %arg18[%dma_start3A_476, %dma_start3A_477] : memref<120x128xf32, #tpu.memory_space<vmem>> -> memref<120x128xf32, #tpu.memory_space<vmem>>
      %dma_start3A_479 = arith.constant 0 : i32
      %dma_start3A_480 = tpu.memref_slice %arg21[%add3A_25, %dma_start3A_479] : memref<10240x128xf32, #tpu.memory_space<vmem_shared>> -> memref<120x128xf32, #tpu.memory_space<vmem_shared>>
      %dma_start3A_481 = arith.constant 0 : i32
      %dma_start3A_482 = tpu.memref_slice %arg21[%add3A_25, %dma_start3A_481] : memref<10240x128xf32, #tpu.memory_space<vmem_shared>> -> memref<120x128xf32, #tpu.memory_space<vmem_shared>>
      %dma_start3A_483 = arith.constant 0 : i32
      %dma_start3A_484 = arith.constant 0 : i32
      %dma_start3A_485 = tpu.memref_slice %arg18[%dma_start3A_483, %dma_start3A_484] : memref<120x128xf32, #tpu.memory_space<vmem>> -> memref<120x128xf32, #tpu.memory_space<vmem>>
      tpu.enqueue_dma source(%dma_start3A_485 : memref<120x128xf32, #tpu.memory_space<vmem>>) target(%dma_start3A_482 : memref<120x128xf32, #tpu.memory_space<vmem_shared>>) target_semaphore(%run_scoped3A : memref<!tpu.dma_semaphore, #tpu.memory_space<semaphore_mem>>)
      %dma_wait3A_486 = arith.constant 0 : i32
      %dma_wait3A_487 = arith.constant 0 : i32
      %dma_wait3A_488 = tpu.memref_slice %arg18[%dma_wait3A_486, %dma_wait3A_487] : memref<120x128xf32, #tpu.memory_space<vmem>> -> memref<120x128xf32, #tpu.memory_space<vmem>>
      %dma_wait3A_489 = arith.constant 0 : i32
      %dma_wait3A_490 = tpu.memref_slice %arg21[%add3A_25, %dma_wait3A_489] : memref<10240x128xf32, #tpu.memory_space<vmem_shared>> -> memref<120x128xf32, #tpu.memory_space<vmem_shared>>
      %dma_wait3A_491 = arith.constant 0 : i32
      %dma_wait3A_492 = tpu.memref_slice %arg21[%add3A_25, %dma_wait3A_491] : memref<10240x128xf32, #tpu.memory_space<vmem_shared>> -> memref<120x128xf32, #tpu.memory_space<vmem_shared>>
      %dma_wait3A_493 = arith.constant 0 : i32
      %dma_wait3A_494 = arith.constant 0 : i32
      %dma_wait3A_495 = tpu.memref_slice %arg18[%dma_wait3A_493, %dma_wait3A_494] : memref<120x128xf32, #tpu.memory_space<vmem>> -> memref<120x128xf32, #tpu.memory_space<vmem>>
      tpu.wait_dma2 semaphore(%run_scoped3A : memref<!tpu.dma_semaphore, #tpu.memory_space<semaphore_mem>>) src(%dma_wait3A_495 : memref<120x128xf32, #tpu.memory_space<vmem>>) dst(%dma_wait3A_492 : memref<120x128xf32, #tpu.memory_space<vmem_shared>>)
      tpu.yield
    }) : () -> ()
    %mul3A_26 = arith.constant 640 : i32
    %mul3A_27 = arith.muli %arg1, %mul3A_26 : i32
    %add3A_28 = arith.constant 480 : i32
    %add3A_29 = arith.addi %mul3A_27, %add3A_28 : i32
    "tpu.region"() ({
      %run_scoped3A = tpu.sem_alloc : memref<!tpu.dma_semaphore, #tpu.memory_space<semaphore_mem>>
      %dma_start3A_476 = arith.constant 0 : i32
      %dma_start3A_477 = arith.constant 0 : i32
      %dma_start3A_478 = tpu.memref_slice %arg18[%dma_start3A_476, %dma_start3A_477] : memref<120x128xf32, #tpu.memory_space<vmem>> -> memref<120x128xf32, #tpu.memory_space<vmem>>
      %dma_start3A_479 = arith.constant 0 : i32
      %dma_start3A_480 = tpu.memref_slice %arg21[%add3A_29, %dma_start3A_479] : memref<10240x128xf32, #tpu.memory_space<vmem_shared>> -> memref<120x128xf32, #tpu.memory_space<vmem_shared>>
      %dma_start3A_481 = arith.constant 0 : i32
      %dma_start3A_482 = tpu.memref_slice %arg21[%add3A_29, %dma_start3A_481] : memref<10240x128xf32, #tpu.memory_space<vmem_shared>> -> memref<120x128xf32, #tpu.memory_space<vmem_shared>>
      %dma_start3A_483 = arith.constant 0 : i32
      %dma_start3A_484 = arith.constant 0 : i32
      %dma_start3A_485 = tpu.memref_slice %arg18[%dma_start3A_483, %dma_start3A_484] : memref<120x128xf32, #tpu.memory_space<vmem>> -> memref<120x128xf32, #tpu.memory_space<vmem>>
      tpu.enqueue_dma source(%dma_start3A_485 : memref<120x128xf32, #tpu.memory_space<vmem>>) target(%dma_start3A_482 : memref<120x128xf32, #tpu.memory_space<vmem_shared>>) target_semaphore(%run_scoped3A : memref<!tpu.dma_semaphore, #tpu.memory_space<semaphore_mem>>)
      %dma_wait3A_486 = arith.constant 0 : i32
      %dma_wait3A_487 = arith.constant 0 : i32
      %dma_wait3A_488 = tpu.memref_slice %arg18[%dma_wait3A_486, %dma_wait3A_487] : memref<120x128xf32, #tpu.memory_space<vmem>> -> memref<120x128xf32, #tpu.memory_space<vmem>>
      %dma_wait3A_489 = arith.constant 0 : i32
      %dma_wait3A_490 = tpu.memref_slice %arg21[%add3A_29, %dma_wait3A_489] : memref<10240x128xf32, #tpu.memory_space<vmem_shared>> -> memref<120x128xf32, #tpu.memory_space<vmem_shared>>
      %dma_wait3A_491 = arith.constant 0 : i32
      %dma_wait3A_492 = tpu.memref_slice %arg21[%add3A_29, %dma_wait3A_491] : memref<10240x128xf32, #tpu.memory_space<vmem_shared>> -> memref<120x128xf32, #tpu.memory_space<vmem_shared>>
      %dma_wait3A_493 = arith.constant 0 : i32
      %dma_wait3A_494 = arith.constant 0 : i32
      %dma_wait3A_495 = tpu.memref_slice %arg18[%dma_wait3A_493, %dma_wait3A_494] : memref<120x128xf32, #tpu.memory_space<vmem>> -> memref<120x128xf32, #tpu.memory_space<vmem>>
      tpu.wait_dma2 semaphore(%run_scoped3A : memref<!tpu.dma_semaphore, #tpu.memory_space<semaphore_mem>>) src(%dma_wait3A_495 : memref<120x128xf32, #tpu.memory_space<vmem>>) dst(%dma_wait3A_492 : memref<120x128xf32, #tpu.memory_space<vmem_shared>>)
      tpu.yield
    }) : () -> ()
    %mul3A_30 = arith.constant 640 : i32
    %mul3A_31 = arith.muli %arg1, %mul3A_30 : i32
    %add3A_32 = arith.constant 600 : i32
    %add3A_33 = arith.addi %mul3A_31, %add3A_32 : i32
    "tpu.region"() ({
      %run_scoped3A = tpu.sem_alloc : memref<!tpu.dma_semaphore, #tpu.memory_space<semaphore_mem>>
      %dma_start3A_476 = arith.constant 0 : i32
      %dma_start3A_477 = arith.constant 0 : i32
      %dma_start3A_478 = tpu.memref_slice %arg18[%dma_start3A_476, %dma_start3A_477] : memref<120x128xf32, #tpu.memory_space<vmem>> -> memref<40x128xf32, #tpu.memory_space<vmem>>
      %dma_start3A_479 = arith.constant 0 : i32
      %dma_start3A_480 = tpu.memref_slice %arg21[%add3A_33, %dma_start3A_479] : memref<10240x128xf32, #tpu.memory_space<vmem_shared>> -> memref<40x128xf32, #tpu.memory_space<vmem_shared>>
      %dma_start3A_481 = arith.constant 0 : i32
      %dma_start3A_482 = tpu.memref_slice %arg21[%add3A_33, %dma_start3A_481] : memref<10240x128xf32, #tpu.memory_space<vmem_shared>> -> memref<40x128xf32, #tpu.memory_space<vmem_shared>>
      %dma_start3A_483 = arith.constant 0 : i32
      %dma_start3A_484 = arith.constant 0 : i32
      %dma_start3A_485 = tpu.memref_slice %arg18[%dma_start3A_483, %dma_start3A_484] : memref<120x128xf32, #tpu.memory_space<vmem>> -> memref<40x128xf32, #tpu.memory_space<vmem>>
      tpu.enqueue_dma source(%dma_start3A_485 : memref<40x128xf32, #tpu.memory_space<vmem>>) target(%dma_start3A_482 : memref<40x128xf32, #tpu.memory_space<vmem_shared>>) target_semaphore(%run_scoped3A : memref<!tpu.dma_semaphore, #tpu.memory_space<semaphore_mem>>)
      %dma_wait3A_486 = arith.constant 0 : i32
      %dma_wait3A_487 = arith.constant 0 : i32
      %dma_wait3A_488 = tpu.memref_slice %arg18[%dma_wait3A_486, %dma_wait3A_487] : memref<120x128xf32, #tpu.memory_space<vmem>> -> memref<40x128xf32, #tpu.memory_space<vmem>>
      %dma_wait3A_489 = arith.constant 0 : i32
      %dma_wait3A_490 = tpu.memref_slice %arg21[%add3A_33, %dma_wait3A_489] : memref<10240x128xf32, #tpu.memory_space<vmem_shared>> -> memref<40x128xf32, #tpu.memory_space<vmem_shared>>
      %dma_wait3A_491 = arith.constant 0 : i32
      %dma_wait3A_492 = tpu.memref_slice %arg21[%add3A_33, %dma_wait3A_491] : memref<10240x128xf32, #tpu.memory_space<vmem_shared>> -> memref<40x128xf32, #tpu.memory_space<vmem_shared>>
      %dma_wait3A_493 = arith.constant 0 : i32
      %dma_wait3A_494 = arith.constant 0 : i32
      %dma_wait3A_495 = tpu.memref_slice %arg18[%dma_wait3A_493, %dma_wait3A_494] : memref<120x128xf32, #tpu.memory_space<vmem>> -> memref<40x128xf32, #tpu.memory_space<vmem>>
      tpu.wait_dma2 semaphore(%run_scoped3A : memref<!tpu.dma_semaphore, #tpu.memory_space<semaphore_mem>>) src(%dma_wait3A_495 : memref<40x128xf32, #tpu.memory_space<vmem>>) dst(%dma_wait3A_492 : memref<40x128xf32, #tpu.memory_space<vmem_shared>>)
      tpu.yield
    }) : () -> ()
    %barrier3A = arith.constant 0 : index
    tpu.barrier barrier_id(%barrier3A)
    %add3A_34 = arith.constant 0 : i32
    %add3A_35 = arith.addi %mul3A_2, %add3A_34 : i32
    %dma_start3A = arith.constant 0 : i32
    %dma_start3A_36 = tpu.memref_slice %arg3[%add3A_35, %dma_start3A] : memref<2688x120xi32, #tpu.memory_space<hbm>> -> memref<1x120xi32, #tpu.memory_space<hbm>>
    %dma_start3A_37 = tpu.memref_squeeze %dma_start3A_36 : memref<1x120xi32, #tpu.memory_space<hbm>> -> memref<120xi32, #tpu.memory_space<hbm>>
    %dma_start3A_38 = arith.constant 0 : i32
    %dma_start3A_39 = tpu.memref_slice %arg3[%add3A_35, %dma_start3A_38] : memref<2688x120xi32, #tpu.memory_space<hbm>> -> memref<1x120xi32, #tpu.memory_space<hbm>>
    %dma_start3A_40 = tpu.memref_squeeze %dma_start3A_39 : memref<1x120xi32, #tpu.memory_space<hbm>> -> memref<120xi32, #tpu.memory_space<hbm>>
    tpu.enqueue_dma source(%dma_start3A_40 : memref<120xi32, #tpu.memory_space<hbm>>) target(%arg6 : memref<120xi32, #tpu.memory_space<vmem>>) target_semaphore(%arg22 : memref<!tpu.dma_semaphore, #tpu.memory_space<semaphore_mem>>)
    %add3A_41 = arith.constant 0 : i32
    %add3A_42 = arith.addi %mul3A_2, %add3A_41 : i32
    %dma_start3A_43 = arith.constant 0 : i32
    %dma_start3A_44 = tpu.memref_slice %arg4[%add3A_42, %dma_start3A_43] : memref<2688x120xi32, #tpu.memory_space<hbm>> -> memref<1x120xi32, #tpu.memory_space<hbm>>
    %dma_start3A_45 = tpu.memref_squeeze %dma_start3A_44 : memref<1x120xi32, #tpu.memory_space<hbm>> -> memref<120xi32, #tpu.memory_space<hbm>>
    %dma_start3A_46 = arith.constant 0 : i32
    %dma_start3A_47 = tpu.memref_slice %arg4[%add3A_42, %dma_start3A_46] : memref<2688x120xi32, #tpu.memory_space<hbm>> -> memref<1x120xi32, #tpu.memory_space<hbm>>
    %dma_start3A_48 = tpu.memref_squeeze %dma_start3A_47 : memref<1x120xi32, #tpu.memory_space<hbm>> -> memref<120xi32, #tpu.memory_space<hbm>>
    tpu.enqueue_dma source(%dma_start3A_48 : memref<120xi32, #tpu.memory_space<hbm>>) target(%arg12 : memref<120xi32, #tpu.memory_space<vmem>>) target_semaphore(%arg22 : memref<!tpu.dma_semaphore, #tpu.memory_space<semaphore_mem>>)
    %add3A_49 = arith.constant 1 : i32
    %add3A_50 = arith.addi %mul3A_2, %add3A_49 : i32
    %dma_start3A_51 = arith.constant 0 : i32
    %dma_start3A_52 = tpu.memref_slice %arg3[%add3A_50, %dma_start3A_51] : memref<2688x120xi32, #tpu.memory_space<hbm>> -> memref<1x120xi32, #tpu.memory_space<hbm>>
    %dma_start3A_53 = tpu.memref_squeeze %dma_start3A_52 : memref<1x120xi32, #tpu.memory_space<hbm>> -> memref<120xi32, #tpu.memory_space<hbm>>
    %dma_start3A_54 = arith.constant 0 : i32
    %dma_start3A_55 = tpu.memref_slice %arg3[%add3A_50, %dma_start3A_54] : memref<2688x120xi32, #tpu.memory_space<hbm>> -> memref<1x120xi32, #tpu.memory_space<hbm>>
    %dma_start3A_56 = tpu.memref_squeeze %dma_start3A_55 : memref<1x120xi32, #tpu.memory_space<hbm>> -> memref<120xi32, #tpu.memory_space<hbm>>
    tpu.enqueue_dma source(%dma_start3A_56 : memref<120xi32, #tpu.memory_space<hbm>>) target(%arg7 : memref<120xi32, #tpu.memory_space<vmem>>) target_semaphore(%arg23 : memref<!tpu.dma_semaphore, #tpu.memory_space<semaphore_mem>>)
    %add3A_57 = arith.constant 1 : i32
    %add3A_58 = arith.addi %mul3A_2, %add3A_57 : i32
    %dma_start3A_59 = arith.constant 0 : i32
    %dma_start3A_60 = tpu.memref_slice %arg4[%add3A_58, %dma_start3A_59] : memref<2688x120xi32, #tpu.memory_space<hbm>> -> memref<1x120xi32, #tpu.memory_space<hbm>>
    %dma_start3A_61 = tpu.memref_squeeze %dma_start3A_60 : memref<1x120xi32, #tpu.memory_space<hbm>> -> memref<120xi32, #tpu.memory_space<hbm>>
    %dma_start3A_62 = arith.constant 0 : i32
    %dma_start3A_63 = tpu.memref_slice %arg4[%add3A_58, %dma_start3A_62] : memref<2688x120xi32, #tpu.memory_space<hbm>> -> memref<1x120xi32, #tpu.memory_space<hbm>>
    %dma_start3A_64 = tpu.memref_squeeze %dma_start3A_63 : memref<1x120xi32, #tpu.memory_space<hbm>> -> memref<120xi32, #tpu.memory_space<hbm>>
    tpu.enqueue_dma source(%dma_start3A_64 : memref<120xi32, #tpu.memory_space<hbm>>) target(%arg13 : memref<120xi32, #tpu.memory_space<vmem>>) target_semaphore(%arg23 : memref<!tpu.dma_semaphore, #tpu.memory_space<semaphore_mem>>)
    %add3A_65 = arith.constant 2 : i32
    %add3A_66 = arith.addi %mul3A_2, %add3A_65 : i32
    %dma_start3A_67 = arith.constant 0 : i32
    %dma_start3A_68 = tpu.memref_slice %arg3[%add3A_66, %dma_start3A_67] : memref<2688x120xi32, #tpu.memory_space<hbm>> -> memref<1x120xi32, #tpu.memory_space<hbm>>
    %dma_start3A_69 = tpu.memref_squeeze %dma_start3A_68 : memref<1x120xi32, #tpu.memory_space<hbm>> -> memref<120xi32, #tpu.memory_space<hbm>>
    %dma_start3A_70 = arith.constant 0 : i32
    %dma_start3A_71 = tpu.memref_slice %arg3[%add3A_66, %dma_start3A_70] : memref<2688x120xi32, #tpu.memory_space<hbm>> -> memref<1x120xi32, #tpu.memory_space<hbm>>
    %dma_start3A_72 = tpu.memref_squeeze %dma_start3A_71 : memref<1x120xi32, #tpu.memory_space<hbm>> -> memref<120xi32, #tpu.memory_space<hbm>>
    tpu.enqueue_dma source(%dma_start3A_72 : memref<120xi32, #tpu.memory_space<hbm>>) target(%arg8 : memref<120xi32, #tpu.memory_space<vmem>>) target_semaphore(%arg24 : memref<!tpu.dma_semaphore, #tpu.memory_space<semaphore_mem>>)
    %add3A_73 = arith.constant 2 : i32
    %add3A_74 = arith.addi %mul3A_2, %add3A_73 : i32
    %dma_start3A_75 = arith.constant 0 : i32
    %dma_start3A_76 = tpu.memref_slice %arg4[%add3A_74, %dma_start3A_75] : memref<2688x120xi32, #tpu.memory_space<hbm>> -> memref<1x120xi32, #tpu.memory_space<hbm>>
    %dma_start3A_77 = tpu.memref_squeeze %dma_start3A_76 : memref<1x120xi32, #tpu.memory_space<hbm>> -> memref<120xi32, #tpu.memory_space<hbm>>
    %dma_start3A_78 = arith.constant 0 : i32
    %dma_start3A_79 = tpu.memref_slice %arg4[%add3A_74, %dma_start3A_78] : memref<2688x120xi32, #tpu.memory_space<hbm>> -> memref<1x120xi32, #tpu.memory_space<hbm>>
    %dma_start3A_80 = tpu.memref_squeeze %dma_start3A_79 : memref<1x120xi32, #tpu.memory_space<hbm>> -> memref<120xi32, #tpu.memory_space<hbm>>
    tpu.enqueue_dma source(%dma_start3A_80 : memref<120xi32, #tpu.memory_space<hbm>>) target(%arg14 : memref<120xi32, #tpu.memory_space<vmem>>) target_semaphore(%arg24 : memref<!tpu.dma_semaphore, #tpu.memory_space<semaphore_mem>>)
    %add3A_81 = arith.constant 3 : i32
    %add3A_82 = arith.addi %mul3A_2, %add3A_81 : i32
    %dma_start3A_83 = arith.constant 0 : i32
    %dma_start3A_84 = tpu.memref_slice %arg3[%add3A_82, %dma_start3A_83] : memref<2688x120xi32, #tpu.memory_space<hbm>> -> memref<1x120xi32, #tpu.memory_space<hbm>>
    %dma_start3A_85 = tpu.memref_squeeze %dma_start3A_84 : memref<1x120xi32, #tpu.memory_space<hbm>> -> memref<120xi32, #tpu.memory_space<hbm>>
    %dma_start3A_86 = arith.constant 0 : i32
    %dma_start3A_87 = tpu.memref_slice %arg3[%add3A_82, %dma_start3A_86] : memref<2688x120xi32, #tpu.memory_space<hbm>> -> memref<1x120xi32, #tpu.memory_space<hbm>>
    %dma_start3A_88 = tpu.memref_squeeze %dma_start3A_87 : memref<1x120xi32, #tpu.memory_space<hbm>> -> memref<120xi32, #tpu.memory_space<hbm>>
    tpu.enqueue_dma source(%dma_start3A_88 : memref<120xi32, #tpu.memory_space<hbm>>) target(%arg9 : memref<120xi32, #tpu.memory_space<vmem>>) target_semaphore(%arg25 : memref<!tpu.dma_semaphore, #tpu.memory_space<semaphore_mem>>)
    %add3A_89 = arith.constant 3 : i32
    %add3A_90 = arith.addi %mul3A_2, %add3A_89 : i32
    %dma_start3A_91 = arith.constant 0 : i32
    %dma_start3A_92 = tpu.memref_slice %arg4[%add3A_90, %dma_start3A_91] : memref<2688x120xi32, #tpu.memory_space<hbm>> -> memref<1x120xi32, #tpu.memory_space<hbm>>
    %dma_start3A_93 = tpu.memref_squeeze %dma_start3A_92 : memref<1x120xi32, #tpu.memory_space<hbm>> -> memref<120xi32, #tpu.memory_space<hbm>>
    %dma_start3A_94 = arith.constant 0 : i32
    %dma_start3A_95 = tpu.memref_slice %arg4[%add3A_90, %dma_start3A_94] : memref<2688x120xi32, #tpu.memory_space<hbm>> -> memref<1x120xi32, #tpu.memory_space<hbm>>
    %dma_start3A_96 = tpu.memref_squeeze %dma_start3A_95 : memref<1x120xi32, #tpu.memory_space<hbm>> -> memref<120xi32, #tpu.memory_space<hbm>>
    tpu.enqueue_dma source(%dma_start3A_96 : memref<120xi32, #tpu.memory_space<hbm>>) target(%arg15 : memref<120xi32, #tpu.memory_space<vmem>>) target_semaphore(%arg25 : memref<!tpu.dma_semaphore, #tpu.memory_space<semaphore_mem>>)
    %dma_wait3A = arith.constant 0 : i32
    %dma_wait3A_97 = arith.constant 0 : i32
    %dma_wait3A_98 = tpu.memref_slice %arg3[%dma_wait3A, %dma_wait3A_97] : memref<2688x120xi32, #tpu.memory_space<hbm>> -> memref<1x120xi32, #tpu.memory_space<hbm>>
    %dma_wait3A_99 = tpu.memref_squeeze %dma_wait3A_98 : memref<1x120xi32, #tpu.memory_space<hbm>> -> memref<120xi32, #tpu.memory_space<hbm>>
    %dma_wait3A_100 = arith.constant 0 : i32
    %dma_wait3A_101 = tpu.memref_slice %arg3[%dma_wait3A, %dma_wait3A_100] : memref<2688x120xi32, #tpu.memory_space<hbm>> -> memref<1x120xi32, #tpu.memory_space<hbm>>
    %dma_wait3A_102 = tpu.memref_squeeze %dma_wait3A_101 : memref<1x120xi32, #tpu.memory_space<hbm>> -> memref<120xi32, #tpu.memory_space<hbm>>
    tpu.wait_dma2 semaphore(%arg22 : memref<!tpu.dma_semaphore, #tpu.memory_space<semaphore_mem>>) src(%dma_wait3A_102 : memref<120xi32, #tpu.memory_space<hbm>>) dst(%arg6 : memref<120xi32, #tpu.memory_space<vmem>>)
    %dma_wait3A_103 = arith.constant 0 : i32
    %dma_wait3A_104 = arith.constant 0 : i32
    %dma_wait3A_105 = tpu.memref_slice %arg4[%dma_wait3A_103, %dma_wait3A_104] : memref<2688x120xi32, #tpu.memory_space<hbm>> -> memref<1x120xi32, #tpu.memory_space<hbm>>
    %dma_wait3A_106 = tpu.memref_squeeze %dma_wait3A_105 : memref<1x120xi32, #tpu.memory_space<hbm>> -> memref<120xi32, #tpu.memory_space<hbm>>
    %dma_wait3A_107 = arith.constant 0 : i32
    %dma_wait3A_108 = tpu.memref_slice %arg4[%dma_wait3A_103, %dma_wait3A_107] : memref<2688x120xi32, #tpu.memory_space<hbm>> -> memref<1x120xi32, #tpu.memory_space<hbm>>
    %dma_wait3A_109 = tpu.memref_squeeze %dma_wait3A_108 : memref<1x120xi32, #tpu.memory_space<hbm>> -> memref<120xi32, #tpu.memory_space<hbm>>
    tpu.wait_dma2 semaphore(%arg22 : memref<!tpu.dma_semaphore, #tpu.memory_space<semaphore_mem>>) src(%dma_wait3A_109 : memref<120xi32, #tpu.memory_space<hbm>>) dst(%arg12 : memref<120xi32, #tpu.memory_space<vmem>>)
    %dma_start3A_110 = arith.constant 0 : i32
    %dma_start3A_111 = arith.constant 0 : i32
    %dma_start3A_112 = tpu.memref_slice %arg2[%dma_start3A_110, %dma_start3A_111] : memref<10240x128xf32, #tpu.memory_space<hbm>> -> memref<10240x128xf32, #tpu.memory_space<hbm>>
    tpu.enqueue_indirect_dma source(%dma_start3A_112 : memref<10240x128xf32, #tpu.memory_space<hbm>>) target(%arg18 : memref<120x128xf32, #tpu.memory_space<vmem>>) offsets(%arg6 : memref<120xi32, #tpu.memory_space<vmem>>) semaphore(%arg28 : memref<!tpu.dma_semaphore, #tpu.memory_space<semaphore_mem>>)
    %dma_wait3A_113 = arith.constant 0 : i32
    %dma_wait3A_114 = arith.constant 0 : i32
    %dma_wait3A_115 = tpu.memref_slice %arg3[%dma_wait3A_113, %dma_wait3A_114] : memref<2688x120xi32, #tpu.memory_space<hbm>> -> memref<1x120xi32, #tpu.memory_space<hbm>>
    %dma_wait3A_116 = tpu.memref_squeeze %dma_wait3A_115 : memref<1x120xi32, #tpu.memory_space<hbm>> -> memref<120xi32, #tpu.memory_space<hbm>>
    %dma_wait3A_117 = arith.constant 0 : i32
    %dma_wait3A_118 = tpu.memref_slice %arg3[%dma_wait3A_113, %dma_wait3A_117] : memref<2688x120xi32, #tpu.memory_space<hbm>> -> memref<1x120xi32, #tpu.memory_space<hbm>>
    %dma_wait3A_119 = tpu.memref_squeeze %dma_wait3A_118 : memref<1x120xi32, #tpu.memory_space<hbm>> -> memref<120xi32, #tpu.memory_space<hbm>>
    tpu.wait_dma2 semaphore(%arg23 : memref<!tpu.dma_semaphore, #tpu.memory_space<semaphore_mem>>) src(%dma_wait3A_119 : memref<120xi32, #tpu.memory_space<hbm>>) dst(%arg7 : memref<120xi32, #tpu.memory_space<vmem>>)
    %dma_wait3A_120 = arith.constant 0 : i32
    %dma_wait3A_121 = arith.constant 0 : i32
    %dma_wait3A_122 = tpu.memref_slice %arg4[%dma_wait3A_120, %dma_wait3A_121] : memref<2688x120xi32, #tpu.memory_space<hbm>> -> memref<1x120xi32, #tpu.memory_space<hbm>>
    %dma_wait3A_123 = tpu.memref_squeeze %dma_wait3A_122 : memref<1x120xi32, #tpu.memory_space<hbm>> -> memref<120xi32, #tpu.memory_space<hbm>>
    %dma_wait3A_124 = arith.constant 0 : i32
    %dma_wait3A_125 = tpu.memref_slice %arg4[%dma_wait3A_120, %dma_wait3A_124] : memref<2688x120xi32, #tpu.memory_space<hbm>> -> memref<1x120xi32, #tpu.memory_space<hbm>>
    %dma_wait3A_126 = tpu.memref_squeeze %dma_wait3A_125 : memref<1x120xi32, #tpu.memory_space<hbm>> -> memref<120xi32, #tpu.memory_space<hbm>>
    tpu.wait_dma2 semaphore(%arg23 : memref<!tpu.dma_semaphore, #tpu.memory_space<semaphore_mem>>) src(%dma_wait3A_126 : memref<120xi32, #tpu.memory_space<hbm>>) dst(%arg13 : memref<120xi32, #tpu.memory_space<vmem>>)
    %dma_start3A_127 = arith.constant 0 : i32
    %dma_start3A_128 = arith.constant 0 : i32
    %dma_start3A_129 = tpu.memref_slice %arg2[%dma_start3A_127, %dma_start3A_128] : memref<10240x128xf32, #tpu.memory_space<hbm>> -> memref<10240x128xf32, #tpu.memory_space<hbm>>
    tpu.enqueue_indirect_dma source(%dma_start3A_129 : memref<10240x128xf32, #tpu.memory_space<hbm>>) target(%arg19 : memref<120x128xf32, #tpu.memory_space<vmem>>) offsets(%arg7 : memref<120xi32, #tpu.memory_space<vmem>>) semaphore(%arg29 : memref<!tpu.dma_semaphore, #tpu.memory_space<semaphore_mem>>)
    %add3A_130 = arith.constant 4 : i32
    %add3A_131 = arith.addi %mul3A_2, %add3A_130 : i32
    %dma_start3A_132 = arith.constant 0 : i32
    %dma_start3A_133 = tpu.memref_slice %arg3[%add3A_131, %dma_start3A_132] : memref<2688x120xi32, #tpu.memory_space<hbm>> -> memref<1x120xi32, #tpu.memory_space<hbm>>
    %dma_start3A_134 = tpu.memref_squeeze %dma_start3A_133 : memref<1x120xi32, #tpu.memory_space<hbm>> -> memref<120xi32, #tpu.memory_space<hbm>>
    %dma_start3A_135 = arith.constant 0 : i32
    %dma_start3A_136 = tpu.memref_slice %arg3[%add3A_131, %dma_start3A_135] : memref<2688x120xi32, #tpu.memory_space<hbm>> -> memref<1x120xi32, #tpu.memory_space<hbm>>
    %dma_start3A_137 = tpu.memref_squeeze %dma_start3A_136 : memref<1x120xi32, #tpu.memory_space<hbm>> -> memref<120xi32, #tpu.memory_space<hbm>>
    tpu.enqueue_dma source(%dma_start3A_137 : memref<120xi32, #tpu.memory_space<hbm>>) target(%arg10 : memref<120xi32, #tpu.memory_space<vmem>>) target_semaphore(%arg26 : memref<!tpu.dma_semaphore, #tpu.memory_space<semaphore_mem>>)
    %add3A_138 = arith.constant 4 : i32
    %add3A_139 = arith.addi %mul3A_2, %add3A_138 : i32
    %dma_start3A_140 = arith.constant 0 : i32
    %dma_start3A_141 = tpu.memref_slice %arg4[%add3A_139, %dma_start3A_140] : memref<2688x120xi32, #tpu.memory_space<hbm>> -> memref<1x120xi32, #tpu.memory_space<hbm>>
    %dma_start3A_142 = tpu.memref_squeeze %dma_start3A_141 : memref<1x120xi32, #tpu.memory_space<hbm>> -> memref<120xi32, #tpu.memory_space<hbm>>
    %dma_start3A_143 = arith.constant 0 : i32
    %dma_start3A_144 = tpu.memref_slice %arg4[%add3A_139, %dma_start3A_143] : memref<2688x120xi32, #tpu.memory_space<hbm>> -> memref<1x120xi32, #tpu.memory_space<hbm>>
    %dma_start3A_145 = tpu.memref_squeeze %dma_start3A_144 : memref<1x120xi32, #tpu.memory_space<hbm>> -> memref<120xi32, #tpu.memory_space<hbm>>
    tpu.enqueue_dma source(%dma_start3A_145 : memref<120xi32, #tpu.memory_space<hbm>>) target(%arg16 : memref<120xi32, #tpu.memory_space<vmem>>) target_semaphore(%arg26 : memref<!tpu.dma_semaphore, #tpu.memory_space<semaphore_mem>>)
    %dma_wait3A_146 = arith.constant 0 : i32
    %dma_wait3A_147 = arith.constant 0 : i32
    %dma_wait3A_148 = tpu.memref_slice %arg3[%dma_wait3A_146, %dma_wait3A_147] : memref<2688x120xi32, #tpu.memory_space<hbm>> -> memref<1x120xi32, #tpu.memory_space<hbm>>
    %dma_wait3A_149 = tpu.memref_squeeze %dma_wait3A_148 : memref<1x120xi32, #tpu.memory_space<hbm>> -> memref<120xi32, #tpu.memory_space<hbm>>
    %dma_wait3A_150 = arith.constant 0 : i32
    %dma_wait3A_151 = tpu.memref_slice %arg3[%dma_wait3A_146, %dma_wait3A_150] : memref<2688x120xi32, #tpu.memory_space<hbm>> -> memref<1x120xi32, #tpu.memory_space<hbm>>
    %dma_wait3A_152 = tpu.memref_squeeze %dma_wait3A_151 : memref<1x120xi32, #tpu.memory_space<hbm>> -> memref<120xi32, #tpu.memory_space<hbm>>
    tpu.wait_dma2 semaphore(%arg24 : memref<!tpu.dma_semaphore, #tpu.memory_space<semaphore_mem>>) src(%dma_wait3A_152 : memref<120xi32, #tpu.memory_space<hbm>>) dst(%arg8 : memref<120xi32, #tpu.memory_space<vmem>>)
    %dma_wait3A_153 = arith.constant 0 : i32
    %dma_wait3A_154 = arith.constant 0 : i32
    %dma_wait3A_155 = tpu.memref_slice %arg4[%dma_wait3A_153, %dma_wait3A_154] : memref<2688x120xi32, #tpu.memory_space<hbm>> -> memref<1x120xi32, #tpu.memory_space<hbm>>
    %dma_wait3A_156 = tpu.memref_squeeze %dma_wait3A_155 : memref<1x120xi32, #tpu.memory_space<hbm>> -> memref<120xi32, #tpu.memory_space<hbm>>
    %dma_wait3A_157 = arith.constant 0 : i32
    %dma_wait3A_158 = tpu.memref_slice %arg4[%dma_wait3A_153, %dma_wait3A_157] : memref<2688x120xi32, #tpu.memory_space<hbm>> -> memref<1x120xi32, #tpu.memory_space<hbm>>
    %dma_wait3A_159 = tpu.memref_squeeze %dma_wait3A_158 : memref<1x120xi32, #tpu.memory_space<hbm>> -> memref<120xi32, #tpu.memory_space<hbm>>
    tpu.wait_dma2 semaphore(%arg24 : memref<!tpu.dma_semaphore, #tpu.memory_space<semaphore_mem>>) src(%dma_wait3A_159 : memref<120xi32, #tpu.memory_space<hbm>>) dst(%arg14 : memref<120xi32, #tpu.memory_space<vmem>>)
    %dma_start3A_160 = arith.constant 0 : i32
    %dma_start3A_161 = arith.constant 0 : i32
    %dma_start3A_162 = tpu.memref_slice %arg2[%dma_start3A_160, %dma_start3A_161] : memref<10240x128xf32, #tpu.memory_space<hbm>> -> memref<10240x128xf32, #tpu.memory_space<hbm>>
    tpu.enqueue_indirect_dma source(%dma_start3A_162 : memref<10240x128xf32, #tpu.memory_space<hbm>>) target(%arg20 : memref<120x128xf32, #tpu.memory_space<vmem>>) offsets(%arg8 : memref<120xi32, #tpu.memory_space<vmem>>) semaphore(%arg30 : memref<!tpu.dma_semaphore, #tpu.memory_space<semaphore_mem>>)
    %dma_wait3A_163 = arith.constant 0 : i32
    %dma_wait3A_164 = arith.constant 0 : i32
    %dma_wait3A_165 = tpu.memref_slice %arg2[%dma_wait3A_163, %dma_wait3A_164] : memref<10240x128xf32, #tpu.memory_space<hbm>> -> memref<10240x128xf32, #tpu.memory_space<hbm>>
    tpu.wait_indirect_dma semaphore(%arg28 : memref<!tpu.dma_semaphore, #tpu.memory_space<semaphore_mem>>) src(%dma_wait3A_165 : memref<10240x128xf32, #tpu.memory_space<hbm>>) dst(%arg18 : memref<120x128xf32, #tpu.memory_space<vmem>>)
    "tpu.region"() ({
      %run_scoped3A = tpu.sem_alloc : memref<!tpu.dma_semaphore, #tpu.memory_space<semaphore_mem>>
      %dma_start3A_476 = arith.constant 0 : i32
      %dma_start3A_477 = arith.constant 0 : i32
      %dma_start3A_478 = tpu.memref_slice %arg21[%dma_start3A_476, %dma_start3A_477] : memref<10240x128xf32, #tpu.memory_space<vmem_shared>> -> memref<10240x128xf32, #tpu.memory_space<vmem_shared>>
      tpu.enqueue_indirect_dma source(%arg18 : memref<120x128xf32, #tpu.memory_space<vmem>>) target(%dma_start3A_478 : memref<10240x128xf32, #tpu.memory_space<vmem_shared>>) offsets(%arg12 : memref<120xi32, #tpu.memory_space<vmem>>) semaphore(%run_scoped3A : memref<!tpu.dma_semaphore, #tpu.memory_space<semaphore_mem>>) {add = true}
      %dma_wait3A_479 = arith.constant 0 : i32
      %dma_wait3A_480 = arith.constant 0 : i32
      %dma_wait3A_481 = tpu.memref_slice %arg21[%dma_wait3A_479, %dma_wait3A_480] : memref<10240x128xf32, #tpu.memory_space<vmem_shared>> -> memref<10240x128xf32, #tpu.memory_space<vmem_shared>>
      tpu.wait_indirect_dma semaphore(%run_scoped3A : memref<!tpu.dma_semaphore, #tpu.memory_space<semaphore_mem>>) src(%arg18 : memref<120x128xf32, #tpu.memory_space<vmem>>) dst(%dma_wait3A_481 : memref<10240x128xf32, #tpu.memory_space<vmem_shared>>)
      tpu.yield
    }) : () -> ()
    %add3A_166 = arith.constant 5 : i32
    %add3A_167 = arith.addi %mul3A_2, %add3A_166 : i32
    %dma_start3A_168 = arith.constant 0 : i32
    %dma_start3A_169 = tpu.memref_slice %arg3[%add3A_167, %dma_start3A_168] : memref<2688x120xi32, #tpu.memory_space<hbm>> -> memref<1x120xi32, #tpu.memory_space<hbm>>
    %dma_start3A_170 = tpu.memref_squeeze %dma_start3A_169 : memref<1x120xi32, #tpu.memory_space<hbm>> -> memref<120xi32, #tpu.memory_space<hbm>>
    %dma_start3A_171 = arith.constant 0 : i32
    %dma_start3A_172 = tpu.memref_slice %arg3[%add3A_167, %dma_start3A_171] : memref<2688x120xi32, #tpu.memory_space<hbm>> -> memref<1x120xi32, #tpu.memory_space<hbm>>
    %dma_start3A_173 = tpu.memref_squeeze %dma_start3A_172 : memref<1x120xi32, #tpu.memory_space<hbm>> -> memref<120xi32, #tpu.memory_space<hbm>>
    tpu.enqueue_dma source(%dma_start3A_173 : memref<120xi32, #tpu.memory_space<hbm>>) target(%arg11 : memref<120xi32, #tpu.memory_space<vmem>>) target_semaphore(%arg27 : memref<!tpu.dma_semaphore, #tpu.memory_space<semaphore_mem>>)
    %add3A_174 = arith.constant 5 : i32
    %add3A_175 = arith.addi %mul3A_2, %add3A_174 : i32
    %dma_start3A_176 = arith.constant 0 : i32
    %dma_start3A_177 = tpu.memref_slice %arg4[%add3A_175, %dma_start3A_176] : memref<2688x120xi32, #tpu.memory_space<hbm>> -> memref<1x120xi32, #tpu.memory_space<hbm>>
    %dma_start3A_178 = tpu.memref_squeeze %dma_start3A_177 : memref<1x120xi32, #tpu.memory_space<hbm>> -> memref<120xi32, #tpu.memory_space<hbm>>
    %dma_start3A_179 = arith.constant 0 : i32
    %dma_start3A_180 = tpu.memref_slice %arg4[%add3A_175, %dma_start3A_179] : memref<2688x120xi32, #tpu.memory_space<hbm>> -> memref<1x120xi32, #tpu.memory_space<hbm>>
    %dma_start3A_181 = tpu.memref_squeeze %dma_start3A_180 : memref<1x120xi32, #tpu.memory_space<hbm>> -> memref<120xi32, #tpu.memory_space<hbm>>
    tpu.enqueue_dma source(%dma_start3A_181 : memref<120xi32, #tpu.memory_space<hbm>>) target(%arg17 : memref<120xi32, #tpu.memory_space<vmem>>) target_semaphore(%arg27 : memref<!tpu.dma_semaphore, #tpu.memory_space<semaphore_mem>>)
    %dma_wait3A_182 = arith.constant 0 : i32
    %dma_wait3A_183 = arith.constant 0 : i32
    %dma_wait3A_184 = tpu.memref_slice %arg3[%dma_wait3A_182, %dma_wait3A_183] : memref<2688x120xi32, #tpu.memory_space<hbm>> -> memref<1x120xi32, #tpu.memory_space<hbm>>
    %dma_wait3A_185 = tpu.memref_squeeze %dma_wait3A_184 : memref<1x120xi32, #tpu.memory_space<hbm>> -> memref<120xi32, #tpu.memory_space<hbm>>
    %dma_wait3A_186 = arith.constant 0 : i32
    %dma_wait3A_187 = tpu.memref_slice %arg3[%dma_wait3A_182, %dma_wait3A_186] : memref<2688x120xi32, #tpu.memory_space<hbm>> -> memref<1x120xi32, #tpu.memory_space<hbm>>
    %dma_wait3A_188 = tpu.memref_squeeze %dma_wait3A_187 : memref<1x120xi32, #tpu.memory_space<hbm>> -> memref<120xi32, #tpu.memory_space<hbm>>
    tpu.wait_dma2 semaphore(%arg25 : memref<!tpu.dma_semaphore, #tpu.memory_space<semaphore_mem>>) src(%dma_wait3A_188 : memref<120xi32, #tpu.memory_space<hbm>>) dst(%arg9 : memref<120xi32, #tpu.memory_space<vmem>>)
    %dma_wait3A_189 = arith.constant 0 : i32
    %dma_wait3A_190 = arith.constant 0 : i32
    %dma_wait3A_191 = tpu.memref_slice %arg4[%dma_wait3A_189, %dma_wait3A_190] : memref<2688x120xi32, #tpu.memory_space<hbm>> -> memref<1x120xi32, #tpu.memory_space<hbm>>
    %dma_wait3A_192 = tpu.memref_squeeze %dma_wait3A_191 : memref<1x120xi32, #tpu.memory_space<hbm>> -> memref<120xi32, #tpu.memory_space<hbm>>
    %dma_wait3A_193 = arith.constant 0 : i32
    %dma_wait3A_194 = tpu.memref_slice %arg4[%dma_wait3A_189, %dma_wait3A_193] : memref<2688x120xi32, #tpu.memory_space<hbm>> -> memref<1x120xi32, #tpu.memory_space<hbm>>
    %dma_wait3A_195 = tpu.memref_squeeze %dma_wait3A_194 : memref<1x120xi32, #tpu.memory_space<hbm>> -> memref<120xi32, #tpu.memory_space<hbm>>
    tpu.wait_dma2 semaphore(%arg25 : memref<!tpu.dma_semaphore, #tpu.memory_space<semaphore_mem>>) src(%dma_wait3A_195 : memref<120xi32, #tpu.memory_space<hbm>>) dst(%arg15 : memref<120xi32, #tpu.memory_space<vmem>>)
    %dma_start3A_196 = arith.constant 0 : i32
    %dma_start3A_197 = arith.constant 0 : i32
    %dma_start3A_198 = tpu.memref_slice %arg2[%dma_start3A_196, %dma_start3A_197] : memref<10240x128xf32, #tpu.memory_space<hbm>> -> memref<10240x128xf32, #tpu.memory_space<hbm>>
    tpu.enqueue_indirect_dma source(%dma_start3A_198 : memref<10240x128xf32, #tpu.memory_space<hbm>>) target(%arg18 : memref<120x128xf32, #tpu.memory_space<vmem>>) offsets(%arg9 : memref<120xi32, #tpu.memory_space<vmem>>) semaphore(%arg28 : memref<!tpu.dma_semaphore, #tpu.memory_space<semaphore_mem>>)
    %dma_wait3A_199 = arith.constant 0 : i32
    %dma_wait3A_200 = arith.constant 0 : i32
    %dma_wait3A_201 = tpu.memref_slice %arg2[%dma_wait3A_199, %dma_wait3A_200] : memref<10240x128xf32, #tpu.memory_space<hbm>> -> memref<10240x128xf32, #tpu.memory_space<hbm>>
    tpu.wait_indirect_dma semaphore(%arg29 : memref<!tpu.dma_semaphore, #tpu.memory_space<semaphore_mem>>) src(%dma_wait3A_201 : memref<10240x128xf32, #tpu.memory_space<hbm>>) dst(%arg19 : memref<120x128xf32, #tpu.memory_space<vmem>>)
    "tpu.region"() ({
      %run_scoped3A = tpu.sem_alloc : memref<!tpu.dma_semaphore, #tpu.memory_space<semaphore_mem>>
      %dma_start3A_476 = arith.constant 0 : i32
      %dma_start3A_477 = arith.constant 0 : i32
      %dma_start3A_478 = tpu.memref_slice %arg21[%dma_start3A_476, %dma_start3A_477] : memref<10240x128xf32, #tpu.memory_space<vmem_shared>> -> memref<10240x128xf32, #tpu.memory_space<vmem_shared>>
      tpu.enqueue_indirect_dma source(%arg19 : memref<120x128xf32, #tpu.memory_space<vmem>>) target(%dma_start3A_478 : memref<10240x128xf32, #tpu.memory_space<vmem_shared>>) offsets(%arg13 : memref<120xi32, #tpu.memory_space<vmem>>) semaphore(%run_scoped3A : memref<!tpu.dma_semaphore, #tpu.memory_space<semaphore_mem>>) {add = true}
      %dma_wait3A_479 = arith.constant 0 : i32
      %dma_wait3A_480 = arith.constant 0 : i32
      %dma_wait3A_481 = tpu.memref_slice %arg21[%dma_wait3A_479, %dma_wait3A_480] : memref<10240x128xf32, #tpu.memory_space<vmem_shared>> -> memref<10240x128xf32, #tpu.memory_space<vmem_shared>>
      tpu.wait_indirect_dma semaphore(%run_scoped3A : memref<!tpu.dma_semaphore, #tpu.memory_space<semaphore_mem>>) src(%arg19 : memref<120x128xf32, #tpu.memory_space<vmem>>) dst(%dma_wait3A_481 : memref<10240x128xf32, #tpu.memory_space<vmem_shared>>)
      tpu.yield
    }) : () -> ()
    %add3A_202 = arith.constant 6 : i32
    %add3A_203 = arith.addi %mul3A_2, %add3A_202 : i32
    %dma_start3A_204 = arith.constant 0 : i32
    %dma_start3A_205 = tpu.memref_slice %arg3[%add3A_203, %dma_start3A_204] : memref<2688x120xi32, #tpu.memory_space<hbm>> -> memref<1x120xi32, #tpu.memory_space<hbm>>
    %dma_start3A_206 = tpu.memref_squeeze %dma_start3A_205 : memref<1x120xi32, #tpu.memory_space<hbm>> -> memref<120xi32, #tpu.memory_space<hbm>>
    %dma_start3A_207 = arith.constant 0 : i32
    %dma_start3A_208 = tpu.memref_slice %arg3[%add3A_203, %dma_start3A_207] : memref<2688x120xi32, #tpu.memory_space<hbm>> -> memref<1x120xi32, #tpu.memory_space<hbm>>
    %dma_start3A_209 = tpu.memref_squeeze %dma_start3A_208 : memref<1x120xi32, #tpu.memory_space<hbm>> -> memref<120xi32, #tpu.memory_space<hbm>>
    tpu.enqueue_dma source(%dma_start3A_209 : memref<120xi32, #tpu.memory_space<hbm>>) target(%arg6 : memref<120xi32, #tpu.memory_space<vmem>>) target_semaphore(%arg22 : memref<!tpu.dma_semaphore, #tpu.memory_space<semaphore_mem>>)
    %add3A_210 = arith.constant 6 : i32
    %add3A_211 = arith.addi %mul3A_2, %add3A_210 : i32
    %dma_start3A_212 = arith.constant 0 : i32
    %dma_start3A_213 = tpu.memref_slice %arg4[%add3A_211, %dma_start3A_212] : memref<2688x120xi32, #tpu.memory_space<hbm>> -> memref<1x120xi32, #tpu.memory_space<hbm>>
    %dma_start3A_214 = tpu.memref_squeeze %dma_start3A_213 : memref<1x120xi32, #tpu.memory_space<hbm>> -> memref<120xi32, #tpu.memory_space<hbm>>
    %dma_start3A_215 = arith.constant 0 : i32
    %dma_start3A_216 = tpu.memref_slice %arg4[%add3A_211, %dma_start3A_215] : memref<2688x120xi32, #tpu.memory_space<hbm>> -> memref<1x120xi32, #tpu.memory_space<hbm>>
    %dma_start3A_217 = tpu.memref_squeeze %dma_start3A_216 : memref<1x120xi32, #tpu.memory_space<hbm>> -> memref<120xi32, #tpu.memory_space<hbm>>
    tpu.enqueue_dma source(%dma_start3A_217 : memref<120xi32, #tpu.memory_space<hbm>>) target(%arg12 : memref<120xi32, #tpu.memory_space<vmem>>) target_semaphore(%arg22 : memref<!tpu.dma_semaphore, #tpu.memory_space<semaphore_mem>>)
    %dma_wait3A_218 = arith.constant 0 : i32
    %dma_wait3A_219 = arith.constant 0 : i32
    %dma_wait3A_220 = tpu.memref_slice %arg3[%dma_wait3A_218, %dma_wait3A_219] : memref<2688x120xi32, #tpu.memory_space<hbm>> -> memref<1x120xi32, #tpu.memory_space<hbm>>
    %dma_wait3A_221 = tpu.memref_squeeze %dma_wait3A_220 : memref<1x120xi32, #tpu.memory_space<hbm>> -> memref<120xi32, #tpu.memory_space<hbm>>
    %dma_wait3A_222 = arith.constant 0 : i32
    %dma_wait3A_223 = tpu.memref_slice %arg3[%dma_wait3A_218, %dma_wait3A_222] : memref<2688x120xi32, #tpu.memory_space<hbm>> -> memref<1x120xi32, #tpu.memory_space<hbm>>
    %dma_wait3A_224 = tpu.memref_squeeze %dma_wait3A_223 : memref<1x120xi32, #tpu.memory_space<hbm>> -> memref<120xi32, #tpu.memory_space<hbm>>
    tpu.wait_dma2 semaphore(%arg26 : memref<!tpu.dma_semaphore, #tpu.memory_space<semaphore_mem>>) src(%dma_wait3A_224 : memref<120xi32, #tpu.memory_space<hbm>>) dst(%arg10 : memref<120xi32, #tpu.memory_space<vmem>>)
    %dma_wait3A_225 = arith.constant 0 : i32
    %dma_wait3A_226 = arith.constant 0 : i32
    %dma_wait3A_227 = tpu.memref_slice %arg4[%dma_wait3A_225, %dma_wait3A_226] : memref<2688x120xi32, #tpu.memory_space<hbm>> -> memref<1x120xi32, #tpu.memory_space<hbm>>
    %dma_wait3A_228 = tpu.memref_squeeze %dma_wait3A_227 : memref<1x120xi32, #tpu.memory_space<hbm>> -> memref<120xi32, #tpu.memory_space<hbm>>
    %dma_wait3A_229 = arith.constant 0 : i32
    %dma_wait3A_230 = tpu.memref_slice %arg4[%dma_wait3A_225, %dma_wait3A_229] : memref<2688x120xi32, #tpu.memory_space<hbm>> -> memref<1x120xi32, #tpu.memory_space<hbm>>
    %dma_wait3A_231 = tpu.memref_squeeze %dma_wait3A_230 : memref<1x120xi32, #tpu.memory_space<hbm>> -> memref<120xi32, #tpu.memory_space<hbm>>
    tpu.wait_dma2 semaphore(%arg26 : memref<!tpu.dma_semaphore, #tpu.memory_space<semaphore_mem>>) src(%dma_wait3A_231 : memref<120xi32, #tpu.memory_space<hbm>>) dst(%arg16 : memref<120xi32, #tpu.memory_space<vmem>>)
    %dma_start3A_232 = arith.constant 0 : i32
    %dma_start3A_233 = arith.constant 0 : i32
    %dma_start3A_234 = tpu.memref_slice %arg2[%dma_start3A_232, %dma_start3A_233] : memref<10240x128xf32, #tpu.memory_space<hbm>> -> memref<10240x128xf32, #tpu.memory_space<hbm>>
    tpu.enqueue_indirect_dma source(%dma_start3A_234 : memref<10240x128xf32, #tpu.memory_space<hbm>>) target(%arg19 : memref<120x128xf32, #tpu.memory_space<vmem>>) offsets(%arg10 : memref<120xi32, #tpu.memory_space<vmem>>) semaphore(%arg29 : memref<!tpu.dma_semaphore, #tpu.memory_space<semaphore_mem>>)
    %dma_wait3A_235 = arith.constant 0 : i32
    %dma_wait3A_236 = arith.constant 0 : i32
    %dma_wait3A_237 = tpu.memref_slice %arg2[%dma_wait3A_235, %dma_wait3A_236] : memref<10240x128xf32, #tpu.memory_space<hbm>> -> memref<10240x128xf32, #tpu.memory_space<hbm>>
    tpu.wait_indirect_dma semaphore(%arg30 : memref<!tpu.dma_semaphore, #tpu.memory_space<semaphore_mem>>) src(%dma_wait3A_237 : memref<10240x128xf32, #tpu.memory_space<hbm>>) dst(%arg20 : memref<120x128xf32, #tpu.memory_space<vmem>>)
    "tpu.region"() ({
      %run_scoped3A = tpu.sem_alloc : memref<!tpu.dma_semaphore, #tpu.memory_space<semaphore_mem>>
      %dma_start3A_476 = arith.constant 0 : i32
      %dma_start3A_477 = arith.constant 0 : i32
      %dma_start3A_478 = tpu.memref_slice %arg21[%dma_start3A_476, %dma_start3A_477] : memref<10240x128xf32, #tpu.memory_space<vmem_shared>> -> memref<10240x128xf32, #tpu.memory_space<vmem_shared>>
      tpu.enqueue_indirect_dma source(%arg20 : memref<120x128xf32, #tpu.memory_space<vmem>>) target(%dma_start3A_478 : memref<10240x128xf32, #tpu.memory_space<vmem_shared>>) offsets(%arg14 : memref<120xi32, #tpu.memory_space<vmem>>) semaphore(%run_scoped3A : memref<!tpu.dma_semaphore, #tpu.memory_space<semaphore_mem>>) {add = true}
      %dma_wait3A_479 = arith.constant 0 : i32
      %dma_wait3A_480 = arith.constant 0 : i32
      %dma_wait3A_481 = tpu.memref_slice %arg21[%dma_wait3A_479, %dma_wait3A_480] : memref<10240x128xf32, #tpu.memory_space<vmem_shared>> -> memref<10240x128xf32, #tpu.memory_space<vmem_shared>>
      tpu.wait_indirect_dma semaphore(%run_scoped3A : memref<!tpu.dma_semaphore, #tpu.memory_space<semaphore_mem>>) src(%arg20 : memref<120x128xf32, #tpu.memory_space<vmem>>) dst(%dma_wait3A_481 : memref<10240x128xf32, #tpu.memory_space<vmem_shared>>)
      tpu.yield
    }) : () -> ()
    %add3A_238 = arith.constant 7 : i32
    %add3A_239 = arith.addi %mul3A_2, %add3A_238 : i32
    %dma_start3A_240 = arith.constant 0 : i32
    %dma_start3A_241 = tpu.memref_slice %arg3[%add3A_239, %dma_start3A_240] : memref<2688x120xi32, #tpu.memory_space<hbm>> -> memref<1x120xi32, #tpu.memory_space<hbm>>
    %dma_start3A_242 = tpu.memref_squeeze %dma_start3A_241 : memref<1x120xi32, #tpu.memory_space<hbm>> -> memref<120xi32, #tpu.memory_space<hbm>>
    %dma_start3A_243 = arith.constant 0 : i32
    %dma_start3A_244 = tpu.memref_slice %arg3[%add3A_239, %dma_start3A_243] : memref<2688x120xi32, #tpu.memory_space<hbm>> -> memref<1x120xi32, #tpu.memory_space<hbm>>
    %dma_start3A_245 = tpu.memref_squeeze %dma_start3A_244 : memref<1x120xi32, #tpu.memory_space<hbm>> -> memref<120xi32, #tpu.memory_space<hbm>>
    tpu.enqueue_dma source(%dma_start3A_245 : memref<120xi32, #tpu.memory_space<hbm>>) target(%arg7 : memref<120xi32, #tpu.memory_space<vmem>>) target_semaphore(%arg23 : memref<!tpu.dma_semaphore, #tpu.memory_space<semaphore_mem>>)
    %add3A_246 = arith.constant 7 : i32
    %add3A_247 = arith.addi %mul3A_2, %add3A_246 : i32
    %dma_start3A_248 = arith.constant 0 : i32
    %dma_start3A_249 = tpu.memref_slice %arg4[%add3A_247, %dma_start3A_248] : memref<2688x120xi32, #tpu.memory_space<hbm>> -> memref<1x120xi32, #tpu.memory_space<hbm>>
    %dma_start3A_250 = tpu.memref_squeeze %dma_start3A_249 : memref<1x120xi32, #tpu.memory_space<hbm>> -> memref<120xi32, #tpu.memory_space<hbm>>
    %dma_start3A_251 = arith.constant 0 : i32
    %dma_start3A_252 = tpu.memref_slice %arg4[%add3A_247, %dma_start3A_251] : memref<2688x120xi32, #tpu.memory_space<hbm>> -> memref<1x120xi32, #tpu.memory_space<hbm>>
    %dma_start3A_253 = tpu.memref_squeeze %dma_start3A_252 : memref<1x120xi32, #tpu.memory_space<hbm>> -> memref<120xi32, #tpu.memory_space<hbm>>
    tpu.enqueue_dma source(%dma_start3A_253 : memref<120xi32, #tpu.memory_space<hbm>>) target(%arg13 : memref<120xi32, #tpu.memory_space<vmem>>) target_semaphore(%arg23 : memref<!tpu.dma_semaphore, #tpu.memory_space<semaphore_mem>>)
    %dma_wait3A_254 = arith.constant 0 : i32
    %dma_wait3A_255 = arith.constant 0 : i32
    %dma_wait3A_256 = tpu.memref_slice %arg3[%dma_wait3A_254, %dma_wait3A_255] : memref<2688x120xi32, #tpu.memory_space<hbm>> -> memref<1x120xi32, #tpu.memory_space<hbm>>
    %dma_wait3A_257 = tpu.memref_squeeze %dma_wait3A_256 : memref<1x120xi32, #tpu.memory_space<hbm>> -> memref<120xi32, #tpu.memory_space<hbm>>
    %dma_wait3A_258 = arith.constant 0 : i32
    %dma_wait3A_259 = tpu.memref_slice %arg3[%dma_wait3A_254, %dma_wait3A_258] : memref<2688x120xi32, #tpu.memory_space<hbm>> -> memref<1x120xi32, #tpu.memory_space<hbm>>
    %dma_wait3A_260 = tpu.memref_squeeze %dma_wait3A_259 : memref<1x120xi32, #tpu.memory_space<hbm>> -> memref<120xi32, #tpu.memory_space<hbm>>
    tpu.wait_dma2 semaphore(%arg27 : memref<!tpu.dma_semaphore, #tpu.memory_space<semaphore_mem>>) src(%dma_wait3A_260 : memref<120xi32, #tpu.memory_space<hbm>>) dst(%arg11 : memref<120xi32, #tpu.memory_space<vmem>>)
    %dma_wait3A_261 = arith.constant 0 : i32
    %dma_wait3A_262 = arith.constant 0 : i32
    %dma_wait3A_263 = tpu.memref_slice %arg4[%dma_wait3A_261, %dma_wait3A_262] : memref<2688x120xi32, #tpu.memory_space<hbm>> -> memref<1x120xi32, #tpu.memory_space<hbm>>
    %dma_wait3A_264 = tpu.memref_squeeze %dma_wait3A_263 : memref<1x120xi32, #tpu.memory_space<hbm>> -> memref<120xi32, #tpu.memory_space<hbm>>
    %dma_wait3A_265 = arith.constant 0 : i32
    %dma_wait3A_266 = tpu.memref_slice %arg4[%dma_wait3A_261, %dma_wait3A_265] : memref<2688x120xi32, #tpu.memory_space<hbm>> -> memref<1x120xi32, #tpu.memory_space<hbm>>
    %dma_wait3A_267 = tpu.memref_squeeze %dma_wait3A_266 : memref<1x120xi32, #tpu.memory_space<hbm>> -> memref<120xi32, #tpu.memory_space<hbm>>
    tpu.wait_dma2 semaphore(%arg27 : memref<!tpu.dma_semaphore, #tpu.memory_space<semaphore_mem>>) src(%dma_wait3A_267 : memref<120xi32, #tpu.memory_space<hbm>>) dst(%arg17 : memref<120xi32, #tpu.memory_space<vmem>>)
    %dma_start3A_268 = arith.constant 0 : i32
    %dma_start3A_269 = arith.constant 0 : i32
    %dma_start3A_270 = tpu.memref_slice %arg2[%dma_start3A_268, %dma_start3A_269] : memref<10240x128xf32, #tpu.memory_space<hbm>> -> memref<10240x128xf32, #tpu.memory_space<hbm>>
    tpu.enqueue_indirect_dma source(%dma_start3A_270 : memref<10240x128xf32, #tpu.memory_space<hbm>>) target(%arg20 : memref<120x128xf32, #tpu.memory_space<vmem>>) offsets(%arg11 : memref<120xi32, #tpu.memory_space<vmem>>) semaphore(%arg30 : memref<!tpu.dma_semaphore, #tpu.memory_space<semaphore_mem>>)
    %dma_wait3A_271 = arith.constant 0 : i32
    %dma_wait3A_272 = arith.constant 0 : i32
    %dma_wait3A_273 = tpu.memref_slice %arg2[%dma_wait3A_271, %dma_wait3A_272] : memref<10240x128xf32, #tpu.memory_space<hbm>> -> memref<10240x128xf32, #tpu.memory_space<hbm>>
    tpu.wait_indirect_dma semaphore(%arg28 : memref<!tpu.dma_semaphore, #tpu.memory_space<semaphore_mem>>) src(%dma_wait3A_273 : memref<10240x128xf32, #tpu.memory_space<hbm>>) dst(%arg18 : memref<120x128xf32, #tpu.memory_space<vmem>>)
    "tpu.region"() ({
      %run_scoped3A = tpu.sem_alloc : memref<!tpu.dma_semaphore, #tpu.memory_space<semaphore_mem>>
      %dma_start3A_476 = arith.constant 0 : i32
      %dma_start3A_477 = arith.constant 0 : i32
      %dma_start3A_478 = tpu.memref_slice %arg21[%dma_start3A_476, %dma_start3A_477] : memref<10240x128xf32, #tpu.memory_space<vmem_shared>> -> memref<10240x128xf32, #tpu.memory_space<vmem_shared>>
      tpu.enqueue_indirect_dma source(%arg18 : memref<120x128xf32, #tpu.memory_space<vmem>>) target(%dma_start3A_478 : memref<10240x128xf32, #tpu.memory_space<vmem_shared>>) offsets(%arg15 : memref<120xi32, #tpu.memory_space<vmem>>) semaphore(%run_scoped3A : memref<!tpu.dma_semaphore, #tpu.memory_space<semaphore_mem>>) {add = true}
      %dma_wait3A_479 = arith.constant 0 : i32
      %dma_wait3A_480 = arith.constant 0 : i32
      %dma_wait3A_481 = tpu.memref_slice %arg21[%dma_wait3A_479, %dma_wait3A_480] : memref<10240x128xf32, #tpu.memory_space<vmem_shared>> -> memref<10240x128xf32, #tpu.memory_space<vmem_shared>>
      tpu.wait_indirect_dma semaphore(%run_scoped3A : memref<!tpu.dma_semaphore, #tpu.memory_space<semaphore_mem>>) src(%arg18 : memref<120x128xf32, #tpu.memory_space<vmem>>) dst(%dma_wait3A_481 : memref<10240x128xf32, #tpu.memory_space<vmem_shared>>)
      tpu.yield
    }) : () -> ()
    %add3A_274 = arith.constant 8 : i32
    %add3A_275 = arith.addi %mul3A_2, %add3A_274 : i32
    %dma_start3A_276 = arith.constant 0 : i32
    %dma_start3A_277 = tpu.memref_slice %arg3[%add3A_275, %dma_start3A_276] : memref<2688x120xi32, #tpu.memory_space<hbm>> -> memref<1x120xi32, #tpu.memory_space<hbm>>
    %dma_start3A_278 = tpu.memref_squeeze %dma_start3A_277 : memref<1x120xi32, #tpu.memory_space<hbm>> -> memref<120xi32, #tpu.memory_space<hbm>>
    %dma_start3A_279 = arith.constant 0 : i32
    %dma_start3A_280 = tpu.memref_slice %arg3[%add3A_275, %dma_start3A_279] : memref<2688x120xi32, #tpu.memory_space<hbm>> -> memref<1x120xi32, #tpu.memory_space<hbm>>
    %dma_start3A_281 = tpu.memref_squeeze %dma_start3A_280 : memref<1x120xi32, #tpu.memory_space<hbm>> -> memref<120xi32, #tpu.memory_space<hbm>>
    tpu.enqueue_dma source(%dma_start3A_281 : memref<120xi32, #tpu.memory_space<hbm>>) target(%arg8 : memref<120xi32, #tpu.memory_space<vmem>>) target_semaphore(%arg24 : memref<!tpu.dma_semaphore, #tpu.memory_space<semaphore_mem>>)
    %add3A_282 = arith.constant 8 : i32
    %add3A_283 = arith.addi %mul3A_2, %add3A_282 : i32
    %dma_start3A_284 = arith.constant 0 : i32
    %dma_start3A_285 = tpu.memref_slice %arg4[%add3A_283, %dma_start3A_284] : memref<2688x120xi32, #tpu.memory_space<hbm>> -> memref<1x120xi32, #tpu.memory_space<hbm>>
    %dma_start3A_286 = tpu.memref_squeeze %dma_start3A_285 : memref<1x120xi32, #tpu.memory_space<hbm>> -> memref<120xi32, #tpu.memory_space<hbm>>
    %dma_start3A_287 = arith.constant 0 : i32
    %dma_start3A_288 = tpu.memref_slice %arg4[%add3A_283, %dma_start3A_287] : memref<2688x120xi32, #tpu.memory_space<hbm>> -> memref<1x120xi32, #tpu.memory_space<hbm>>
    %dma_start3A_289 = tpu.memref_squeeze %dma_start3A_288 : memref<1x120xi32, #tpu.memory_space<hbm>> -> memref<120xi32, #tpu.memory_space<hbm>>
    tpu.enqueue_dma source(%dma_start3A_289 : memref<120xi32, #tpu.memory_space<hbm>>) target(%arg14 : memref<120xi32, #tpu.memory_space<vmem>>) target_semaphore(%arg24 : memref<!tpu.dma_semaphore, #tpu.memory_space<semaphore_mem>>)
    %dma_wait3A_290 = arith.constant 0 : i32
    %dma_wait3A_291 = arith.constant 0 : i32
    %dma_wait3A_292 = tpu.memref_slice %arg3[%dma_wait3A_290, %dma_wait3A_291] : memref<2688x120xi32, #tpu.memory_space<hbm>> -> memref<1x120xi32, #tpu.memory_space<hbm>>
    %dma_wait3A_293 = tpu.memref_squeeze %dma_wait3A_292 : memref<1x120xi32, #tpu.memory_space<hbm>> -> memref<120xi32, #tpu.memory_space<hbm>>
    %dma_wait3A_294 = arith.constant 0 : i32
    %dma_wait3A_295 = tpu.memref_slice %arg3[%dma_wait3A_290, %dma_wait3A_294] : memref<2688x120xi32, #tpu.memory_space<hbm>> -> memref<1x120xi32, #tpu.memory_space<hbm>>
    %dma_wait3A_296 = tpu.memref_squeeze %dma_wait3A_295 : memref<1x120xi32, #tpu.memory_space<hbm>> -> memref<120xi32, #tpu.memory_space<hbm>>
    tpu.wait_dma2 semaphore(%arg22 : memref<!tpu.dma_semaphore, #tpu.memory_space<semaphore_mem>>) src(%dma_wait3A_296 : memref<120xi32, #tpu.memory_space<hbm>>) dst(%arg6 : memref<120xi32, #tpu.memory_space<vmem>>)
    %dma_wait3A_297 = arith.constant 0 : i32
    %dma_wait3A_298 = arith.constant 0 : i32
    %dma_wait3A_299 = tpu.memref_slice %arg4[%dma_wait3A_297, %dma_wait3A_298] : memref<2688x120xi32, #tpu.memory_space<hbm>> -> memref<1x120xi32, #tpu.memory_space<hbm>>
    %dma_wait3A_300 = tpu.memref_squeeze %dma_wait3A_299 : memref<1x120xi32, #tpu.memory_space<hbm>> -> memref<120xi32, #tpu.memory_space<hbm>>
    %dma_wait3A_301 = arith.constant 0 : i32
    %dma_wait3A_302 = tpu.memref_slice %arg4[%dma_wait3A_297, %dma_wait3A_301] : memref<2688x120xi32, #tpu.memory_space<hbm>> -> memref<1x120xi32, #tpu.memory_space<hbm>>
    %dma_wait3A_303 = tpu.memref_squeeze %dma_wait3A_302 : memref<1x120xi32, #tpu.memory_space<hbm>> -> memref<120xi32, #tpu.memory_space<hbm>>
    tpu.wait_dma2 semaphore(%arg22 : memref<!tpu.dma_semaphore, #tpu.memory_space<semaphore_mem>>) src(%dma_wait3A_303 : memref<120xi32, #tpu.memory_space<hbm>>) dst(%arg12 : memref<120xi32, #tpu.memory_space<vmem>>)
    %dma_start3A_304 = arith.constant 0 : i32
    %dma_start3A_305 = arith.constant 0 : i32
    %dma_start3A_306 = tpu.memref_slice %arg2[%dma_start3A_304, %dma_start3A_305] : memref<10240x128xf32, #tpu.memory_space<hbm>> -> memref<10240x128xf32, #tpu.memory_space<hbm>>
    tpu.enqueue_indirect_dma source(%dma_start3A_306 : memref<10240x128xf32, #tpu.memory_space<hbm>>) target(%arg18 : memref<120x128xf32, #tpu.memory_space<vmem>>) offsets(%arg6 : memref<120xi32, #tpu.memory_space<vmem>>) semaphore(%arg28 : memref<!tpu.dma_semaphore, #tpu.memory_space<semaphore_mem>>)
    %dma_wait3A_307 = arith.constant 0 : i32
    %dma_wait3A_308 = arith.constant 0 : i32
    %dma_wait3A_309 = tpu.memref_slice %arg2[%dma_wait3A_307, %dma_wait3A_308] : memref<10240x128xf32, #tpu.memory_space<hbm>> -> memref<10240x128xf32, #tpu.memory_space<hbm>>
    tpu.wait_indirect_dma semaphore(%arg29 : memref<!tpu.dma_semaphore, #tpu.memory_space<semaphore_mem>>) src(%dma_wait3A_309 : memref<10240x128xf32, #tpu.memory_space<hbm>>) dst(%arg19 : memref<120x128xf32, #tpu.memory_space<vmem>>)
    "tpu.region"() ({
      %run_scoped3A = tpu.sem_alloc : memref<!tpu.dma_semaphore, #tpu.memory_space<semaphore_mem>>
      %dma_start3A_476 = arith.constant 0 : i32
      %dma_start3A_477 = arith.constant 0 : i32
      %dma_start3A_478 = tpu.memref_slice %arg21[%dma_start3A_476, %dma_start3A_477] : memref<10240x128xf32, #tpu.memory_space<vmem_shared>> -> memref<10240x128xf32, #tpu.memory_space<vmem_shared>>
      tpu.enqueue_indirect_dma source(%arg19 : memref<120x128xf32, #tpu.memory_space<vmem>>) target(%dma_start3A_478 : memref<10240x128xf32, #tpu.memory_space<vmem_shared>>) offsets(%arg16 : memref<120xi32, #tpu.memory_space<vmem>>) semaphore(%run_scoped3A : memref<!tpu.dma_semaphore, #tpu.memory_space<semaphore_mem>>) {add = true}
      %dma_wait3A_479 = arith.constant 0 : i32
      %dma_wait3A_480 = arith.constant 0 : i32
      %dma_wait3A_481 = tpu.memref_slice %arg21[%dma_wait3A_479, %dma_wait3A_480] : memref<10240x128xf32, #tpu.memory_space<vmem_shared>> -> memref<10240x128xf32, #tpu.memory_space<vmem_shared>>
      tpu.wait_indirect_dma semaphore(%run_scoped3A : memref<!tpu.dma_semaphore, #tpu.memory_space<semaphore_mem>>) src(%arg19 : memref<120x128xf32, #tpu.memory_space<vmem>>) dst(%dma_wait3A_481 : memref<10240x128xf32, #tpu.memory_space<vmem_shared>>)
      tpu.yield
    }) : () -> ()
    %add3A_310 = arith.constant 9 : i32
    %add3A_311 = arith.addi %mul3A_2, %add3A_310 : i32
    %dma_start3A_312 = arith.constant 0 : i32
    %dma_start3A_313 = tpu.memref_slice %arg3[%add3A_311, %dma_start3A_312] : memref<2688x120xi32, #tpu.memory_space<hbm>> -> memref<1x120xi32, #tpu.memory_space<hbm>>
    %dma_start3A_314 = tpu.memref_squeeze %dma_start3A_313 : memref<1x120xi32, #tpu.memory_space<hbm>> -> memref<120xi32, #tpu.memory_space<hbm>>
    %dma_start3A_315 = arith.constant 0 : i32
    %dma_start3A_316 = tpu.memref_slice %arg3[%add3A_311, %dma_start3A_315] : memref<2688x120xi32, #tpu.memory_space<hbm>> -> memref<1x120xi32, #tpu.memory_space<hbm>>
    %dma_start3A_317 = tpu.memref_squeeze %dma_start3A_316 : memref<1x120xi32, #tpu.memory_space<hbm>> -> memref<120xi32, #tpu.memory_space<hbm>>
    tpu.enqueue_dma source(%dma_start3A_317 : memref<120xi32, #tpu.memory_space<hbm>>) target(%arg9 : memref<120xi32, #tpu.memory_space<vmem>>) target_semaphore(%arg25 : memref<!tpu.dma_semaphore, #tpu.memory_space<semaphore_mem>>)
    %add3A_318 = arith.constant 9 : i32
    %add3A_319 = arith.addi %mul3A_2, %add3A_318 : i32
    %dma_start3A_320 = arith.constant 0 : i32
    %dma_start3A_321 = tpu.memref_slice %arg4[%add3A_319, %dma_start3A_320] : memref<2688x120xi32, #tpu.memory_space<hbm>> -> memref<1x120xi32, #tpu.memory_space<hbm>>
    %dma_start3A_322 = tpu.memref_squeeze %dma_start3A_321 : memref<1x120xi32, #tpu.memory_space<hbm>> -> memref<120xi32, #tpu.memory_space<hbm>>
    %dma_start3A_323 = arith.constant 0 : i32
    %dma_start3A_324 = tpu.memref_slice %arg4[%add3A_319, %dma_start3A_323] : memref<2688x120xi32, #tpu.memory_space<hbm>> -> memref<1x120xi32, #tpu.memory_space<hbm>>
    %dma_start3A_325 = tpu.memref_squeeze %dma_start3A_324 : memref<1x120xi32, #tpu.memory_space<hbm>> -> memref<120xi32, #tpu.memory_space<hbm>>
    tpu.enqueue_dma source(%dma_start3A_325 : memref<120xi32, #tpu.memory_space<hbm>>) target(%arg15 : memref<120xi32, #tpu.memory_space<vmem>>) target_semaphore(%arg25 : memref<!tpu.dma_semaphore, #tpu.memory_space<semaphore_mem>>)
    %dma_wait3A_326 = arith.constant 0 : i32
    %dma_wait3A_327 = arith.constant 0 : i32
    %dma_wait3A_328 = tpu.memref_slice %arg3[%dma_wait3A_326, %dma_wait3A_327] : memref<2688x120xi32, #tpu.memory_space<hbm>> -> memref<1x120xi32, #tpu.memory_space<hbm>>
    %dma_wait3A_329 = tpu.memref_squeeze %dma_wait3A_328 : memref<1x120xi32, #tpu.memory_space<hbm>> -> memref<120xi32, #tpu.memory_space<hbm>>
    %dma_wait3A_330 = arith.constant 0 : i32
    %dma_wait3A_331 = tpu.memref_slice %arg3[%dma_wait3A_326, %dma_wait3A_330] : memref<2688x120xi32, #tpu.memory_space<hbm>> -> memref<1x120xi32, #tpu.memory_space<hbm>>
    %dma_wait3A_332 = tpu.memref_squeeze %dma_wait3A_331 : memref<1x120xi32, #tpu.memory_space<hbm>> -> memref<120xi32, #tpu.memory_space<hbm>>
    tpu.wait_dma2 semaphore(%arg23 : memref<!tpu.dma_semaphore, #tpu.memory_space<semaphore_mem>>) src(%dma_wait3A_332 : memref<120xi32, #tpu.memory_space<hbm>>) dst(%arg7 : memref<120xi32, #tpu.memory_space<vmem>>)
    %dma_wait3A_333 = arith.constant 0 : i32
    %dma_wait3A_334 = arith.constant 0 : i32
    %dma_wait3A_335 = tpu.memref_slice %arg4[%dma_wait3A_333, %dma_wait3A_334] : memref<2688x120xi32, #tpu.memory_space<hbm>> -> memref<1x120xi32, #tpu.memory_space<hbm>>
    %dma_wait3A_336 = tpu.memref_squeeze %dma_wait3A_335 : memref<1x120xi32, #tpu.memory_space<hbm>> -> memref<120xi32, #tpu.memory_space<hbm>>
    %dma_wait3A_337 = arith.constant 0 : i32
    %dma_wait3A_338 = tpu.memref_slice %arg4[%dma_wait3A_333, %dma_wait3A_337] : memref<2688x120xi32, #tpu.memory_space<hbm>> -> memref<1x120xi32, #tpu.memory_space<hbm>>
    %dma_wait3A_339 = tpu.memref_squeeze %dma_wait3A_338 : memref<1x120xi32, #tpu.memory_space<hbm>> -> memref<120xi32, #tpu.memory_space<hbm>>
    tpu.wait_dma2 semaphore(%arg23 : memref<!tpu.dma_semaphore, #tpu.memory_space<semaphore_mem>>) src(%dma_wait3A_339 : memref<120xi32, #tpu.memory_space<hbm>>) dst(%arg13 : memref<120xi32, #tpu.memory_space<vmem>>)
    %dma_start3A_340 = arith.constant 0 : i32
    %dma_start3A_341 = arith.constant 0 : i32
    %dma_start3A_342 = tpu.memref_slice %arg2[%dma_start3A_340, %dma_start3A_341] : memref<10240x128xf32, #tpu.memory_space<hbm>> -> memref<10240x128xf32, #tpu.memory_space<hbm>>
    tpu.enqueue_indirect_dma source(%dma_start3A_342 : memref<10240x128xf32, #tpu.memory_space<hbm>>) target(%arg19 : memref<120x128xf32, #tpu.memory_space<vmem>>) offsets(%arg7 : memref<120xi32, #tpu.memory_space<vmem>>) semaphore(%arg29 : memref<!tpu.dma_semaphore, #tpu.memory_space<semaphore_mem>>)
    %dma_wait3A_343 = arith.constant 0 : i32
    %dma_wait3A_344 = arith.constant 0 : i32
    %dma_wait3A_345 = tpu.memref_slice %arg2[%dma_wait3A_343, %dma_wait3A_344] : memref<10240x128xf32, #tpu.memory_space<hbm>> -> memref<10240x128xf32, #tpu.memory_space<hbm>>
    tpu.wait_indirect_dma semaphore(%arg30 : memref<!tpu.dma_semaphore, #tpu.memory_space<semaphore_mem>>) src(%dma_wait3A_345 : memref<10240x128xf32, #tpu.memory_space<hbm>>) dst(%arg20 : memref<120x128xf32, #tpu.memory_space<vmem>>)
    "tpu.region"() ({
      %run_scoped3A = tpu.sem_alloc : memref<!tpu.dma_semaphore, #tpu.memory_space<semaphore_mem>>
      %dma_start3A_476 = arith.constant 0 : i32
      %dma_start3A_477 = arith.constant 0 : i32
      %dma_start3A_478 = tpu.memref_slice %arg21[%dma_start3A_476, %dma_start3A_477] : memref<10240x128xf32, #tpu.memory_space<vmem_shared>> -> memref<10240x128xf32, #tpu.memory_space<vmem_shared>>
      tpu.enqueue_indirect_dma source(%arg20 : memref<120x128xf32, #tpu.memory_space<vmem>>) target(%dma_start3A_478 : memref<10240x128xf32, #tpu.memory_space<vmem_shared>>) offsets(%arg17 : memref<120xi32, #tpu.memory_space<vmem>>) semaphore(%run_scoped3A : memref<!tpu.dma_semaphore, #tpu.memory_space<semaphore_mem>>) {add = true}
      %dma_wait3A_479 = arith.constant 0 : i32
      %dma_wait3A_480 = arith.constant 0 : i32
      %dma_wait3A_481 = tpu.memref_slice %arg21[%dma_wait3A_479, %dma_wait3A_480] : memref<10240x128xf32, #tpu.memory_space<vmem_shared>> -> memref<10240x128xf32, #tpu.memory_space<vmem_shared>>
      tpu.wait_indirect_dma semaphore(%run_scoped3A : memref<!tpu.dma_semaphore, #tpu.memory_space<semaphore_mem>>) src(%arg20 : memref<120x128xf32, #tpu.memory_space<vmem>>) dst(%dma_wait3A_481 : memref<10240x128xf32, #tpu.memory_space<vmem_shared>>)
      tpu.yield
    }) : () -> ()
    %scan3A_346 = arith.constant 0 : i32
    %scan3A_347 = arith.constant 1 : i32
    %scan3A_348 = arith.constant 12 : i32
    %scan3A_349 = arith.addi %scan3A_347, %scan3A_348 : i32
    %scan3A_350 = arith.constant 1 : i32
    %scan3A_351 = scf.for %scan3A_476 = %scan3A_347 to %scan3A_349 step %scan3A_350 iter_args(%scan3A_477 = %scan3A_346) -> (i32)  : i32 {
      %mul3A_478 = arith.constant 6 : i32
      %mul3A_479 = arith.muli %scan3A_476, %mul3A_478 : i32
      %add3A_480 = arith.constant 0 : i32
      %add3A_481 = arith.addi %mul3A_479, %add3A_480 : i32
      %add3A_482 = arith.constant 4 : i32
      %add3A_483 = arith.addi %add3A_481, %add3A_482 : i32
      %add3A_484 = arith.addi %mul3A_2, %add3A_483 : i32
      %dma_start3A_485 = arith.constant 0 : i32
      %dma_start3A_486 = tpu.memref_slice %arg3[%add3A_484, %dma_start3A_485] : memref<2688x120xi32, #tpu.memory_space<hbm>> -> memref<1x120xi32, #tpu.memory_space<hbm>>
      %dma_start3A_487 = tpu.memref_squeeze %dma_start3A_486 : memref<1x120xi32, #tpu.memory_space<hbm>> -> memref<120xi32, #tpu.memory_space<hbm>>
      %dma_start3A_488 = arith.constant 0 : i32
      %dma_start3A_489 = tpu.memref_slice %arg3[%add3A_484, %dma_start3A_488] : memref<2688x120xi32, #tpu.memory_space<hbm>> -> memref<1x120xi32, #tpu.memory_space<hbm>>
      %dma_start3A_490 = tpu.memref_squeeze %dma_start3A_489 : memref<1x120xi32, #tpu.memory_space<hbm>> -> memref<120xi32, #tpu.memory_space<hbm>>
      tpu.enqueue_dma source(%dma_start3A_490 : memref<120xi32, #tpu.memory_space<hbm>>) target(%arg10 : memref<120xi32, #tpu.memory_space<vmem>>) target_semaphore(%arg26 : memref<!tpu.dma_semaphore, #tpu.memory_space<semaphore_mem>>)
      %add3A_491 = arith.addi %mul3A_2, %add3A_483 : i32
      %dma_start3A_492 = arith.constant 0 : i32
      %dma_start3A_493 = tpu.memref_slice %arg4[%add3A_491, %dma_start3A_492] : memref<2688x120xi32, #tpu.memory_space<hbm>> -> memref<1x120xi32, #tpu.memory_space<hbm>>
      %dma_start3A_494 = tpu.memref_squeeze %dma_start3A_493 : memref<1x120xi32, #tpu.memory_space<hbm>> -> memref<120xi32, #tpu.memory_space<hbm>>
      %dma_start3A_495 = arith.constant 0 : i32
      %dma_start3A_496 = tpu.memref_slice %arg4[%add3A_491, %dma_start3A_495] : memref<2688x120xi32, #tpu.memory_space<hbm>> -> memref<1x120xi32, #tpu.memory_space<hbm>>
      %dma_start3A_497 = tpu.memref_squeeze %dma_start3A_496 : memref<1x120xi32, #tpu.memory_space<hbm>> -> memref<120xi32, #tpu.memory_space<hbm>>
      tpu.enqueue_dma source(%dma_start3A_497 : memref<120xi32, #tpu.memory_space<hbm>>) target(%arg16 : memref<120xi32, #tpu.memory_space<vmem>>) target_semaphore(%arg26 : memref<!tpu.dma_semaphore, #tpu.memory_space<semaphore_mem>>)
      %dma_wait3A_498 = arith.constant 0 : i32
      %dma_wait3A_499 = arith.constant 0 : i32
      %dma_wait3A_500 = tpu.memref_slice %arg3[%dma_wait3A_498, %dma_wait3A_499] : memref<2688x120xi32, #tpu.memory_space<hbm>> -> memref<1x120xi32, #tpu.memory_space<hbm>>
      %dma_wait3A_501 = tpu.memref_squeeze %dma_wait3A_500 : memref<1x120xi32, #tpu.memory_space<hbm>> -> memref<120xi32, #tpu.memory_space<hbm>>
      %dma_wait3A_502 = arith.constant 0 : i32
      %dma_wait3A_503 = tpu.memref_slice %arg3[%dma_wait3A_498, %dma_wait3A_502] : memref<2688x120xi32, #tpu.memory_space<hbm>> -> memref<1x120xi32, #tpu.memory_space<hbm>>
      %dma_wait3A_504 = tpu.memref_squeeze %dma_wait3A_503 : memref<1x120xi32, #tpu.memory_space<hbm>> -> memref<120xi32, #tpu.memory_space<hbm>>
      tpu.wait_dma2 semaphore(%arg24 : memref<!tpu.dma_semaphore, #tpu.memory_space<semaphore_mem>>) src(%dma_wait3A_504 : memref<120xi32, #tpu.memory_space<hbm>>) dst(%arg8 : memref<120xi32, #tpu.memory_space<vmem>>)
      %dma_wait3A_505 = arith.constant 0 : i32
      %dma_wait3A_506 = arith.constant 0 : i32
      %dma_wait3A_507 = tpu.memref_slice %arg4[%dma_wait3A_505, %dma_wait3A_506] : memref<2688x120xi32, #tpu.memory_space<hbm>> -> memref<1x120xi32, #tpu.memory_space<hbm>>
      %dma_wait3A_508 = tpu.memref_squeeze %dma_wait3A_507 : memref<1x120xi32, #tpu.memory_space<hbm>> -> memref<120xi32, #tpu.memory_space<hbm>>
      %dma_wait3A_509 = arith.constant 0 : i32
      %dma_wait3A_510 = tpu.memref_slice %arg4[%dma_wait3A_505, %dma_wait3A_509] : memref<2688x120xi32, #tpu.memory_space<hbm>> -> memref<1x120xi32, #tpu.memory_space<hbm>>
      %dma_wait3A_511 = tpu.memref_squeeze %dma_wait3A_510 : memref<1x120xi32, #tpu.memory_space<hbm>> -> memref<120xi32, #tpu.memory_space<hbm>>
      tpu.wait_dma2 semaphore(%arg24 : memref<!tpu.dma_semaphore, #tpu.memory_space<semaphore_mem>>) src(%dma_wait3A_511 : memref<120xi32, #tpu.memory_space<hbm>>) dst(%arg14 : memref<120xi32, #tpu.memory_space<vmem>>)
      %dma_start3A_512 = arith.constant 0 : i32
      %dma_start3A_513 = arith.constant 0 : i32
      %dma_start3A_514 = tpu.memref_slice %arg2[%dma_start3A_512, %dma_start3A_513] : memref<10240x128xf32, #tpu.memory_space<hbm>> -> memref<10240x128xf32, #tpu.memory_space<hbm>>
      tpu.enqueue_indirect_dma source(%dma_start3A_514 : memref<10240x128xf32, #tpu.memory_space<hbm>>) target(%arg20 : memref<120x128xf32, #tpu.memory_space<vmem>>) offsets(%arg8 : memref<120xi32, #tpu.memory_space<vmem>>) semaphore(%arg30 : memref<!tpu.dma_semaphore, #tpu.memory_space<semaphore_mem>>)
      %dma_wait3A_515 = arith.constant 0 : i32
      %dma_wait3A_516 = arith.constant 0 : i32
      %dma_wait3A_517 = tpu.memref_slice %arg2[%dma_wait3A_515, %dma_wait3A_516] : memref<10240x128xf32, #tpu.memory_space<hbm>> -> memref<10240x128xf32, #tpu.memory_space<hbm>>
      tpu.wait_indirect_dma semaphore(%arg28 : memref<!tpu.dma_semaphore, #tpu.memory_space<semaphore_mem>>) src(%dma_wait3A_517 : memref<10240x128xf32, #tpu.memory_space<hbm>>) dst(%arg18 : memref<120x128xf32, #tpu.memory_space<vmem>>)
      "tpu.region"() ({
        %run_scoped3A = tpu.sem_alloc : memref<!tpu.dma_semaphore, #tpu.memory_space<semaphore_mem>>
        %dma_start3A_709 = arith.constant 0 : i32
        %dma_start3A_710 = arith.constant 0 : i32
        %dma_start3A_711 = tpu.memref_slice %arg21[%dma_start3A_709, %dma_start3A_710] : memref<10240x128xf32, #tpu.memory_space<vmem_shared>> -> memref<10240x128xf32, #tpu.memory_space<vmem_shared>>
        tpu.enqueue_indirect_dma source(%arg18 : memref<120x128xf32, #tpu.memory_space<vmem>>) target(%dma_start3A_711 : memref<10240x128xf32, #tpu.memory_space<vmem_shared>>) offsets(%arg12 : memref<120xi32, #tpu.memory_space<vmem>>) semaphore(%run_scoped3A : memref<!tpu.dma_semaphore, #tpu.memory_space<semaphore_mem>>) {add = true}
        %dma_wait3A_712 = arith.constant 0 : i32
        %dma_wait3A_713 = arith.constant 0 : i32
        %dma_wait3A_714 = tpu.memref_slice %arg21[%dma_wait3A_712, %dma_wait3A_713] : memref<10240x128xf32, #tpu.memory_space<vmem_shared>> -> memref<10240x128xf32, #tpu.memory_space<vmem_shared>>
        tpu.wait_indirect_dma semaphore(%run_scoped3A : memref<!tpu.dma_semaphore, #tpu.memory_space<semaphore_mem>>) src(%arg18 : memref<120x128xf32, #tpu.memory_space<vmem>>) dst(%dma_wait3A_714 : memref<10240x128xf32, #tpu.memory_space<vmem_shared>>)
        tpu.yield
      }) : () -> ()
      %add3A_518 = arith.constant 1 : i32
      %add3A_519 = arith.addi %mul3A_479, %add3A_518 : i32
      %add3A_520 = arith.constant 4 : i32
      %add3A_521 = arith.addi %add3A_519, %add3A_520 : i32
      %add3A_522 = arith.addi %mul3A_2, %add3A_521 : i32
      %dma_start3A_523 = arith.constant 0 : i32
      %dma_start3A_524 = tpu.memref_slice %arg3[%add3A_522, %dma_start3A_523] : memref<2688x120xi32, #tpu.memory_space<hbm>> -> memref<1x120xi32, #tpu.memory_space<hbm>>
      %dma_start3A_525 = tpu.memref_squeeze %dma_start3A_524 : memref<1x120xi32, #tpu.memory_space<hbm>> -> memref<120xi32, #tpu.memory_space<hbm>>
      %dma_start3A_526 = arith.constant 0 : i32
      %dma_start3A_527 = tpu.memref_slice %arg3[%add3A_522, %dma_start3A_526] : memref<2688x120xi32, #tpu.memory_space<hbm>> -> memref<1x120xi32, #tpu.memory_space<hbm>>
      %dma_start3A_528 = tpu.memref_squeeze %dma_start3A_527 : memref<1x120xi32, #tpu.memory_space<hbm>> -> memref<120xi32, #tpu.memory_space<hbm>>
      tpu.enqueue_dma source(%dma_start3A_528 : memref<120xi32, #tpu.memory_space<hbm>>) target(%arg11 : memref<120xi32, #tpu.memory_space<vmem>>) target_semaphore(%arg27 : memref<!tpu.dma_semaphore, #tpu.memory_space<semaphore_mem>>)
      %add3A_529 = arith.addi %mul3A_2, %add3A_521 : i32
      %dma_start3A_530 = arith.constant 0 : i32
      %dma_start3A_531 = tpu.memref_slice %arg4[%add3A_529, %dma_start3A_530] : memref<2688x120xi32, #tpu.memory_space<hbm>> -> memref<1x120xi32, #tpu.memory_space<hbm>>
      %dma_start3A_532 = tpu.memref_squeeze %dma_start3A_531 : memref<1x120xi32, #tpu.memory_space<hbm>> -> memref<120xi32, #tpu.memory_space<hbm>>
      %dma_start3A_533 = arith.constant 0 : i32
      %dma_start3A_534 = tpu.memref_slice %arg4[%add3A_529, %dma_start3A_533] : memref<2688x120xi32, #tpu.memory_space<hbm>> -> memref<1x120xi32, #tpu.memory_space<hbm>>
      %dma_start3A_535 = tpu.memref_squeeze %dma_start3A_534 : memref<1x120xi32, #tpu.memory_space<hbm>> -> memref<120xi32, #tpu.memory_space<hbm>>
      tpu.enqueue_dma source(%dma_start3A_535 : memref<120xi32, #tpu.memory_space<hbm>>) target(%arg17 : memref<120xi32, #tpu.memory_space<vmem>>) target_semaphore(%arg27 : memref<!tpu.dma_semaphore, #tpu.memory_space<semaphore_mem>>)
      %dma_wait3A_536 = arith.constant 0 : i32
      %dma_wait3A_537 = arith.constant 0 : i32
      %dma_wait3A_538 = tpu.memref_slice %arg3[%dma_wait3A_536, %dma_wait3A_537] : memref<2688x120xi32, #tpu.memory_space<hbm>> -> memref<1x120xi32, #tpu.memory_space<hbm>>
      %dma_wait3A_539 = tpu.memref_squeeze %dma_wait3A_538 : memref<1x120xi32, #tpu.memory_space<hbm>> -> memref<120xi32, #tpu.memory_space<hbm>>
      %dma_wait3A_540 = arith.constant 0 : i32
      %dma_wait3A_541 = tpu.memref_slice %arg3[%dma_wait3A_536, %dma_wait3A_540] : memref<2688x120xi32, #tpu.memory_space<hbm>> -> memref<1x120xi32, #tpu.memory_space<hbm>>
      %dma_wait3A_542 = tpu.memref_squeeze %dma_wait3A_541 : memref<1x120xi32, #tpu.memory_space<hbm>> -> memref<120xi32, #tpu.memory_space<hbm>>
      tpu.wait_dma2 semaphore(%arg25 : memref<!tpu.dma_semaphore, #tpu.memory_space<semaphore_mem>>) src(%dma_wait3A_542 : memref<120xi32, #tpu.memory_space<hbm>>) dst(%arg9 : memref<120xi32, #tpu.memory_space<vmem>>)
      %dma_wait3A_543 = arith.constant 0 : i32
      %dma_wait3A_544 = arith.constant 0 : i32
      %dma_wait3A_545 = tpu.memref_slice %arg4[%dma_wait3A_543, %dma_wait3A_544] : memref<2688x120xi32, #tpu.memory_space<hbm>> -> memref<1x120xi32, #tpu.memory_space<hbm>>
      %dma_wait3A_546 = tpu.memref_squeeze %dma_wait3A_545 : memref<1x120xi32, #tpu.memory_space<hbm>> -> memref<120xi32, #tpu.memory_space<hbm>>
      %dma_wait3A_547 = arith.constant 0 : i32
      %dma_wait3A_548 = tpu.memref_slice %arg4[%dma_wait3A_543, %dma_wait3A_547] : memref<2688x120xi32, #tpu.memory_space<hbm>> -> memref<1x120xi32, #tpu.memory_space<hbm>>
      %dma_wait3A_549 = tpu.memref_squeeze %dma_wait3A_548 : memref<1x120xi32, #tpu.memory_space<hbm>> -> memref<120xi32, #tpu.memory_space<hbm>>
      tpu.wait_dma2 semaphore(%arg25 : memref<!tpu.dma_semaphore, #tpu.memory_space<semaphore_mem>>) src(%dma_wait3A_549 : memref<120xi32, #tpu.memory_space<hbm>>) dst(%arg15 : memref<120xi32, #tpu.memory_space<vmem>>)
      %dma_start3A_550 = arith.constant 0 : i32
      %dma_start3A_551 = arith.constant 0 : i32
      %dma_start3A_552 = tpu.memref_slice %arg2[%dma_start3A_550, %dma_start3A_551] : memref<10240x128xf32, #tpu.memory_space<hbm>> -> memref<10240x128xf32, #tpu.memory_space<hbm>>
      tpu.enqueue_indirect_dma source(%dma_start3A_552 : memref<10240x128xf32, #tpu.memory_space<hbm>>) target(%arg18 : memref<120x128xf32, #tpu.memory_space<vmem>>) offsets(%arg9 : memref<120xi32, #tpu.memory_space<vmem>>) semaphore(%arg28 : memref<!tpu.dma_semaphore, #tpu.memory_space<semaphore_mem>>)
      %dma_wait3A_553 = arith.constant 0 : i32
      %dma_wait3A_554 = arith.constant 0 : i32
      %dma_wait3A_555 = tpu.memref_slice %arg2[%dma_wait3A_553, %dma_wait3A_554] : memref<10240x128xf32, #tpu.memory_space<hbm>> -> memref<10240x128xf32, #tpu.memory_space<hbm>>
      tpu.wait_indirect_dma semaphore(%arg29 : memref<!tpu.dma_semaphore, #tpu.memory_space<semaphore_mem>>) src(%dma_wait3A_555 : memref<10240x128xf32, #tpu.memory_space<hbm>>) dst(%arg19 : memref<120x128xf32, #tpu.memory_space<vmem>>)
      "tpu.region"() ({
        %run_scoped3A = tpu.sem_alloc : memref<!tpu.dma_semaphore, #tpu.memory_space<semaphore_mem>>
        %dma_start3A_709 = arith.constant 0 : i32
        %dma_start3A_710 = arith.constant 0 : i32
        %dma_start3A_711 = tpu.memref_slice %arg21[%dma_start3A_709, %dma_start3A_710] : memref<10240x128xf32, #tpu.memory_space<vmem_shared>> -> memref<10240x128xf32, #tpu.memory_space<vmem_shared>>
        tpu.enqueue_indirect_dma source(%arg19 : memref<120x128xf32, #tpu.memory_space<vmem>>) target(%dma_start3A_711 : memref<10240x128xf32, #tpu.memory_space<vmem_shared>>) offsets(%arg13 : memref<120xi32, #tpu.memory_space<vmem>>) semaphore(%run_scoped3A : memref<!tpu.dma_semaphore, #tpu.memory_space<semaphore_mem>>) {add = true}
        %dma_wait3A_712 = arith.constant 0 : i32
        %dma_wait3A_713 = arith.constant 0 : i32
        %dma_wait3A_714 = tpu.memref_slice %arg21[%dma_wait3A_712, %dma_wait3A_713] : memref<10240x128xf32, #tpu.memory_space<vmem_shared>> -> memref<10240x128xf32, #tpu.memory_space<vmem_shared>>
        tpu.wait_indirect_dma semaphore(%run_scoped3A : memref<!tpu.dma_semaphore, #tpu.memory_space<semaphore_mem>>) src(%arg19 : memref<120x128xf32, #tpu.memory_space<vmem>>) dst(%dma_wait3A_714 : memref<10240x128xf32, #tpu.memory_space<vmem_shared>>)
        tpu.yield
      }) : () -> ()
      %add3A_556 = arith.constant 2 : i32
      %add3A_557 = arith.addi %mul3A_479, %add3A_556 : i32
      %add3A_558 = arith.constant 4 : i32
      %add3A_559 = arith.addi %add3A_557, %add3A_558 : i32
      %add3A_560 = arith.addi %mul3A_2, %add3A_559 : i32
      %dma_start3A_561 = arith.constant 0 : i32
      %dma_start3A_562 = tpu.memref_slice %arg3[%add3A_560, %dma_start3A_561] : memref<2688x120xi32, #tpu.memory_space<hbm>> -> memref<1x120xi32, #tpu.memory_space<hbm>>
      %dma_start3A_563 = tpu.memref_squeeze %dma_start3A_562 : memref<1x120xi32, #tpu.memory_space<hbm>> -> memref<120xi32, #tpu.memory_space<hbm>>
      %dma_start3A_564 = arith.constant 0 : i32
      %dma_start3A_565 = tpu.memref_slice %arg3[%add3A_560, %dma_start3A_564] : memref<2688x120xi32, #tpu.memory_space<hbm>> -> memref<1x120xi32, #tpu.memory_space<hbm>>
      %dma_start3A_566 = tpu.memref_squeeze %dma_start3A_565 : memref<1x120xi32, #tpu.memory_space<hbm>> -> memref<120xi32, #tpu.memory_space<hbm>>
      tpu.enqueue_dma source(%dma_start3A_566 : memref<120xi32, #tpu.memory_space<hbm>>) target(%arg6 : memref<120xi32, #tpu.memory_space<vmem>>) target_semaphore(%arg22 : memref<!tpu.dma_semaphore, #tpu.memory_space<semaphore_mem>>)
      %add3A_567 = arith.addi %mul3A_2, %add3A_559 : i32
      %dma_start3A_568 = arith.constant 0 : i32
      %dma_start3A_569 = tpu.memref_slice %arg4[%add3A_567, %dma_start3A_568] : memref<2688x120xi32, #tpu.memory_space<hbm>> -> memref<1x120xi32, #tpu.memory_space<hbm>>
      %dma_start3A_570 = tpu.memref_squeeze %dma_start3A_569 : memref<1x120xi32, #tpu.memory_space<hbm>> -> memref<120xi32, #tpu.memory_space<hbm>>
      %dma_start3A_571 = arith.constant 0 : i32
      %dma_start3A_572 = tpu.memref_slice %arg4[%add3A_567, %dma_start3A_571] : memref<2688x120xi32, #tpu.memory_space<hbm>> -> memref<1x120xi32, #tpu.memory_space<hbm>>
      %dma_start3A_573 = tpu.memref_squeeze %dma_start3A_572 : memref<1x120xi32, #tpu.memory_space<hbm>> -> memref<120xi32, #tpu.memory_space<hbm>>
      tpu.enqueue_dma source(%dma_start3A_573 : memref<120xi32, #tpu.memory_space<hbm>>) target(%arg12 : memref<120xi32, #tpu.memory_space<vmem>>) target_semaphore(%arg22 : memref<!tpu.dma_semaphore, #tpu.memory_space<semaphore_mem>>)
      %dma_wait3A_574 = arith.constant 0 : i32
      %dma_wait3A_575 = arith.constant 0 : i32
      %dma_wait3A_576 = tpu.memref_slice %arg3[%dma_wait3A_574, %dma_wait3A_575] : memref<2688x120xi32, #tpu.memory_space<hbm>> -> memref<1x120xi32, #tpu.memory_space<hbm>>
      %dma_wait3A_577 = tpu.memref_squeeze %dma_wait3A_576 : memref<1x120xi32, #tpu.memory_space<hbm>> -> memref<120xi32, #tpu.memory_space<hbm>>
      %dma_wait3A_578 = arith.constant 0 : i32
      %dma_wait3A_579 = tpu.memref_slice %arg3[%dma_wait3A_574, %dma_wait3A_578] : memref<2688x120xi32, #tpu.memory_space<hbm>> -> memref<1x120xi32, #tpu.memory_space<hbm>>
      %dma_wait3A_580 = tpu.memref_squeeze %dma_wait3A_579 : memref<1x120xi32, #tpu.memory_space<hbm>> -> memref<120xi32, #tpu.memory_space<hbm>>
      tpu.wait_dma2 semaphore(%arg26 : memref<!tpu.dma_semaphore, #tpu.memory_space<semaphore_mem>>) src(%dma_wait3A_580 : memref<120xi32, #tpu.memory_space<hbm>>) dst(%arg10 : memref<120xi32, #tpu.memory_space<vmem>>)
      %dma_wait3A_581 = arith.constant 0 : i32
      %dma_wait3A_582 = arith.constant 0 : i32
      %dma_wait3A_583 = tpu.memref_slice %arg4[%dma_wait3A_581, %dma_wait3A_582] : memref<2688x120xi32, #tpu.memory_space<hbm>> -> memref<1x120xi32, #tpu.memory_space<hbm>>
      %dma_wait3A_584 = tpu.memref_squeeze %dma_wait3A_583 : memref<1x120xi32, #tpu.memory_space<hbm>> -> memref<120xi32, #tpu.memory_space<hbm>>
      %dma_wait3A_585 = arith.constant 0 : i32
      %dma_wait3A_586 = tpu.memref_slice %arg4[%dma_wait3A_581, %dma_wait3A_585] : memref<2688x120xi32, #tpu.memory_space<hbm>> -> memref<1x120xi32, #tpu.memory_space<hbm>>
      %dma_wait3A_587 = tpu.memref_squeeze %dma_wait3A_586 : memref<1x120xi32, #tpu.memory_space<hbm>> -> memref<120xi32, #tpu.memory_space<hbm>>
      tpu.wait_dma2 semaphore(%arg26 : memref<!tpu.dma_semaphore, #tpu.memory_space<semaphore_mem>>) src(%dma_wait3A_587 : memref<120xi32, #tpu.memory_space<hbm>>) dst(%arg16 : memref<120xi32, #tpu.memory_space<vmem>>)
      %dma_start3A_588 = arith.constant 0 : i32
      %dma_start3A_589 = arith.constant 0 : i32
      %dma_start3A_590 = tpu.memref_slice %arg2[%dma_start3A_588, %dma_start3A_589] : memref<10240x128xf32, #tpu.memory_space<hbm>> -> memref<10240x128xf32, #tpu.memory_space<hbm>>
      tpu.enqueue_indirect_dma source(%dma_start3A_590 : memref<10240x128xf32, #tpu.memory_space<hbm>>) target(%arg19 : memref<120x128xf32, #tpu.memory_space<vmem>>) offsets(%arg10 : memref<120xi32, #tpu.memory_space<vmem>>) semaphore(%arg29 : memref<!tpu.dma_semaphore, #tpu.memory_space<semaphore_mem>>)
      %dma_wait3A_591 = arith.constant 0 : i32
      %dma_wait3A_592 = arith.constant 0 : i32
      %dma_wait3A_593 = tpu.memref_slice %arg2[%dma_wait3A_591, %dma_wait3A_592] : memref<10240x128xf32, #tpu.memory_space<hbm>> -> memref<10240x128xf32, #tpu.memory_space<hbm>>
      tpu.wait_indirect_dma semaphore(%arg30 : memref<!tpu.dma_semaphore, #tpu.memory_space<semaphore_mem>>) src(%dma_wait3A_593 : memref<10240x128xf32, #tpu.memory_space<hbm>>) dst(%arg20 : memref<120x128xf32, #tpu.memory_space<vmem>>)
      "tpu.region"() ({
        %run_scoped3A = tpu.sem_alloc : memref<!tpu.dma_semaphore, #tpu.memory_space<semaphore_mem>>
        %dma_start3A_709 = arith.constant 0 : i32
        %dma_start3A_710 = arith.constant 0 : i32
        %dma_start3A_711 = tpu.memref_slice %arg21[%dma_start3A_709, %dma_start3A_710] : memref<10240x128xf32, #tpu.memory_space<vmem_shared>> -> memref<10240x128xf32, #tpu.memory_space<vmem_shared>>
        tpu.enqueue_indirect_dma source(%arg20 : memref<120x128xf32, #tpu.memory_space<vmem>>) target(%dma_start3A_711 : memref<10240x128xf32, #tpu.memory_space<vmem_shared>>) offsets(%arg14 : memref<120xi32, #tpu.memory_space<vmem>>) semaphore(%run_scoped3A : memref<!tpu.dma_semaphore, #tpu.memory_space<semaphore_mem>>) {add = true}
        %dma_wait3A_712 = arith.constant 0 : i32
        %dma_wait3A_713 = arith.constant 0 : i32
        %dma_wait3A_714 = tpu.memref_slice %arg21[%dma_wait3A_712, %dma_wait3A_713] : memref<10240x128xf32, #tpu.memory_space<vmem_shared>> -> memref<10240x128xf32, #tpu.memory_space<vmem_shared>>
        tpu.wait_indirect_dma semaphore(%run_scoped3A : memref<!tpu.dma_semaphore, #tpu.memory_space<semaphore_mem>>) src(%arg20 : memref<120x128xf32, #tpu.memory_space<vmem>>) dst(%dma_wait3A_714 : memref<10240x128xf32, #tpu.memory_space<vmem_shared>>)
        tpu.yield
      }) : () -> ()
      %add3A_594 = arith.constant 3 : i32
      %add3A_595 = arith.addi %mul3A_479, %add3A_594 : i32
      %add3A_596 = arith.constant 4 : i32
      %add3A_597 = arith.addi %add3A_595, %add3A_596 : i32
      %add3A_598 = arith.addi %mul3A_2, %add3A_597 : i32
      %dma_start3A_599 = arith.constant 0 : i32
      %dma_start3A_600 = tpu.memref_slice %arg3[%add3A_598, %dma_start3A_599] : memref<2688x120xi32, #tpu.memory_space<hbm>> -> memref<1x120xi32, #tpu.memory_space<hbm>>
      %dma_start3A_601 = tpu.memref_squeeze %dma_start3A_600 : memref<1x120xi32, #tpu.memory_space<hbm>> -> memref<120xi32, #tpu.memory_space<hbm>>
      %dma_start3A_602 = arith.constant 0 : i32
      %dma_start3A_603 = tpu.memref_slice %arg3[%add3A_598, %dma_start3A_602] : memref<2688x120xi32, #tpu.memory_space<hbm>> -> memref<1x120xi32, #tpu.memory_space<hbm>>
      %dma_start3A_604 = tpu.memref_squeeze %dma_start3A_603 : memref<1x120xi32, #tpu.memory_space<hbm>> -> memref<120xi32, #tpu.memory_space<hbm>>
      tpu.enqueue_dma source(%dma_start3A_604 : memref<120xi32, #tpu.memory_space<hbm>>) target(%arg7 : memref<120xi32, #tpu.memory_space<vmem>>) target_semaphore(%arg23 : memref<!tpu.dma_semaphore, #tpu.memory_space<semaphore_mem>>)
      %add3A_605 = arith.addi %mul3A_2, %add3A_597 : i32
      %dma_start3A_606 = arith.constant 0 : i32
      %dma_start3A_607 = tpu.memref_slice %arg4[%add3A_605, %dma_start3A_606] : memref<2688x120xi32, #tpu.memory_space<hbm>> -> memref<1x120xi32, #tpu.memory_space<hbm>>
      %dma_start3A_608 = tpu.memref_squeeze %dma_start3A_607 : memref<1x120xi32, #tpu.memory_space<hbm>> -> memref<120xi32, #tpu.memory_space<hbm>>
      %dma_start3A_609 = arith.constant 0 : i32
      %dma_start3A_610 = tpu.memref_slice %arg4[%add3A_605, %dma_start3A_609] : memref<2688x120xi32, #tpu.memory_space<hbm>> -> memref<1x120xi32, #tpu.memory_space<hbm>>
      %dma_start3A_611 = tpu.memref_squeeze %dma_start3A_610 : memref<1x120xi32, #tpu.memory_space<hbm>> -> memref<120xi32, #tpu.memory_space<hbm>>
      tpu.enqueue_dma source(%dma_start3A_611 : memref<120xi32, #tpu.memory_space<hbm>>) target(%arg13 : memref<120xi32, #tpu.memory_space<vmem>>) target_semaphore(%arg23 : memref<!tpu.dma_semaphore, #tpu.memory_space<semaphore_mem>>)
      %dma_wait3A_612 = arith.constant 0 : i32
      %dma_wait3A_613 = arith.constant 0 : i32
      %dma_wait3A_614 = tpu.memref_slice %arg3[%dma_wait3A_612, %dma_wait3A_613] : memref<2688x120xi32, #tpu.memory_space<hbm>> -> memref<1x120xi32, #tpu.memory_space<hbm>>
      %dma_wait3A_615 = tpu.memref_squeeze %dma_wait3A_614 : memref<1x120xi32, #tpu.memory_space<hbm>> -> memref<120xi32, #tpu.memory_space<hbm>>
      %dma_wait3A_616 = arith.constant 0 : i32
      %dma_wait3A_617 = tpu.memref_slice %arg3[%dma_wait3A_612, %dma_wait3A_616] : memref<2688x120xi32, #tpu.memory_space<hbm>> -> memref<1x120xi32, #tpu.memory_space<hbm>>
      %dma_wait3A_618 = tpu.memref_squeeze %dma_wait3A_617 : memref<1x120xi32, #tpu.memory_space<hbm>> -> memref<120xi32, #tpu.memory_space<hbm>>
      tpu.wait_dma2 semaphore(%arg27 : memref<!tpu.dma_semaphore, #tpu.memory_space<semaphore_mem>>) src(%dma_wait3A_618 : memref<120xi32, #tpu.memory_space<hbm>>) dst(%arg11 : memref<120xi32, #tpu.memory_space<vmem>>)
      %dma_wait3A_619 = arith.constant 0 : i32
      %dma_wait3A_620 = arith.constant 0 : i32
      %dma_wait3A_621 = tpu.memref_slice %arg4[%dma_wait3A_619, %dma_wait3A_620] : memref<2688x120xi32, #tpu.memory_space<hbm>> -> memref<1x120xi32, #tpu.memory_space<hbm>>
      %dma_wait3A_622 = tpu.memref_squeeze %dma_wait3A_621 : memref<1x120xi32, #tpu.memory_space<hbm>> -> memref<120xi32, #tpu.memory_space<hbm>>
      %dma_wait3A_623 = arith.constant 0 : i32
      %dma_wait3A_624 = tpu.memref_slice %arg4[%dma_wait3A_619, %dma_wait3A_623] : memref<2688x120xi32, #tpu.memory_space<hbm>> -> memref<1x120xi32, #tpu.memory_space<hbm>>
      %dma_wait3A_625 = tpu.memref_squeeze %dma_wait3A_624 : memref<1x120xi32, #tpu.memory_space<hbm>> -> memref<120xi32, #tpu.memory_space<hbm>>
      tpu.wait_dma2 semaphore(%arg27 : memref<!tpu.dma_semaphore, #tpu.memory_space<semaphore_mem>>) src(%dma_wait3A_625 : memref<120xi32, #tpu.memory_space<hbm>>) dst(%arg17 : memref<120xi32, #tpu.memory_space<vmem>>)
      %dma_start3A_626 = arith.constant 0 : i32
      %dma_start3A_627 = arith.constant 0 : i32
      %dma_start3A_628 = tpu.memref_slice %arg2[%dma_start3A_626, %dma_start3A_627] : memref<10240x128xf32, #tpu.memory_space<hbm>> -> memref<10240x128xf32, #tpu.memory_space<hbm>>
      tpu.enqueue_indirect_dma source(%dma_start3A_628 : memref<10240x128xf32, #tpu.memory_space<hbm>>) target(%arg20 : memref<120x128xf32, #tpu.memory_space<vmem>>) offsets(%arg11 : memref<120xi32, #tpu.memory_space<vmem>>) semaphore(%arg30 : memref<!tpu.dma_semaphore, #tpu.memory_space<semaphore_mem>>)
      %dma_wait3A_629 = arith.constant 0 : i32
      %dma_wait3A_630 = arith.constant 0 : i32
      %dma_wait3A_631 = tpu.memref_slice %arg2[%dma_wait3A_629, %dma_wait3A_630] : memref<10240x128xf32, #tpu.memory_space<hbm>> -> memref<10240x128xf32, #tpu.memory_space<hbm>>
      tpu.wait_indirect_dma semaphore(%arg28 : memref<!tpu.dma_semaphore, #tpu.memory_space<semaphore_mem>>) src(%dma_wait3A_631 : memref<10240x128xf32, #tpu.memory_space<hbm>>) dst(%arg18 : memref<120x128xf32, #tpu.memory_space<vmem>>)
      "tpu.region"() ({
        %run_scoped3A = tpu.sem_alloc : memref<!tpu.dma_semaphore, #tpu.memory_space<semaphore_mem>>
        %dma_start3A_709 = arith.constant 0 : i32
        %dma_start3A_710 = arith.constant 0 : i32
        %dma_start3A_711 = tpu.memref_slice %arg21[%dma_start3A_709, %dma_start3A_710] : memref<10240x128xf32, #tpu.memory_space<vmem_shared>> -> memref<10240x128xf32, #tpu.memory_space<vmem_shared>>
        tpu.enqueue_indirect_dma source(%arg18 : memref<120x128xf32, #tpu.memory_space<vmem>>) target(%dma_start3A_711 : memref<10240x128xf32, #tpu.memory_space<vmem_shared>>) offsets(%arg15 : memref<120xi32, #tpu.memory_space<vmem>>) semaphore(%run_scoped3A : memref<!tpu.dma_semaphore, #tpu.memory_space<semaphore_mem>>) {add = true}
        %dma_wait3A_712 = arith.constant 0 : i32
        %dma_wait3A_713 = arith.constant 0 : i32
        %dma_wait3A_714 = tpu.memref_slice %arg21[%dma_wait3A_712, %dma_wait3A_713] : memref<10240x128xf32, #tpu.memory_space<vmem_shared>> -> memref<10240x128xf32, #tpu.memory_space<vmem_shared>>
        tpu.wait_indirect_dma semaphore(%run_scoped3A : memref<!tpu.dma_semaphore, #tpu.memory_space<semaphore_mem>>) src(%arg18 : memref<120x128xf32, #tpu.memory_space<vmem>>) dst(%dma_wait3A_714 : memref<10240x128xf32, #tpu.memory_space<vmem_shared>>)
        tpu.yield
      }) : () -> ()
      %add3A_632 = arith.constant 4 : i32
      %add3A_633 = arith.addi %mul3A_479, %add3A_632 : i32
      %add3A_634 = arith.constant 4 : i32
      %add3A_635 = arith.addi %add3A_633, %add3A_634 : i32
      %add3A_636 = arith.addi %mul3A_2, %add3A_635 : i32
      %dma_start3A_637 = arith.constant 0 : i32
      %dma_start3A_638 = tpu.memref_slice %arg3[%add3A_636, %dma_start3A_637] : memref<2688x120xi32, #tpu.memory_space<hbm>> -> memref<1x120xi32, #tpu.memory_space<hbm>>
      %dma_start3A_639 = tpu.memref_squeeze %dma_start3A_638 : memref<1x120xi32, #tpu.memory_space<hbm>> -> memref<120xi32, #tpu.memory_space<hbm>>
      %dma_start3A_640 = arith.constant 0 : i32
      %dma_start3A_641 = tpu.memref_slice %arg3[%add3A_636, %dma_start3A_640] : memref<2688x120xi32, #tpu.memory_space<hbm>> -> memref<1x120xi32, #tpu.memory_space<hbm>>
      %dma_start3A_642 = tpu.memref_squeeze %dma_start3A_641 : memref<1x120xi32, #tpu.memory_space<hbm>> -> memref<120xi32, #tpu.memory_space<hbm>>
      tpu.enqueue_dma source(%dma_start3A_642 : memref<120xi32, #tpu.memory_space<hbm>>) target(%arg8 : memref<120xi32, #tpu.memory_space<vmem>>) target_semaphore(%arg24 : memref<!tpu.dma_semaphore, #tpu.memory_space<semaphore_mem>>)
      %add3A_643 = arith.addi %mul3A_2, %add3A_635 : i32
      %dma_start3A_644 = arith.constant 0 : i32
      %dma_start3A_645 = tpu.memref_slice %arg4[%add3A_643, %dma_start3A_644] : memref<2688x120xi32, #tpu.memory_space<hbm>> -> memref<1x120xi32, #tpu.memory_space<hbm>>
      %dma_start3A_646 = tpu.memref_squeeze %dma_start3A_645 : memref<1x120xi32, #tpu.memory_space<hbm>> -> memref<120xi32, #tpu.memory_space<hbm>>
      %dma_start3A_647 = arith.constant 0 : i32
      %dma_start3A_648 = tpu.memref_slice %arg4[%add3A_643, %dma_start3A_647] : memref<2688x120xi32, #tpu.memory_space<hbm>> -> memref<1x120xi32, #tpu.memory_space<hbm>>
      %dma_start3A_649 = tpu.memref_squeeze %dma_start3A_648 : memref<1x120xi32, #tpu.memory_space<hbm>> -> memref<120xi32, #tpu.memory_space<hbm>>
      tpu.enqueue_dma source(%dma_start3A_649 : memref<120xi32, #tpu.memory_space<hbm>>) target(%arg14 : memref<120xi32, #tpu.memory_space<vmem>>) target_semaphore(%arg24 : memref<!tpu.dma_semaphore, #tpu.memory_space<semaphore_mem>>)
      %dma_wait3A_650 = arith.constant 0 : i32
      %dma_wait3A_651 = arith.constant 0 : i32
      %dma_wait3A_652 = tpu.memref_slice %arg3[%dma_wait3A_650, %dma_wait3A_651] : memref<2688x120xi32, #tpu.memory_space<hbm>> -> memref<1x120xi32, #tpu.memory_space<hbm>>
      %dma_wait3A_653 = tpu.memref_squeeze %dma_wait3A_652 : memref<1x120xi32, #tpu.memory_space<hbm>> -> memref<120xi32, #tpu.memory_space<hbm>>
      %dma_wait3A_654 = arith.constant 0 : i32
      %dma_wait3A_655 = tpu.memref_slice %arg3[%dma_wait3A_650, %dma_wait3A_654] : memref<2688x120xi32, #tpu.memory_space<hbm>> -> memref<1x120xi32, #tpu.memory_space<hbm>>
      %dma_wait3A_656 = tpu.memref_squeeze %dma_wait3A_655 : memref<1x120xi32, #tpu.memory_space<hbm>> -> memref<120xi32, #tpu.memory_space<hbm>>
      tpu.wait_dma2 semaphore(%arg22 : memref<!tpu.dma_semaphore, #tpu.memory_space<semaphore_mem>>) src(%dma_wait3A_656 : memref<120xi32, #tpu.memory_space<hbm>>) dst(%arg6 : memref<120xi32, #tpu.memory_space<vmem>>)
      %dma_wait3A_657 = arith.constant 0 : i32
      %dma_wait3A_658 = arith.constant 0 : i32
      %dma_wait3A_659 = tpu.memref_slice %arg4[%dma_wait3A_657, %dma_wait3A_658] : memref<2688x120xi32, #tpu.memory_space<hbm>> -> memref<1x120xi32, #tpu.memory_space<hbm>>
      %dma_wait3A_660 = tpu.memref_squeeze %dma_wait3A_659 : memref<1x120xi32, #tpu.memory_space<hbm>> -> memref<120xi32, #tpu.memory_space<hbm>>
      %dma_wait3A_661 = arith.constant 0 : i32
      %dma_wait3A_662 = tpu.memref_slice %arg4[%dma_wait3A_657, %dma_wait3A_661] : memref<2688x120xi32, #tpu.memory_space<hbm>> -> memref<1x120xi32, #tpu.memory_space<hbm>>
      %dma_wait3A_663 = tpu.memref_squeeze %dma_wait3A_662 : memref<1x120xi32, #tpu.memory_space<hbm>> -> memref<120xi32, #tpu.memory_space<hbm>>
      tpu.wait_dma2 semaphore(%arg22 : memref<!tpu.dma_semaphore, #tpu.memory_space<semaphore_mem>>) src(%dma_wait3A_663 : memref<120xi32, #tpu.memory_space<hbm>>) dst(%arg12 : memref<120xi32, #tpu.memory_space<vmem>>)
      %dma_start3A_664 = arith.constant 0 : i32
      %dma_start3A_665 = arith.constant 0 : i32
      %dma_start3A_666 = tpu.memref_slice %arg2[%dma_start3A_664, %dma_start3A_665] : memref<10240x128xf32, #tpu.memory_space<hbm>> -> memref<10240x128xf32, #tpu.memory_space<hbm>>
      tpu.enqueue_indirect_dma source(%dma_start3A_666 : memref<10240x128xf32, #tpu.memory_space<hbm>>) target(%arg18 : memref<120x128xf32, #tpu.memory_space<vmem>>) offsets(%arg6 : memref<120xi32, #tpu.memory_space<vmem>>) semaphore(%arg28 : memref<!tpu.dma_semaphore, #tpu.memory_space<semaphore_mem>>)
      %dma_wait3A_667 = arith.constant 0 : i32
      %dma_wait3A_668 = arith.constant 0 : i32
      %dma_wait3A_669 = tpu.memref_slice %arg2[%dma_wait3A_667, %dma_wait3A_668] : memref<10240x128xf32, #tpu.memory_space<hbm>> -> memref<10240x128xf32, #tpu.memory_space<hbm>>
      tpu.wait_indirect_dma semaphore(%arg29 : memref<!tpu.dma_semaphore, #tpu.memory_space<semaphore_mem>>) src(%dma_wait3A_669 : memref<10240x128xf32, #tpu.memory_space<hbm>>) dst(%arg19 : memref<120x128xf32, #tpu.memory_space<vmem>>)
      "tpu.region"() ({
        %run_scoped3A = tpu.sem_alloc : memref<!tpu.dma_semaphore, #tpu.memory_space<semaphore_mem>>
        %dma_start3A_709 = arith.constant 0 : i32
        %dma_start3A_710 = arith.constant 0 : i32
        %dma_start3A_711 = tpu.memref_slice %arg21[%dma_start3A_709, %dma_start3A_710] : memref<10240x128xf32, #tpu.memory_space<vmem_shared>> -> memref<10240x128xf32, #tpu.memory_space<vmem_shared>>
        tpu.enqueue_indirect_dma source(%arg19 : memref<120x128xf32, #tpu.memory_space<vmem>>) target(%dma_start3A_711 : memref<10240x128xf32, #tpu.memory_space<vmem_shared>>) offsets(%arg16 : memref<120xi32, #tpu.memory_space<vmem>>) semaphore(%run_scoped3A : memref<!tpu.dma_semaphore, #tpu.memory_space<semaphore_mem>>) {add = true}
        %dma_wait3A_712 = arith.constant 0 : i32
        %dma_wait3A_713 = arith.constant 0 : i32
        %dma_wait3A_714 = tpu.memref_slice %arg21[%dma_wait3A_712, %dma_wait3A_713] : memref<10240x128xf32, #tpu.memory_space<vmem_shared>> -> memref<10240x128xf32, #tpu.memory_space<vmem_shared>>
        tpu.wait_indirect_dma semaphore(%run_scoped3A : memref<!tpu.dma_semaphore, #tpu.memory_space<semaphore_mem>>) src(%arg19 : memref<120x128xf32, #tpu.memory_space<vmem>>) dst(%dma_wait3A_714 : memref<10240x128xf32, #tpu.memory_space<vmem_shared>>)
        tpu.yield
      }) : () -> ()
      %add3A_670 = arith.constant 5 : i32
      %add3A_671 = arith.addi %mul3A_479, %add3A_670 : i32
      %add3A_672 = arith.constant 4 : i32
      %add3A_673 = arith.addi %add3A_671, %add3A_672 : i32
      %add3A_674 = arith.addi %mul3A_2, %add3A_673 : i32
      %dma_start3A_675 = arith.constant 0 : i32
      %dma_start3A_676 = tpu.memref_slice %arg3[%add3A_674, %dma_start3A_675] : memref<2688x120xi32, #tpu.memory_space<hbm>> -> memref<1x120xi32, #tpu.memory_space<hbm>>
      %dma_start3A_677 = tpu.memref_squeeze %dma_start3A_676 : memref<1x120xi32, #tpu.memory_space<hbm>> -> memref<120xi32, #tpu.memory_space<hbm>>
      %dma_start3A_678 = arith.constant 0 : i32
      %dma_start3A_679 = tpu.memref_slice %arg3[%add3A_674, %dma_start3A_678] : memref<2688x120xi32, #tpu.memory_space<hbm>> -> memref<1x120xi32, #tpu.memory_space<hbm>>
      %dma_start3A_680 = tpu.memref_squeeze %dma_start3A_679 : memref<1x120xi32, #tpu.memory_space<hbm>> -> memref<120xi32, #tpu.memory_space<hbm>>
      tpu.enqueue_dma source(%dma_start3A_680 : memref<120xi32, #tpu.memory_space<hbm>>) target(%arg9 : memref<120xi32, #tpu.memory_space<vmem>>) target_semaphore(%arg25 : memref<!tpu.dma_semaphore, #tpu.memory_space<semaphore_mem>>)
      %add3A_681 = arith.addi %mul3A_2, %add3A_673 : i32
      %dma_start3A_682 = arith.constant 0 : i32
      %dma_start3A_683 = tpu.memref_slice %arg4[%add3A_681, %dma_start3A_682] : memref<2688x120xi32, #tpu.memory_space<hbm>> -> memref<1x120xi32, #tpu.memory_space<hbm>>
      %dma_start3A_684 = tpu.memref_squeeze %dma_start3A_683 : memref<1x120xi32, #tpu.memory_space<hbm>> -> memref<120xi32, #tpu.memory_space<hbm>>
      %dma_start3A_685 = arith.constant 0 : i32
      %dma_start3A_686 = tpu.memref_slice %arg4[%add3A_681, %dma_start3A_685] : memref<2688x120xi32, #tpu.memory_space<hbm>> -> memref<1x120xi32, #tpu.memory_space<hbm>>
      %dma_start3A_687 = tpu.memref_squeeze %dma_start3A_686 : memref<1x120xi32, #tpu.memory_space<hbm>> -> memref<120xi32, #tpu.memory_space<hbm>>
      tpu.enqueue_dma source(%dma_start3A_687 : memref<120xi32, #tpu.memory_space<hbm>>) target(%arg15 : memref<120xi32, #tpu.memory_space<vmem>>) target_semaphore(%arg25 : memref<!tpu.dma_semaphore, #tpu.memory_space<semaphore_mem>>)
      %dma_wait3A_688 = arith.constant 0 : i32
      %dma_wait3A_689 = arith.constant 0 : i32
      %dma_wait3A_690 = tpu.memref_slice %arg3[%dma_wait3A_688, %dma_wait3A_689] : memref<2688x120xi32, #tpu.memory_space<hbm>> -> memref<1x120xi32, #tpu.memory_space<hbm>>
      %dma_wait3A_691 = tpu.memref_squeeze %dma_wait3A_690 : memref<1x120xi32, #tpu.memory_space<hbm>> -> memref<120xi32, #tpu.memory_space<hbm>>
      %dma_wait3A_692 = arith.constant 0 : i32
      %dma_wait3A_693 = tpu.memref_slice %arg3[%dma_wait3A_688, %dma_wait3A_692] : memref<2688x120xi32, #tpu.memory_space<hbm>> -> memref<1x120xi32, #tpu.memory_space<hbm>>
      %dma_wait3A_694 = tpu.memref_squeeze %dma_wait3A_693 : memref<1x120xi32, #tpu.memory_space<hbm>> -> memref<120xi32, #tpu.memory_space<hbm>>
      tpu.wait_dma2 semaphore(%arg23 : memref<!tpu.dma_semaphore, #tpu.memory_space<semaphore_mem>>) src(%dma_wait3A_694 : memref<120xi32, #tpu.memory_space<hbm>>) dst(%arg7 : memref<120xi32, #tpu.memory_space<vmem>>)
      %dma_wait3A_695 = arith.constant 0 : i32
      %dma_wait3A_696 = arith.constant 0 : i32
      %dma_wait3A_697 = tpu.memref_slice %arg4[%dma_wait3A_695, %dma_wait3A_696] : memref<2688x120xi32, #tpu.memory_space<hbm>> -> memref<1x120xi32, #tpu.memory_space<hbm>>
      %dma_wait3A_698 = tpu.memref_squeeze %dma_wait3A_697 : memref<1x120xi32, #tpu.memory_space<hbm>> -> memref<120xi32, #tpu.memory_space<hbm>>
      %dma_wait3A_699 = arith.constant 0 : i32
      %dma_wait3A_700 = tpu.memref_slice %arg4[%dma_wait3A_695, %dma_wait3A_699] : memref<2688x120xi32, #tpu.memory_space<hbm>> -> memref<1x120xi32, #tpu.memory_space<hbm>>
      %dma_wait3A_701 = tpu.memref_squeeze %dma_wait3A_700 : memref<1x120xi32, #tpu.memory_space<hbm>> -> memref<120xi32, #tpu.memory_space<hbm>>
      tpu.wait_dma2 semaphore(%arg23 : memref<!tpu.dma_semaphore, #tpu.memory_space<semaphore_mem>>) src(%dma_wait3A_701 : memref<120xi32, #tpu.memory_space<hbm>>) dst(%arg13 : memref<120xi32, #tpu.memory_space<vmem>>)
      %dma_start3A_702 = arith.constant 0 : i32
      %dma_start3A_703 = arith.constant 0 : i32
      %dma_start3A_704 = tpu.memref_slice %arg2[%dma_start3A_702, %dma_start3A_703] : memref<10240x128xf32, #tpu.memory_space<hbm>> -> memref<10240x128xf32, #tpu.memory_space<hbm>>
      tpu.enqueue_indirect_dma source(%dma_start3A_704 : memref<10240x128xf32, #tpu.memory_space<hbm>>) target(%arg19 : memref<120x128xf32, #tpu.memory_space<vmem>>) offsets(%arg7 : memref<120xi32, #tpu.memory_space<vmem>>) semaphore(%arg29 : memref<!tpu.dma_semaphore, #tpu.memory_space<semaphore_mem>>)
      %dma_wait3A_705 = arith.constant 0 : i32
      %dma_wait3A_706 = arith.constant 0 : i32
      %dma_wait3A_707 = tpu.memref_slice %arg2[%dma_wait3A_705, %dma_wait3A_706] : memref<10240x128xf32, #tpu.memory_space<hbm>> -> memref<10240x128xf32, #tpu.memory_space<hbm>>
      tpu.wait_indirect_dma semaphore(%arg30 : memref<!tpu.dma_semaphore, #tpu.memory_space<semaphore_mem>>) src(%dma_wait3A_707 : memref<10240x128xf32, #tpu.memory_space<hbm>>) dst(%arg20 : memref<120x128xf32, #tpu.memory_space<vmem>>)
      "tpu.region"() ({
        %run_scoped3A = tpu.sem_alloc : memref<!tpu.dma_semaphore, #tpu.memory_space<semaphore_mem>>
        %dma_start3A_709 = arith.constant 0 : i32
        %dma_start3A_710 = arith.constant 0 : i32
        %dma_start3A_711 = tpu.memref_slice %arg21[%dma_start3A_709, %dma_start3A_710] : memref<10240x128xf32, #tpu.memory_space<vmem_shared>> -> memref<10240x128xf32, #tpu.memory_space<vmem_shared>>
        tpu.enqueue_indirect_dma source(%arg20 : memref<120x128xf32, #tpu.memory_space<vmem>>) target(%dma_start3A_711 : memref<10240x128xf32, #tpu.memory_space<vmem_shared>>) offsets(%arg17 : memref<120xi32, #tpu.memory_space<vmem>>) semaphore(%run_scoped3A : memref<!tpu.dma_semaphore, #tpu.memory_space<semaphore_mem>>) {add = true}
        %dma_wait3A_712 = arith.constant 0 : i32
        %dma_wait3A_713 = arith.constant 0 : i32
        %dma_wait3A_714 = tpu.memref_slice %arg21[%dma_wait3A_712, %dma_wait3A_713] : memref<10240x128xf32, #tpu.memory_space<vmem_shared>> -> memref<10240x128xf32, #tpu.memory_space<vmem_shared>>
        tpu.wait_indirect_dma semaphore(%run_scoped3A : memref<!tpu.dma_semaphore, #tpu.memory_space<semaphore_mem>>) src(%arg20 : memref<120x128xf32, #tpu.memory_space<vmem>>) dst(%dma_wait3A_714 : memref<10240x128xf32, #tpu.memory_space<vmem_shared>>)
        tpu.yield
      }) : () -> ()
      %scan3A_708 = arith.constant 0 : i32
      scf.yield %scan3A_708 : i32
    }
    %scan3A_352 = arith.constant 12 : i32
    %add3A_353 = arith.constant 82 : i32
    %add3A_354 = arith.addi %mul3A_2, %add3A_353 : i32
    %dma_start3A_355 = arith.constant 0 : i32
    %dma_start3A_356 = tpu.memref_slice %arg3[%add3A_354, %dma_start3A_355] : memref<2688x120xi32, #tpu.memory_space<hbm>> -> memref<1x120xi32, #tpu.memory_space<hbm>>
    %dma_start3A_357 = tpu.memref_squeeze %dma_start3A_356 : memref<1x120xi32, #tpu.memory_space<hbm>> -> memref<120xi32, #tpu.memory_space<hbm>>
    %dma_start3A_358 = arith.constant 0 : i32
    %dma_start3A_359 = tpu.memref_slice %arg3[%add3A_354, %dma_start3A_358] : memref<2688x120xi32, #tpu.memory_space<hbm>> -> memref<1x120xi32, #tpu.memory_space<hbm>>
    %dma_start3A_360 = tpu.memref_squeeze %dma_start3A_359 : memref<1x120xi32, #tpu.memory_space<hbm>> -> memref<120xi32, #tpu.memory_space<hbm>>
    tpu.enqueue_dma source(%dma_start3A_360 : memref<120xi32, #tpu.memory_space<hbm>>) target(%arg10 : memref<120xi32, #tpu.memory_space<vmem>>) target_semaphore(%arg26 : memref<!tpu.dma_semaphore, #tpu.memory_space<semaphore_mem>>)
    %add3A_361 = arith.constant 82 : i32
    %add3A_362 = arith.addi %mul3A_2, %add3A_361 : i32
    %dma_start3A_363 = arith.constant 0 : i32
    %dma_start3A_364 = tpu.memref_slice %arg4[%add3A_362, %dma_start3A_363] : memref<2688x120xi32, #tpu.memory_space<hbm>> -> memref<1x120xi32, #tpu.memory_space<hbm>>
    %dma_start3A_365 = tpu.memref_squeeze %dma_start3A_364 : memref<1x120xi32, #tpu.memory_space<hbm>> -> memref<120xi32, #tpu.memory_space<hbm>>
    %dma_start3A_366 = arith.constant 0 : i32
    %dma_start3A_367 = tpu.memref_slice %arg4[%add3A_362, %dma_start3A_366] : memref<2688x120xi32, #tpu.memory_space<hbm>> -> memref<1x120xi32, #tpu.memory_space<hbm>>
    %dma_start3A_368 = tpu.memref_squeeze %dma_start3A_367 : memref<1x120xi32, #tpu.memory_space<hbm>> -> memref<120xi32, #tpu.memory_space<hbm>>
    tpu.enqueue_dma source(%dma_start3A_368 : memref<120xi32, #tpu.memory_space<hbm>>) target(%arg16 : memref<120xi32, #tpu.memory_space<vmem>>) target_semaphore(%arg26 : memref<!tpu.dma_semaphore, #tpu.memory_space<semaphore_mem>>)
    %dma_wait3A_369 = arith.constant 0 : i32
    %dma_wait3A_370 = arith.constant 0 : i32
    %dma_wait3A_371 = tpu.memref_slice %arg3[%dma_wait3A_369, %dma_wait3A_370] : memref<2688x120xi32, #tpu.memory_space<hbm>> -> memref<1x120xi32, #tpu.memory_space<hbm>>
    %dma_wait3A_372 = tpu.memref_squeeze %dma_wait3A_371 : memref<1x120xi32, #tpu.memory_space<hbm>> -> memref<120xi32, #tpu.memory_space<hbm>>
    %dma_wait3A_373 = arith.constant 0 : i32
    %dma_wait3A_374 = tpu.memref_slice %arg3[%dma_wait3A_369, %dma_wait3A_373] : memref<2688x120xi32, #tpu.memory_space<hbm>> -> memref<1x120xi32, #tpu.memory_space<hbm>>
    %dma_wait3A_375 = tpu.memref_squeeze %dma_wait3A_374 : memref<1x120xi32, #tpu.memory_space<hbm>> -> memref<120xi32, #tpu.memory_space<hbm>>
    tpu.wait_dma2 semaphore(%arg24 : memref<!tpu.dma_semaphore, #tpu.memory_space<semaphore_mem>>) src(%dma_wait3A_375 : memref<120xi32, #tpu.memory_space<hbm>>) dst(%arg8 : memref<120xi32, #tpu.memory_space<vmem>>)
    %dma_wait3A_376 = arith.constant 0 : i32
    %dma_wait3A_377 = arith.constant 0 : i32
    %dma_wait3A_378 = tpu.memref_slice %arg4[%dma_wait3A_376, %dma_wait3A_377] : memref<2688x120xi32, #tpu.memory_space<hbm>> -> memref<1x120xi32, #tpu.memory_space<hbm>>
    %dma_wait3A_379 = tpu.memref_squeeze %dma_wait3A_378 : memref<1x120xi32, #tpu.memory_space<hbm>> -> memref<120xi32, #tpu.memory_space<hbm>>
    %dma_wait3A_380 = arith.constant 0 : i32
    %dma_wait3A_381 = tpu.memref_slice %arg4[%dma_wait3A_376, %dma_wait3A_380] : memref<2688x120xi32, #tpu.memory_space<hbm>> -> memref<1x120xi32, #tpu.memory_space<hbm>>
    %dma_wait3A_382 = tpu.memref_squeeze %dma_wait3A_381 : memref<1x120xi32, #tpu.memory_space<hbm>> -> memref<120xi32, #tpu.memory_space<hbm>>
    tpu.wait_dma2 semaphore(%arg24 : memref<!tpu.dma_semaphore, #tpu.memory_space<semaphore_mem>>) src(%dma_wait3A_382 : memref<120xi32, #tpu.memory_space<hbm>>) dst(%arg14 : memref<120xi32, #tpu.memory_space<vmem>>)
    %dma_start3A_383 = arith.constant 0 : i32
    %dma_start3A_384 = arith.constant 0 : i32
    %dma_start3A_385 = tpu.memref_slice %arg2[%dma_start3A_383, %dma_start3A_384] : memref<10240x128xf32, #tpu.memory_space<hbm>> -> memref<10240x128xf32, #tpu.memory_space<hbm>>
    tpu.enqueue_indirect_dma source(%dma_start3A_385 : memref<10240x128xf32, #tpu.memory_space<hbm>>) target(%arg20 : memref<120x128xf32, #tpu.memory_space<vmem>>) offsets(%arg8 : memref<120xi32, #tpu.memory_space<vmem>>) semaphore(%arg30 : memref<!tpu.dma_semaphore, #tpu.memory_space<semaphore_mem>>)
    %dma_wait3A_386 = arith.constant 0 : i32
    %dma_wait3A_387 = arith.constant 0 : i32
    %dma_wait3A_388 = tpu.memref_slice %arg2[%dma_wait3A_386, %dma_wait3A_387] : memref<10240x128xf32, #tpu.memory_space<hbm>> -> memref<10240x128xf32, #tpu.memory_space<hbm>>
    tpu.wait_indirect_dma semaphore(%arg28 : memref<!tpu.dma_semaphore, #tpu.memory_space<semaphore_mem>>) src(%dma_wait3A_388 : memref<10240x128xf32, #tpu.memory_space<hbm>>) dst(%arg18 : memref<120x128xf32, #tpu.memory_space<vmem>>)
    "tpu.region"() ({
      %run_scoped3A = tpu.sem_alloc : memref<!tpu.dma_semaphore, #tpu.memory_space<semaphore_mem>>
      %dma_start3A_476 = arith.constant 0 : i32
      %dma_start3A_477 = arith.constant 0 : i32
      %dma_start3A_478 = tpu.memref_slice %arg21[%dma_start3A_476, %dma_start3A_477] : memref<10240x128xf32, #tpu.memory_space<vmem_shared>> -> memref<10240x128xf32, #tpu.memory_space<vmem_shared>>
      tpu.enqueue_indirect_dma source(%arg18 : memref<120x128xf32, #tpu.memory_space<vmem>>) target(%dma_start3A_478 : memref<10240x128xf32, #tpu.memory_space<vmem_shared>>) offsets(%arg12 : memref<120xi32, #tpu.memory_space<vmem>>) semaphore(%run_scoped3A : memref<!tpu.dma_semaphore, #tpu.memory_space<semaphore_mem>>) {add = true}
      %dma_wait3A_479 = arith.constant 0 : i32
      %dma_wait3A_480 = arith.constant 0 : i32
      %dma_wait3A_481 = tpu.memref_slice %arg21[%dma_wait3A_479, %dma_wait3A_480] : memref<10240x128xf32, #tpu.memory_space<vmem_shared>> -> memref<10240x128xf32, #tpu.memory_space<vmem_shared>>
      tpu.wait_indirect_dma semaphore(%run_scoped3A : memref<!tpu.dma_semaphore, #tpu.memory_space<semaphore_mem>>) src(%arg18 : memref<120x128xf32, #tpu.memory_space<vmem>>) dst(%dma_wait3A_481 : memref<10240x128xf32, #tpu.memory_space<vmem_shared>>)
      tpu.yield
    }) : () -> ()
    %add3A_389 = arith.constant 83 : i32
    %add3A_390 = arith.addi %mul3A_2, %add3A_389 : i32
    %dma_start3A_391 = arith.constant 0 : i32
    %dma_start3A_392 = tpu.memref_slice %arg3[%add3A_390, %dma_start3A_391] : memref<2688x120xi32, #tpu.memory_space<hbm>> -> memref<1x120xi32, #tpu.memory_space<hbm>>
    %dma_start3A_393 = tpu.memref_squeeze %dma_start3A_392 : memref<1x120xi32, #tpu.memory_space<hbm>> -> memref<120xi32, #tpu.memory_space<hbm>>
    %dma_start3A_394 = arith.constant 0 : i32
    %dma_start3A_395 = tpu.memref_slice %arg3[%add3A_390, %dma_start3A_394] : memref<2688x120xi32, #tpu.memory_space<hbm>> -> memref<1x120xi32, #tpu.memory_space<hbm>>
    %dma_start3A_396 = tpu.memref_squeeze %dma_start3A_395 : memref<1x120xi32, #tpu.memory_space<hbm>> -> memref<120xi32, #tpu.memory_space<hbm>>
    tpu.enqueue_dma source(%dma_start3A_396 : memref<120xi32, #tpu.memory_space<hbm>>) target(%arg11 : memref<120xi32, #tpu.memory_space<vmem>>) target_semaphore(%arg27 : memref<!tpu.dma_semaphore, #tpu.memory_space<semaphore_mem>>)
    %add3A_397 = arith.constant 83 : i32
    %add3A_398 = arith.addi %mul3A_2, %add3A_397 : i32
    %dma_start3A_399 = arith.constant 0 : i32
    %dma_start3A_400 = tpu.memref_slice %arg4[%add3A_398, %dma_start3A_399] : memref<2688x120xi32, #tpu.memory_space<hbm>> -> memref<1x120xi32, #tpu.memory_space<hbm>>
    %dma_start3A_401 = tpu.memref_squeeze %dma_start3A_400 : memref<1x120xi32, #tpu.memory_space<hbm>> -> memref<120xi32, #tpu.memory_space<hbm>>
    %dma_start3A_402 = arith.constant 0 : i32
    %dma_start3A_403 = tpu.memref_slice %arg4[%add3A_398, %dma_start3A_402] : memref<2688x120xi32, #tpu.memory_space<hbm>> -> memref<1x120xi32, #tpu.memory_space<hbm>>
    %dma_start3A_404 = tpu.memref_squeeze %dma_start3A_403 : memref<1x120xi32, #tpu.memory_space<hbm>> -> memref<120xi32, #tpu.memory_space<hbm>>
    tpu.enqueue_dma source(%dma_start3A_404 : memref<120xi32, #tpu.memory_space<hbm>>) target(%arg17 : memref<120xi32, #tpu.memory_space<vmem>>) target_semaphore(%arg27 : memref<!tpu.dma_semaphore, #tpu.memory_space<semaphore_mem>>)
    %dma_wait3A_405 = arith.constant 0 : i32
    %dma_wait3A_406 = arith.constant 0 : i32
    %dma_wait3A_407 = tpu.memref_slice %arg3[%dma_wait3A_405, %dma_wait3A_406] : memref<2688x120xi32, #tpu.memory_space<hbm>> -> memref<1x120xi32, #tpu.memory_space<hbm>>
    %dma_wait3A_408 = tpu.memref_squeeze %dma_wait3A_407 : memref<1x120xi32, #tpu.memory_space<hbm>> -> memref<120xi32, #tpu.memory_space<hbm>>
    %dma_wait3A_409 = arith.constant 0 : i32
    %dma_wait3A_410 = tpu.memref_slice %arg3[%dma_wait3A_405, %dma_wait3A_409] : memref<2688x120xi32, #tpu.memory_space<hbm>> -> memref<1x120xi32, #tpu.memory_space<hbm>>
    %dma_wait3A_411 = tpu.memref_squeeze %dma_wait3A_410 : memref<1x120xi32, #tpu.memory_space<hbm>> -> memref<120xi32, #tpu.memory_space<hbm>>
    tpu.wait_dma2 semaphore(%arg25 : memref<!tpu.dma_semaphore, #tpu.memory_space<semaphore_mem>>) src(%dma_wait3A_411 : memref<120xi32, #tpu.memory_space<hbm>>) dst(%arg9 : memref<120xi32, #tpu.memory_space<vmem>>)
    %dma_wait3A_412 = arith.constant 0 : i32
    %dma_wait3A_413 = arith.constant 0 : i32
    %dma_wait3A_414 = tpu.memref_slice %arg4[%dma_wait3A_412, %dma_wait3A_413] : memref<2688x120xi32, #tpu.memory_space<hbm>> -> memref<1x120xi32, #tpu.memory_space<hbm>>
    %dma_wait3A_415 = tpu.memref_squeeze %dma_wait3A_414 : memref<1x120xi32, #tpu.memory_space<hbm>> -> memref<120xi32, #tpu.memory_space<hbm>>
    %dma_wait3A_416 = arith.constant 0 : i32
    %dma_wait3A_417 = tpu.memref_slice %arg4[%dma_wait3A_412, %dma_wait3A_416] : memref<2688x120xi32, #tpu.memory_space<hbm>> -> memref<1x120xi32, #tpu.memory_space<hbm>>
    %dma_wait3A_418 = tpu.memref_squeeze %dma_wait3A_417 : memref<1x120xi32, #tpu.memory_space<hbm>> -> memref<120xi32, #tpu.memory_space<hbm>>
    tpu.wait_dma2 semaphore(%arg25 : memref<!tpu.dma_semaphore, #tpu.memory_space<semaphore_mem>>) src(%dma_wait3A_418 : memref<120xi32, #tpu.memory_space<hbm>>) dst(%arg15 : memref<120xi32, #tpu.memory_space<vmem>>)
    %dma_start3A_419 = arith.constant 0 : i32
    %dma_start3A_420 = arith.constant 0 : i32
    %dma_start3A_421 = tpu.memref_slice %arg2[%dma_start3A_419, %dma_start3A_420] : memref<10240x128xf32, #tpu.memory_space<hbm>> -> memref<10240x128xf32, #tpu.memory_space<hbm>>
    tpu.enqueue_indirect_dma source(%dma_start3A_421 : memref<10240x128xf32, #tpu.memory_space<hbm>>) target(%arg18 : memref<120x128xf32, #tpu.memory_space<vmem>>) offsets(%arg9 : memref<120xi32, #tpu.memory_space<vmem>>) semaphore(%arg28 : memref<!tpu.dma_semaphore, #tpu.memory_space<semaphore_mem>>)
    %dma_wait3A_422 = arith.constant 0 : i32
    %dma_wait3A_423 = arith.constant 0 : i32
    %dma_wait3A_424 = tpu.memref_slice %arg2[%dma_wait3A_422, %dma_wait3A_423] : memref<10240x128xf32, #tpu.memory_space<hbm>> -> memref<10240x128xf32, #tpu.memory_space<hbm>>
    tpu.wait_indirect_dma semaphore(%arg29 : memref<!tpu.dma_semaphore, #tpu.memory_space<semaphore_mem>>) src(%dma_wait3A_424 : memref<10240x128xf32, #tpu.memory_space<hbm>>) dst(%arg19 : memref<120x128xf32, #tpu.memory_space<vmem>>)
    "tpu.region"() ({
      %run_scoped3A = tpu.sem_alloc : memref<!tpu.dma_semaphore, #tpu.memory_space<semaphore_mem>>
      %dma_start3A_476 = arith.constant 0 : i32
      %dma_start3A_477 = arith.constant 0 : i32
      %dma_start3A_478 = tpu.memref_slice %arg21[%dma_start3A_476, %dma_start3A_477] : memref<10240x128xf32, #tpu.memory_space<vmem_shared>> -> memref<10240x128xf32, #tpu.memory_space<vmem_shared>>
      tpu.enqueue_indirect_dma source(%arg19 : memref<120x128xf32, #tpu.memory_space<vmem>>) target(%dma_start3A_478 : memref<10240x128xf32, #tpu.memory_space<vmem_shared>>) offsets(%arg13 : memref<120xi32, #tpu.memory_space<vmem>>) semaphore(%run_scoped3A : memref<!tpu.dma_semaphore, #tpu.memory_space<semaphore_mem>>) {add = true}
      %dma_wait3A_479 = arith.constant 0 : i32
      %dma_wait3A_480 = arith.constant 0 : i32
      %dma_wait3A_481 = tpu.memref_slice %arg21[%dma_wait3A_479, %dma_wait3A_480] : memref<10240x128xf32, #tpu.memory_space<vmem_shared>> -> memref<10240x128xf32, #tpu.memory_space<vmem_shared>>
      tpu.wait_indirect_dma semaphore(%run_scoped3A : memref<!tpu.dma_semaphore, #tpu.memory_space<semaphore_mem>>) src(%arg19 : memref<120x128xf32, #tpu.memory_space<vmem>>) dst(%dma_wait3A_481 : memref<10240x128xf32, #tpu.memory_space<vmem_shared>>)
      tpu.yield
    }) : () -> ()
    %dma_wait3A_425 = arith.constant 0 : i32
    %dma_wait3A_426 = arith.constant 0 : i32
    %dma_wait3A_427 = tpu.memref_slice %arg3[%dma_wait3A_425, %dma_wait3A_426] : memref<2688x120xi32, #tpu.memory_space<hbm>> -> memref<1x120xi32, #tpu.memory_space<hbm>>
    %dma_wait3A_428 = tpu.memref_squeeze %dma_wait3A_427 : memref<1x120xi32, #tpu.memory_space<hbm>> -> memref<120xi32, #tpu.memory_space<hbm>>
    %dma_wait3A_429 = arith.constant 0 : i32
    %dma_wait3A_430 = tpu.memref_slice %arg3[%dma_wait3A_425, %dma_wait3A_429] : memref<2688x120xi32, #tpu.memory_space<hbm>> -> memref<1x120xi32, #tpu.memory_space<hbm>>
    %dma_wait3A_431 = tpu.memref_squeeze %dma_wait3A_430 : memref<1x120xi32, #tpu.memory_space<hbm>> -> memref<120xi32, #tpu.memory_space<hbm>>
    tpu.wait_dma2 semaphore(%arg26 : memref<!tpu.dma_semaphore, #tpu.memory_space<semaphore_mem>>) src(%dma_wait3A_431 : memref<120xi32, #tpu.memory_space<hbm>>) dst(%arg10 : memref<120xi32, #tpu.memory_space<vmem>>)
    %dma_wait3A_432 = arith.constant 0 : i32
    %dma_wait3A_433 = arith.constant 0 : i32
    %dma_wait3A_434 = tpu.memref_slice %arg4[%dma_wait3A_432, %dma_wait3A_433] : memref<2688x120xi32, #tpu.memory_space<hbm>> -> memref<1x120xi32, #tpu.memory_space<hbm>>
    %dma_wait3A_435 = tpu.memref_squeeze %dma_wait3A_434 : memref<1x120xi32, #tpu.memory_space<hbm>> -> memref<120xi32, #tpu.memory_space<hbm>>
    %dma_wait3A_436 = arith.constant 0 : i32
    %dma_wait3A_437 = tpu.memref_slice %arg4[%dma_wait3A_432, %dma_wait3A_436] : memref<2688x120xi32, #tpu.memory_space<hbm>> -> memref<1x120xi32, #tpu.memory_space<hbm>>
    %dma_wait3A_438 = tpu.memref_squeeze %dma_wait3A_437 : memref<1x120xi32, #tpu.memory_space<hbm>> -> memref<120xi32, #tpu.memory_space<hbm>>
    tpu.wait_dma2 semaphore(%arg26 : memref<!tpu.dma_semaphore, #tpu.memory_space<semaphore_mem>>) src(%dma_wait3A_438 : memref<120xi32, #tpu.memory_space<hbm>>) dst(%arg16 : memref<120xi32, #tpu.memory_space<vmem>>)
    %dma_start3A_439 = arith.constant 0 : i32
    %dma_start3A_440 = arith.constant 0 : i32
    %dma_start3A_441 = tpu.memref_slice %arg2[%dma_start3A_439, %dma_start3A_440] : memref<10240x128xf32, #tpu.memory_space<hbm>> -> memref<10240x128xf32, #tpu.memory_space<hbm>>
    tpu.enqueue_indirect_dma source(%dma_start3A_441 : memref<10240x128xf32, #tpu.memory_space<hbm>>) target(%arg19 : memref<120x128xf32, #tpu.memory_space<vmem>>) offsets(%arg10 : memref<120xi32, #tpu.memory_space<vmem>>) semaphore(%arg29 : memref<!tpu.dma_semaphore, #tpu.memory_space<semaphore_mem>>)
    %dma_wait3A_442 = arith.constant 0 : i32
    %dma_wait3A_443 = arith.constant 0 : i32
    %dma_wait3A_444 = tpu.memref_slice %arg2[%dma_wait3A_442, %dma_wait3A_443] : memref<10240x128xf32, #tpu.memory_space<hbm>> -> memref<10240x128xf32, #tpu.memory_space<hbm>>
    tpu.wait_indirect_dma semaphore(%arg30 : memref<!tpu.dma_semaphore, #tpu.memory_space<semaphore_mem>>) src(%dma_wait3A_444 : memref<10240x128xf32, #tpu.memory_space<hbm>>) dst(%arg20 : memref<120x128xf32, #tpu.memory_space<vmem>>)
    "tpu.region"() ({
      %run_scoped3A = tpu.sem_alloc : memref<!tpu.dma_semaphore, #tpu.memory_space<semaphore_mem>>
      %dma_start3A_476 = arith.constant 0 : i32
      %dma_start3A_477 = arith.constant 0 : i32
      %dma_start3A_478 = tpu.memref_slice %arg21[%dma_start3A_476, %dma_start3A_477] : memref<10240x128xf32, #tpu.memory_space<vmem_shared>> -> memref<10240x128xf32, #tpu.memory_space<vmem_shared>>
      tpu.enqueue_indirect_dma source(%arg20 : memref<120x128xf32, #tpu.memory_space<vmem>>) target(%dma_start3A_478 : memref<10240x128xf32, #tpu.memory_space<vmem_shared>>) offsets(%arg14 : memref<120xi32, #tpu.memory_space<vmem>>) semaphore(%run_scoped3A : memref<!tpu.dma_semaphore, #tpu.memory_space<semaphore_mem>>) {add = true}
      %dma_wait3A_479 = arith.constant 0 : i32
      %dma_wait3A_480 = arith.constant 0 : i32
      %dma_wait3A_481 = tpu.memref_slice %arg21[%dma_wait3A_479, %dma_wait3A_480] : memref<10240x128xf32, #tpu.memory_space<vmem_shared>> -> memref<10240x128xf32, #tpu.memory_space<vmem_shared>>
      tpu.wait_indirect_dma semaphore(%run_scoped3A : memref<!tpu.dma_semaphore, #tpu.memory_space<semaphore_mem>>) src(%arg20 : memref<120x128xf32, #tpu.memory_space<vmem>>) dst(%dma_wait3A_481 : memref<10240x128xf32, #tpu.memory_space<vmem_shared>>)
      tpu.yield
    }) : () -> ()
    %dma_wait3A_445 = arith.constant 0 : i32
    %dma_wait3A_446 = arith.constant 0 : i32
    %dma_wait3A_447 = tpu.memref_slice %arg3[%dma_wait3A_445, %dma_wait3A_446] : memref<2688x120xi32, #tpu.memory_space<hbm>> -> memref<1x120xi32, #tpu.memory_space<hbm>>
    %dma_wait3A_448 = tpu.memref_squeeze %dma_wait3A_447 : memref<1x120xi32, #tpu.memory_space<hbm>> -> memref<120xi32, #tpu.memory_space<hbm>>
    %dma_wait3A_449 = arith.constant 0 : i32
    %dma_wait3A_450 = tpu.memref_slice %arg3[%dma_wait3A_445, %dma_wait3A_449] : memref<2688x120xi32, #tpu.memory_space<hbm>> -> memref<1x120xi32, #tpu.memory_space<hbm>>
    %dma_wait3A_451 = tpu.memref_squeeze %dma_wait3A_450 : memref<1x120xi32, #tpu.memory_space<hbm>> -> memref<120xi32, #tpu.memory_space<hbm>>
    tpu.wait_dma2 semaphore(%arg27 : memref<!tpu.dma_semaphore, #tpu.memory_space<semaphore_mem>>) src(%dma_wait3A_451 : memref<120xi32, #tpu.memory_space<hbm>>) dst(%arg11 : memref<120xi32, #tpu.memory_space<vmem>>)
    %dma_wait3A_452 = arith.constant 0 : i32
    %dma_wait3A_453 = arith.constant 0 : i32
    %dma_wait3A_454 = tpu.memref_slice %arg4[%dma_wait3A_452, %dma_wait3A_453] : memref<2688x120xi32, #tpu.memory_space<hbm>> -> memref<1x120xi32, #tpu.memory_space<hbm>>
    %dma_wait3A_455 = tpu.memref_squeeze %dma_wait3A_454 : memref<1x120xi32, #tpu.memory_space<hbm>> -> memref<120xi32, #tpu.memory_space<hbm>>
    %dma_wait3A_456 = arith.constant 0 : i32
    %dma_wait3A_457 = tpu.memref_slice %arg4[%dma_wait3A_452, %dma_wait3A_456] : memref<2688x120xi32, #tpu.memory_space<hbm>> -> memref<1x120xi32, #tpu.memory_space<hbm>>
    %dma_wait3A_458 = tpu.memref_squeeze %dma_wait3A_457 : memref<1x120xi32, #tpu.memory_space<hbm>> -> memref<120xi32, #tpu.memory_space<hbm>>
    tpu.wait_dma2 semaphore(%arg27 : memref<!tpu.dma_semaphore, #tpu.memory_space<semaphore_mem>>) src(%dma_wait3A_458 : memref<120xi32, #tpu.memory_space<hbm>>) dst(%arg17 : memref<120xi32, #tpu.memory_space<vmem>>)
    %dma_start3A_459 = arith.constant 0 : i32
    %dma_start3A_460 = arith.constant 0 : i32
    %dma_start3A_461 = tpu.memref_slice %arg2[%dma_start3A_459, %dma_start3A_460] : memref<10240x128xf32, #tpu.memory_space<hbm>> -> memref<10240x128xf32, #tpu.memory_space<hbm>>
    tpu.enqueue_indirect_dma source(%dma_start3A_461 : memref<10240x128xf32, #tpu.memory_space<hbm>>) target(%arg20 : memref<120x128xf32, #tpu.memory_space<vmem>>) offsets(%arg11 : memref<120xi32, #tpu.memory_space<vmem>>) semaphore(%arg30 : memref<!tpu.dma_semaphore, #tpu.memory_space<semaphore_mem>>)
    %dma_wait3A_462 = arith.constant 0 : i32
    %dma_wait3A_463 = arith.constant 0 : i32
    %dma_wait3A_464 = tpu.memref_slice %arg2[%dma_wait3A_462, %dma_wait3A_463] : memref<10240x128xf32, #tpu.memory_space<hbm>> -> memref<10240x128xf32, #tpu.memory_space<hbm>>
    tpu.wait_indirect_dma semaphore(%arg28 : memref<!tpu.dma_semaphore, #tpu.memory_space<semaphore_mem>>) src(%dma_wait3A_464 : memref<10240x128xf32, #tpu.memory_space<hbm>>) dst(%arg18 : memref<120x128xf32, #tpu.memory_space<vmem>>)
    "tpu.region"() ({
      %run_scoped3A = tpu.sem_alloc : memref<!tpu.dma_semaphore, #tpu.memory_space<semaphore_mem>>
      %dma_start3A_476 = arith.constant 0 : i32
      %dma_start3A_477 = arith.constant 0 : i32
      %dma_start3A_478 = tpu.memref_slice %arg21[%dma_start3A_476, %dma_start3A_477] : memref<10240x128xf32, #tpu.memory_space<vmem_shared>> -> memref<10240x128xf32, #tpu.memory_space<vmem_shared>>
      tpu.enqueue_indirect_dma source(%arg18 : memref<120x128xf32, #tpu.memory_space<vmem>>) target(%dma_start3A_478 : memref<10240x128xf32, #tpu.memory_space<vmem_shared>>) offsets(%arg15 : memref<120xi32, #tpu.memory_space<vmem>>) semaphore(%run_scoped3A : memref<!tpu.dma_semaphore, #tpu.memory_space<semaphore_mem>>) {add = true}
      %dma_wait3A_479 = arith.constant 0 : i32
      %dma_wait3A_480 = arith.constant 0 : i32
      %dma_wait3A_481 = tpu.memref_slice %arg21[%dma_wait3A_479, %dma_wait3A_480] : memref<10240x128xf32, #tpu.memory_space<vmem_shared>> -> memref<10240x128xf32, #tpu.memory_space<vmem_shared>>
      tpu.wait_indirect_dma semaphore(%run_scoped3A : memref<!tpu.dma_semaphore, #tpu.memory_space<semaphore_mem>>) src(%arg18 : memref<120x128xf32, #tpu.memory_space<vmem>>) dst(%dma_wait3A_481 : memref<10240x128xf32, #tpu.memory_space<vmem_shared>>)
      tpu.yield
    }) : () -> ()
    %dma_wait3A_465 = arith.constant 0 : i32
    %dma_wait3A_466 = arith.constant 0 : i32
    %dma_wait3A_467 = tpu.memref_slice %arg2[%dma_wait3A_465, %dma_wait3A_466] : memref<10240x128xf32, #tpu.memory_space<hbm>> -> memref<10240x128xf32, #tpu.memory_space<hbm>>
    tpu.wait_indirect_dma semaphore(%arg29 : memref<!tpu.dma_semaphore, #tpu.memory_space<semaphore_mem>>) src(%dma_wait3A_467 : memref<10240x128xf32, #tpu.memory_space<hbm>>) dst(%arg19 : memref<120x128xf32, #tpu.memory_space<vmem>>)
    "tpu.region"() ({
      %run_scoped3A = tpu.sem_alloc : memref<!tpu.dma_semaphore, #tpu.memory_space<semaphore_mem>>
      %dma_start3A_476 = arith.constant 0 : i32
      %dma_start3A_477 = arith.constant 0 : i32
      %dma_start3A_478 = tpu.memref_slice %arg21[%dma_start3A_476, %dma_start3A_477] : memref<10240x128xf32, #tpu.memory_space<vmem_shared>> -> memref<10240x128xf32, #tpu.memory_space<vmem_shared>>
      tpu.enqueue_indirect_dma source(%arg19 : memref<120x128xf32, #tpu.memory_space<vmem>>) target(%dma_start3A_478 : memref<10240x128xf32, #tpu.memory_space<vmem_shared>>) offsets(%arg16 : memref<120xi32, #tpu.memory_space<vmem>>) semaphore(%run_scoped3A : memref<!tpu.dma_semaphore, #tpu.memory_space<semaphore_mem>>) {add = true}
      %dma_wait3A_479 = arith.constant 0 : i32
      %dma_wait3A_480 = arith.constant 0 : i32
      %dma_wait3A_481 = tpu.memref_slice %arg21[%dma_wait3A_479, %dma_wait3A_480] : memref<10240x128xf32, #tpu.memory_space<vmem_shared>> -> memref<10240x128xf32, #tpu.memory_space<vmem_shared>>
      tpu.wait_indirect_dma semaphore(%run_scoped3A : memref<!tpu.dma_semaphore, #tpu.memory_space<semaphore_mem>>) src(%arg19 : memref<120x128xf32, #tpu.memory_space<vmem>>) dst(%dma_wait3A_481 : memref<10240x128xf32, #tpu.memory_space<vmem_shared>>)
      tpu.yield
    }) : () -> ()
    %dma_wait3A_468 = arith.constant 0 : i32
    %dma_wait3A_469 = arith.constant 0 : i32
    %dma_wait3A_470 = tpu.memref_slice %arg2[%dma_wait3A_468, %dma_wait3A_469] : memref<10240x128xf32, #tpu.memory_space<hbm>> -> memref<10240x128xf32, #tpu.memory_space<hbm>>
    tpu.wait_indirect_dma semaphore(%arg30 : memref<!tpu.dma_semaphore, #tpu.memory_space<semaphore_mem>>) src(%dma_wait3A_470 : memref<10240x128xf32, #tpu.memory_space<hbm>>) dst(%arg20 : memref<120x128xf32, #tpu.memory_space<vmem>>)
    "tpu.region"() ({
      %run_scoped3A = tpu.sem_alloc : memref<!tpu.dma_semaphore, #tpu.memory_space<semaphore_mem>>
      %dma_start3A_476 = arith.constant 0 : i32
      %dma_start3A_477 = arith.constant 0 : i32
      %dma_start3A_478 = tpu.memref_slice %arg21[%dma_start3A_476, %dma_start3A_477] : memref<10240x128xf32, #tpu.memory_space<vmem_shared>> -> memref<10240x128xf32, #tpu.memory_space<vmem_shared>>
      tpu.enqueue_indirect_dma source(%arg20 : memref<120x128xf32, #tpu.memory_space<vmem>>) target(%dma_start3A_478 : memref<10240x128xf32, #tpu.memory_space<vmem_shared>>) offsets(%arg17 : memref<120xi32, #tpu.memory_space<vmem>>) semaphore(%run_scoped3A : memref<!tpu.dma_semaphore, #tpu.memory_space<semaphore_mem>>) {add = true}
      %dma_wait3A_479 = arith.constant 0 : i32
      %dma_wait3A_480 = arith.constant 0 : i32
      %dma_wait3A_481 = tpu.memref_slice %arg21[%dma_wait3A_479, %dma_wait3A_480] : memref<10240x128xf32, #tpu.memory_space<vmem_shared>> -> memref<10240x128xf32, #tpu.memory_space<vmem_shared>>
      tpu.wait_indirect_dma semaphore(%run_scoped3A : memref<!tpu.dma_semaphore, #tpu.memory_space<semaphore_mem>>) src(%arg20 : memref<120x128xf32, #tpu.memory_space<vmem>>) dst(%dma_wait3A_481 : memref<10240x128xf32, #tpu.memory_space<vmem_shared>>)
      tpu.yield
    }) : () -> ()
    %barrier3A_471 = arith.constant 0 : index
    tpu.barrier barrier_id(%barrier3A_471)
    %mul3A_472 = arith.constant 640 : i32
    %mul3A_473 = arith.muli %arg1, %mul3A_472 : i32
    %mul3A_474 = arith.constant 640 : i32
    %mul3A_475 = arith.muli %arg1, %mul3A_474 : i32
    "tpu.region"() ({
      %run_scoped3A = tpu.sem_alloc : memref<!tpu.dma_semaphore, #tpu.memory_space<semaphore_mem>>
      %dma_start3A_476 = arith.constant 0 : i32
      %dma_start3A_477 = tpu.memref_slice %arg5[%arg0, %mul3A_475, %dma_start3A_476] : memref<2x10240x128xf32, #tpu.memory_space<hbm>> -> memref<1x640x128xf32, #tpu.memory_space<hbm>>
      %dma_start3A_478 = tpu.memref_squeeze %dma_start3A_477 : memref<1x640x128xf32, #tpu.memory_space<hbm>> -> memref<640x128xf32, #tpu.memory_space<hbm>>
      %dma_start3A_479 = arith.constant 0 : i32
      %dma_start3A_480 = tpu.memref_slice %arg21[%mul3A_473, %dma_start3A_479] : memref<10240x128xf32, #tpu.memory_space<vmem_shared>> -> memref<640x128xf32, #tpu.memory_space<vmem_shared>>
      tpu.enqueue_dma source(%dma_start3A_480 : memref<640x128xf32, #tpu.memory_space<vmem_shared>>) target(%dma_start3A_478 : memref<640x128xf32, #tpu.memory_space<hbm>>) target_semaphore(%run_scoped3A : memref<!tpu.dma_semaphore, #tpu.memory_space<semaphore_mem>>)
      %dma_wait3A_481 = arith.constant 0 : i32
      %dma_wait3A_482 = tpu.memref_slice %arg5[%arg0, %mul3A_475, %dma_wait3A_481] : memref<2x10240x128xf32, #tpu.memory_space<hbm>> -> memref<1x640x128xf32, #tpu.memory_space<hbm>>
      %dma_wait3A_483 = tpu.memref_squeeze %dma_wait3A_482 : memref<1x640x128xf32, #tpu.memory_space<hbm>> -> memref<640x128xf32, #tpu.memory_space<hbm>>
      %dma_wait3A_484 = arith.constant 0 : i32
      %dma_wait3A_485 = tpu.memref_slice %arg21[%mul3A_473, %dma_wait3A_484] : memref<10240x128xf32, #tpu.memory_space<vmem_shared>> -> memref<640x128xf32, #tpu.memory_space<vmem_shared>>
      tpu.wait_dma2 semaphore(%run_scoped3A : memref<!tpu.dma_semaphore, #tpu.memory_space<semaphore_mem>>) src(%dma_wait3A_485 : memref<640x128xf32, #tpu.memory_space<vmem_shared>>) dst(%dma_wait3A_483 : memref<640x128xf32, #tpu.memory_space<hbm>>)
      tpu.yield
    }) : () -> ()
    return
  }
}

module attributes {stable_mosaic.version = 14 : i64} {
  func.func @_tc1_body(%arg0: i32, %arg1: memref<1024x128xf32, #tpu.memory_space<vmem>>, %arg2: memref<128x128xf32, #tpu.memory_space<vmem>>, %arg3: memref<2x1024x16xf32, #tpu.memory_space<vmem>>, %arg4: memref<1024x128xf32, #tpu.memory_space<vmem>>) attributes {dimension_semantics = [#tpu.dimension_semantics<arbitrary>], iteration_bounds = array<i64: 10>, scalar_prefetch = 0 : i64, scratch_operands = 0 : i64, tpu.core_type = #tpu.core_type<tc>, window_params = [{transform_indices = @transform_0, window_bounds = array<i64: 1024, 128>}, {pipeline_mode = #tpu.pipeline_mode<synchronous>, transform_indices = @transform_1, window_bounds = array<i64: 128, 128>}, {transform_indices = @transform_2, window_bounds = array<i64: 2, 1024, 16>}, {transform_indices = @transform_3, window_bounds = array<i64: 1024, 128>}]} {
    %get3A = arith.constant 0 : index
    %get3A_0 = arith.constant 0 : index
    %get3A_1 = arith.constant 0 : index
    %get3A_2 = vector.load %arg3[%get3A, %get3A_0, %get3A_1] : memref<2x1024x16xf32, #tpu.memory_space<vmem>>, vector<1x1024x1xf32>
    %get3A_3 = vector.shape_cast %get3A_2 : vector<1x1024x1xf32> to vector<1024x1xf32>
    %get3A_4 = arith.constant 1 : index
    %get3A_5 = arith.constant 0 : index
    %get3A_6 = arith.constant 0 : index
    %get3A_7 = vector.load %arg3[%get3A_4, %get3A_5, %get3A_6] : memref<2x1024x16xf32, #tpu.memory_space<vmem>>, vector<1x1024x1xf32>
    %get3A_8 = vector.shape_cast %get3A_7 : vector<1x1024x1xf32> to vector<1024x1xf32>
    %add3A = arith.addf %get3A_3, %get3A_8 : vector<1024x1xf32>
    %add3A_9 = arith.constant 1.000000e+00 : f32
    %add3A_10 = vector.broadcast %add3A_9 : f32 to vector<1024x1xf32>
    %add3A_11 = arith.addf %add3A, %add3A_10 : vector<1024x1xf32>
    %rsqrt3A = math.rsqrt %add3A_11 : vector<1024x1xf32>
    %get3A_12 = arith.constant 0 : index
    %get3A_13 = arith.constant 0 : index
    %get3A_14 = vector.load %arg1[%get3A_12, %get3A_13] : memref<1024x128xf32, #tpu.memory_space<vmem>>, vector<1024x128xf32>
    %get3A_15 = arith.constant 0 : index
    %get3A_16 = arith.constant 0 : index
    %get3A_17 = vector.load %arg2[%get3A_15, %get3A_16] : memref<128x128xf32, #tpu.memory_space<vmem>>, vector<128x128xf32>
    %dot_general3A = arith.constant dense<0.000000e+00> : vector<1024x128xf32>
    %dot_general3A_18 = tpu.matmul %get3A_14, %get3A_17, %dot_general3A {dimension_numbers = #tpu.dot_dimension_numbers<[1], [0], [0], [1], [0, 0, 1, 1], [], []>, transpose_lhs_hint = false} : vector<1024x128xf32>, vector<128x128xf32>, vector<1024x128xf32> -> vector<1024x128xf32>
    %mul3A = vector.broadcast %rsqrt3A : vector<1024x1xf32> to vector<1024x128xf32>
    %mul3A_19 = arith.mulf %dot_general3A_18, %mul3A : vector<1024x128xf32>
    %swap3A = arith.constant 0 : index
    %swap3A_20 = arith.constant 0 : index
    %swap3A_21 = vector.load %arg4[%swap3A, %swap3A_20] : memref<1024x128xf32, #tpu.memory_space<vmem>>, vector<1024x128xf32>
    tpu.vector_store %arg4[%swap3A, %swap3A_20], %mul3A_19 {strides = array<i32>} : memref<1024x128xf32, #tpu.memory_space<vmem>>, vector<1024x128xf32>,
    return
  }
  func.func @transform_0(%arg0: i32) -> (i32, i32) {
    %c0_i32 = arith.constant 0 : i32
    %c0_i32_0 = arith.constant 0 : i32
    return %arg0, %c0_i32 : i32, i32
  }
  func.func @transform_1(%arg0: i32) -> (i32, i32) {
    %c0_i32 = arith.constant 0 : i32
    %c0_i32_0 = arith.constant 0 : i32
    %c0_i32_1 = arith.constant 0 : i32
    return %c0_i32, %c0_i32_0 : i32, i32
  }
  func.func @transform_2(%arg0: i32) -> (i32, i32, i32) {
    %c0_i32 = arith.constant 0 : i32
    %c0_i32_0 = arith.constant 0 : i32
    %c0_i32_1 = arith.constant 0 : i32
    return %c0_i32, %arg0, %c0_i32_0 : i32, i32, i32
  }
  func.func @transform_3(%arg0: i32) -> (i32, i32) {
    %c0_i32 = arith.constant 0 : i32
    %c0_i32_0 = arith.constant 0 : i32
    return %arg0, %c0_i32 : i32, i32
  }
}

module attributes {stable_mosaic.version = 14 : i64} {
  func.func @_tc2_body(%arg0: i32, %arg1: memref<2x1024x16xf32, #tpu.memory_space<vmem>>, %arg2: memref<2x1024x128xf32, #tpu.memory_space<vmem>>, %arg3: memref<1024x128xf32, #tpu.memory_space<vmem>>, %arg4: memref<1x128xf32, #tpu.memory_space<vmem>>, %arg5: memref<128x128xf32, #tpu.memory_space<vmem>>, %arg6: memref<1024x128xf32, #tpu.memory_space<vmem>>) attributes {dimension_semantics = [#tpu.dimension_semantics<arbitrary>], iteration_bounds = array<i64: 10>, scalar_prefetch = 0 : i64, scratch_operands = 0 : i64, tpu.core_type = #tpu.core_type<tc>, window_params = [{transform_indices = @transform_0, window_bounds = array<i64: 2, 1024, 16>}, {transform_indices = @transform_1, window_bounds = array<i64: 2, 1024, 128>}, {transform_indices = @transform_2, window_bounds = array<i64: 1024, 128>}, {pipeline_mode = #tpu.pipeline_mode<synchronous>, transform_indices = @transform_3, window_bounds = array<i64: 1, 128>}, {pipeline_mode = #tpu.pipeline_mode<synchronous>, transform_indices = @transform_4, window_bounds = array<i64: 128, 128>}, {transform_indices = @transform_5, window_bounds = array<i64: 1024, 128>}]} {
    %get3A = arith.constant 0 : index
    %get3A_0 = arith.constant 0 : index
    %get3A_1 = arith.constant 0 : index
    %get3A_2 = vector.load %arg1[%get3A, %get3A_0, %get3A_1] : memref<2x1024x16xf32, #tpu.memory_space<vmem>>, vector<1x1024x1xf32>
    %get3A_3 = vector.shape_cast %get3A_2 : vector<1x1024x1xf32> to vector<1024x1xf32>
    %get3A_4 = arith.constant 1 : index
    %get3A_5 = arith.constant 0 : index
    %get3A_6 = arith.constant 0 : index
    %get3A_7 = vector.load %arg1[%get3A_4, %get3A_5, %get3A_6] : memref<2x1024x16xf32, #tpu.memory_space<vmem>>, vector<1x1024x1xf32>
    %get3A_8 = vector.shape_cast %get3A_7 : vector<1x1024x1xf32> to vector<1024x1xf32>
    %add3A = arith.addf %get3A_3, %get3A_8 : vector<1024x1xf32>
    %add3A_9 = arith.constant 1.000000e+00 : f32
    %add3A_10 = vector.broadcast %add3A_9 : f32 to vector<1024x1xf32>
    %add3A_11 = arith.addf %add3A, %add3A_10 : vector<1024x1xf32>
    %rsqrt3A = math.rsqrt %add3A_11 : vector<1024x1xf32>
    %get3A_12 = arith.constant 0 : index
    %get3A_13 = arith.constant 0 : index
    %get3A_14 = arith.constant 0 : index
    %get3A_15 = vector.load %arg2[%get3A_12, %get3A_13, %get3A_14] : memref<2x1024x128xf32, #tpu.memory_space<vmem>>, vector<1x1024x128xf32>
    %get3A_16 = vector.shape_cast %get3A_15 : vector<1x1024x128xf32> to vector<1024x128xf32>
    %get3A_17 = arith.constant 1 : index
    %get3A_18 = arith.constant 0 : index
    %get3A_19 = arith.constant 0 : index
    %get3A_20 = vector.load %arg2[%get3A_17, %get3A_18, %get3A_19] : memref<2x1024x128xf32, #tpu.memory_space<vmem>>, vector<1x1024x128xf32>
    %get3A_21 = vector.shape_cast %get3A_20 : vector<1x1024x128xf32> to vector<1024x128xf32>
    %add3A_22 = arith.addf %get3A_16, %get3A_21 : vector<1024x128xf32>
    %get3A_23 = arith.constant 0 : index
    %get3A_24 = arith.constant 0 : index
    %get3A_25 = vector.load %arg3[%get3A_23, %get3A_24] : memref<1024x128xf32, #tpu.memory_space<vmem>>, vector<1024x128xf32>
    %add3A_26 = arith.addf %add3A_22, %get3A_25 : vector<1024x128xf32>
    %mul3A = vector.broadcast %rsqrt3A : vector<1024x1xf32> to vector<1024x128xf32>
    %mul3A_27 = arith.mulf %add3A_26, %mul3A : vector<1024x128xf32>
    %get3A_28 = arith.constant 0 : index
    %get3A_29 = arith.constant 0 : index
    %get3A_30 = vector.load %arg4[%get3A_28, %get3A_29] : memref<1x128xf32, #tpu.memory_space<vmem>>, vector<1x128xf32>
    %add3A_31 = vector.broadcast %get3A_30 : vector<1x128xf32> to vector<1024x128xf32>
    %add3A_32 = arith.addf %mul3A_27, %add3A_31 : vector<1024x128xf32>
    %max3A = arith.constant 0.000000e+00 : f32
    %max3A_33 = vector.broadcast %max3A : f32 to vector<1024x128xf32>
    %max3A_34 = arith.maximumf %add3A_32, %max3A_33 : vector<1024x128xf32>
    %get3A_35 = arith.constant 0 : index
    %get3A_36 = arith.constant 0 : index
    %get3A_37 = vector.load %arg5[%get3A_35, %get3A_36] : memref<128x128xf32, #tpu.memory_space<vmem>>, vector<128x128xf32>
    %dot_general3A = arith.constant dense<0.000000e+00> : vector<1024x128xf32>
    %dot_general3A_38 = tpu.matmul %max3A_34, %get3A_37, %dot_general3A {dimension_numbers = #tpu.dot_dimension_numbers<[1], [0], [0], [1], [0, 0, 1, 1], [], []>, transpose_lhs_hint = false} : vector<1024x128xf32>, vector<128x128xf32>, vector<1024x128xf32> -> vector<1024x128xf32>
    %mul3A_39 = vector.broadcast %rsqrt3A : vector<1024x1xf32> to vector<1024x128xf32>
    %mul3A_40 = arith.mulf %dot_general3A_38, %mul3A_39 : vector<1024x128xf32>
    %swap3A = arith.constant 0 : index
    %swap3A_41 = arith.constant 0 : index
    %swap3A_42 = vector.load %arg6[%swap3A, %swap3A_41] : memref<1024x128xf32, #tpu.memory_space<vmem>>, vector<1024x128xf32>
    tpu.vector_store %arg6[%swap3A, %swap3A_41], %mul3A_40 {strides = array<i32>} : memref<1024x128xf32, #tpu.memory_space<vmem>>, vector<1024x128xf32>,
    return
  }
  func.func @transform_0(%arg0: i32) -> (i32, i32, i32) {
    %c0_i32 = arith.constant 0 : i32
    %c0_i32_0 = arith.constant 0 : i32
    %c0_i32_1 = arith.constant 0 : i32
    return %c0_i32, %arg0, %c0_i32_0 : i32, i32, i32
  }
  func.func @transform_1(%arg0: i32) -> (i32, i32, i32) {
    %c0_i32 = arith.constant 0 : i32
    %c0_i32_0 = arith.constant 0 : i32
    %c0_i32_1 = arith.constant 0 : i32
    return %c0_i32, %arg0, %c0_i32_0 : i32, i32, i32
  }
  func.func @transform_2(%arg0: i32) -> (i32, i32) {
    %c0_i32 = arith.constant 0 : i32
    %c0_i32_0 = arith.constant 0 : i32
    return %arg0, %c0_i32 : i32, i32
  }
  func.func @transform_3(%arg0: i32) -> (i32, i32) {
    %c0_i32 = arith.constant 0 : i32
    %c0_i32_0 = arith.constant 0 : i32
    %c0_i32_1 = arith.constant 0 : i32
    return %c0_i32, %c0_i32_0 : i32, i32
  }
  func.func @transform_4(%arg0: i32) -> (i32, i32) {
    %c0_i32 = arith.constant 0 : i32
    %c0_i32_0 = arith.constant 0 : i32
    %c0_i32_1 = arith.constant 0 : i32
    return %c0_i32, %c0_i32_0 : i32, i32
  }
  func.func @transform_5(%arg0: i32) -> (i32, i32) {
    %c0_i32 = arith.constant 0 : i32
    %c0_i32_0 = arith.constant 0 : i32
    return %arg0, %c0_i32 : i32, i32
  }
}

module attributes {stable_mosaic.version = 14 : i64} {
  func.func @_tc3_body(%arg0: i32, %arg1: memref<2x1024x16xf32, #tpu.memory_space<vmem>>, %arg2: memref<2x1024x128xf32, #tpu.memory_space<vmem>>, %arg3: memref<1024x128xf32, #tpu.memory_space<vmem>>, %arg4: memref<1x128xf32, #tpu.memory_space<vmem>>, %arg5: memref<128x128xf32, #tpu.memory_space<vmem>>, %arg6: memref<1x128xf32, #tpu.memory_space<vmem>>, %arg7: memref<128x128xf32, #tpu.memory_space<vmem>>, %arg8: memref<1x128xf32, #tpu.memory_space<vmem>>, %arg9: memref<128x128xf32, #tpu.memory_space<vmem>>, %arg10: memref<1x128xf32, #tpu.memory_space<vmem>>, %arg11: memref<128x128xf32, #tpu.memory_space<vmem>>, %arg12: memref<1x128xf32, #tpu.memory_space<vmem>>, %arg13: memref<1024x128xf32, #tpu.memory_space<vmem>>) attributes {dimension_semantics = [#tpu.dimension_semantics<arbitrary>], iteration_bounds = array<i64: 10>, scalar_prefetch = 0 : i64, scratch_operands = 0 : i64, tpu.core_type = #tpu.core_type<tc>, window_params = [{transform_indices = @transform_0, window_bounds = array<i64: 2, 1024, 16>}, {transform_indices = @transform_1, window_bounds = array<i64: 2, 1024, 128>}, {transform_indices = @transform_2, window_bounds = array<i64: 1024, 128>}, {pipeline_mode = #tpu.pipeline_mode<synchronous>, transform_indices = @transform_3, window_bounds = array<i64: 1, 128>}, {pipeline_mode = #tpu.pipeline_mode<synchronous>, transform_indices = @transform_4, window_bounds = array<i64: 128, 128>}, {pipeline_mode = #tpu.pipeline_mode<synchronous>, transform_indices = @transform_5, window_bounds = array<i64: 1, 128>}, {pipeline_mode = #tpu.pipeline_mode<synchronous>, transform_indices = @transform_6, window_bounds = array<i64: 128, 128>}, {pipeline_mode = #tpu.pipeline_mode<synchronous>, transform_indices = @transform_7, window_bounds = array<i64: 1, 128>}, {pipeline_mode = #tpu.pipeline_mode<synchronous>, transform_indices = @transform_8, window_bounds = array<i64: 128, 128>}, {pipeline_mode = #tpu.pipeline_mode<synchronous>, transform_indices = @transform_9, window_bounds = array<i64: 1, 128>}, {pipeline_mode = #tpu.pipeline_mode<synchronous>, transform_indices = @transform_10, window_bounds = array<i64: 128, 128>}, {pipeline_mode = #tpu.pipeline_mode<synchronous>, transform_indices = @transform_11, window_bounds = array<i64: 1, 128>}, {transform_indices = @transform_12, window_bounds = array<i64: 1024, 128>}]} {
    %get3A = arith.constant 0 : index
    %get3A_0 = arith.constant 0 : index
    %get3A_1 = arith.constant 0 : index
    %get3A_2 = vector.load %arg1[%get3A, %get3A_0, %get3A_1] : memref<2x1024x16xf32, #tpu.memory_space<vmem>>, vector<1x1024x1xf32>
    %get3A_3 = vector.shape_cast %get3A_2 : vector<1x1024x1xf32> to vector<1024x1xf32>
    %get3A_4 = arith.constant 1 : index
    %get3A_5 = arith.constant 0 : index
    %get3A_6 = arith.constant 0 : index
    %get3A_7 = vector.load %arg1[%get3A_4, %get3A_5, %get3A_6] : memref<2x1024x16xf32, #tpu.memory_space<vmem>>, vector<1x1024x1xf32>
    %get3A_8 = vector.shape_cast %get3A_7 : vector<1x1024x1xf32> to vector<1024x1xf32>
    %add3A = arith.addf %get3A_3, %get3A_8 : vector<1024x1xf32>
    %add3A_9 = arith.constant 1.000000e+00 : f32
    %add3A_10 = vector.broadcast %add3A_9 : f32 to vector<1024x1xf32>
    %add3A_11 = arith.addf %add3A, %add3A_10 : vector<1024x1xf32>
    %rsqrt3A = math.rsqrt %add3A_11 : vector<1024x1xf32>
    %get3A_12 = arith.constant 0 : index
    %get3A_13 = arith.constant 0 : index
    %get3A_14 = arith.constant 0 : index
    %get3A_15 = vector.load %arg2[%get3A_12, %get3A_13, %get3A_14] : memref<2x1024x128xf32, #tpu.memory_space<vmem>>, vector<1x1024x128xf32>
    %get3A_16 = vector.shape_cast %get3A_15 : vector<1x1024x128xf32> to vector<1024x128xf32>
    %get3A_17 = arith.constant 1 : index
    %get3A_18 = arith.constant 0 : index
    %get3A_19 = arith.constant 0 : index
    %get3A_20 = vector.load %arg2[%get3A_17, %get3A_18, %get3A_19] : memref<2x1024x128xf32, #tpu.memory_space<vmem>>, vector<1x1024x128xf32>
    %get3A_21 = vector.shape_cast %get3A_20 : vector<1x1024x128xf32> to vector<1024x128xf32>
    %add3A_22 = arith.addf %get3A_16, %get3A_21 : vector<1024x128xf32>
    %get3A_23 = arith.constant 0 : index
    %get3A_24 = arith.constant 0 : index
    %get3A_25 = vector.load %arg3[%get3A_23, %get3A_24] : memref<1024x128xf32, #tpu.memory_space<vmem>>, vector<1024x128xf32>
    %add3A_26 = arith.addf %add3A_22, %get3A_25 : vector<1024x128xf32>
    %mul3A = vector.broadcast %rsqrt3A : vector<1024x1xf32> to vector<1024x128xf32>
    %mul3A_27 = arith.mulf %add3A_26, %mul3A : vector<1024x128xf32>
    %get3A_28 = arith.constant 0 : index
    %get3A_29 = arith.constant 0 : index
    %get3A_30 = vector.load %arg4[%get3A_28, %get3A_29] : memref<1x128xf32, #tpu.memory_space<vmem>>, vector<1x128xf32>
    %add3A_31 = vector.broadcast %get3A_30 : vector<1x128xf32> to vector<1024x128xf32>
    %add3A_32 = arith.addf %mul3A_27, %add3A_31 : vector<1024x128xf32>
    %get3A_33 = arith.constant 0 : index
    %get3A_34 = arith.constant 0 : index
    %get3A_35 = vector.load %arg5[%get3A_33, %get3A_34] : memref<128x128xf32, #tpu.memory_space<vmem>>, vector<128x128xf32>
    %dot_general3A = arith.constant dense<0.000000e+00> : vector<1024x128xf32>
    %dot_general3A_36 = tpu.matmul %add3A_32, %get3A_35, %dot_general3A {dimension_numbers = #tpu.dot_dimension_numbers<[1], [0], [0], [1], [0, 0, 1, 1], [], []>, transpose_lhs_hint = false} : vector<1024x128xf32>, vector<128x128xf32>, vector<1024x128xf32> -> vector<1024x128xf32>
    %get3A_37 = arith.constant 0 : index
    %get3A_38 = arith.constant 0 : index
    %get3A_39 = vector.load %arg6[%get3A_37, %get3A_38] : memref<1x128xf32, #tpu.memory_space<vmem>>, vector<1x128xf32>
    %add3A_40 = vector.broadcast %get3A_39 : vector<1x128xf32> to vector<1024x128xf32>
    %add3A_41 = arith.addf %dot_general3A_36, %add3A_40 : vector<1024x128xf32>
    %gt3A = arith.constant 0.000000e+00 : f32
    %gt3A_42 = vector.broadcast %gt3A : f32 to vector<1024x128xf32>
    %gt3A_43 = arith.cmpf ogt, %add3A_41, %gt3A_42 : vector<1024x128xf32>
    %min3A = arith.constant 0.000000e+00 : f32
    %min3A_44 = vector.broadcast %min3A : f32 to vector<1024x128xf32>
    %min3A_45 = arith.minimumf %add3A_41, %min3A_44 : vector<1024x128xf32>
    %exp3A = math.exp %min3A_45 : vector<1024x128xf32>
    %sub3A = arith.constant 1.000000e+00 : f32
    %sub3A_46 = vector.broadcast %sub3A : f32 to vector<1024x128xf32>
    %sub3A_47 = arith.subf %exp3A, %sub3A_46 : vector<1024x128xf32>
    %select_n3A = arith.select %gt3A_43, %add3A_41, %sub3A_47 : vector<1024x128xi1>, vector<1024x128xf32>
    %get3A_48 = arith.constant 0 : index
    %get3A_49 = arith.constant 0 : index
    %get3A_50 = vector.load %arg7[%get3A_48, %get3A_49] : memref<128x128xf32, #tpu.memory_space<vmem>>, vector<128x128xf32>
    %dot_general3A_51 = arith.constant dense<0.000000e+00> : vector<1024x128xf32>
    %dot_general3A_52 = tpu.matmul %select_n3A, %get3A_50, %dot_general3A_51 {dimension_numbers = #tpu.dot_dimension_numbers<[1], [0], [0], [1], [0, 0, 1, 1], [], []>, transpose_lhs_hint = false} : vector<1024x128xf32>, vector<128x128xf32>, vector<1024x128xf32> -> vector<1024x128xf32>
    %get3A_53 = arith.constant 0 : index
    %get3A_54 = arith.constant 0 : index
    %get3A_55 = vector.load %arg8[%get3A_53, %get3A_54] : memref<1x128xf32, #tpu.memory_space<vmem>>, vector<1x128xf32>
    %add3A_56 = vector.broadcast %get3A_55 : vector<1x128xf32> to vector<1024x128xf32>
    %add3A_57 = arith.addf %dot_general3A_52, %add3A_56 : vector<1024x128xf32>
    %gt3A_58 = arith.constant 0.000000e+00 : f32
    %gt3A_59 = vector.broadcast %gt3A_58 : f32 to vector<1024x128xf32>
    %gt3A_60 = arith.cmpf ogt, %add3A_57, %gt3A_59 : vector<1024x128xf32>
    %min3A_61 = arith.constant 0.000000e+00 : f32
    %min3A_62 = vector.broadcast %min3A_61 : f32 to vector<1024x128xf32>
    %min3A_63 = arith.minimumf %add3A_57, %min3A_62 : vector<1024x128xf32>
    %exp3A_64 = math.exp %min3A_63 : vector<1024x128xf32>
    %sub3A_65 = arith.constant 1.000000e+00 : f32
    %sub3A_66 = vector.broadcast %sub3A_65 : f32 to vector<1024x128xf32>
    %sub3A_67 = arith.subf %exp3A_64, %sub3A_66 : vector<1024x128xf32>
    %select_n3A_68 = arith.select %gt3A_60, %add3A_57, %sub3A_67 : vector<1024x128xi1>, vector<1024x128xf32>
    %get3A_69 = arith.constant 0 : index
    %get3A_70 = arith.constant 0 : index
    %get3A_71 = vector.load %arg9[%get3A_69, %get3A_70] : memref<128x128xf32, #tpu.memory_space<vmem>>, vector<128x128xf32>
    %dot_general3A_72 = arith.constant dense<0.000000e+00> : vector<1024x128xf32>
    %dot_general3A_73 = tpu.matmul %select_n3A_68, %get3A_71, %dot_general3A_72 {dimension_numbers = #tpu.dot_dimension_numbers<[1], [0], [0], [1], [0, 0, 1, 1], [], []>, transpose_lhs_hint = false} : vector<1024x128xf32>, vector<128x128xf32>, vector<1024x128xf32> -> vector<1024x128xf32>
    %get3A_74 = arith.constant 0 : index
    %get3A_75 = arith.constant 0 : index
    %get3A_76 = vector.load %arg10[%get3A_74, %get3A_75] : memref<1x128xf32, #tpu.memory_space<vmem>>, vector<1x128xf32>
    %add3A_77 = vector.broadcast %get3A_76 : vector<1x128xf32> to vector<1024x128xf32>
    %add3A_78 = arith.addf %dot_general3A_73, %add3A_77 : vector<1024x128xf32>
    %gt3A_79 = arith.constant 0.000000e+00 : f32
    %gt3A_80 = vector.broadcast %gt3A_79 : f32 to vector<1024x128xf32>
    %gt3A_81 = arith.cmpf ogt, %add3A_78, %gt3A_80 : vector<1024x128xf32>
    %min3A_82 = arith.constant 0.000000e+00 : f32
    %min3A_83 = vector.broadcast %min3A_82 : f32 to vector<1024x128xf32>
    %min3A_84 = arith.minimumf %add3A_78, %min3A_83 : vector<1024x128xf32>
    %exp3A_85 = math.exp %min3A_84 : vector<1024x128xf32>
    %sub3A_86 = arith.constant 1.000000e+00 : f32
    %sub3A_87 = vector.broadcast %sub3A_86 : f32 to vector<1024x128xf32>
    %sub3A_88 = arith.subf %exp3A_85, %sub3A_87 : vector<1024x128xf32>
    %select_n3A_89 = arith.select %gt3A_81, %add3A_78, %sub3A_88 : vector<1024x128xi1>, vector<1024x128xf32>
    %get3A_90 = arith.constant 0 : index
    %get3A_91 = arith.constant 0 : index
    %get3A_92 = vector.load %arg11[%get3A_90, %get3A_91] : memref<128x128xf32, #tpu.memory_space<vmem>>, vector<128x128xf32>
    %dot_general3A_93 = arith.constant dense<0.000000e+00> : vector<1024x128xf32>
    %dot_general3A_94 = tpu.matmul %select_n3A_89, %get3A_92, %dot_general3A_93 {dimension_numbers = #tpu.dot_dimension_numbers<[1], [0], [0], [1], [0, 0, 1, 1], [], []>, transpose_lhs_hint = false} : vector<1024x128xf32>, vector<128x128xf32>, vector<1024x128xf32> -> vector<1024x128xf32>
    %get3A_95 = arith.constant 0 : index
    %get3A_96 = arith.constant 0 : index
    %get3A_97 = vector.load %arg12[%get3A_95, %get3A_96] : memref<1x128xf32, #tpu.memory_space<vmem>>, vector<1x128xf32>
    %add3A_98 = vector.broadcast %get3A_97 : vector<1x128xf32> to vector<1024x128xf32>
    %add3A_99 = arith.addf %dot_general3A_94, %add3A_98 : vector<1024x128xf32>
    %gt3A_100 = arith.constant 0.000000e+00 : f32
    %gt3A_101 = vector.broadcast %gt3A_100 : f32 to vector<1024x128xf32>
    %gt3A_102 = arith.cmpf ogt, %add3A_99, %gt3A_101 : vector<1024x128xf32>
    %min3A_103 = arith.constant 0.000000e+00 : f32
    %min3A_104 = vector.broadcast %min3A_103 : f32 to vector<1024x128xf32>
    %min3A_105 = arith.minimumf %add3A_99, %min3A_104 : vector<1024x128xf32>
    %exp3A_106 = math.exp %min3A_105 : vector<1024x128xf32>
    %sub3A_107 = arith.constant 1.000000e+00 : f32
    %sub3A_108 = vector.broadcast %sub3A_107 : f32 to vector<1024x128xf32>
    %sub3A_109 = arith.subf %exp3A_106, %sub3A_108 : vector<1024x128xf32>
    %select_n3A_110 = arith.select %gt3A_102, %add3A_99, %sub3A_109 : vector<1024x128xi1>, vector<1024x128xf32>
    %neg3A = arith.constant 0.000000e+00 : f32
    %neg3A_111 = vector.broadcast %neg3A : f32 to vector<1024x128xf32>
    %neg3A_112 = arith.subf %neg3A_111, %select_n3A_110 : vector<1024x128xf32>
    %exp3A_113 = math.exp %neg3A_112 : vector<1024x128xf32>
    %add3A_114 = arith.constant 1.000000e+00 : f32
    %add3A_115 = vector.broadcast %add3A_114 : f32 to vector<1024x128xf32>
    %add3A_116 = arith.addf %add3A_115, %exp3A_113 : vector<1024x128xf32>
    %div3A = arith.constant 1.000000e+00 : f32
    %div3A_117 = vector.broadcast %div3A : f32 to vector<1024x128xf32>
    %div3A_118 = arith.divf %div3A_117, %add3A_116 : vector<1024x128xf32>
    %swap3A = arith.constant 0 : index
    %swap3A_119 = arith.constant 0 : index
    %swap3A_120 = vector.load %arg13[%swap3A, %swap3A_119] : memref<1024x128xf32, #tpu.memory_space<vmem>>, vector<1024x128xf32>
    tpu.vector_store %arg13[%swap3A, %swap3A_119], %div3A_118 {strides = array<i32>} : memref<1024x128xf32, #tpu.memory_space<vmem>>, vector<1024x128xf32>,
    return
  }
  func.func @transform_0(%arg0: i32) -> (i32, i32, i32) {
    %c0_i32 = arith.constant 0 : i32
    %c0_i32_0 = arith.constant 0 : i32
    %c0_i32_1 = arith.constant 0 : i32
    return %c0_i32, %arg0, %c0_i32_0 : i32, i32, i32
  }
  func.func @transform_1(%arg0: i32) -> (i32, i32, i32) {
    %c0_i32 = arith.constant 0 : i32
    %c0_i32_0 = arith.constant 0 : i32
    %c0_i32_1 = arith.constant 0 : i32
    return %c0_i32, %arg0, %c0_i32_0 : i32, i32, i32
  }
  func.func @transform_2(%arg0: i32) -> (i32, i32) {
    %c0_i32 = arith.constant 0 : i32
    %c0_i32_0 = arith.constant 0 : i32
    return %arg0, %c0_i32 : i32, i32
  }
  func.func @transform_3(%arg0: i32) -> (i32, i32) {
    %c0_i32 = arith.constant 0 : i32
    %c0_i32_0 = arith.constant 0 : i32
    %c0_i32_1 = arith.constant 0 : i32
    return %c0_i32, %c0_i32_0 : i32, i32
  }
  func.func @transform_4(%arg0: i32) -> (i32, i32) {
    %c0_i32 = arith.constant 0 : i32
    %c0_i32_0 = arith.constant 0 : i32
    %c0_i32_1 = arith.constant 0 : i32
    return %c0_i32, %c0_i32_0 : i32, i32
  }
  func.func @transform_5(%arg0: i32) -> (i32, i32) {
    %c0_i32 = arith.constant 0 : i32
    %c0_i32_0 = arith.constant 0 : i32
    %c0_i32_1 = arith.constant 0 : i32
    return %c0_i32, %c0_i32_0 : i32, i32
  }
  func.func @transform_6(%arg0: i32) -> (i32, i32) {
    %c0_i32 = arith.constant 0 : i32
    %c0_i32_0 = arith.constant 0 : i32
    %c0_i32_1 = arith.constant 0 : i32
    return %c0_i32, %c0_i32_0 : i32, i32
  }
  func.func @transform_7(%arg0: i32) -> (i32, i32) {
    %c0_i32 = arith.constant 0 : i32
    %c0_i32_0 = arith.constant 0 : i32
    %c0_i32_1 = arith.constant 0 : i32
    return %c0_i32, %c0_i32_0 : i32, i32
  }
  func.func @transform_8(%arg0: i32) -> (i32, i32) {
    %c0_i32 = arith.constant 0 : i32
    %c0_i32_0 = arith.constant 0 : i32
    %c0_i32_1 = arith.constant 0 : i32
    return %c0_i32, %c0_i32_0 : i32, i32
  }
  func.func @transform_9(%arg0: i32) -> (i32, i32) {
    %c0_i32 = arith.constant 0 : i32
    %c0_i32_0 = arith.constant 0 : i32
    %c0_i32_1 = arith.constant 0 : i32
    return %c0_i32, %c0_i32_0 : i32, i32
  }
  func.func @transform_10(%arg0: i32) -> (i32, i32) {
    %c0_i32 = arith.constant 0 : i32
    %c0_i32_0 = arith.constant 0 : i32
    %c0_i32_1 = arith.constant 0 : i32
    return %c0_i32, %c0_i32_0 : i32, i32
  }
  func.func @transform_11(%arg0: i32) -> (i32, i32) {
    %c0_i32 = arith.constant 0 : i32
    %c0_i32_0 = arith.constant 0 : i32
    %c0_i32_1 = arith.constant 0 : i32
    return %c0_i32, %c0_i32_0 : i32, i32
  }
  func.func @transform_12(%arg0: i32) -> (i32, i32) {
    %c0_i32 = arith.constant 0 : i32
    %c0_i32_0 = arith.constant 0 : i32
    return %arg0, %c0_i32 : i32, i32
  }
}

</mosaic_0001>

<sc_bundles>
// kernel: kernel.11.cloned.1.call-start
scs
__scs_entry_jumppad:
0x0: {  	(pc) =	sbr.rel $0x88, $3  }
0x1: {  	(tag) =	ssettag $0x0;
	lr =	simm.s32 $0x1  }
0x2: {  	[smem:$0x3F93] =	sst lr;
	_ =	strace $0xD0000000  }
0x3: {  	_ = 	snop  }
0x4: {  	_ = 	snop  }
0x5: {  	_ = 	snop  }
0x6: {  	_ = 	snop  }
0x7: {  	_ = 	snop  }
__scs_overlays_trampoline_lowered:
0x8: {  	[smem:$0x3FA2] =	sst s0  }
0x9: {  	[smem:$0x3FA3] =	sst s1  }
0xa: {  	[smem:$0x3FA4] =	sst s2  }
0xb: {  	[smem:$0x3FA5] =	sst s3  }
0xc: {  	[smem:$0x3FA6] =	sst s4  }
0xd: {  	[smem:$0x3FA7] =	sst s5  }
0xe: {  	[smem:$0x3FA8] =	sst s6  }
0xf: {  	[smem:$0x3FA9] =	sst s7  }
0x10: {  	[smem:$0x3FAA] =	sst s8  }
0x11: {  	[smem:$0x3FAB] =	sst s9;
	s0 =	simm.s32 @!p0 $0x0  }
0x12: {  	s1 =	sld [smem:$0x3F91];
	s0 =	simm.s32 @p0 $0x1  }
0x13: {  	[smem:$0x3FAC] =	sst s0;
	s0 =	simm.s32 @!p1 $0x0  }
0x14: {  	s2 =	sld [smem:$0x3F90];
	s0 =	simm.s32 @p1 $0x1  }
0x15: {  	[smem:$0x3FAD] =	sst s0;
	s0 =	simm.s32 @!p2 $0x0  }
0x16: {  	s3 =	sld [smem:$0x3FDB];
	s0 =	simm.s32 @p2 $0x1  }
0x17: {  	s4 =	simm.s32 $0x1BF5;
	[smem:$0x3FAF] =	sst s0  }
0x18: {  	s0 =	sld [smem:$0x3F92];
	_ =	swait.ge [sflag:s4], $0x0  }
0x19: {  	s7 =	sld [smem:$0x3F93]  }
0x1a: {  	s8 =	sadd.s32 $0xFFFFE003, lr  }
0x1b: {  	s9 =	sadd.s32 $0xFFFFFEF7, lr;
	s5 =	simm.s32 $0xFFFFFFFF;
	p2 =	slt.u32 s8, $0xFFFFF086  }
0x1c: {  	p1 =	slt.u32 s9, $0xF7A;
	s5 =	simm.s32 @!p2 $0x0  }
0x1d: {  	s5 =	simm.s32 @p1 $0x1;
	p0 =	seq.s32 s7, s2  }
0x1e: {  	s7 =	smul.u32 @!p0 $0xF7A, s2;
	p2 =	seq.s32 @!p0 s5, $0x0  }
0x1f: {  	s9 =	smul.u32 $0xF7A, s1;
	s8 =	simm.s32 @!p0 $0x1BF5;
	p2 =	por !p2, p0  }
0x20: {  	[sflag:s8] =	ssyncset.s32 @!p0 $0xFFFFF086;
	s6 =	sadd.s32 @!p0 s3, s7;
	s7 =	simm.s32 @!p0 $0x108  }
0x21: {  	s3 =	sadd.s32 s3, s9;
	s6 =	sadd.s32 @!p0 $0x88, s6;
	s7 =	simm.s32 @p2 $0x1082  }
0x22: {  	[simem:s7], [sflag:s8] =	dma.local @!p0 [hbm:s6], $0xF7A  }
0x23: {  	s9 =	sor.u32 $0xD0000000, s2;
	s6 =	simm.s32 $0x108;
	_ =	swait.ge @!p0 [sflag:s8], $0x0  }
0x24: {  	s3 =	sadd.s32 $0x88, s3;
	s6 =	simm.s32 @!p1 $0x1082;
	[sflag:s4] =	ssyncset.s32 $0xFFFFF086  }
0x25: {  	[simem:s6], [sflag:s4] =	dma.local [hbm:s3], $0xF7A  }
0x26: {  	[smem:$0x3F93] =	sst s1;
	(tag) =	ssettag s2;
	_ =	strace s9  }
0x27: {  	s1 =	sld [smem:$0x3FA3]  }
0x28: {  	s2 =	sld [smem:$0x3FA4]  }
0x29: {  	s4 =	sld [smem:$0x3FA6]  }
0x2a: {  	p0 =	seq.s32 s5, $0x0;
	s5 =	sld [smem:$0x3FA7]  }
0x2b: {  	s6 =	sld [smem:$0x3FA8]  }
0x2c: {  	s7 =	sld [smem:$0x3FA9]  }
0x2d: {  	s3 =	simm.s32 $0x108;
	s8 =	sld [smem:$0x3FAA]  }
0x2e: {  	s3 =	simm.s32 @!p0 $0x1082;
	s9 =	sld [smem:$0x3FAB]  }
0x2f: {  	lr =	sadd.s32 s0, s3;
	s0 =	sld [smem:$0x3FA2]  }
0x30: {  	s3 =	sld [smem:$0x3FA5]  }
0x31: {  	[smem:$0x3FAE] =	sst s10  }
0x32: {  	s10 =	sld [smem:$0x3FAC];
	_ =	sdelay $0x3  }
0x33: {  	p0 =	seq.s32 s10, $0x1;
	s10 =	sld [smem:$0x3FAE];
	_ =	sdelay $0x3  }
0x34: {  	[smem:$0x3FAE] =	sst s10  }
0x35: {  	s10 =	sld [smem:$0x3FAD];
	_ =	sdelay $0x3  }
0x36: {  	p1 =	seq.s32 s10, $0x1;
	s10 =	sld [smem:$0x3FAE];
	_ =	sdelay $0x3  }
0x37: {  	[smem:$0x3FAE] =	sst s10  }
0x38: {  	s10 =	sld [smem:$0x3FAF]  }
0x39: {  	_ = 	snop;
	(pc) =	sbr.ind lr, $3  }
0x3a: {  	_ = 	snop  }
0x3b: {  	_ = 	snop  }
0x3c: {  	p2 =	seq.s32 s10, $0x1;
	s10 =	sld [smem:$0x3FAE]  }
0x3d: {  	_ =	shalt  }
0x3e: {  	_ =	shalt  }
0x3f: {  	_ =	shalt  }
0x40: {  	_ =	shalt  }
0x41: {  	_ =	shalt  }
0x42: {  	_ =	shalt  }
0x43: {  	_ =	shalt  }
0x44: {  	_ =	shalt  }
0x45: {  	_ =	shalt  }
0x46: {  	_ =	shalt  }
0x47: {  	_ =	shalt  }
0x48: {  	_ =	shalt  }
0x49: {  	_ =	shalt  }
0x4a: {  	_ =	shalt  }
0x4b: {  	_ =	shalt  }
0x4c: {  	_ =	shalt  }
0x4d: {  	_ =	shalt  }
0x4e: {  	_ =	shalt  }
0x4f: {  	_ =	shalt  }
0x50: {  	_ =	shalt  }
0x51: {  	_ =	shalt  }
0x52: {  	_ =	shalt  }
0x53: {  	_ =	shalt  }
0x54: {  	_ =	shalt  }
0x55: {  	_ =	shalt  }
0x56: {  	_ =	shalt  }
0x57: {  	_ =	shalt  }
0x58: {  	_ =	shalt  }
0x59: {  	_ =	shalt  }
0x5a: {  	_ =	shalt  }
0x5b: {  	_ =	shalt  }
0x5c: {  	_ =	shalt  }
0x5d: {  	_ =	shalt  }
0x5e: {  	_ =	shalt  }
0x5f: {  	_ =	shalt  }
0x60: {  	_ =	shalt  }
0x61: {  	_ =	shalt  }
0x62: {  	_ =	shalt  }
0x63: {  	_ =	shalt  }
0x64: {  	_ =	shalt  }
0x65: {  	_ =	shalt  }
0x66: {  	_ =	shalt  }
0x67: {  	_ =	shalt  }
0x68: {  	_ =	shalt  }
0x69: {  	_ =	shalt  }
0x6a: {  	_ =	shalt  }
0x6b: {  	_ =	shalt  }
0x6c: {  	_ =	shalt  }
0x6d: {  	_ =	shalt  }
0x6e: {  	_ =	shalt  }
0x6f: {  	_ =	shalt  }
0x70: {  	_ =	shalt  }
0x71: {  	_ =	shalt  }
0x72: {  	_ =	shalt  }
0x73: {  	_ =	shalt  }
0x74: {  	_ =	shalt  }
0x75: {  	_ =	shalt  }
0x76: {  	_ =	shalt  }
0x77: {  	_ =	shalt  }
0x78: {  	_ =	shalt  }
0x79: {  	_ =	shalt  }
0x7a: {  	_ =	shalt  }
0x7b: {  	_ =	shalt  }
0x7c: {  	_ =	shalt  }
0x7d: {  	_ =	shalt  }
0x7e: {  	_ =	shalt  }
0x7f: {  	_ =	shalt  }
0x80: {  	_ =	shalt  }
0x81: {  	_ =	shalt  }
0x82: {  	_ =	shalt  }
0x83: {  	_ =	shalt  }
0x84: {  	_ =	shalt  }
0x85: {  	_ =	shalt  }
0x86: {  	_ =	shalt  }
0x87: {  	_ =	shalt  }
.Lfunc_end0:
.L_simem_size_0:
called_computation.1_lowered:
.L_overlay_start_0:
0x88: {  	s2 =	sld [smem:$0x3FD9]  }
0x89: {  	s3 =	sld [smem:$0x3FFE];
	_ =	sdelay $0x1  }
0x8a: {  	s1 =	srdreg.scid  }
0x8b: {  	s0 =	sand.u32 $0x1, s1  }
0x8c: {  	s16 =	sshll.u32 s0, $0xA;
	s2 =	sadd.s32 s3, s2  }
0x8d: {  	s2 =	sadd.s32 s2, s16  }
0x8e: {  	[smem:$0x3FBA] =	sst s2  }
0x8f: {  	_ = 	snop  }
0x90: {  	(tm) =	ssettm $0x1  }
0x91: {  	s17 =	sld [smem:$0x3FFB];
	_ =	sdelay $0x3  }
0x92: {  	_ =	strace s17  }
0x93: {  	s2 =	sld [smem:$0x3FFC];
	_ =	sdelay $0x3  }
0x94: {  	_ =	strace s2  }
0x95: {  	s2 =	sld [smem:$0x3FFD];
	_ =	sdelay $0x3  }
0x96: {  	_ =	strace s2  }
0x97: {  	_ =	strace $0x8FFFFFFF  }
0x98: {  	s18 =	sld [smem:$0x3FDB];
	_ =	sdelay $0x1  }
0x99: {  	s19 =	simm.s32 $_scs_section_size  }
0x9a: {  	s4 =	simm.s32 $_size__tile_overlayer_lowered;
	s5 =	simm.s32 $_tile_overlayer_lowered  }
0x9b: {  	s22 =	simm.s32 $0x1BFF;
	s21 =	sshll.u32 s5, $0x1;
	s2 =	sadd.s32 s19, s18  }
0x9c: {  	s6 =	simm.s32 $0x0;
	s20 =	sshll.u32 s4, $0x1;
	s4 =	sadd.s32 s21, s2  }
0x9d: {  	[timem:s6], [sflag:s22] =	dma.local [hbm:s4], s20  }
0x9e: {  	_ =	swait.ge [sflag:s22], s20  }
0x9f: {  	s3 =	ssub.s32 $0x0, s20;
	[sflag:s22] =	ssyncset.done $0x0  }
0xa0: {  	[sflag:s22] =	ssyncadd.s32 s3;
	_ =	sdelay $0x1  }
0xa1: {  	s23 =	simm.s32 $0x1B8B  }
0xa2: {  	_ =	swait.ge [sflag:s23], $0x1  }
0xa3: {  	[sflag:s23] =	ssyncset.done $0x0  }
0xa4: {  	s25 =	simm.s32 $0x1B8E;
	s24 =	sld [smem:$0x3FFE];
	[sflag:s23] =	ssyncadd.s32 $0xFFFFFFFF  }
0xa5: {  	s26 =	simm.s32 $execute0_lowered;
	[smem:$0x3FD2] =	sst s25  }
0xa6: {  	s4 =	sshll.u32 s26, $0x1;
	_ =	strace $0x80000049;
	[dreg:$0x1] =	wrdreg $0xFFFFFFFF  }
0xa7: {  	s28 =	simm.s32 $_size_execute0_lowered;
	s2 =	sadd.s32 s2, s4;
	[dreg:$0x0] =	wrdreg $0x0  }
0xa8: {  	s4 =	sshll.u32 s28, $0x1;
	[dreg:$0x2] =	wrdreg s2  }
0xa9: {  	[dreg:$0x3] =	wrdreg s4  }
0xaa: {  	[dreg:$0x4] =	wrdreg $0xC0  }
0xab: {  	_ =	task [dreg:s6], $0x5FFFF  }
0xac: {  	[dreg:$0x1] =	wrdreg $0xFFFFFFFF  }
0xad: {  	[dreg:$0x0] =	wrdreg $0x60  }
0xae: {  	[dreg:$0x2] =	wrdreg s24  }
0xaf: {  	[dreg:$0x3] =	wrdreg $0xBA000  }
0xb0: {  	[dreg:$0x4] =	wrdreg $0x9  }
0xb1: {  	_ =	task.clear_ibuf [dreg:s6], $0x5FFFF;
	_ =	strace $0x90000049  }
0xb2: {  	s29 =	simm.s32 $0x9;
	_ =	strace $0x8000004B  }
0xb3: {  	_ =	swait.ge [sflag:s29], $0x1  }
0xb4: {  	[sflag:s29] =	ssyncadd.s32 $0xFFFFFFFF  }
0xb5: {  	_ =	strace $0x9000004B  }
0xb6: {  	_ =	sfence  }
0xb7: {  	s30 =	sld [smem:$0x0];
	_ =	sdelay $0x2  }
0xb8: {  	s31 =	sshll.u32 s1, $0xD;
	s1 =	sshrl.u32 s1, $0x2  }
0xb9: {  	s3 =	sand.u32 $0x4000, s31;
	s1 =	sadd.s32 s1, s30  }
0xba: {  	s0 =	sor.u32 s3, s0;
	s1 =	sshll.u32 s1, $0x11  }
0xbb: {  	s0 =	sor.u32 s1, s0  }
0xbc: {  	s0 =	sadd.s32 $0x8F2B, s0  }
0xbd: {  	[sflag:s0] =	ssyncadd.remote.s32 $0x1  }
0xbe: {  	_ =	sfence.sel $0xFFFF  }
0xbf: {  	[dreg:$0x0] =	wrdreg $0xFFFFFFFF;
	(pc) =	sbr.abs _section_cstart, $3  }
0xc0: {  	[dreg:$0x1] =	wrdreg $0xFFFFFFFF  }
0xc1: {  	_ =	task.clear_ibuf [dreg:s6], $0x2FFFF;
	_ =	strace $0x9FFFFFFF  }
0xc2: {  	(tm) =	ssettm $0x7FFFFFFF  }
0xc3: {  	_ =	shalt  }
tec
execute0_lowered:
.L_overlay_start_1:
0x0: {  	(tag) =	ssettag $0x1  }
0x1: {  	s0 =	rddreg [dreg:$0x0]  }
0x2: {  	s2 =	rddreg [dreg:$0x1];
	s1 =	srdreg.scid  }
0x3: {  	s14 =	stileid.u32;
	s3 =	simm.s32 $0x0;
	s28 =	simm.s32 $0x280  }
0x4: {  	s7 =	sand.u32 $0x1, s1;
	s20 =	sshll.u32 s14, $0x1;
	s24 =	smul.u32 $0xA8, s14  }
0x5: {  	s30 =	simm.s32 $0x580;
	s4 =	smul.u32 $0x140000, s7;
	s1 =	sor.u32 s7, s20  }
0x6: {  	s9 =	ssub.s32 $0x2, s7;
	s11 =	sshll.u32 s7, $0x9;
	s7 =	smul.u32 $0x54, s7  }
0x7: {  	s31 =	simm.s32 $0x4;
	[smem:$0x7FF] =	sst s3;
	s8 =	smul.u32 $0x2A00, s1  }
0x8: {  	s5 =	smul.u32 $0x14000, s14;
	s6 =	sadd.s32 $0x67600, s0;
	_ =	strace $0x8000004A  }
0x9: {  	s7 =	sadd.s32 s7, s24;
	s10 =	sand.u32 $0x7FC00, s8;
	s8 =	sshrl.u32 s8, $0x3  }
0xa: {  	s1 =	sadd.s32 $0x5CE00, s0;
	s7 =	sshll.u32 s7, $0x4;
	s16 =	sadd.s32 $0x40, s8  }
0xb: {  	s12 =	sshrl.u32 s9, $0x1;
	s17 =	sadd.s32 $0xC0, s7;
	s18 =	sadd.s32 s1, s16  }
0xc: {  	s10 =	sor.u32 s11, s10;
	s19 =	sadd.s32 s17, s6;
	[dreg:$0x13] =	wrdreg s18  }
0xd: {  	s21 =	sshrl.u32 s10, $0x3;
	s20 =	sadd.s32 s17, s1;
	[dreg:$0x3] =	wrdreg s19  }
0xe: {  	s5 =	sadd.s32 s5, s4;
	s22 =	sadd.s32 s1, s21;
	[dreg:$0x4] =	wrdreg s20  }
0xf: {  	s17 =	sadd.s32 $0x60, s8;
	s23 =	sadd.s32 s6, s21;
	[dreg:$0xb] =	wrdreg s22  }
0x10: {  	s25 =	sor.u32 $0x10, s21;
	s19 =	sadd.s32 s1, s17;
	[dreg:$0xc] =	wrdreg s23  }
0x11: {  	s4 =	ssub.s32 s9, s12;
	s15 =	sadd.s32 s1, s25;
	[dreg:$0x17] =	wrdreg s19  }
0x12: {  	s13 =	sor.u32 $0x20, s21;
	s12 =	sadd.s32 s6, s25;
	[dreg:$0xd] =	wrdreg s15  }
0x13: {  	s9 =	sor.u32 $0x30, s21;
	s26 =	sadd.s32 s1, s13;
	[dreg:$0xe] =	wrdreg s12  }
0x14: {  	s21 =	sadd.s32 $0xE0, s7;
	s13 =	sadd.s32 s6, s13;
	[dreg:$0xf] =	wrdreg s26  }
0x15: {  	s29 =	sadd.s32 $0x2E00, s0;
	s23 =	sadd.s32 s21, s6;
	[dreg:$0x10] =	wrdreg s13  }
0x16: {  	s20 =	sadd.s32 $0x400, s10;
	s24 =	sadd.s32 s21, s1;
	[dreg:$0x5] =	wrdreg s23  }
0x17: {  	s22 =	sadd.s32 $0x50, s8;
	s21 =	sadd.s32 s6, s17;
	[dreg:$0x6] =	wrdreg s24  }
0x18: {  	s25 =	sadd.s32 $0x80, s7;
	s15 =	sadd.s32 s1, s9;
	[dreg:$0x18] =	wrdreg s21  }
0x19: {  	s7 =	sadd.s32 $0xA0, s7;
	s9 =	sadd.s32 s6, s9;
	[dreg:$0x11] =	wrdreg s15  }
0x1a: {  	s26 =	sadd.s32 s1, s22;
	s12 =	sadd.s32 s6, s22;
	[dreg:$0x12] =	wrdreg s9  }
0x1b: {  	s11 =	sadd.s32 s25, s1;
	s18 =	sadd.s32 s7, s6;
	[dreg:$0x15] =	wrdreg s26  }
0x1c: {  	s22 =	sadd.s32 $0x70, s8;
	s21 =	smax.u32 s4, $0x1;
	[dreg:$0x16] =	wrdreg s12  }
0x1d: {  	s4 =	simm.s32 $0x9;
	s9 =	sadd.s32 s6, s16;
	[dreg:$0x9] =	wrdreg s18  }
0x1e: {  	s15 =	sadd.s32 s25, s6;
	s16 =	sadd.s32 $0x30, s11;
	[smem:$0x7F7] =	sst s21  }
0x1f: {  	s23 =	sadd.s32 s1, s22;
	s10 =	sadd.s32 s6, s22;
	[dreg:$0x14] =	wrdreg s9  }
0x20: {  	s25 =	sadd.s32 $0x90, s8;
	s26 =	sadd.s32 $0x520, s8;
	[dreg:$0x8] =	wrdreg s16  }
0x21: {  	s8 =	sadd.s32 $0x530, s8;
	s18 =	sshrl.u32 s5, $0x3;
	[dreg:$0x19] =	wrdreg s23  }
0x22: {  	s11 =	simm.s32 $0x380;
	s9 =	sadd.s32 $0x30, s15;
	[dreg:$0x1a] =	wrdreg s10  }
0x23: {  	s21 =	simm.s32 $0x480;
	s12 =	sadd.s32 s1, s25;
	[dreg:$0x7] =	wrdreg s9  }
0x24: {  	s5 =	simm.s32 $0x6;
	s13 =	sadd.s32 s1, s26;
	[dreg:$0x1d] =	wrdreg s12  }
0x25: {  	s15 =	sadd.s32 s6, s26;
	s16 =	smul.u32 $0x50000, s14;
	[dreg:$0x1f] =	wrdreg s13  }
0x26: {  	s17 =	sadd.s32 s1, s8;
	s9 =	sshrl.u32 s20, $0x3;
	[smem:$0x7F3] =	sst s15  }
0x27: {  	s14 =	simm.s32 $0x100;
	[smem:$0x7F5] =	sst s17;
	s24 =	sadd.s32 s1, s9  }
0x28: {  	s13 =	simm.s32 $0x300;
	s9 =	sadd.s32 s6, s9;
	[dreg:$0x1b] =	wrdreg s24  }
0x29: {  	s12 =	simm.s32 $0x80;
	s1 =	sadd.s32 s7, s1;
	[dreg:$0x1c] =	wrdreg s9  }
0x2a: {  	s15 =	simm.s32 $0x400;
	s9 =	sadd.s32 s6, s25;
	[dreg:$0xa] =	wrdreg s1  }
0x2b: {  	s19 =	sshrl.u32 s16, $0x2;
	s6 =	sadd.s32 s6, s8;
	[dreg:$0x1e] =	wrdreg s9  }
0x2c: {  	s1 =	sadd.s32 s18, s0;
	s10 =	sadd.s32 s19, s2;
	[smem:$0x7F4] =	sst s6  }
0x2d: {  	s17 =	simm.s32 $0x1;
	s20 =	sadd.s32 $0x71E00, s1;
	[smem:$0x7FD] =	sst s10  }
0x2e: {  	s16 =	simm.s32 $0x180;
	s22 =	sadd.s32 $0x3C00, s10;
	[smem:$0x7F6] =	sst s20  }
0x2f: {  	s7 =	simm.s32 $0x0;
	s23 =	sadd.s32 $0x7800, s10;
	[smem:$0x7F8] =	sst s22  }
0x30: {  	s18 =	simm.s32 $0x78;
	s24 =	sadd.s32 $0xB400, s10;
	[smem:$0x7F9] =	sst s23  }
0x31: {  	s19 =	simm.s32 $0x2;
	s25 =	sadd.s32 $0xF000, s10;
	[smem:$0x7FA] =	sst s24  }
0x32: {  	s0 =	simm.s32 $0x8;
	s26 =	sadd.s32 $0x12C00, s10;
	[smem:$0x7FB] =	sst s25  }
0x33: {  	s9 =	simm.s32 $0xA;
	s1 =	simm.s32 $0x5;
	[smem:$0x7FC] =	sst s26  }
0x34: {  	s20 =	simm.s32 $0x4200;
	s22 =	simm.s32 $0x200;
	s26 =	simm.s32 $0x500  }
0x35: {  	v0 =	vimm.f32 $0.0e+00;
	s23 =	simm.s32 $0x3;
	s24 =	simm.s32 $0x7E00;
	s25 =	simm.s32 $0x7  }
.LBB2_1:
0x36: {  	[smem:$0x7F2] =	sst s7;
	s6 =	simm.s32 $0x0;
	s7 =	simm.s32 $0x200  }
.LBB2_2:
0x37: {  	p0 =	sne.s32 s7, $0xEE00;
	[tilespmem:s6+$0x670] =	vst v0  }
0x38: {  	[tilespmem:s6+$0x600] =	vst v0  }
0x39: {  	[tilespmem:s6+$0x610] =	vst v0  }
.Ltmp0:
0x3a: {  	[tilespmem:s6+$0x620] =	vst v0;
	(pc) =	sbr.rel @p0 .LBB2_2-.Ltmp0, $4  }
0x3b: {  	[tilespmem:s6+$0x630] =	vst v0  }
0x3c: {  	[tilespmem:s6+$0x640] =	vst v0  }
0x3d: {  	[tilespmem:s6+$0x650] =	vst v0  }
0x3e: {  	[tilespmem:s6+$0x660] =	vst v0;
	s6 =	sshra.s32 s7, $0x2;
	s7 =	sadd.s32 $0x200, s7  }
0x3f: {  	[tilespmem:s6+$0x670] =	vst v0  }
0x40: {  	[tilespmem:s6+$0x600] =	vst v0  }
0x41: {  	[tilespmem:s6+$0x610] =	vst v0  }
0x42: {  	[tilespmem:s6+$0x620] =	vst v0  }
0x43: {  	[tilespmem:s6+$0x630] =	vst v0  }
0x44: {  	[tilespmem:s6+$0x640] =	vst v0  }
0x45: {  	[tilespmem:s6+$0x650] =	vst v0  }
0x46: {  	[tilespmem:s6+$0x660] =	vst v0;
	s8 =	simm.s32 $0x600  }
0x47: {  	[spmem:s10] =	stream.linear.scatter [tilespmem:s8], [sflag:$0xA], $0x3C00, $0x38;
	[tilespmem:$0x1FA00] =	vst v63  }
0x48: {  	_ =	swait.ge [sflag:s9], $0x3C00  }
0x49: {  	s7 =	sld [smem:$0x7F8]  }
0x4a: {  	[sflag:s9] =	ssyncset.done $0x0  }
0x4b: {  	[sflag:s9] =	ssyncadd.s32 $0xFFFFC400  }
0x4c: {  	[spmem:s7] =	stream.linear.scatter [tilespmem:s8], [sflag:$0xA], $0x3C00, $0x38;
	[tilespmem:$0x1FA00] =	vst v63  }
0x4d: {  	_ =	swait.ge [sflag:s9], $0x3C00  }
0x4e: {  	s10 =	sld [smem:$0x7F9]  }
0x4f: {  	[sflag:s9] =	ssyncset.done $0x0  }
0x50: {  	[sflag:s9] =	ssyncadd.s32 $0xFFFFC400  }
0x51: {  	[spmem:s10] =	stream.linear.scatter [tilespmem:s8], [sflag:$0xA], $0x3C00, $0x38;
	[tilespmem:$0x1FA00] =	vst v63  }
0x52: {  	_ =	swait.ge [sflag:s9], $0x3C00  }
0x53: {  	s7 =	sld [smem:$0x7FA]  }
0x54: {  	[sflag:s9] =	ssyncset.done $0x0  }
0x55: {  	[sflag:s9] =	ssyncadd.s32 $0xFFFFC400  }
0x56: {  	[spmem:s7] =	stream.linear.scatter [tilespmem:s8], [sflag:$0xA], $0x3C00, $0x38;
	[tilespmem:$0x1FA00] =	vst v63  }
0x57: {  	_ =	swait.ge [sflag:s9], $0x3C00  }
0x58: {  	s10 =	sld [smem:$0x7FB]  }
0x59: {  	[sflag:s9] =	ssyncset.done $0x0  }
0x5a: {  	[sflag:s9] =	ssyncadd.s32 $0xFFFFC400  }
0x5b: {  	[spmem:s10] =	stream.linear.scatter [tilespmem:s8], [sflag:$0xA], $0x3C00, $0x38;
	[tilespmem:$0x1FA00] =	vst v63  }
0x5c: {  	_ =	swait.ge [sflag:s9], $0x3C00  }
0x5d: {  	s7 =	sld [smem:$0x7FC]  }
0x5e: {  	[sflag:s9] =	ssyncset.done $0x0  }
0x5f: {  	[sflag:s9] =	ssyncadd.s32 $0xFFFFC400  }
0x60: {  	[spmem:s7] =	stream.linear.scatter [tilespmem:s8], [sflag:$0xA], $0x1400, $0x38;
	[tilespmem:$0x1FA00] =	vst v63  }
0x61: {  	_ =	swait.ge [sflag:s9], $0x1400  }
0x62: {  	[sflag:s9] =	ssyncset.done $0x0  }
0x63: {  	[sflag:s9] =	ssyncadd.s32 $0xFFFFEC00  }
0x64: {  	[bflag:$0x0] =	sbarrier.arrive $0xFFFF  }
0x65: {  	s6 =	simm.s32 $0x0;
	s7 =	rddreg [dreg:$0xb]  }
0x66: {  	[tilespmem:s6], [sflag:$0x1] =	stream.linear.gather [hbm4b:s7+s6], $0x80, $0x38;
	[tilespmem:$0x1FA00] =	vst v63  }
0x67: {  	s10 =	rddreg [dreg:$0xc]  }
0x68: {  	[tilespmem:s13], [sflag:$0x1] =	stream.linear.gather [hbm4b:s10+s6], $0x80, $0x38;
	[tilespmem:$0x1FA00] =	vst v63  }
0x69: {  	s10 =	rddreg [dreg:$0xd]  }
0x6a: {  	[tilespmem:s12], [sflag:$0x2] =	stream.linear.gather [hbm4b:s10+s6], $0x80, $0x38;
	[tilespmem:$0x1FA00] =	vst v63  }
0x6b: {  	s10 =	rddreg [dreg:$0xe]  }
0x6c: {  	[tilespmem:s11], [sflag:$0x2] =	stream.linear.gather [hbm4b:s10+s6], $0x80, $0x38;
	[tilespmem:$0x1FA00] =	vst v63  }
0x6d: {  	s10 =	rddreg [dreg:$0xf]  }
0x6e: {  	[tilespmem:s14], [sflag:$0x3] =	stream.linear.gather [hbm4b:s10+s6], $0x80, $0x38;
	[tilespmem:$0x1FA00] =	vst v63  }
0x6f: {  	s10 =	rddreg [dreg:$0x10]  }
0x70: {  	[tilespmem:s15], [sflag:$0x3] =	stream.linear.gather [hbm4b:s10+s6], $0x80, $0x38;
	[tilespmem:$0x1FA00] =	vst v63  }
0x71: {  	s10 =	rddreg [dreg:$0x11]  }
0x72: {  	[tilespmem:s16], [sflag:$0x4] =	stream.linear.gather [hbm4b:s10+s6], $0x80, $0x38;
	[tilespmem:$0x1FA00] =	vst v63  }
0x73: {  	s10 =	rddreg [dreg:$0x12]  }
0x74: {  	[tilespmem:s21], [sflag:$0x4] =	stream.linear.gather [hbm4b:s10+s6], $0x80, $0x38;
	[tilespmem:$0x1FA00] =	vst v63  }
0x75: {  	_ =	swait.ge [sflag:s17], $0x80  }
0x76: {  	[sflag:s17] =	ssyncset.done $0x0  }
0x77: {  	[sflag:s17] =	ssyncadd.s32 $0xFFFFFF80  }
0x78: {  	_ =	swait.ge [sflag:s17], $0x80  }
0x79: {  	[sflag:s17] =	ssyncset.done $0x0  }
0x7a: {  	[sflag:s17] =	ssyncadd.s32 $0xFFFFFF80  }
0x7b: {  	[tilespmem:s8], [sflag:$0x7] =	stream.indirect.gather [hbm4b:s29+s18], $0x80, s6, s18, $0xb8;
	[tilespmem:$0x1FA00] =	vst v63  }
0x7c: {  	_ =	swait.ge [sflag:s19], $0x80  }
0x7d: {  	[sflag:s19] =	ssyncset.done $0x0  }
0x7e: {  	[sflag:s19] =	ssyncadd.s32 $0xFFFFFF80  }
0x7f: {  	_ =	swait.ge [sflag:s19], $0x80  }
0x80: {  	[sflag:s19] =	ssyncset.done $0x0  }
0x81: {  	[sflag:s19] =	ssyncadd.s32 $0xFFFFFF80  }
0x82: {  	[tilespmem:s20], [sflag:$0x8] =	stream.indirect.gather [hbm4b:s29+s18], $0x80, s12, s18, $0xb8;
	[tilespmem:$0x1FA00] =	vst v63  }
0x83: {  	s10 =	rddreg [dreg:$0x13]  }
0x84: {  	[tilespmem:s22], [sflag:$0x5] =	stream.linear.gather [hbm4b:s10+s6], $0x80, $0x38;
	[tilespmem:$0x1FA00] =	vst v63  }
0x85: {  	s10 =	rddreg [dreg:$0x14]  }
0x86: {  	[tilespmem:s26], [sflag:$0x5] =	stream.linear.gather [hbm4b:s10+s6], $0x80, $0x38;
	[tilespmem:$0x1FA00] =	vst v63  }
0x87: {  	_ =	swait.ge [sflag:s23], $0x80  }
0x88: {  	[sflag:s23] =	ssyncset.done $0x0  }
0x89: {  	[sflag:s23] =	ssyncadd.s32 $0xFFFFFF80  }
0x8a: {  	_ =	swait.ge [sflag:s23], $0x80  }
0x8b: {  	[sflag:s23] =	ssyncset.done $0x0  }
0x8c: {  	[sflag:s23] =	ssyncadd.s32 $0xFFFFFF80  }
0x8d: {  	[tilespmem:s24], [sflag:$0x9] =	stream.indirect.gather [hbm4b:s29+s18], $0x80, s14, s18, $0xb8;
	[tilespmem:$0x1FA00] =	vst v63  }
0x8e: {  	_ =	swait.ge [sflag:s25], $0x3C00  }
0x8f: {  	[sflag:s25] =	ssyncset.done $0x0  }
0x90: {  	[sflag:s25] =	ssyncadd.s32 $0xFFFFC400  }
0x91: {  	[spmem:s2] =	stream.indirect.scatter.add.f32 [tilespmem:s8], [sflag:$0xA], $0x80, s13, s18, $0xb8;
	[tilespmem:$0x1FA00] =	vst v63  }
0x92: {  	_ =	swait.ge [sflag:s9], $0x3C00  }
0x93: {  	[sflag:s9] =	ssyncset.done $0x0  }
0x94: {  	s10 =	rddreg [dreg:$0x15];
	[sflag:s9] =	ssyncadd.s32 $0xFFFFC400  }
0x95: {  	[tilespmem:s28], [sflag:$0x6] =	stream.linear.gather [hbm4b:s10+s6], $0x80, $0x38;
	[tilespmem:$0x1FA00] =	vst v63  }
0x96: {  	s10 =	rddreg [dreg:$0x16]  }
0x97: {  	[tilespmem:s30], [sflag:$0x6] =	stream.linear.gather [hbm4b:s10+s6], $0x80, $0x38;
	[tilespmem:$0x1FA00] =	vst v63  }
0x98: {  	_ =	swait.ge [sflag:s31], $0x80  }
0x99: {  	[sflag:s31] =	ssyncset.done $0x0  }
0x9a: {  	[sflag:s31] =	ssyncadd.s32 $0xFFFFFF80  }
0x9b: {  	_ =	swait.ge [sflag:s31], $0x80  }
0x9c: {  	[sflag:s31] =	ssyncset.done $0x0  }
0x9d: {  	[sflag:s31] =	ssyncadd.s32 $0xFFFFFF80  }
0x9e: {  	[tilespmem:s8], [sflag:$0x7] =	stream.indirect.gather [hbm4b:s29+s18], $0x80, s16, s18, $0xb8;
	[tilespmem:$0x1FA00] =	vst v63  }
0x9f: {  	_ =	swait.ge [sflag:s0], $0x3C00  }
0xa0: {  	[sflag:s0] =	ssyncset.done $0x0  }
0xa1: {  	[sflag:s0] =	ssyncadd.s32 $0xFFFFC400  }
0xa2: {  	[spmem:s2] =	stream.indirect.scatter.add.f32 [tilespmem:s20], [sflag:$0xA], $0x80, s11, s18, $0xb8;
	[tilespmem:$0x1FA00] =	vst v63  }
0xa3: {  	_ =	swait.ge [sflag:s9], $0x3C00  }
0xa4: {  	[sflag:s9] =	ssyncset.done $0x0  }
0xa5: {  	s10 =	rddreg [dreg:$0x17];
	[sflag:s9] =	ssyncadd.s32 $0xFFFFC400  }
0xa6: {  	[tilespmem:s6], [sflag:$0x1] =	stream.linear.gather [hbm4b:s10+s6], $0x80, $0x38;
	[tilespmem:$0x1FA00] =	vst v63  }
0xa7: {  	s10 =	rddreg [dreg:$0x18]  }
0xa8: {  	[tilespmem:s13], [sflag:$0x1] =	stream.linear.gather [hbm4b:s10+s6], $0x80, $0x38;
	[tilespmem:$0x1FA00] =	vst v63  }
0xa9: {  	_ =	swait.ge [sflag:s1], $0x80  }
0xaa: {  	[sflag:s1] =	ssyncset.done $0x0  }
0xab: {  	[sflag:s1] =	ssyncadd.s32 $0xFFFFFF80  }
0xac: {  	_ =	swait.ge [sflag:s1], $0x80  }
0xad: {  	[sflag:s1] =	ssyncset.done $0x0  }
0xae: {  	[sflag:s1] =	ssyncadd.s32 $0xFFFFFF80  }
0xaf: {  	[tilespmem:s20], [sflag:$0x8] =	stream.indirect.gather [hbm4b:s29+s18], $0x80, s22, s18, $0xb8;
	[tilespmem:$0x1FA00] =	vst v63  }
0xb0: {  	_ =	swait.ge [sflag:s4], $0x3C00  }
0xb1: {  	[sflag:s4] =	ssyncset.done $0x0  }
0xb2: {  	[sflag:s4] =	ssyncadd.s32 $0xFFFFC400  }
0xb3: {  	[spmem:s2] =	stream.indirect.scatter.add.f32 [tilespmem:s24], [sflag:$0xA], $0x80, s15, s18, $0xb8;
	[tilespmem:$0x1FA00] =	vst v63  }
0xb4: {  	_ =	swait.ge [sflag:s9], $0x3C00  }
0xb5: {  	[sflag:s9] =	ssyncset.done $0x0  }
0xb6: {  	s10 =	rddreg [dreg:$0x19];
	[sflag:s9] =	ssyncadd.s32 $0xFFFFC400  }
0xb7: {  	[tilespmem:s12], [sflag:$0x2] =	stream.linear.gather [hbm4b:s10+s6], $0x80, $0x38;
	[tilespmem:$0x1FA00] =	vst v63  }
0xb8: {  	s10 =	rddreg [dreg:$0x1a]  }
0xb9: {  	[tilespmem:s11], [sflag:$0x2] =	stream.linear.gather [hbm4b:s10+s6], $0x80, $0x38;
	[tilespmem:$0x1FA00] =	vst v63  }
0xba: {  	_ =	swait.ge [sflag:s5], $0x80  }
0xbb: {  	[sflag:s5] =	ssyncset.done $0x0  }
0xbc: {  	[sflag:s5] =	ssyncadd.s32 $0xFFFFFF80  }
0xbd: {  	_ =	swait.ge [sflag:s5], $0x80  }
0xbe: {  	[sflag:s5] =	ssyncset.done $0x0  }
0xbf: {  	[sflag:s5] =	ssyncadd.s32 $0xFFFFFF80  }
0xc0: {  	[tilespmem:s24], [sflag:$0x9] =	stream.indirect.gather [hbm4b:s29+s18], $0x80, s28, s18, $0xb8;
	[tilespmem:$0x1FA00] =	vst v63  }
0xc1: {  	_ =	swait.ge [sflag:s25], $0x3C00  }
0xc2: {  	[sflag:s25] =	ssyncset.done $0x0  }
0xc3: {  	[sflag:s25] =	ssyncadd.s32 $0xFFFFC400  }
0xc4: {  	[spmem:s2] =	stream.indirect.scatter.add.f32 [tilespmem:s8], [sflag:$0xA], $0x80, s21, s18, $0xb8;
	[tilespmem:$0x1FA00] =	vst v63  }
0xc5: {  	_ =	swait.ge [sflag:s9], $0x3C00  }
0xc6: {  	[sflag:s9] =	ssyncset.done $0x0  }
0xc7: {  	s10 =	rddreg [dreg:$0x1b];
	[sflag:s9] =	ssyncadd.s32 $0xFFFFC400  }
0xc8: {  	[tilespmem:s14], [sflag:$0x3] =	stream.linear.gather [hbm4b:s10+s6], $0x80, $0x38;
	[tilespmem:$0x1FA00] =	vst v63  }
0xc9: {  	s10 =	rddreg [dreg:$0x1c]  }
0xca: {  	[tilespmem:s15], [sflag:$0x3] =	stream.linear.gather [hbm4b:s10+s6], $0x80, $0x38;
	[tilespmem:$0x1FA00] =	vst v63  }
0xcb: {  	_ =	swait.ge [sflag:s17], $0x80  }
0xcc: {  	[sflag:s17] =	ssyncset.done $0x0  }
0xcd: {  	[sflag:s17] =	ssyncadd.s32 $0xFFFFFF80  }
0xce: {  	_ =	swait.ge [sflag:s17], $0x80  }
0xcf: {  	[sflag:s17] =	ssyncset.done $0x0  }
0xd0: {  	[sflag:s17] =	ssyncadd.s32 $0xFFFFFF80  }
0xd1: {  	[tilespmem:s8], [sflag:$0x7] =	stream.indirect.gather [hbm4b:s29+s18], $0x80, s6, s18, $0xb8;
	[tilespmem:$0x1FA00] =	vst v63  }
0xd2: {  	_ =	swait.ge [sflag:s0], $0x3C00  }
0xd3: {  	[sflag:s0] =	ssyncset.done $0x0  }
0xd4: {  	[sflag:s0] =	ssyncadd.s32 $0xFFFFC400  }
0xd5: {  	[spmem:s2] =	stream.indirect.scatter.add.f32 [tilespmem:s20], [sflag:$0xA], $0x80, s26, s18, $0xb8;
	[tilespmem:$0x1FA00] =	vst v63  }
0xd6: {  	_ =	swait.ge [sflag:s9], $0x3C00  }
0xd7: {  	[sflag:s9] =	ssyncset.done $0x0  }
0xd8: {  	s10 =	rddreg [dreg:$0x1d];
	[sflag:s9] =	ssyncadd.s32 $0xFFFFC400  }
0xd9: {  	[tilespmem:s16], [sflag:$0x4] =	stream.linear.gather [hbm4b:s10+s6], $0x80, $0x38;
	[tilespmem:$0x1FA00] =	vst v63  }
0xda: {  	s10 =	rddreg [dreg:$0x1e]  }
0xdb: {  	[tilespmem:s21], [sflag:$0x4] =	stream.linear.gather [hbm4b:s10+s6], $0x80, $0x38;
	[tilespmem:$0x1FA00] =	vst v63  }
0xdc: {  	_ =	swait.ge [sflag:s19], $0x80  }
0xdd: {  	[sflag:s19] =	ssyncset.done $0x0  }
0xde: {  	[sflag:s19] =	ssyncadd.s32 $0xFFFFFF80  }
0xdf: {  	_ =	swait.ge [sflag:s19], $0x80  }
0xe0: {  	[sflag:s19] =	ssyncset.done $0x0  }
0xe1: {  	[sflag:s19] =	ssyncadd.s32 $0xFFFFFF80  }
0xe2: {  	[tilespmem:s20], [sflag:$0x8] =	stream.indirect.gather [hbm4b:s29+s18], $0x80, s12, s18, $0xb8;
	[tilespmem:$0x1FA00] =	vst v63  }
0xe3: {  	_ =	swait.ge [sflag:s4], $0x3C00  }
0xe4: {  	[sflag:s4] =	ssyncset.done $0x0  }
0xe5: {  	[sflag:s4] =	ssyncadd.s32 $0xFFFFC400  }
0xe6: {  	[spmem:s2] =	stream.indirect.scatter.add.f32 [tilespmem:s24], [sflag:$0xA], $0x80, s30, s18, $0xb8;
	[tilespmem:$0x1FA00] =	vst v63  }
0xe7: {  	_ =	swait.ge [sflag:s9], $0x3C00  }
0xe8: {  	s7 =	rddreg [dreg:$0xa];
	[sflag:s9] =	ssyncset.done $0x0  }
0xe9: {  	s10 =	rddreg [dreg:$0x9];
	[sflag:s9] =	ssyncadd.s32 $0xFFFFC400;
	s6 =	sadd.s32 $0x0, s7  }
0xea: {  	[tilespmem:s22], [sflag:$0x5] =	stream.linear.gather [hbm4b:s6+s3], $0x80, $0x38;
	[tilespmem:$0x1FA00] =	vst v63  }
0xeb: {  	s10 =	sadd.s32 $0x0, s10  }
0xec: {  	[tilespmem:s26], [sflag:$0x5] =	stream.linear.gather [hbm4b:s10+s3], $0x80, $0x38;
	[tilespmem:$0x1FA00] =	vst v63  }
0xed: {  	_ =	swait.ge [sflag:s23], $0x80  }
0xee: {  	[sflag:s23] =	ssyncset.done $0x0  }
0xef: {  	[sflag:s23] =	ssyncadd.s32 $0xFFFFFF80  }
0xf0: {  	_ =	swait.ge [sflag:s23], $0x80  }
0xf1: {  	[sflag:s23] =	ssyncset.done $0x0  }
0xf2: {  	[sflag:s23] =	ssyncadd.s32 $0xFFFFFF80  }
0xf3: {  	[tilespmem:s24], [sflag:$0x9] =	stream.indirect.gather [hbm4b:s29+s18], $0x80, s14, s18, $0xb8;
	[tilespmem:$0x1FA00] =	vst v63  }
0xf4: {  	_ =	swait.ge [sflag:s25], $0x3C00  }
0xf5: {  	[sflag:s25] =	ssyncset.done $0x0  }
0xf6: {  	[sflag:s25] =	ssyncadd.s32 $0xFFFFC400  }
0xf7: {  	[spmem:s2] =	stream.indirect.scatter.add.f32 [tilespmem:s8], [sflag:$0xA], $0x80, s13, s18, $0xb8;
	[tilespmem:$0x1FA00] =	vst v63  }
0xf8: {  	_ =	swait.ge [sflag:s9], $0x3C00  }
0xf9: {  	s7 =	rddreg [dreg:$0x8];
	[sflag:s9] =	ssyncset.done $0x0  }
0xfa: {  	s10 =	rddreg [dreg:$0x7];
	[sflag:s9] =	ssyncadd.s32 $0xFFFFC400;
	s6 =	sadd.s32 $0x0, s7  }
0xfb: {  	[tilespmem:s28], [sflag:$0x6] =	stream.linear.gather [hbm4b:s6+s3], $0x80, $0x38;
	[tilespmem:$0x1FA00] =	vst v63  }
0xfc: {  	s7 =	sadd.s32 $0x0, s10  }
0xfd: {  	[tilespmem:s30], [sflag:$0x6] =	stream.linear.gather [hbm4b:s7+s3], $0x80, $0x38;
	[tilespmem:$0x1FA00] =	vst v63  }
0xfe: {  	_ =	swait.ge [sflag:s31], $0x80  }
0xff: {  	[sflag:s31] =	ssyncset.done $0x0  }
0x100: {  	[sflag:s31] =	ssyncadd.s32 $0xFFFFFF80  }
0x101: {  	_ =	swait.ge [sflag:s31], $0x80  }
0x102: {  	[sflag:s31] =	ssyncset.done $0x0  }
0x103: {  	[sflag:s31] =	ssyncadd.s32 $0xFFFFFF80  }
0x104: {  	[tilespmem:s8], [sflag:$0x7] =	stream.indirect.gather [hbm4b:s29+s18], $0x80, s16, s18, $0xb8;
	[tilespmem:$0x1FA00] =	vst v63  }
0x105: {  	_ =	swait.ge [sflag:s0], $0x3C00  }
0x106: {  	[sflag:s0] =	ssyncset.done $0x0  }
0x107: {  	[sflag:s0] =	ssyncadd.s32 $0xFFFFC400  }
0x108: {  	[spmem:s2] =	stream.indirect.scatter.add.f32 [tilespmem:s20], [sflag:$0xA], $0x80, s11, s18, $0xb8;
	[tilespmem:$0x1FA00] =	vst v63  }
0x109: {  	_ =	swait.ge [sflag:s9], $0x3C00  }
0x10a: {  	s8 =	rddreg [dreg:$0x4];
	[sflag:s9] =	ssyncset.done $0x0  }
0x10b: {  	s10 =	rddreg [dreg:$0x3];
	[sflag:s9] =	ssyncadd.s32 $0xFFFFC400;
	s6 =	sadd.s32 $0x0, s8  }
0x10c: {  	[tilespmem:s3], [sflag:$0x1] =	stream.linear.gather [hbm4b:s6+s3], $0x80, $0x38;
	[tilespmem:$0x1FA00] =	vst v63  }
0x10d: {  	s7 =	sadd.s32 $0x0, s10  }
0x10e: {  	[tilespmem:s13], [sflag:$0x1] =	stream.linear.gather [hbm4b:s7+s3], $0x80, $0x38;
	[tilespmem:$0x1FA00] =	vst v63  }
0x10f: {  	_ =	swait.ge [sflag:s1], $0x80  }
0x110: {  	[sflag:s1] =	ssyncset.done $0x0  }
0x111: {  	[sflag:s1] =	ssyncadd.s32 $0xFFFFFF80  }
0x112: {  	_ =	swait.ge [sflag:s1], $0x80  }
0x113: {  	[sflag:s1] =	ssyncset.done $0x0  }
0x114: {  	[sflag:s1] =	ssyncadd.s32 $0xFFFFFF80  }
0x115: {  	[tilespmem:s20], [sflag:$0x8] =	stream.indirect.gather [hbm4b:s29+s18], $0x80, s22, s18, $0xb8;
	[tilespmem:$0x1FA00] =	vst v63  }
0x116: {  	_ =	swait.ge [sflag:s4], $0x3C00  }
0x117: {  	[sflag:s4] =	ssyncset.done $0x0  }
0x118: {  	[sflag:s4] =	ssyncadd.s32 $0xFFFFC400  }
0x119: {  	[spmem:s2] =	stream.indirect.scatter.add.f32 [tilespmem:s24], [sflag:$0xA], $0x80, s15, s18, $0xb8;
	[tilespmem:$0x1FA00] =	vst v63  }
0x11a: {  	_ =	swait.ge [sflag:s9], $0x3C00  }
0x11b: {  	[sflag:s9] =	ssyncset.done $0x0  }
0x11c: {  	s8 =	sadd.s32 $0x10, s6;
	[sflag:s9] =	ssyncadd.s32 $0xFFFFC400  }
0x11d: {  	[tilespmem:s12], [sflag:$0x2] =	stream.linear.gather [hbm4b:s8+s3], $0x80, $0x38;
	[tilespmem:$0x1FA00] =	vst v63  }
0x11e: {  	s8 =	sadd.s32 $0x10, s7  }
0x11f: {  	[tilespmem:s11], [sflag:$0x2] =	stream.linear.gather [hbm4b:s8+s3], $0x80, $0x38;
	[tilespmem:$0x1FA00] =	vst v63  }
0x120: {  	_ =	swait.ge [sflag:s5], $0x80  }
0x121: {  	[sflag:s5] =	ssyncset.done $0x0  }
0x122: {  	[sflag:s5] =	ssyncadd.s32 $0xFFFFFF80  }
0x123: {  	_ =	swait.ge [sflag:s5], $0x80  }
0x124: {  	[sflag:s5] =	ssyncset.done $0x0  }
0x125: {  	[sflag:s5] =	ssyncadd.s32 $0xFFFFFF80  }
0x126: {  	[tilespmem:s24], [sflag:$0x9] =	stream.indirect.gather [hbm4b:s29+s18], $0x80, s28, s18, $0xb8;
	[tilespmem:$0x1FA00] =	vst v63  }
0x127: {  	_ =	swait.ge [sflag:s25], $0x3C00  }
0x128: {  	[sflag:s25] =	ssyncset.done $0x0  }
0x129: {  	s22 =	simm.s32 $0x600;
	[sflag:s25] =	ssyncadd.s32 $0xFFFFC400  }
0x12a: {  	[spmem:s2] =	stream.indirect.scatter.add.f32 [tilespmem:s22], [sflag:$0xA], $0x80, s21, s18, $0xb8;
	[tilespmem:$0x1FA00] =	vst v63  }
0x12b: {  	_ =	swait.ge [sflag:s9], $0x3C00  }
0x12c: {  	s28 =	rddreg [dreg:$0x6];
	[sflag:s9] =	ssyncset.done $0x0  }
0x12d: {  	s8 =	rddreg [dreg:$0x5];
	[sflag:s9] =	ssyncadd.s32 $0xFFFFC400;
	s10 =	sadd.s32 $0x0, s28  }
0x12e: {  	[tilespmem:s14], [sflag:$0x3] =	stream.linear.gather [hbm4b:s10+s3], $0x80, $0x38;
	[tilespmem:$0x1FA00] =	vst v63  }
0x12f: {  	s14 =	sadd.s32 $0x0, s8  }
0x130: {  	[tilespmem:s15], [sflag:$0x3] =	stream.linear.gather [hbm4b:s14+s3], $0x80, $0x38;
	[tilespmem:$0x1FA00] =	vst v63  }
0x131: {  	_ =	swait.ge [sflag:s17], $0x80  }
0x132: {  	[sflag:s17] =	ssyncset.done $0x0  }
0x133: {  	[sflag:s17] =	ssyncadd.s32 $0xFFFFFF80  }
0x134: {  	_ =	swait.ge [sflag:s17], $0x80  }
0x135: {  	[sflag:s17] =	ssyncset.done $0x0  }
0x136: {  	[sflag:s17] =	ssyncadd.s32 $0xFFFFFF80  }
0x137: {  	[tilespmem:s22], [sflag:$0x7] =	stream.indirect.gather [hbm4b:s29+s18], $0x80, s3, s18, $0xb8;
	[tilespmem:$0x1FA00] =	vst v63  }
0x138: {  	_ =	swait.ge [sflag:s0], $0x3C00  }
0x139: {  	[sflag:s0] =	ssyncset.done $0x0  }
0x13a: {  	[sflag:s0] =	ssyncadd.s32 $0xFFFFC400  }
0x13b: {  	[spmem:s2] =	stream.indirect.scatter.add.f32 [tilespmem:s20], [sflag:$0xA], $0x80, s26, s18, $0xb8;
	[tilespmem:$0x1FA00] =	vst v63  }
0x13c: {  	_ =	swait.ge [sflag:s9], $0x3C00  }
0x13d: {  	[sflag:s9] =	ssyncset.done $0x0  }
0x13e: {  	s6 =	sadd.s32 $0x30, s6;
	[sflag:s9] =	ssyncadd.s32 $0xFFFFC400  }
0x13f: {  	[tilespmem:s16], [sflag:$0x4] =	stream.linear.gather [hbm4b:s6+s3], $0x80, $0x38;
	[tilespmem:$0x1FA00] =	vst v63  }
0x140: {  	s28 =	sadd.s32 $0x30, s7  }
0x141: {  	[tilespmem:s21], [sflag:$0x4] =	stream.linear.gather [hbm4b:s28+s3], $0x80, $0x38;
	[tilespmem:$0x1FA00] =	vst v63  }
0x142: {  	_ =	swait.ge [sflag:s19], $0x80  }
0x143: {  	[sflag:s19] =	ssyncset.done $0x0  }
0x144: {  	[sflag:s19] =	ssyncadd.s32 $0xFFFFFF80  }
0x145: {  	_ =	swait.ge [sflag:s19], $0x80  }
0x146: {  	[sflag:s19] =	ssyncset.done $0x0  }
0x147: {  	[sflag:s19] =	ssyncadd.s32 $0xFFFFFF80  }
0x148: {  	[tilespmem:s20], [sflag:$0x8] =	stream.indirect.gather [hbm4b:s29+s18], $0x80, s12, s18, $0xb8;
	[tilespmem:$0x1FA00] =	vst v63  }
0x149: {  	_ =	swait.ge [sflag:s4], $0x3C00  }
0x14a: {  	[sflag:s4] =	ssyncset.done $0x0  }
0x14b: {  	s7 =	simm.s32 $0x60;
	[sflag:s4] =	ssyncadd.s32 $0xFFFFC400  }
0x14c: {  	[spmem:s2] =	stream.indirect.scatter.add.f32 [tilespmem:s24], [sflag:$0xA], $0x80, s30, s18, $0xb8;
	[tilespmem:$0x1FA00] =	vst v63  }
0x14d: {  	s14 =	simm.s32 $0x80;
	s16 =	simm.s32 $0x100;
	_ =	swait.ge [sflag:s9], $0x3C00  }
0x14e: {  	s30 =	simm.s32 $0xC0;
	s10 =	rddreg [dreg:$0xa];
	[sflag:s9] =	ssyncset.done $0x0  }
.LBB2_4:
0x14f: {  	[sflag:s9] =	ssyncadd.s32 $0xFFFFC400  }
0x150: {  	s11 =	rddreg [dreg:$0x9];
	s10 =	sadd.s32 s7, s10;
	s12 =	simm.s32 $0x200  }
0x151: {  	[tilespmem:s12], [sflag:$0x5] =	stream.linear.gather [hbm4b:s10+s3], $0x80, $0x38;
	[tilespmem:$0x1FA00] =	vst v63  }
0x152: {  	s21 =	simm.s32 $0x500;
	s11 =	sadd.s32 s7, s11  }
0x153: {  	[tilespmem:s21], [sflag:$0x5] =	stream.linear.gather [hbm4b:s11+s3], $0x80, $0x38;
	[tilespmem:$0x1FA00] =	vst v63  }
0x154: {  	_ =	swait.ge [sflag:s23], $0x80  }
0x155: {  	[sflag:s23] =	ssyncset.done $0x0  }
0x156: {  	[sflag:s23] =	ssyncadd.s32 $0xFFFFFF80  }
0x157: {  	_ =	swait.ge [sflag:s23], $0x80  }
0x158: {  	[sflag:s23] =	ssyncset.done $0x0  }
0x159: {  	[sflag:s23] =	ssyncadd.s32 $0xFFFFFF80  }
0x15a: {  	[tilespmem:s24], [sflag:$0x9] =	stream.indirect.gather [hbm4b:s29+s18], $0x80, s16, s18, $0xb8;
	[tilespmem:$0x1FA00] =	vst v63  }
0x15b: {  	_ =	swait.ge [sflag:s25], $0x3C00  }
0x15c: {  	[sflag:s25] =	ssyncset.done $0x0  }
0x15d: {  	[sflag:s25] =	ssyncadd.s32 $0xFFFFC400  }
0x15e: {  	[spmem:s2] =	stream.indirect.scatter.add.f32 [tilespmem:s22], [sflag:$0xA], $0x80, s13, s18, $0xb8;
	[tilespmem:$0x1FA00] =	vst v63  }
0x15f: {  	_ =	swait.ge [sflag:s9], $0x3C00  }
0x160: {  	s28 =	simm.s32 $0x280;
	s15 =	rddreg [dreg:$0x8];
	[sflag:s9] =	ssyncset.done $0x0  }
0x161: {  	s26 =	rddreg [dreg:$0x7];
	[sflag:s9] =	ssyncadd.s32 $0xFFFFC400;
	s10 =	sadd.s32 s7, s15  }
0x162: {  	[tilespmem:s28], [sflag:$0x6] =	stream.linear.gather [hbm4b:s10+s3], $0x80, $0x38;
	[tilespmem:$0x1FA00] =	vst v63  }
0x163: {  	s8 =	sadd.s32 s7, s26;
	s26 =	simm.s32 $0x580  }
0x164: {  	[tilespmem:s26], [sflag:$0x6] =	stream.linear.gather [hbm4b:s8+s3], $0x80, $0x38;
	[tilespmem:$0x1FA00] =	vst v63  }
0x165: {  	_ =	swait.ge [sflag:s31], $0x80  }
0x166: {  	[sflag:s31] =	ssyncset.done $0x0  }
0x167: {  	[sflag:s31] =	ssyncadd.s32 $0xFFFFFF80  }
0x168: {  	_ =	swait.ge [sflag:s31], $0x80  }
0x169: {  	[sflag:s31] =	ssyncset.done $0x0  }
0x16a: {  	s8 =	simm.s32 $0x180;
	[sflag:s31] =	ssyncadd.s32 $0xFFFFFF80  }
0x16b: {  	[tilespmem:s22], [sflag:$0x7] =	stream.indirect.gather [hbm4b:s29+s18], $0x80, s8, s18, $0xb8;
	[tilespmem:$0x1FA00] =	vst v63  }
0x16c: {  	_ =	swait.ge [sflag:s0], $0x3C00  }
0x16d: {  	[sflag:s0] =	ssyncset.done $0x0  }
0x16e: {  	s22 =	simm.s32 $0x380;
	[sflag:s0] =	ssyncadd.s32 $0xFFFFC400  }
0x16f: {  	[spmem:s2] =	stream.indirect.scatter.add.f32 [tilespmem:s20], [sflag:$0xA], $0x80, s22, s18, $0xb8;
	[tilespmem:$0x1FA00] =	vst v63  }
0x170: {  	_ =	swait.ge [sflag:s9], $0x3C00  }
0x171: {  	s11 =	rddreg [dreg:$0x4];
	[sflag:s9] =	ssyncset.done $0x0  }
0x172: {  	s15 =	rddreg [dreg:$0x3];
	[sflag:s9] =	ssyncadd.s32 $0xFFFFC400;
	s10 =	sadd.s32 s7, s11  }
0x173: {  	[tilespmem:s3], [sflag:$0x1] =	stream.linear.gather [hbm4b:s10+s3], $0x80, $0x38;
	[tilespmem:$0x1FA00] =	vst v63  }
0x174: {  	s11 =	sadd.s32 s7, s15  }
0x175: {  	[tilespmem:s13], [sflag:$0x1] =	stream.linear.gather [hbm4b:s11+s3], $0x80, $0x38;
	[tilespmem:$0x1FA00] =	vst v63  }
0x176: {  	_ =	swait.ge [sflag:s1], $0x80  }
0x177: {  	[sflag:s1] =	ssyncset.done $0x0  }
0x178: {  	[sflag:s1] =	ssyncadd.s32 $0xFFFFFF80  }
0x179: {  	_ =	swait.ge [sflag:s1], $0x80  }
0x17a: {  	[sflag:s1] =	ssyncset.done $0x0  }
0x17b: {  	[sflag:s1] =	ssyncadd.s32 $0xFFFFFF80  }
0x17c: {  	[tilespmem:s20], [sflag:$0x8] =	stream.indirect.gather [hbm4b:s29+s18], $0x80, s12, s18, $0xb8;
	[tilespmem:$0x1FA00] =	vst v63  }
0x17d: {  	_ =	swait.ge [sflag:s4], $0x3C00  }
0x17e: {  	[sflag:s4] =	ssyncset.done $0x0  }
0x17f: {  	s15 =	simm.s32 $0x400;
	[sflag:s4] =	ssyncadd.s32 $0xFFFFC400  }
0x180: {  	[spmem:s2] =	stream.indirect.scatter.add.f32 [tilespmem:s24], [sflag:$0xA], $0x80, s15, s18, $0xb8;
	[tilespmem:$0x1FA00] =	vst v63  }
0x181: {  	_ =	swait.ge [sflag:s9], $0x3C00  }
0x182: {  	[sflag:s9] =	ssyncset.done $0x0  }
0x183: {  	s13 =	sadd.s32 $0x10, s10;
	[sflag:s9] =	ssyncadd.s32 $0xFFFFC400  }
0x184: {  	[tilespmem:s14], [sflag:$0x2] =	stream.linear.gather [hbm4b:s13+s3], $0x80, $0x38;
	[tilespmem:$0x1FA00] =	vst v63  }
0x185: {  	s13 =	sadd.s32 $0x10, s11  }
0x186: {  	[tilespmem:s22], [sflag:$0x2] =	stream.linear.gather [hbm4b:s13+s3], $0x80, $0x38;
	[tilespmem:$0x1FA00] =	vst v63  }
0x187: {  	_ =	swait.ge [sflag:s5], $0x80  }
0x188: {  	[sflag:s5] =	ssyncset.done $0x0  }
0x189: {  	[sflag:s5] =	ssyncadd.s32 $0xFFFFFF80  }
0x18a: {  	_ =	swait.ge [sflag:s5], $0x80  }
0x18b: {  	[sflag:s5] =	ssyncset.done $0x0  }
0x18c: {  	[sflag:s5] =	ssyncadd.s32 $0xFFFFFF80  }
0x18d: {  	[tilespmem:s24], [sflag:$0x9] =	stream.indirect.gather [hbm4b:s29+s18], $0x80, s28, s18, $0xb8;
	[tilespmem:$0x1FA00] =	vst v63  }
0x18e: {  	_ =	swait.ge [sflag:s25], $0x3C00  }
0x18f: {  	[sflag:s25] =	ssyncset.done $0x0  }
0x190: {  	s22 =	simm.s32 $0x600;
	s28 =	simm.s32 $0x480;
	[sflag:s25] =	ssyncadd.s32 $0xFFFFC400  }
0x191: {  	[spmem:s2] =	stream.indirect.scatter.add.f32 [tilespmem:s22], [sflag:$0xA], $0x80, s28, s18, $0xb8;
	[tilespmem:$0x1FA00] =	vst v63  }
0x192: {  	_ =	swait.ge [sflag:s9], $0x3C00  }
0x193: {  	s12 =	rddreg [dreg:$0x6];
	[sflag:s9] =	ssyncset.done $0x0  }
0x194: {  	s13 =	rddreg [dreg:$0x5];
	[sflag:s9] =	ssyncadd.s32 $0xFFFFC400;
	s12 =	sadd.s32 s7, s12  }
0x195: {  	[tilespmem:s16], [sflag:$0x3] =	stream.linear.gather [hbm4b:s12+s3], $0x80, $0x38;
	[tilespmem:$0x1FA00] =	vst v63  }
0x196: {  	s12 =	sadd.s32 s7, s13  }
0x197: {  	[tilespmem:s15], [sflag:$0x3] =	stream.linear.gather [hbm4b:s12+s3], $0x80, $0x38;
	[tilespmem:$0x1FA00] =	vst v63  }
0x198: {  	_ =	swait.ge [sflag:s17], $0x80  }
0x199: {  	[sflag:s17] =	ssyncset.done $0x0  }
0x19a: {  	[sflag:s17] =	ssyncadd.s32 $0xFFFFFF80  }
0x19b: {  	_ =	swait.ge [sflag:s17], $0x80  }
0x19c: {  	[sflag:s17] =	ssyncset.done $0x0  }
0x19d: {  	[sflag:s17] =	ssyncadd.s32 $0xFFFFFF80  }
0x19e: {  	[tilespmem:s22], [sflag:$0x7] =	stream.indirect.gather [hbm4b:s29+s18], $0x80, s3, s18, $0xb8;
	[tilespmem:$0x1FA00] =	vst v63  }
0x19f: {  	_ =	swait.ge [sflag:s0], $0x3C00  }
0x1a0: {  	[sflag:s0] =	ssyncset.done $0x0  }
0x1a1: {  	[sflag:s0] =	ssyncadd.s32 $0xFFFFC400  }
0x1a2: {  	[spmem:s2] =	stream.indirect.scatter.add.f32 [tilespmem:s20], [sflag:$0xA], $0x80, s21, s18, $0xb8;
	[tilespmem:$0x1FA00] =	vst v63  }
0x1a3: {  	_ =	swait.ge [sflag:s9], $0x3C00  }
0x1a4: {  	[sflag:s9] =	ssyncset.done $0x0  }
0x1a5: {  	s15 =	sadd.s32 $0x30, s10;
	[sflag:s9] =	ssyncadd.s32 $0xFFFFC400  }
0x1a6: {  	[tilespmem:s8], [sflag:$0x4] =	stream.linear.gather [hbm4b:s15+s3], $0x80, $0x38;
	[tilespmem:$0x1FA00] =	vst v63  }
0x1a7: {  	s21 =	sadd.s32 $0x30, s11  }
0x1a8: {  	[tilespmem:s28], [sflag:$0x4] =	stream.linear.gather [hbm4b:s21+s3], $0x80, $0x38;
	[tilespmem:$0x1FA00] =	vst v63  }
0x1a9: {  	_ =	swait.ge [sflag:s19], $0x80  }
0x1aa: {  	[sflag:s19] =	ssyncset.done $0x0  }
0x1ab: {  	[sflag:s19] =	ssyncadd.s32 $0xFFFFFF80  }
0x1ac: {  	_ =	swait.ge [sflag:s19], $0x80  }
0x1ad: {  	[sflag:s19] =	ssyncset.done $0x0  }
0x1ae: {  	[sflag:s19] =	ssyncadd.s32 $0xFFFFFF80  }
0x1af: {  	[tilespmem:s20], [sflag:$0x8] =	stream.indirect.gather [hbm4b:s29+s18], $0x80, s14, s18, $0xb8;
	[tilespmem:$0x1FA00] =	vst v63  }
0x1b0: {  	p0 =	sne.s32 s30, $0x420;
	_ =	swait.ge [sflag:s4], $0x3C00  }
.Ltmp1:
0x1b1: {  	[sflag:s4] =	ssyncset.done $0x0;
	(pc) =	sbr.rel @p0 .LBB2_4-.Ltmp1, $4  }
0x1b2: {  	s6 =	smov.u32 s30;
	[sflag:s4] =	ssyncadd.s32 $0xFFFFC400  }
0x1b3: {  	[spmem:s2] =	stream.indirect.scatter.add.f32 [tilespmem:s24], [sflag:$0xA], $0x80, s26, s18, $0xb8;
	[tilespmem:$0x1FA00] =	vst v63  }
0x1b4: {  	s30 =	sadd.s32 $0x60, s30;
	s13 =	simm.s32 $0x300;
	_ =	swait.ge [sflag:s9], $0x3C00  }
0x1b5: {  	s7 =	smov.u32 s6;
	s10 =	rddreg [dreg:$0xa];
	[sflag:s9] =	ssyncset.done $0x0  }
0x1b6: {  	s6 =	rddreg [dreg:$0x9]  }
0x1b7: {  	[sflag:s9] =	ssyncadd.s32 $0xFFFFC400;
	s10 =	sadd.s32 s7, s10;
	s26 =	simm.s32 $0x200  }
0x1b8: {  	[tilespmem:s26], [sflag:$0x5] =	stream.linear.gather [hbm4b:s10+s3], $0x80, $0x38;
	[tilespmem:$0x1FA00] =	vst v63  }
0x1b9: {  	s8 =	simm.s32 $0x500;
	s6 =	sadd.s32 s7, s6  }
0x1ba: {  	[tilespmem:s8], [sflag:$0x5] =	stream.linear.gather [hbm4b:s6+s3], $0x80, $0x38;
	[tilespmem:$0x1FA00] =	vst v63  }
0x1bb: {  	_ =	swait.ge [sflag:s23], $0x80  }
0x1bc: {  	[sflag:s23] =	ssyncset.done $0x0  }
0x1bd: {  	[sflag:s23] =	ssyncadd.s32 $0xFFFFFF80  }
0x1be: {  	_ =	swait.ge [sflag:s23], $0x80  }
0x1bf: {  	[sflag:s23] =	ssyncset.done $0x0  }
0x1c0: {  	[sflag:s23] =	ssyncadd.s32 $0xFFFFFF80  }
0x1c1: {  	[tilespmem:s24], [sflag:$0x9] =	stream.indirect.gather [hbm4b:s29+s18], $0x80, s16, s18, $0xb8;
	[tilespmem:$0x1FA00] =	vst v63  }
0x1c2: {  	_ =	swait.ge [sflag:s25], $0x3C00  }
0x1c3: {  	[sflag:s25] =	ssyncset.done $0x0  }
0x1c4: {  	[sflag:s25] =	ssyncadd.s32 $0xFFFFC400  }
0x1c5: {  	[spmem:s2] =	stream.indirect.scatter.add.f32 [tilespmem:s22], [sflag:$0xA], $0x80, s13, s18, $0xb8;
	[tilespmem:$0x1FA00] =	vst v63  }
0x1c6: {  	_ =	swait.ge [sflag:s9], $0x3C00  }
0x1c7: {  	s28 =	simm.s32 $0x280;
	s11 =	rddreg [dreg:$0x8];
	[sflag:s9] =	ssyncset.done $0x0  }
0x1c8: {  	s12 =	rddreg [dreg:$0x7];
	[sflag:s9] =	ssyncadd.s32 $0xFFFFC400;
	s6 =	sadd.s32 s7, s11  }
0x1c9: {  	[tilespmem:s28], [sflag:$0x6] =	stream.linear.gather [hbm4b:s6+s3], $0x80, $0x38;
	[tilespmem:$0x1FA00] =	vst v63  }
0x1ca: {  	s21 =	simm.s32 $0x580;
	s15 =	sadd.s32 s7, s12  }
0x1cb: {  	[tilespmem:s21], [sflag:$0x6] =	stream.linear.gather [hbm4b:s15+s3], $0x80, $0x38;
	[tilespmem:$0x1FA00] =	vst v63  }
0x1cc: {  	_ =	swait.ge [sflag:s31], $0x80  }
0x1cd: {  	[sflag:s31] =	ssyncset.done $0x0  }
0x1ce: {  	[sflag:s31] =	ssyncadd.s32 $0xFFFFFF80  }
0x1cf: {  	_ =	swait.ge [sflag:s31], $0x80  }
0x1d0: {  	[sflag:s31] =	ssyncset.done $0x0  }
0x1d1: {  	s8 =	simm.s32 $0x180;
	[sflag:s31] =	ssyncadd.s32 $0xFFFFFF80  }
0x1d2: {  	[tilespmem:s22], [sflag:$0x7] =	stream.indirect.gather [hbm4b:s29+s18], $0x80, s8, s18, $0xb8;
	[tilespmem:$0x1FA00] =	vst v63  }
0x1d3: {  	_ =	swait.ge [sflag:s0], $0x3C00  }
0x1d4: {  	[sflag:s0] =	ssyncset.done $0x0  }
0x1d5: {  	s15 =	simm.s32 $0x380;
	[sflag:s0] =	ssyncadd.s32 $0xFFFFC400  }
0x1d6: {  	[spmem:s2] =	stream.indirect.scatter.add.f32 [tilespmem:s20], [sflag:$0xA], $0x80, s15, s18, $0xb8;
	[tilespmem:$0x1FA00] =	vst v63  }
0x1d7: {  	_ =	swait.ge [sflag:s9], $0x3C00  }
0x1d8: {  	s10 =	rddreg [dreg:$0x4];
	[sflag:s9] =	ssyncset.done $0x0  }
0x1d9: {  	s11 =	rddreg [dreg:$0x3];
	[sflag:s9] =	ssyncadd.s32 $0xFFFFC400;
	s6 =	sadd.s32 s7, s10  }
0x1da: {  	[tilespmem:s3], [sflag:$0x1] =	stream.linear.gather [hbm4b:s6+s3], $0x80, $0x38;
	[tilespmem:$0x1FA00] =	vst v63  }
0x1db: {  	s10 =	sadd.s32 s7, s11  }
0x1dc: {  	[tilespmem:s13], [sflag:$0x1] =	stream.linear.gather [hbm4b:s10+s3], $0x80, $0x38;
	[tilespmem:$0x1FA00] =	vst v63  }
0x1dd: {  	_ =	swait.ge [sflag:s1], $0x80  }
0x1de: {  	[sflag:s1] =	ssyncset.done $0x0  }
0x1df: {  	[sflag:s1] =	ssyncadd.s32 $0xFFFFFF80  }
0x1e0: {  	_ =	swait.ge [sflag:s1], $0x80  }
0x1e1: {  	[sflag:s1] =	ssyncset.done $0x0  }
0x1e2: {  	[sflag:s1] =	ssyncadd.s32 $0xFFFFFF80  }
0x1e3: {  	[tilespmem:s20], [sflag:$0x8] =	stream.indirect.gather [hbm4b:s29+s18], $0x80, s26, s18, $0xb8;
	[tilespmem:$0x1FA00] =	vst v63  }
0x1e4: {  	_ =	swait.ge [sflag:s4], $0x3C00  }
0x1e5: {  	[sflag:s4] =	ssyncset.done $0x0  }
0x1e6: {  	s21 =	simm.s32 $0x400;
	[sflag:s4] =	ssyncadd.s32 $0xFFFFC400  }
0x1e7: {  	[spmem:s2] =	stream.indirect.scatter.add.f32 [tilespmem:s24], [sflag:$0xA], $0x80, s21, s18, $0xb8;
	[tilespmem:$0x1FA00] =	vst v63  }
0x1e8: {  	_ =	swait.ge [sflag:s9], $0x3C00  }
0x1e9: {  	[sflag:s9] =	ssyncset.done $0x0  }
0x1ea: {  	s11 =	sadd.s32 $0x10, s6;
	[sflag:s9] =	ssyncadd.s32 $0xFFFFC400  }
0x1eb: {  	[tilespmem:s14], [sflag:$0x2] =	stream.linear.gather [hbm4b:s11+s3], $0x80, $0x38;
	[tilespmem:$0x1FA00] =	vst v63  }
0x1ec: {  	s12 =	sadd.s32 $0x10, s10  }
0x1ed: {  	[tilespmem:s15], [sflag:$0x2] =	stream.linear.gather [hbm4b:s12+s3], $0x80, $0x38;
	[tilespmem:$0x1FA00] =	vst v63  }
0x1ee: {  	_ =	swait.ge [sflag:s5], $0x80  }
0x1ef: {  	[sflag:s5] =	ssyncset.done $0x0  }
0x1f0: {  	[sflag:s5] =	ssyncadd.s32 $0xFFFFFF80  }
0x1f1: {  	_ =	swait.ge [sflag:s5], $0x80  }
0x1f2: {  	[sflag:s5] =	ssyncset.done $0x0  }
0x1f3: {  	[sflag:s5] =	ssyncadd.s32 $0xFFFFFF80  }
0x1f4: {  	[tilespmem:s24], [sflag:$0x9] =	stream.indirect.gather [hbm4b:s29+s18], $0x80, s28, s18, $0xb8;
	[tilespmem:$0x1FA00] =	vst v63  }
0x1f5: {  	_ =	swait.ge [sflag:s25], $0x3C00  }
0x1f6: {  	[sflag:s25] =	ssyncset.done $0x0  }
0x1f7: {  	s30 =	simm.s32 $0x480;
	[sflag:s25] =	ssyncadd.s32 $0xFFFFC400  }
0x1f8: {  	[spmem:s2] =	stream.indirect.scatter.add.f32 [tilespmem:s22], [sflag:$0xA], $0x80, s30, s18, $0xb8;
	[tilespmem:$0x1FA00] =	vst v63  }
0x1f9: {  	_ =	swait.ge [sflag:s9], $0x3C00  }
0x1fa: {  	s11 =	rddreg [dreg:$0x6];
	[sflag:s9] =	ssyncset.done $0x0  }
0x1fb: {  	s12 =	rddreg [dreg:$0x5];
	[sflag:s9] =	ssyncadd.s32 $0xFFFFC400;
	s11 =	sadd.s32 s7, s11  }
0x1fc: {  	[tilespmem:s16], [sflag:$0x3] =	stream.linear.gather [hbm4b:s11+s3], $0x80, $0x38;
	[tilespmem:$0x1FA00] =	vst v63  }
0x1fd: {  	s12 =	sadd.s32 s7, s12  }
0x1fe: {  	[tilespmem:s21], [sflag:$0x3] =	stream.linear.gather [hbm4b:s12+s3], $0x80, $0x38;
	[tilespmem:$0x1FA00] =	vst v63  }
0x1ff: {  	_ =	swait.ge [sflag:s17], $0x80  }
0x200: {  	[sflag:s17] =	ssyncset.done $0x0  }
0x201: {  	[sflag:s17] =	ssyncadd.s32 $0xFFFFFF80  }
0x202: {  	_ =	swait.ge [sflag:s17], $0x80  }
0x203: {  	[sflag:s17] =	ssyncset.done $0x0  }
0x204: {  	[sflag:s17] =	ssyncadd.s32 $0xFFFFFF80  }
0x205: {  	[tilespmem:s22], [sflag:$0x7] =	stream.indirect.gather [hbm4b:s29+s18], $0x80, s3, s18, $0xb8;
	[tilespmem:$0x1FA00] =	vst v63  }
0x206: {  	_ =	swait.ge [sflag:s0], $0x3C00  }
0x207: {  	[sflag:s0] =	ssyncset.done $0x0  }
0x208: {  	s7 =	simm.s32 $0x500;
	[sflag:s0] =	ssyncadd.s32 $0xFFFFC400  }
0x209: {  	[spmem:s2] =	stream.indirect.scatter.add.f32 [tilespmem:s20], [sflag:$0xA], $0x80, s7, s18, $0xb8;
	[tilespmem:$0x1FA00] =	vst v63  }
0x20a: {  	_ =	swait.ge [sflag:s9], $0x3C00  }
0x20b: {  	[sflag:s9] =	ssyncset.done $0x0  }
0x20c: {  	s6 =	sadd.s32 $0x30, s6;
	[sflag:s9] =	ssyncadd.s32 $0xFFFFC400  }
0x20d: {  	[tilespmem:s8], [sflag:$0x4] =	stream.linear.gather [hbm4b:s6+s3], $0x80, $0x38;
	[tilespmem:$0x1FA00] =	vst v63  }
0x20e: {  	s11 =	sadd.s32 $0x30, s10  }
0x20f: {  	[tilespmem:s30], [sflag:$0x4] =	stream.linear.gather [hbm4b:s11+s3], $0x80, $0x38;
	[tilespmem:$0x1FA00] =	vst v63  }
0x210: {  	_ =	swait.ge [sflag:s19], $0x80  }
0x211: {  	[sflag:s19] =	ssyncset.done $0x0  }
0x212: {  	[sflag:s19] =	ssyncadd.s32 $0xFFFFFF80  }
0x213: {  	_ =	swait.ge [sflag:s19], $0x80  }
0x214: {  	[sflag:s19] =	ssyncset.done $0x0  }
0x215: {  	[sflag:s19] =	ssyncadd.s32 $0xFFFFFF80  }
0x216: {  	[tilespmem:s20], [sflag:$0x8] =	stream.indirect.gather [hbm4b:s29+s18], $0x80, s14, s18, $0xb8;
	[tilespmem:$0x1FA00] =	vst v63  }
0x217: {  	_ =	swait.ge [sflag:s4], $0x3C00  }
0x218: {  	[sflag:s4] =	ssyncset.done $0x0  }
0x219: {  	s10 =	simm.s32 $0x580;
	[sflag:s4] =	ssyncadd.s32 $0xFFFFC400  }
0x21a: {  	[spmem:s2] =	stream.indirect.scatter.add.f32 [tilespmem:s24], [sflag:$0xA], $0x80, s10, s18, $0xb8;
	[tilespmem:$0x1FA00] =	vst v63  }
0x21b: {  	_ =	swait.ge [sflag:s9], $0x3C00  }
0x21c: {  	[sflag:s9] =	ssyncset.done $0x0;
	s12 =	rddreg [dreg:$0x1f]  }
0x21d: {  	s14 =	sld [smem:$0x7F3];
	[sflag:s9] =	ssyncadd.s32 $0xFFFFC400  }
0x21e: {  	[tilespmem:s26], [sflag:$0x5] =	stream.linear.gather [hbm4b:s12+s3], $0x80, $0x38;
	[tilespmem:$0x1FA00] =	vst v63  }
0x21f: {  	_ = 	snop  }
0x220: {  	[tilespmem:s7], [sflag:$0x5] =	stream.linear.gather [hbm4b:s14+s3], $0x80, $0x38;
	[tilespmem:$0x1FA00] =	vst v63  }
0x221: {  	_ =	swait.ge [sflag:s23], $0x80  }
0x222: {  	[sflag:s23] =	ssyncset.done $0x0  }
0x223: {  	[sflag:s23] =	ssyncadd.s32 $0xFFFFFF80  }
0x224: {  	_ =	swait.ge [sflag:s23], $0x80  }
0x225: {  	[sflag:s23] =	ssyncset.done $0x0  }
0x226: {  	[sflag:s23] =	ssyncadd.s32 $0xFFFFFF80  }
0x227: {  	[tilespmem:s24], [sflag:$0x9] =	stream.indirect.gather [hbm4b:s29+s18], $0x80, s16, s18, $0xb8;
	[tilespmem:$0x1FA00] =	vst v63  }
0x228: {  	_ =	swait.ge [sflag:s25], $0x3C00  }
0x229: {  	[sflag:s25] =	ssyncset.done $0x0  }
0x22a: {  	[sflag:s25] =	ssyncadd.s32 $0xFFFFC400  }
0x22b: {  	[spmem:s2] =	stream.indirect.scatter.add.f32 [tilespmem:s22], [sflag:$0xA], $0x80, s13, s18, $0xb8;
	[tilespmem:$0x1FA00] =	vst v63  }
0x22c: {  	_ =	swait.ge [sflag:s9], $0x3C00  }
0x22d: {  	s11 =	sld [smem:$0x7F5]  }
0x22e: {  	[sflag:s9] =	ssyncset.done $0x0  }
0x22f: {  	s12 =	sld [smem:$0x7F4];
	[sflag:s9] =	ssyncadd.s32 $0xFFFFC400  }
0x230: {  	[tilespmem:s28], [sflag:$0x6] =	stream.linear.gather [hbm4b:s11+s3], $0x80, $0x38;
	[tilespmem:$0x1FA00] =	vst v63  }
0x231: {  	_ = 	snop  }
0x232: {  	[tilespmem:s10], [sflag:$0x6] =	stream.linear.gather [hbm4b:s12+s3], $0x80, $0x38;
	[tilespmem:$0x1FA00] =	vst v63  }
0x233: {  	_ =	swait.ge [sflag:s31], $0x80  }
0x234: {  	[sflag:s31] =	ssyncset.done $0x0  }
0x235: {  	[sflag:s31] =	ssyncadd.s32 $0xFFFFFF80  }
0x236: {  	_ =	swait.ge [sflag:s31], $0x80  }
0x237: {  	[sflag:s31] =	ssyncset.done $0x0  }
0x238: {  	[sflag:s31] =	ssyncadd.s32 $0xFFFFFF80  }
0x239: {  	[tilespmem:s22], [sflag:$0x7] =	stream.indirect.gather [hbm4b:s29+s18], $0x80, s8, s18, $0xb8;
	[tilespmem:$0x1FA00] =	vst v63  }
0x23a: {  	_ =	swait.ge [sflag:s0], $0x3C00  }
0x23b: {  	[sflag:s0] =	ssyncset.done $0x0  }
0x23c: {  	[sflag:s0] =	ssyncadd.s32 $0xFFFFC400  }
0x23d: {  	[spmem:s2] =	stream.indirect.scatter.add.f32 [tilespmem:s20], [sflag:$0xA], $0x80, s15, s18, $0xb8;
	[tilespmem:$0x1FA00] =	vst v63  }
0x23e: {  	_ =	swait.ge [sflag:s9], $0x3C00  }
0x23f: {  	[sflag:s9] =	ssyncset.done $0x0  }
0x240: {  	[sflag:s9] =	ssyncadd.s32 $0xFFFFC400  }
0x241: {  	_ =	swait.ge [sflag:s1], $0x80  }
0x242: {  	[sflag:s1] =	ssyncset.done $0x0  }
0x243: {  	[sflag:s1] =	ssyncadd.s32 $0xFFFFFF80  }
0x244: {  	_ =	swait.ge [sflag:s1], $0x80  }
0x245: {  	[sflag:s1] =	ssyncset.done $0x0  }
0x246: {  	[sflag:s1] =	ssyncadd.s32 $0xFFFFFF80  }
0x247: {  	[tilespmem:s20], [sflag:$0x8] =	stream.indirect.gather [hbm4b:s29+s18], $0x80, s26, s18, $0xb8;
	[tilespmem:$0x1FA00] =	vst v63  }
0x248: {  	_ =	swait.ge [sflag:s4], $0x3C00  }
0x249: {  	[sflag:s4] =	ssyncset.done $0x0  }
0x24a: {  	[sflag:s4] =	ssyncadd.s32 $0xFFFFC400  }
0x24b: {  	[spmem:s2] =	stream.indirect.scatter.add.f32 [tilespmem:s24], [sflag:$0xA], $0x80, s21, s18, $0xb8;
	[tilespmem:$0x1FA00] =	vst v63  }
0x24c: {  	_ =	swait.ge [sflag:s9], $0x3C00  }
0x24d: {  	[sflag:s9] =	ssyncset.done $0x0  }
0x24e: {  	[sflag:s9] =	ssyncadd.s32 $0xFFFFC400  }
0x24f: {  	_ =	swait.ge [sflag:s5], $0x80  }
0x250: {  	[sflag:s5] =	ssyncset.done $0x0  }
0x251: {  	[sflag:s5] =	ssyncadd.s32 $0xFFFFFF80  }
0x252: {  	_ =	swait.ge [sflag:s5], $0x80  }
0x253: {  	[sflag:s5] =	ssyncset.done $0x0  }
0x254: {  	[sflag:s5] =	ssyncadd.s32 $0xFFFFFF80  }
0x255: {  	[tilespmem:s24], [sflag:$0x9] =	stream.indirect.gather [hbm4b:s29+s18], $0x80, s28, s18, $0xb8;
	[tilespmem:$0x1FA00] =	vst v63  }
0x256: {  	_ =	swait.ge [sflag:s25], $0x3C00  }
0x257: {  	[sflag:s25] =	ssyncset.done $0x0  }
0x258: {  	[sflag:s25] =	ssyncadd.s32 $0xFFFFC400  }
0x259: {  	[spmem:s2] =	stream.indirect.scatter.add.f32 [tilespmem:s22], [sflag:$0xA], $0x80, s30, s18, $0xb8;
	[tilespmem:$0x1FA00] =	vst v63  }
0x25a: {  	_ =	swait.ge [sflag:s9], $0x3C00  }
0x25b: {  	[sflag:s9] =	ssyncset.done $0x0  }
0x25c: {  	[sflag:s9] =	ssyncadd.s32 $0xFFFFC400  }
0x25d: {  	_ =	swait.ge [sflag:s0], $0x3C00  }
0x25e: {  	[sflag:s0] =	ssyncset.done $0x0  }
0x25f: {  	s7 =	simm.s32 $0x500;
	[sflag:s0] =	ssyncadd.s32 $0xFFFFC400  }
0x260: {  	[spmem:s2] =	stream.indirect.scatter.add.f32 [tilespmem:s20], [sflag:$0xA], $0x80, s7, s18, $0xb8;
	[tilespmem:$0x1FA00] =	vst v63  }
0x261: {  	_ =	swait.ge [sflag:s9], $0x3C00  }
0x262: {  	[sflag:s9] =	ssyncset.done $0x0  }
0x263: {  	[sflag:s9] =	ssyncadd.s32 $0xFFFFC400  }
0x264: {  	_ =	swait.ge [sflag:s4], $0x3C00  }
0x265: {  	[sflag:s4] =	ssyncset.done $0x0  }
0x266: {  	s14 =	simm.s32 $0x580;
	[sflag:s4] =	ssyncadd.s32 $0xFFFFC400  }
0x267: {  	[spmem:s2] =	stream.indirect.scatter.add.f32 [tilespmem:s24], [sflag:$0xA], $0x80, s14, s18, $0xb8;
	[tilespmem:$0x1FA00] =	vst v63  }
0x268: {  	_ =	swait.ge [sflag:s9], $0x3C00  }
0x269: {  	[sflag:s9] =	ssyncset.done $0x0  }
0x26a: {  	[sflag:s9] =	ssyncadd.s32 $0xFFFFC400  }
0x26b: {  	[bflag:$0x0] =	sbarrier.arrive $0xFFFF  }
0x26c: {  	s10 =	sld [smem:$0x7FD]  }
0x26d: {  	s15 =	stileid.u32;
	s21 =	sld [smem:$0x7F6]  }
0x26e: {  	s6 =	sshll.u32 s15, $0x6  }
0x26f: {  	s6 =	sor.u32 $0x1C0A, s6;
	s16 =	sshrl.u32 s10, $0x3  }
0x270: {  	[hbm:s21], [sflag:s6] =	dma.local [spmem:s16], $0x2800  }
0x271: {  	_ =	swait.ge [sflag:s9], $0x2800  }
0x272: {  	s22 =	sld [smem:$0x7F2]  }
0x273: {  	s26 =	sld [smem:$0x7F7];
	_ =	sdelay $0x1  }
0x274: {  	s7 =	sadd.s32 $0x1, s22  }
0x275: {  	p0 =	sne.s32 s7, s26  }
.Ltmp2:
0x276: {  	_ = 	snop;
	(pc) =	sbr.rel @p0 .LBB2_1-.Ltmp2, $4  }
0x277: {  	s11 =	simm.s32 $0x380;
	s12 =	simm.s32 $0x80;
	s15 =	simm.s32 $0x400  }
0x278: {  	s28 =	simm.s32 $0x280;
	s30 =	simm.s32 $0x580;
	s14 =	simm.s32 $0x100  }
0x279: {  	s16 =	simm.s32 $0x180;
	s21 =	simm.s32 $0x480;
	[sflag:s9] =	ssyncset.done $0x0  }
0x27a: {  	[sflag:s9] =	ssyncadd.s32 $0xFFFFD800;
	s22 =	simm.s32 $0x200;
	s26 =	simm.s32 $0x500  }
0x27b: {  	_ =	sfence.sel $0x180000  }
0x27c: {  	[bflag:$0x0] =	sbarrier.arrive $0xFFFF  }
0x27d: {  	_ =	strace $0x9000004A  }
0x27e: {  	s0 =	stileid.u32;
	[bflag:$0x2] =	sbarrier.arrive $0xFFFF  }
0x27f: {  	p0 =	sne.s32 s0, $0x0;
	s0 =	rddreg [dreg:$0x2]  }
0x280: {  	s0 =	sadd.s32 @!p0 $0x100000, s0  }
0x281: {  	[sflag:s0] =	ssyncadd.tile.s32 @!p0 $0x1;
	_ =	shalt  }
.Lfunc_end2:
_tile_overlayer_lowered:
.L_overlay_start_2:
0x282: {  	(tag) =	ssettag $0x2  }
0x283: {  	s0 =	rddreg [dreg:$0x0];
	s2 =	stileid.u32  }
0x284: {  	s1 =	rddreg [dreg:$0x1];
	p0 =	sne.s32 s2, $0x0  }
0x285: {  	s3 =	rddreg [dreg:$0x2];
	[bflag:$0x3] =	sbarrier.arrive $0xFFFF;
	s2 =	simm.s32 @!p0 $0x1C0A  }
0x286: {  	[timem:s3], [sflag:s2] =	dma.local @!p0 [hbm:s0], s1  }
0x287: {  	s0 =	simm.s32 @!p0 $0xA  }
0x288: {  	_ =	swait.ge @!p0 [sflag:s0], s1  }
0x289: {  	s1 =	ssub.s32 @!p0 $0x0, s1;
	[sflag:s0] =	ssyncset.done @!p0 $0x0  }
0x28a: {  	[sflag:s0] =	ssyncadd.s32 @!p0 s1  }
0x28b: {  	[bflag:$0x3] =	sbarrier.arrive $0xFFFF  }
0x28c: {  	_ =	shalt  }

// kernel: kernel.14.cloned.1.call-start
scs
__scs_entry_jumppad:
0x0: {  	(pc) =	sbr.rel $0x88, $3  }
0x1: {  	(tag) =	ssettag $0x0;
	lr =	simm.s32 $0x1  }
0x2: {  	[smem:$0x3F93] =	sst lr;
	_ =	strace $0xD0000000  }
0x3: {  	_ = 	snop  }
0x4: {  	_ = 	snop  }
0x5: {  	_ = 	snop  }
0x6: {  	_ = 	snop  }
0x7: {  	_ = 	snop  }
__scs_overlays_trampoline_lowered:
0x8: {  	[smem:$0x3FA2] =	sst s0  }
0x9: {  	[smem:$0x3FA3] =	sst s1  }
0xa: {  	[smem:$0x3FA4] =	sst s2  }
0xb: {  	[smem:$0x3FA5] =	sst s3  }
0xc: {  	[smem:$0x3FA6] =	sst s4  }
0xd: {  	[smem:$0x3FA7] =	sst s5  }
0xe: {  	[smem:$0x3FA8] =	sst s6  }
0xf: {  	[smem:$0x3FA9] =	sst s7  }
0x10: {  	[smem:$0x3FAA] =	sst s8  }
0x11: {  	[smem:$0x3FAB] =	sst s9;
	s0 =	simm.s32 @!p0 $0x0  }
0x12: {  	s1 =	sld [smem:$0x3F91];
	s0 =	simm.s32 @p0 $0x1  }
0x13: {  	[smem:$0x3FAC] =	sst s0;
	s0 =	simm.s32 @!p1 $0x0  }
0x14: {  	s2 =	sld [smem:$0x3F90];
	s0 =	simm.s32 @p1 $0x1  }
0x15: {  	[smem:$0x3FAD] =	sst s0;
	s0 =	simm.s32 @!p2 $0x0  }
0x16: {  	s3 =	sld [smem:$0x3FDB];
	s0 =	simm.s32 @p2 $0x1  }
0x17: {  	s4 =	simm.s32 $0x1BF5;
	[smem:$0x3FAF] =	sst s0  }
0x18: {  	s0 =	sld [smem:$0x3F92];
	_ =	swait.ge [sflag:s4], $0x0  }
0x19: {  	s7 =	sld [smem:$0x3F93]  }
0x1a: {  	s8 =	sadd.s32 $0xFFFFE003, lr  }
0x1b: {  	s9 =	sadd.s32 $0xFFFFFEF7, lr;
	s5 =	simm.s32 $0xFFFFFFFF;
	p2 =	slt.u32 s8, $0xFFFFF086  }
0x1c: {  	p1 =	slt.u32 s9, $0xF7A;
	s5 =	simm.s32 @!p2 $0x0  }
0x1d: {  	s5 =	simm.s32 @p1 $0x1;
	p0 =	seq.s32 s7, s2  }
0x1e: {  	s7 =	smul.u32 @!p0 $0xF7A, s2;
	p2 =	seq.s32 @!p0 s5, $0x0  }
0x1f: {  	s9 =	smul.u32 $0xF7A, s1;
	s8 =	simm.s32 @!p0 $0x1BF5;
	p2 =	por !p2, p0  }
0x20: {  	[sflag:s8] =	ssyncset.s32 @!p0 $0xFFFFF086;
	s6 =	sadd.s32 @!p0 s3, s7;
	s7 =	simm.s32 @!p0 $0x108  }
0x21: {  	s3 =	sadd.s32 s3, s9;
	s6 =	sadd.s32 @!p0 $0x88, s6;
	s7 =	simm.s32 @p2 $0x1082  }
0x22: {  	[simem:s7], [sflag:s8] =	dma.local @!p0 [hbm:s6], $0xF7A  }
0x23: {  	s9 =	sor.u32 $0xD0000000, s2;
	s6 =	simm.s32 $0x108;
	_ =	swait.ge @!p0 [sflag:s8], $0x0  }
0x24: {  	s3 =	sadd.s32 $0x88, s3;
	s6 =	simm.s32 @!p1 $0x1082;
	[sflag:s4] =	ssyncset.s32 $0xFFFFF086  }
0x25: {  	[simem:s6], [sflag:s4] =	dma.local [hbm:s3], $0xF7A  }
0x26: {  	[smem:$0x3F93] =	sst s1;
	(tag) =	ssettag s2;
	_ =	strace s9  }
0x27: {  	s1 =	sld [smem:$0x3FA3]  }
0x28: {  	s2 =	sld [smem:$0x3FA4]  }
0x29: {  	s4 =	sld [smem:$0x3FA6]  }
0x2a: {  	p0 =	seq.s32 s5, $0x0;
	s5 =	sld [smem:$0x3FA7]  }
0x2b: {  	s6 =	sld [smem:$0x3FA8]  }
0x2c: {  	s7 =	sld [smem:$0x3FA9]  }
0x2d: {  	s3 =	simm.s32 $0x108;
	s8 =	sld [smem:$0x3FAA]  }
0x2e: {  	s3 =	simm.s32 @!p0 $0x1082;
	s9 =	sld [smem:$0x3FAB]  }
0x2f: {  	lr =	sadd.s32 s0, s3;
	s0 =	sld [smem:$0x3FA2]  }
0x30: {  	s3 =	sld [smem:$0x3FA5]  }
0x31: {  	[smem:$0x3FAE] =	sst s10  }
0x32: {  	s10 =	sld [smem:$0x3FAC];
	_ =	sdelay $0x3  }
0x33: {  	p0 =	seq.s32 s10, $0x1;
	s10 =	sld [smem:$0x3FAE];
	_ =	sdelay $0x3  }
0x34: {  	[smem:$0x3FAE] =	sst s10  }
0x35: {  	s10 =	sld [smem:$0x3FAD];
	_ =	sdelay $0x3  }
0x36: {  	p1 =	seq.s32 s10, $0x1;
	s10 =	sld [smem:$0x3FAE];
	_ =	sdelay $0x3  }
0x37: {  	[smem:$0x3FAE] =	sst s10  }
0x38: {  	s10 =	sld [smem:$0x3FAF]  }
0x39: {  	_ = 	snop;
	(pc) =	sbr.ind lr, $3  }
0x3a: {  	_ = 	snop  }
0x3b: {  	_ = 	snop  }
0x3c: {  	p2 =	seq.s32 s10, $0x1;
	s10 =	sld [smem:$0x3FAE]  }
0x3d: {  	_ =	shalt  }
0x3e: {  	_ =	shalt  }
0x3f: {  	_ =	shalt  }
0x40: {  	_ =	shalt  }
0x41: {  	_ =	shalt  }
0x42: {  	_ =	shalt  }
0x43: {  	_ =	shalt  }
0x44: {  	_ =	shalt  }
0x45: {  	_ =	shalt  }
0x46: {  	_ =	shalt  }
0x47: {  	_ =	shalt  }
0x48: {  	_ =	shalt  }
0x49: {  	_ =	shalt  }
0x4a: {  	_ =	shalt  }
0x4b: {  	_ =	shalt  }
0x4c: {  	_ =	shalt  }
0x4d: {  	_ =	shalt  }
0x4e: {  	_ =	shalt  }
0x4f: {  	_ =	shalt  }
0x50: {  	_ =	shalt  }
0x51: {  	_ =	shalt  }
0x52: {  	_ =	shalt  }
0x53: {  	_ =	shalt  }
0x54: {  	_ =	shalt  }
0x55: {  	_ =	shalt  }
0x56: {  	_ =	shalt  }
0x57: {  	_ =	shalt  }
0x58: {  	_ =	shalt  }
0x59: {  	_ =	shalt  }
0x5a: {  	_ =	shalt  }
0x5b: {  	_ =	shalt  }
0x5c: {  	_ =	shalt  }
0x5d: {  	_ =	shalt  }
0x5e: {  	_ =	shalt  }
0x5f: {  	_ =	shalt  }
0x60: {  	_ =	shalt  }
0x61: {  	_ =	shalt  }
0x62: {  	_ =	shalt  }
0x63: {  	_ =	shalt  }
0x64: {  	_ =	shalt  }
0x65: {  	_ =	shalt  }
0x66: {  	_ =	shalt  }
0x67: {  	_ =	shalt  }
0x68: {  	_ =	shalt  }
0x69: {  	_ =	shalt  }
0x6a: {  	_ =	shalt  }
0x6b: {  	_ =	shalt  }
0x6c: {  	_ =	shalt  }
0x6d: {  	_ =	shalt  }
0x6e: {  	_ =	shalt  }
0x6f: {  	_ =	shalt  }
0x70: {  	_ =	shalt  }
0x71: {  	_ =	shalt  }
0x72: {  	_ =	shalt  }
0x73: {  	_ =	shalt  }
0x74: {  	_ =	shalt  }
0x75: {  	_ =	shalt  }
0x76: {  	_ =	shalt  }
0x77: {  	_ =	shalt  }
0x78: {  	_ =	shalt  }
0x79: {  	_ =	shalt  }
0x7a: {  	_ =	shalt  }
0x7b: {  	_ =	shalt  }
0x7c: {  	_ =	shalt  }
0x7d: {  	_ =	shalt  }
0x7e: {  	_ =	shalt  }
0x7f: {  	_ =	shalt  }
0x80: {  	_ =	shalt  }
0x81: {  	_ =	shalt  }
0x82: {  	_ =	shalt  }
0x83: {  	_ =	shalt  }
0x84: {  	_ =	shalt  }
0x85: {  	_ =	shalt  }
0x86: {  	_ =	shalt  }
0x87: {  	_ =	shalt  }
.Lfunc_end0:
.L_simem_size_0:
called_computation.2_lowered:
.L_overlay_start_0:
0x88: {  	s2 =	sld [smem:$0x3FD9]  }
0x89: {  	s3 =	sld [smem:$0x3FFE];
	_ =	sdelay $0x1  }
0x8a: {  	s1 =	srdreg.scid  }
0x8b: {  	s0 =	sand.u32 $0x1, s1  }
0x8c: {  	s16 =	sshll.u32 s0, $0xA;
	s2 =	sadd.s32 s3, s2  }
0x8d: {  	s2 =	sadd.s32 s2, s16  }
0x8e: {  	[smem:$0x3FBA] =	sst s2  }
0x8f: {  	_ = 	snop  }
0x90: {  	(tm) =	ssettm $0x1  }
0x91: {  	s17 =	sld [smem:$0x3FFB];
	_ =	sdelay $0x3  }
0x92: {  	_ =	strace s17  }
0x93: {  	s2 =	sld [smem:$0x3FFC];
	_ =	sdelay $0x3  }
0x94: {  	_ =	strace s2  }
0x95: {  	s2 =	sld [smem:$0x3FFD];
	_ =	sdelay $0x3  }
0x96: {  	_ =	strace s2  }
0x97: {  	_ =	strace $0x8FFFFFFF  }
0x98: {  	s18 =	sld [smem:$0x3FDB];
	_ =	sdelay $0x1  }
0x99: {  	s19 =	simm.s32 $_scs_section_size  }
0x9a: {  	s4 =	simm.s32 $_size__tile_overlayer_lowered;
	s5 =	simm.s32 $_tile_overlayer_lowered  }
0x9b: {  	s22 =	simm.s32 $0x1BFF;
	s21 =	sshll.u32 s5, $0x1;
	s2 =	sadd.s32 s19, s18  }
0x9c: {  	s6 =	simm.s32 $0x0;
	s20 =	sshll.u32 s4, $0x1;
	s4 =	sadd.s32 s21, s2  }
0x9d: {  	[timem:s6], [sflag:s22] =	dma.local [hbm:s4], s20  }
0x9e: {  	_ =	swait.ge [sflag:s22], s20  }
0x9f: {  	s3 =	ssub.s32 $0x0, s20;
	[sflag:s22] =	ssyncset.done $0x0  }
0xa0: {  	[sflag:s22] =	ssyncadd.s32 s3;
	_ =	sdelay $0x1  }
0xa1: {  	s23 =	simm.s32 $0x1B8B  }
0xa2: {  	_ =	swait.ge [sflag:s23], $0x1  }
0xa3: {  	[sflag:s23] =	ssyncset.done $0x0  }
0xa4: {  	s25 =	simm.s32 $0x1B8E;
	s24 =	sld [smem:$0x3FFE];
	[sflag:s23] =	ssyncadd.s32 $0xFFFFFFFF  }
0xa5: {  	s26 =	simm.s32 $execute0_lowered;
	[smem:$0x3FD2] =	sst s25  }
0xa6: {  	s4 =	sshll.u32 s26, $0x1;
	_ =	strace $0x8000004C;
	[dreg:$0x1] =	wrdreg $0xFFFFFFFF  }
0xa7: {  	s28 =	simm.s32 $_size_execute0_lowered;
	s2 =	sadd.s32 s2, s4;
	[dreg:$0x0] =	wrdreg $0x0  }
0xa8: {  	s4 =	sshll.u32 s28, $0x1;
	[dreg:$0x2] =	wrdreg s2  }
0xa9: {  	[dreg:$0x3] =	wrdreg s4  }
0xaa: {  	[dreg:$0x4] =	wrdreg $0xC0  }
0xab: {  	_ =	task [dreg:s6], $0x5FFFF  }
0xac: {  	[dreg:$0x1] =	wrdreg $0xFFFFFFFF  }
0xad: {  	[dreg:$0x0] =	wrdreg $0x60  }
0xae: {  	[dreg:$0x2] =	wrdreg s24  }
0xaf: {  	[dreg:$0x3] =	wrdreg $0xBA000  }
0xb0: {  	[dreg:$0x4] =	wrdreg $0x9  }
0xb1: {  	_ =	task.clear_ibuf [dreg:s6], $0x5FFFF;
	_ =	strace $0x9000004C  }
0xb2: {  	s29 =	simm.s32 $0x9;
	_ =	strace $0x8000004E  }
0xb3: {  	_ =	swait.ge [sflag:s29], $0x1  }
0xb4: {  	[sflag:s29] =	ssyncadd.s32 $0xFFFFFFFF  }
0xb5: {  	_ =	strace $0x9000004E  }
0xb6: {  	_ =	sfence  }
0xb7: {  	s30 =	sld [smem:$0x0];
	_ =	sdelay $0x2  }
0xb8: {  	s31 =	sshll.u32 s1, $0xD;
	s1 =	sshrl.u32 s1, $0x2  }
0xb9: {  	s3 =	sand.u32 $0x4000, s31;
	s1 =	sadd.s32 s1, s30  }
0xba: {  	s0 =	sor.u32 s3, s0;
	s1 =	sshll.u32 s1, $0x11  }
0xbb: {  	s0 =	sor.u32 s1, s0  }
0xbc: {  	s0 =	sadd.s32 $0x8F2B, s0  }
0xbd: {  	[sflag:s0] =	ssyncadd.remote.s32 $0x1  }
0xbe: {  	_ =	sfence.sel $0xFFFF  }
0xbf: {  	[dreg:$0x0] =	wrdreg $0xFFFFFFFF;
	(pc) =	sbr.abs _section_cstart, $3  }
0xc0: {  	[dreg:$0x1] =	wrdreg $0xFFFFFFFF  }
0xc1: {  	_ =	task.clear_ibuf [dreg:s6], $0x2FFFF;
	_ =	strace $0x9FFFFFFF  }
0xc2: {  	(tm) =	ssettm $0x7FFFFFFF  }
0xc3: {  	_ =	shalt  }
tec
execute0_lowered:
.L_overlay_start_1:
0x0: {  	(tag) =	ssettag $0x1  }
0x1: {  	s0 =	rddreg [dreg:$0x0]  }
0x2: {  	s2 =	rddreg [dreg:$0x1];
	s1 =	srdreg.scid  }
0x3: {  	s14 =	stileid.u32;
	s3 =	simm.s32 $0x0;
	s28 =	simm.s32 $0x280  }
0x4: {  	s7 =	sand.u32 $0x1, s1;
	s20 =	sshll.u32 s14, $0x1;
	s24 =	smul.u32 $0xA8, s14  }
0x5: {  	s30 =	simm.s32 $0x580;
	s4 =	smul.u32 $0x140000, s7;
	s1 =	sor.u32 s7, s20  }
0x6: {  	s9 =	ssub.s32 $0x2, s7;
	s11 =	sshll.u32 s7, $0x9;
	s7 =	smul.u32 $0x54, s7  }
0x7: {  	s31 =	simm.s32 $0x4;
	[smem:$0x7FF] =	sst s3;
	s8 =	smul.u32 $0x2A00, s1  }
0x8: {  	s5 =	smul.u32 $0x14000, s14;
	s6 =	sadd.s32 $0x67600, s0;
	_ =	strace $0x8000004D  }
0x9: {  	s7 =	sadd.s32 s7, s24;
	s10 =	sand.u32 $0x7FC00, s8;
	s8 =	sshrl.u32 s8, $0x3  }
0xa: {  	s1 =	sadd.s32 $0x5CE00, s0;
	s7 =	sshll.u32 s7, $0x4;
	s16 =	sadd.s32 $0x40, s8  }
0xb: {  	s12 =	sshrl.u32 s9, $0x1;
	s17 =	sadd.s32 $0xC0, s7;
	s18 =	sadd.s32 s1, s16  }
0xc: {  	s10 =	sor.u32 s11, s10;
	s19 =	sadd.s32 s17, s6;
	[dreg:$0x13] =	wrdreg s18  }
0xd: {  	s21 =	sshrl.u32 s10, $0x3;
	s20 =	sadd.s32 s17, s1;
	[dreg:$0x3] =	wrdreg s19  }
0xe: {  	s5 =	sadd.s32 s5, s4;
	s22 =	sadd.s32 s1, s21;
	[dreg:$0x4] =	wrdreg s20  }
0xf: {  	s17 =	sadd.s32 $0x60, s8;
	s23 =	sadd.s32 s6, s21;
	[dreg:$0xb] =	wrdreg s22  }
0x10: {  	s25 =	sor.u32 $0x10, s21;
	s19 =	sadd.s32 s1, s17;
	[dreg:$0xc] =	wrdreg s23  }
0x11: {  	s4 =	ssub.s32 s9, s12;
	s15 =	sadd.s32 s1, s25;
	[dreg:$0x17] =	wrdreg s19  }
0x12: {  	s13 =	sor.u32 $0x20, s21;
	s12 =	sadd.s32 s6, s25;
	[dreg:$0xd] =	wrdreg s15  }
0x13: {  	s9 =	sor.u32 $0x30, s21;
	s26 =	sadd.s32 s1, s13;
	[dreg:$0xe] =	wrdreg s12  }
0x14: {  	s21 =	sadd.s32 $0xE0, s7;
	s13 =	sadd.s32 s6, s13;
	[dreg:$0xf] =	wrdreg s26  }
0x15: {  	s29 =	sadd.s32 $0x2E00, s0;
	s23 =	sadd.s32 s21, s6;
	[dreg:$0x10] =	wrdreg s13  }
0x16: {  	s20 =	sadd.s32 $0x400, s10;
	s24 =	sadd.s32 s21, s1;
	[dreg:$0x5] =	wrdreg s23  }
0x17: {  	s22 =	sadd.s32 $0x50, s8;
	s21 =	sadd.s32 s6, s17;
	[dreg:$0x6] =	wrdreg s24  }
0x18: {  	s25 =	sadd.s32 $0x80, s7;
	s15 =	sadd.s32 s1, s9;
	[dreg:$0x18] =	wrdreg s21  }
0x19: {  	s7 =	sadd.s32 $0xA0, s7;
	s9 =	sadd.s32 s6, s9;
	[dreg:$0x11] =	wrdreg s15  }
0x1a: {  	s26 =	sadd.s32 s1, s22;
	s12 =	sadd.s32 s6, s22;
	[dreg:$0x12] =	wrdreg s9  }
0x1b: {  	s11 =	sadd.s32 s25, s1;
	s18 =	sadd.s32 s7, s6;
	[dreg:$0x15] =	wrdreg s26  }
0x1c: {  	s22 =	sadd.s32 $0x70, s8;
	s21 =	smax.u32 s4, $0x1;
	[dreg:$0x16] =	wrdreg s12  }
0x1d: {  	s4 =	simm.s32 $0x9;
	s9 =	sadd.s32 s6, s16;
	[dreg:$0x9] =	wrdreg s18  }
0x1e: {  	s15 =	sadd.s32 s25, s6;
	s16 =	sadd.s32 $0x30, s11;
	[smem:$0x7F7] =	sst s21  }
0x1f: {  	s23 =	sadd.s32 s1, s22;
	s10 =	sadd.s32 s6, s22;
	[dreg:$0x14] =	wrdreg s9  }
0x20: {  	s25 =	sadd.s32 $0x90, s8;
	s26 =	sadd.s32 $0x520, s8;
	[dreg:$0x8] =	wrdreg s16  }
0x21: {  	s8 =	sadd.s32 $0x530, s8;
	s18 =	sshrl.u32 s5, $0x3;
	[dreg:$0x19] =	wrdreg s23  }
0x22: {  	s11 =	simm.s32 $0x380;
	s9 =	sadd.s32 $0x30, s15;
	[dreg:$0x1a] =	wrdreg s10  }
0x23: {  	s21 =	simm.s32 $0x480;
	s12 =	sadd.s32 s1, s25;
	[dreg:$0x7] =	wrdreg s9  }
0x24: {  	s5 =	simm.s32 $0x6;
	s13 =	sadd.s32 s1, s26;
	[dreg:$0x1d] =	wrdreg s12  }
0x25: {  	s15 =	sadd.s32 s6, s26;
	s16 =	smul.u32 $0x50000, s14;
	[dreg:$0x1f] =	wrdreg s13  }
0x26: {  	s17 =	sadd.s32 s1, s8;
	s9 =	sshrl.u32 s20, $0x3;
	[smem:$0x7F3] =	sst s15  }
0x27: {  	s14 =	simm.s32 $0x100;
	[smem:$0x7F5] =	sst s17;
	s24 =	sadd.s32 s1, s9  }
0x28: {  	s13 =	simm.s32 $0x300;
	s9 =	sadd.s32 s6, s9;
	[dreg:$0x1b] =	wrdreg s24  }
0x29: {  	s12 =	simm.s32 $0x80;
	s1 =	sadd.s32 s7, s1;
	[dreg:$0x1c] =	wrdreg s9  }
0x2a: {  	s15 =	simm.s32 $0x400;
	s9 =	sadd.s32 s6, s25;
	[dreg:$0xa] =	wrdreg s1  }
0x2b: {  	s19 =	sshrl.u32 s16, $0x2;
	s6 =	sadd.s32 s6, s8;
	[dreg:$0x1e] =	wrdreg s9  }
0x2c: {  	s1 =	sadd.s32 s18, s0;
	s10 =	sadd.s32 s19, s2;
	[smem:$0x7F4] =	sst s6  }
0x2d: {  	s17 =	simm.s32 $0x1;
	s20 =	sadd.s32 $0x71E00, s1;
	[smem:$0x7FD] =	sst s10  }
0x2e: {  	s16 =	simm.s32 $0x180;
	s22 =	sadd.s32 $0x3C00, s10;
	[smem:$0x7F6] =	sst s20  }
0x2f: {  	s7 =	simm.s32 $0x0;
	s23 =	sadd.s32 $0x7800, s10;
	[smem:$0x7F8] =	sst s22  }
0x30: {  	s18 =	simm.s32 $0x78;
	s24 =	sadd.s32 $0xB400, s10;
	[smem:$0x7F9] =	sst s23  }
0x31: {  	s19 =	simm.s32 $0x2;
	s25 =	sadd.s32 $0xF000, s10;
	[smem:$0x7FA] =	sst s24  }
0x32: {  	s0 =	simm.s32 $0x8;
	s26 =	sadd.s32 $0x12C00, s10;
	[smem:$0x7FB] =	sst s25  }
0x33: {  	s9 =	simm.s32 $0xA;
	s1 =	simm.s32 $0x5;
	[smem:$0x7FC] =	sst s26  }
0x34: {  	s20 =	simm.s32 $0x4200;
	s22 =	simm.s32 $0x200;
	s26 =	simm.s32 $0x500  }
0x35: {  	v0 =	vimm.f32 $0.0e+00;
	s23 =	simm.s32 $0x3;
	s24 =	simm.s32 $0x7E00;
	s25 =	simm.s32 $0x7  }
.LBB2_1:
0x36: {  	[smem:$0x7F2] =	sst s7;
	s6 =	simm.s32 $0x0;
	s7 =	simm.s32 $0x200  }
.LBB2_2:
0x37: {  	p0 =	sne.s32 s7, $0xEE00;
	[tilespmem:s6+$0x670] =	vst v0  }
0x38: {  	[tilespmem:s6+$0x600] =	vst v0  }
0x39: {  	[tilespmem:s6+$0x610] =	vst v0  }
.Ltmp0:
0x3a: {  	[tilespmem:s6+$0x620] =	vst v0;
	(pc) =	sbr.rel @p0 .LBB2_2-.Ltmp0, $4  }
0x3b: {  	[tilespmem:s6+$0x630] =	vst v0  }
0x3c: {  	[tilespmem:s6+$0x640] =	vst v0  }
0x3d: {  	[tilespmem:s6+$0x650] =	vst v0  }
0x3e: {  	[tilespmem:s6+$0x660] =	vst v0;
	s6 =	sshra.s32 s7, $0x2;
	s7 =	sadd.s32 $0x200, s7  }
0x3f: {  	[tilespmem:s6+$0x670] =	vst v0  }
0x40: {  	[tilespmem:s6+$0x600] =	vst v0  }
0x41: {  	[tilespmem:s6+$0x610] =	vst v0  }
0x42: {  	[tilespmem:s6+$0x620] =	vst v0  }
0x43: {  	[tilespmem:s6+$0x630] =	vst v0  }
0x44: {  	[tilespmem:s6+$0x640] =	vst v0  }
0x45: {  	[tilespmem:s6+$0x650] =	vst v0  }
0x46: {  	[tilespmem:s6+$0x660] =	vst v0;
	s8 =	simm.s32 $0x600  }
0x47: {  	[spmem:s10] =	stream.linear.scatter [tilespmem:s8], [sflag:$0xA], $0x3C00, $0x38;
	[tilespmem:$0x1FA00] =	vst v63  }
0x48: {  	_ =	swait.ge [sflag:s9], $0x3C00  }
0x49: {  	s7 =	sld [smem:$0x7F8]  }
0x4a: {  	[sflag:s9] =	ssyncset.done $0x0  }
0x4b: {  	[sflag:s9] =	ssyncadd.s32 $0xFFFFC400  }
0x4c: {  	[spmem:s7] =	stream.linear.scatter [tilespmem:s8], [sflag:$0xA], $0x3C00, $0x38;
	[tilespmem:$0x1FA00] =	vst v63  }
0x4d: {  	_ =	swait.ge [sflag:s9], $0x3C00  }
0x4e: {  	s10 =	sld [smem:$0x7F9]  }
0x4f: {  	[sflag:s9] =	ssyncset.done $0x0  }
0x50: {  	[sflag:s9] =	ssyncadd.s32 $0xFFFFC400  }
0x51: {  	[spmem:s10] =	stream.linear.scatter [tilespmem:s8], [sflag:$0xA], $0x3C00, $0x38;
	[tilespmem:$0x1FA00] =	vst v63  }
0x52: {  	_ =	swait.ge [sflag:s9], $0x3C00  }
0x53: {  	s7 =	sld [smem:$0x7FA]  }
0x54: {  	[sflag:s9] =	ssyncset.done $0x0  }
0x55: {  	[sflag:s9] =	ssyncadd.s32 $0xFFFFC400  }
0x56: {  	[spmem:s7] =	stream.linear.scatter [tilespmem:s8], [sflag:$0xA], $0x3C00, $0x38;
	[tilespmem:$0x1FA00] =	vst v63  }
0x57: {  	_ =	swait.ge [sflag:s9], $0x3C00  }
0x58: {  	s10 =	sld [smem:$0x7FB]  }
0x59: {  	[sflag:s9] =	ssyncset.done $0x0  }
0x5a: {  	[sflag:s9] =	ssyncadd.s32 $0xFFFFC400  }
0x5b: {  	[spmem:s10] =	stream.linear.scatter [tilespmem:s8], [sflag:$0xA], $0x3C00, $0x38;
	[tilespmem:$0x1FA00] =	vst v63  }
0x5c: {  	_ =	swait.ge [sflag:s9], $0x3C00  }
0x5d: {  	s7 =	sld [smem:$0x7FC]  }
0x5e: {  	[sflag:s9] =	ssyncset.done $0x0  }
0x5f: {  	[sflag:s9] =	ssyncadd.s32 $0xFFFFC400  }
0x60: {  	[spmem:s7] =	stream.linear.scatter [tilespmem:s8], [sflag:$0xA], $0x1400, $0x38;
	[tilespmem:$0x1FA00] =	vst v63  }
0x61: {  	_ =	swait.ge [sflag:s9], $0x1400  }
0x62: {  	[sflag:s9] =	ssyncset.done $0x0  }
0x63: {  	[sflag:s9] =	ssyncadd.s32 $0xFFFFEC00  }
0x64: {  	[bflag:$0x0] =	sbarrier.arrive $0xFFFF  }
0x65: {  	s6 =	simm.s32 $0x0;
	s7 =	rddreg [dreg:$0xb]  }
0x66: {  	[tilespmem:s6], [sflag:$0x1] =	stream.linear.gather [hbm4b:s7+s6], $0x80, $0x38;
	[tilespmem:$0x1FA00] =	vst v63  }
0x67: {  	s10 =	rddreg [dreg:$0xc]  }
0x68: {  	[tilespmem:s13], [sflag:$0x1] =	stream.linear.gather [hbm4b:s10+s6], $0x80, $0x38;
	[tilespmem:$0x1FA00] =	vst v63  }
0x69: {  	s10 =	rddreg [dreg:$0xd]  }
0x6a: {  	[tilespmem:s12], [sflag:$0x2] =	stream.linear.gather [hbm4b:s10+s6], $0x80, $0x38;
	[tilespmem:$0x1FA00] =	vst v63  }
0x6b: {  	s10 =	rddreg [dreg:$0xe]  }
0x6c: {  	[tilespmem:s11], [sflag:$0x2] =	stream.linear.gather [hbm4b:s10+s6], $0x80, $0x38;
	[tilespmem:$0x1FA00] =	vst v63  }
0x6d: {  	s10 =	rddreg [dreg:$0xf]  }
0x6e: {  	[tilespmem:s14], [sflag:$0x3] =	stream.linear.gather [hbm4b:s10+s6], $0x80, $0x38;
	[tilespmem:$0x1FA00] =	vst v63  }
0x6f: {  	s10 =	rddreg [dreg:$0x10]  }
0x70: {  	[tilespmem:s15], [sflag:$0x3] =	stream.linear.gather [hbm4b:s10+s6], $0x80, $0x38;
	[tilespmem:$0x1FA00] =	vst v63  }
0x71: {  	s10 =	rddreg [dreg:$0x11]  }
0x72: {  	[tilespmem:s16], [sflag:$0x4] =	stream.linear.gather [hbm4b:s10+s6], $0x80, $0x38;
	[tilespmem:$0x1FA00] =	vst v63  }
0x73: {  	s10 =	rddreg [dreg:$0x12]  }
0x74: {  	[tilespmem:s21], [sflag:$0x4] =	stream.linear.gather [hbm4b:s10+s6], $0x80, $0x38;
	[tilespmem:$0x1FA00] =	vst v63  }
0x75: {  	_ =	swait.ge [sflag:s17], $0x80  }
0x76: {  	[sflag:s17] =	ssyncset.done $0x0  }
0x77: {  	[sflag:s17] =	ssyncadd.s32 $0xFFFFFF80  }
0x78: {  	_ =	swait.ge [sflag:s17], $0x80  }
0x79: {  	[sflag:s17] =	ssyncset.done $0x0  }
0x7a: {  	[sflag:s17] =	ssyncadd.s32 $0xFFFFFF80  }
0x7b: {  	[tilespmem:s8], [sflag:$0x7] =	stream.indirect.gather [hbm4b:s29+s18], $0x80, s6, s18, $0xb8;
	[tilespmem:$0x1FA00] =	vst v63  }
0x7c: {  	_ =	swait.ge [sflag:s19], $0x80  }
0x7d: {  	[sflag:s19] =	ssyncset.done $0x0  }
0x7e: {  	[sflag:s19] =	ssyncadd.s32 $0xFFFFFF80  }
0x7f: {  	_ =	swait.ge [sflag:s19], $0x80  }
0x80: {  	[sflag:s19] =	ssyncset.done $0x0  }
0x81: {  	[sflag:s19] =	ssyncadd.s32 $0xFFFFFF80  }
0x82: {  	[tilespmem:s20], [sflag:$0x8] =	stream.indirect.gather [hbm4b:s29+s18], $0x80, s12, s18, $0xb8;
	[tilespmem:$0x1FA00] =	vst v63  }
0x83: {  	s10 =	rddreg [dreg:$0x13]  }
0x84: {  	[tilespmem:s22], [sflag:$0x5] =	stream.linear.gather [hbm4b:s10+s6], $0x80, $0x38;
	[tilespmem:$0x1FA00] =	vst v63  }
0x85: {  	s10 =	rddreg [dreg:$0x14]  }
0x86: {  	[tilespmem:s26], [sflag:$0x5] =	stream.linear.gather [hbm4b:s10+s6], $0x80, $0x38;
	[tilespmem:$0x1FA00] =	vst v63  }
0x87: {  	_ =	swait.ge [sflag:s23], $0x80  }
0x88: {  	[sflag:s23] =	ssyncset.done $0x0  }
0x89: {  	[sflag:s23] =	ssyncadd.s32 $0xFFFFFF80  }
0x8a: {  	_ =	swait.ge [sflag:s23], $0x80  }
0x8b: {  	[sflag:s23] =	ssyncset.done $0x0  }
0x8c: {  	[sflag:s23] =	ssyncadd.s32 $0xFFFFFF80  }
0x8d: {  	[tilespmem:s24], [sflag:$0x9] =	stream.indirect.gather [hbm4b:s29+s18], $0x80, s14, s18, $0xb8;
	[tilespmem:$0x1FA00] =	vst v63  }
0x8e: {  	_ =	swait.ge [sflag:s25], $0x3C00  }
0x8f: {  	[sflag:s25] =	ssyncset.done $0x0  }
0x90: {  	[sflag:s25] =	ssyncadd.s32 $0xFFFFC400  }
0x91: {  	[spmem:s2] =	stream.indirect.scatter.add.f32 [tilespmem:s8], [sflag:$0xA], $0x80, s13, s18, $0xb8;
	[tilespmem:$0x1FA00] =	vst v63  }
0x92: {  	_ =	swait.ge [sflag:s9], $0x3C00  }
0x93: {  	[sflag:s9] =	ssyncset.done $0x0  }
0x94: {  	s10 =	rddreg [dreg:$0x15];
	[sflag:s9] =	ssyncadd.s32 $0xFFFFC400  }
0x95: {  	[tilespmem:s28], [sflag:$0x6] =	stream.linear.gather [hbm4b:s10+s6], $0x80, $0x38;
	[tilespmem:$0x1FA00] =	vst v63  }
0x96: {  	s10 =	rddreg [dreg:$0x16]  }
0x97: {  	[tilespmem:s30], [sflag:$0x6] =	stream.linear.gather [hbm4b:s10+s6], $0x80, $0x38;
	[tilespmem:$0x1FA00] =	vst v63  }
0x98: {  	_ =	swait.ge [sflag:s31], $0x80  }
0x99: {  	[sflag:s31] =	ssyncset.done $0x0  }
0x9a: {  	[sflag:s31] =	ssyncadd.s32 $0xFFFFFF80  }
0x9b: {  	_ =	swait.ge [sflag:s31], $0x80  }
0x9c: {  	[sflag:s31] =	ssyncset.done $0x0  }
0x9d: {  	[sflag:s31] =	ssyncadd.s32 $0xFFFFFF80  }
0x9e: {  	[tilespmem:s8], [sflag:$0x7] =	stream.indirect.gather [hbm4b:s29+s18], $0x80, s16, s18, $0xb8;
	[tilespmem:$0x1FA00] =	vst v63  }
0x9f: {  	_ =	swait.ge [sflag:s0], $0x3C00  }
0xa0: {  	[sflag:s0] =	ssyncset.done $0x0  }
0xa1: {  	[sflag:s0] =	ssyncadd.s32 $0xFFFFC400  }
0xa2: {  	[spmem:s2] =	stream.indirect.scatter.add.f32 [tilespmem:s20], [sflag:$0xA], $0x80, s11, s18, $0xb8;
	[tilespmem:$0x1FA00] =	vst v63  }
0xa3: {  	_ =	swait.ge [sflag:s9], $0x3C00  }
0xa4: {  	[sflag:s9] =	ssyncset.done $0x0  }
0xa5: {  	s10 =	rddreg [dreg:$0x17];
	[sflag:s9] =	ssyncadd.s32 $0xFFFFC400  }
0xa6: {  	[tilespmem:s6], [sflag:$0x1] =	stream.linear.gather [hbm4b:s10+s6], $0x80, $0x38;
	[tilespmem:$0x1FA00] =	vst v63  }
0xa7: {  	s10 =	rddreg [dreg:$0x18]  }
0xa8: {  	[tilespmem:s13], [sflag:$0x1] =	stream.linear.gather [hbm4b:s10+s6], $0x80, $0x38;
	[tilespmem:$0x1FA00] =	vst v63  }
0xa9: {  	_ =	swait.ge [sflag:s1], $0x80  }
0xaa: {  	[sflag:s1] =	ssyncset.done $0x0  }
0xab: {  	[sflag:s1] =	ssyncadd.s32 $0xFFFFFF80  }
0xac: {  	_ =	swait.ge [sflag:s1], $0x80  }
0xad: {  	[sflag:s1] =	ssyncset.done $0x0  }
0xae: {  	[sflag:s1] =	ssyncadd.s32 $0xFFFFFF80  }
0xaf: {  	[tilespmem:s20], [sflag:$0x8] =	stream.indirect.gather [hbm4b:s29+s18], $0x80, s22, s18, $0xb8;
	[tilespmem:$0x1FA00] =	vst v63  }
0xb0: {  	_ =	swait.ge [sflag:s4], $0x3C00  }
0xb1: {  	[sflag:s4] =	ssyncset.done $0x0  }
0xb2: {  	[sflag:s4] =	ssyncadd.s32 $0xFFFFC400  }
0xb3: {  	[spmem:s2] =	stream.indirect.scatter.add.f32 [tilespmem:s24], [sflag:$0xA], $0x80, s15, s18, $0xb8;
	[tilespmem:$0x1FA00] =	vst v63  }
0xb4: {  	_ =	swait.ge [sflag:s9], $0x3C00  }
0xb5: {  	[sflag:s9] =	ssyncset.done $0x0  }
0xb6: {  	s10 =	rddreg [dreg:$0x19];
	[sflag:s9] =	ssyncadd.s32 $0xFFFFC400  }
0xb7: {  	[tilespmem:s12], [sflag:$0x2] =	stream.linear.gather [hbm4b:s10+s6], $0x80, $0x38;
	[tilespmem:$0x1FA00] =	vst v63  }
0xb8: {  	s10 =	rddreg [dreg:$0x1a]  }
0xb9: {  	[tilespmem:s11], [sflag:$0x2] =	stream.linear.gather [hbm4b:s10+s6], $0x80, $0x38;
	[tilespmem:$0x1FA00] =	vst v63  }
0xba: {  	_ =	swait.ge [sflag:s5], $0x80  }
0xbb: {  	[sflag:s5] =	ssyncset.done $0x0  }
0xbc: {  	[sflag:s5] =	ssyncadd.s32 $0xFFFFFF80  }
0xbd: {  	_ =	swait.ge [sflag:s5], $0x80  }
0xbe: {  	[sflag:s5] =	ssyncset.done $0x0  }
0xbf: {  	[sflag:s5] =	ssyncadd.s32 $0xFFFFFF80  }
0xc0: {  	[tilespmem:s24], [sflag:$0x9] =	stream.indirect.gather [hbm4b:s29+s18], $0x80, s28, s18, $0xb8;
	[tilespmem:$0x1FA00] =	vst v63  }
0xc1: {  	_ =	swait.ge [sflag:s25], $0x3C00  }
0xc2: {  	[sflag:s25] =	ssyncset.done $0x0  }
0xc3: {  	[sflag:s25] =	ssyncadd.s32 $0xFFFFC400  }
0xc4: {  	[spmem:s2] =	stream.indirect.scatter.add.f32 [tilespmem:s8], [sflag:$0xA], $0x80, s21, s18, $0xb8;
	[tilespmem:$0x1FA00] =	vst v63  }
0xc5: {  	_ =	swait.ge [sflag:s9], $0x3C00  }
0xc6: {  	[sflag:s9] =	ssyncset.done $0x0  }
0xc7: {  	s10 =	rddreg [dreg:$0x1b];
	[sflag:s9] =	ssyncadd.s32 $0xFFFFC400  }
0xc8: {  	[tilespmem:s14], [sflag:$0x3] =	stream.linear.gather [hbm4b:s10+s6], $0x80, $0x38;
	[tilespmem:$0x1FA00] =	vst v63  }
0xc9: {  	s10 =	rddreg [dreg:$0x1c]  }
0xca: {  	[tilespmem:s15], [sflag:$0x3] =	stream.linear.gather [hbm4b:s10+s6], $0x80, $0x38;
	[tilespmem:$0x1FA00] =	vst v63  }
0xcb: {  	_ =	swait.ge [sflag:s17], $0x80  }
0xcc: {  	[sflag:s17] =	ssyncset.done $0x0  }
0xcd: {  	[sflag:s17] =	ssyncadd.s32 $0xFFFFFF80  }
0xce: {  	_ =	swait.ge [sflag:s17], $0x80  }
0xcf: {  	[sflag:s17] =	ssyncset.done $0x0  }
0xd0: {  	[sflag:s17] =	ssyncadd.s32 $0xFFFFFF80  }
0xd1: {  	[tilespmem:s8], [sflag:$0x7] =	stream.indirect.gather [hbm4b:s29+s18], $0x80, s6, s18, $0xb8;
	[tilespmem:$0x1FA00] =	vst v63  }
0xd2: {  	_ =	swait.ge [sflag:s0], $0x3C00  }
0xd3: {  	[sflag:s0] =	ssyncset.done $0x0  }
0xd4: {  	[sflag:s0] =	ssyncadd.s32 $0xFFFFC400  }
0xd5: {  	[spmem:s2] =	stream.indirect.scatter.add.f32 [tilespmem:s20], [sflag:$0xA], $0x80, s26, s18, $0xb8;
	[tilespmem:$0x1FA00] =	vst v63  }
0xd6: {  	_ =	swait.ge [sflag:s9], $0x3C00  }
0xd7: {  	[sflag:s9] =	ssyncset.done $0x0  }
0xd8: {  	s10 =	rddreg [dreg:$0x1d];
	[sflag:s9] =	ssyncadd.s32 $0xFFFFC400  }
0xd9: {  	[tilespmem:s16], [sflag:$0x4] =	stream.linear.gather [hbm4b:s10+s6], $0x80, $0x38;
	[tilespmem:$0x1FA00] =	vst v63  }
0xda: {  	s10 =	rddreg [dreg:$0x1e]  }
0xdb: {  	[tilespmem:s21], [sflag:$0x4] =	stream.linear.gather [hbm4b:s10+s6], $0x80, $0x38;
	[tilespmem:$0x1FA00] =	vst v63  }
0xdc: {  	_ =	swait.ge [sflag:s19], $0x80  }
0xdd: {  	[sflag:s19] =	ssyncset.done $0x0  }
0xde: {  	[sflag:s19] =	ssyncadd.s32 $0xFFFFFF80  }
0xdf: {  	_ =	swait.ge [sflag:s19], $0x80  }
0xe0: {  	[sflag:s19] =	ssyncset.done $0x0  }
0xe1: {  	[sflag:s19] =	ssyncadd.s32 $0xFFFFFF80  }
0xe2: {  	[tilespmem:s20], [sflag:$0x8] =	stream.indirect.gather [hbm4b:s29+s18], $0x80, s12, s18, $0xb8;
	[tilespmem:$0x1FA00] =	vst v63  }
0xe3: {  	_ =	swait.ge [sflag:s4], $0x3C00  }
0xe4: {  	[sflag:s4] =	ssyncset.done $0x0  }
0xe5: {  	[sflag:s4] =	ssyncadd.s32 $0xFFFFC400  }
0xe6: {  	[spmem:s2] =	stream.indirect.scatter.add.f32 [tilespmem:s24], [sflag:$0xA], $0x80, s30, s18, $0xb8;
	[tilespmem:$0x1FA00] =	vst v63  }
0xe7: {  	_ =	swait.ge [sflag:s9], $0x3C00  }
0xe8: {  	s7 =	rddreg [dreg:$0xa];
	[sflag:s9] =	ssyncset.done $0x0  }
0xe9: {  	s10 =	rddreg [dreg:$0x9];
	[sflag:s9] =	ssyncadd.s32 $0xFFFFC400;
	s6 =	sadd.s32 $0x0, s7  }
0xea: {  	[tilespmem:s22], [sflag:$0x5] =	stream.linear.gather [hbm4b:s6+s3], $0x80, $0x38;
	[tilespmem:$0x1FA00] =	vst v63  }
0xeb: {  	s10 =	sadd.s32 $0x0, s10  }
0xec: {  	[tilespmem:s26], [sflag:$0x5] =	stream.linear.gather [hbm4b:s10+s3], $0x80, $0x38;
	[tilespmem:$0x1FA00] =	vst v63  }
0xed: {  	_ =	swait.ge [sflag:s23], $0x80  }
0xee: {  	[sflag:s23] =	ssyncset.done $0x0  }
0xef: {  	[sflag:s23] =	ssyncadd.s32 $0xFFFFFF80  }
0xf0: {  	_ =	swait.ge [sflag:s23], $0x80  }
0xf1: {  	[sflag:s23] =	ssyncset.done $0x0  }
0xf2: {  	[sflag:s23] =	ssyncadd.s32 $0xFFFFFF80  }
0xf3: {  	[tilespmem:s24], [sflag:$0x9] =	stream.indirect.gather [hbm4b:s29+s18], $0x80, s14, s18, $0xb8;
	[tilespmem:$0x1FA00] =	vst v63  }
0xf4: {  	_ =	swait.ge [sflag:s25], $0x3C00  }
0xf5: {  	[sflag:s25] =	ssyncset.done $0x0  }
0xf6: {  	[sflag:s25] =	ssyncadd.s32 $0xFFFFC400  }
0xf7: {  	[spmem:s2] =	stream.indirect.scatter.add.f32 [tilespmem:s8], [sflag:$0xA], $0x80, s13, s18, $0xb8;
	[tilespmem:$0x1FA00] =	vst v63  }
0xf8: {  	_ =	swait.ge [sflag:s9], $0x3C00  }
0xf9: {  	s7 =	rddreg [dreg:$0x8];
	[sflag:s9] =	ssyncset.done $0x0  }
0xfa: {  	s10 =	rddreg [dreg:$0x7];
	[sflag:s9] =	ssyncadd.s32 $0xFFFFC400;
	s6 =	sadd.s32 $0x0, s7  }
0xfb: {  	[tilespmem:s28], [sflag:$0x6] =	stream.linear.gather [hbm4b:s6+s3], $0x80, $0x38;
	[tilespmem:$0x1FA00] =	vst v63  }
0xfc: {  	s7 =	sadd.s32 $0x0, s10  }
0xfd: {  	[tilespmem:s30], [sflag:$0x6] =	stream.linear.gather [hbm4b:s7+s3], $0x80, $0x38;
	[tilespmem:$0x1FA00] =	vst v63  }
0xfe: {  	_ =	swait.ge [sflag:s31], $0x80  }
0xff: {  	[sflag:s31] =	ssyncset.done $0x0  }
0x100: {  	[sflag:s31] =	ssyncadd.s32 $0xFFFFFF80  }
0x101: {  	_ =	swait.ge [sflag:s31], $0x80  }
0x102: {  	[sflag:s31] =	ssyncset.done $0x0  }
0x103: {  	[sflag:s31] =	ssyncadd.s32 $0xFFFFFF80  }
0x104: {  	[tilespmem:s8], [sflag:$0x7] =	stream.indirect.gather [hbm4b:s29+s18], $0x80, s16, s18, $0xb8;
	[tilespmem:$0x1FA00] =	vst v63  }
0x105: {  	_ =	swait.ge [sflag:s0], $0x3C00  }
0x106: {  	[sflag:s0] =	ssyncset.done $0x0  }
0x107: {  	[sflag:s0] =	ssyncadd.s32 $0xFFFFC400  }
0x108: {  	[spmem:s2] =	stream.indirect.scatter.add.f32 [tilespmem:s20], [sflag:$0xA], $0x80, s11, s18, $0xb8;
	[tilespmem:$0x1FA00] =	vst v63  }
0x109: {  	_ =	swait.ge [sflag:s9], $0x3C00  }
0x10a: {  	s8 =	rddreg [dreg:$0x4];
	[sflag:s9] =	ssyncset.done $0x0  }
0x10b: {  	s10 =	rddreg [dreg:$0x3];
	[sflag:s9] =	ssyncadd.s32 $0xFFFFC400;
	s6 =	sadd.s32 $0x0, s8  }
0x10c: {  	[tilespmem:s3], [sflag:$0x1] =	stream.linear.gather [hbm4b:s6+s3], $0x80, $0x38;
	[tilespmem:$0x1FA00] =	vst v63  }
0x10d: {  	s7 =	sadd.s32 $0x0, s10  }
0x10e: {  	[tilespmem:s13], [sflag:$0x1] =	stream.linear.gather [hbm4b:s7+s3], $0x80, $0x38;
	[tilespmem:$0x1FA00] =	vst v63  }
0x10f: {  	_ =	swait.ge [sflag:s1], $0x80  }
0x110: {  	[sflag:s1] =	ssyncset.done $0x0  }
0x111: {  	[sflag:s1] =	ssyncadd.s32 $0xFFFFFF80  }
0x112: {  	_ =	swait.ge [sflag:s1], $0x80  }
0x113: {  	[sflag:s1] =	ssyncset.done $0x0  }
0x114: {  	[sflag:s1] =	ssyncadd.s32 $0xFFFFFF80  }
0x115: {  	[tilespmem:s20], [sflag:$0x8] =	stream.indirect.gather [hbm4b:s29+s18], $0x80, s22, s18, $0xb8;
	[tilespmem:$0x1FA00] =	vst v63  }
0x116: {  	_ =	swait.ge [sflag:s4], $0x3C00  }
0x117: {  	[sflag:s4] =	ssyncset.done $0x0  }
0x118: {  	[sflag:s4] =	ssyncadd.s32 $0xFFFFC400  }
0x119: {  	[spmem:s2] =	stream.indirect.scatter.add.f32 [tilespmem:s24], [sflag:$0xA], $0x80, s15, s18, $0xb8;
	[tilespmem:$0x1FA00] =	vst v63  }
0x11a: {  	_ =	swait.ge [sflag:s9], $0x3C00  }
0x11b: {  	[sflag:s9] =	ssyncset.done $0x0  }
0x11c: {  	s8 =	sadd.s32 $0x10, s6;
	[sflag:s9] =	ssyncadd.s32 $0xFFFFC400  }
0x11d: {  	[tilespmem:s12], [sflag:$0x2] =	stream.linear.gather [hbm4b:s8+s3], $0x80, $0x38;
	[tilespmem:$0x1FA00] =	vst v63  }
0x11e: {  	s8 =	sadd.s32 $0x10, s7  }
0x11f: {  	[tilespmem:s11], [sflag:$0x2] =	stream.linear.gather [hbm4b:s8+s3], $0x80, $0x38;
	[tilespmem:$0x1FA00] =	vst v63  }
0x120: {  	_ =	swait.ge [sflag:s5], $0x80  }
0x121: {  	[sflag:s5] =	ssyncset.done $0x0  }
0x122: {  	[sflag:s5] =	ssyncadd.s32 $0xFFFFFF80  }
0x123: {  	_ =	swait.ge [sflag:s5], $0x80  }
0x124: {  	[sflag:s5] =	ssyncset.done $0x0  }
0x125: {  	[sflag:s5] =	ssyncadd.s32 $0xFFFFFF80  }
0x126: {  	[tilespmem:s24], [sflag:$0x9] =	stream.indirect.gather [hbm4b:s29+s18], $0x80, s28, s18, $0xb8;
	[tilespmem:$0x1FA00] =	vst v63  }
0x127: {  	_ =	swait.ge [sflag:s25], $0x3C00  }
0x128: {  	[sflag:s25] =	ssyncset.done $0x0  }
0x129: {  	s22 =	simm.s32 $0x600;
	[sflag:s25] =	ssyncadd.s32 $0xFFFFC400  }
0x12a: {  	[spmem:s2] =	stream.indirect.scatter.add.f32 [tilespmem:s22], [sflag:$0xA], $0x80, s21, s18, $0xb8;
	[tilespmem:$0x1FA00] =	vst v63  }
0x12b: {  	_ =	swait.ge [sflag:s9], $0x3C00  }
0x12c: {  	s28 =	rddreg [dreg:$0x6];
	[sflag:s9] =	ssyncset.done $0x0  }
0x12d: {  	s8 =	rddreg [dreg:$0x5];
	[sflag:s9] =	ssyncadd.s32 $0xFFFFC400;
	s10 =	sadd.s32 $0x0, s28  }
0x12e: {  	[tilespmem:s14], [sflag:$0x3] =	stream.linear.gather [hbm4b:s10+s3], $0x80, $0x38;
	[tilespmem:$0x1FA00] =	vst v63  }
0x12f: {  	s14 =	sadd.s32 $0x0, s8  }
0x130: {  	[tilespmem:s15], [sflag:$0x3] =	stream.linear.gather [hbm4b:s14+s3], $0x80, $0x38;
	[tilespmem:$0x1FA00] =	vst v63  }
0x131: {  	_ =	swait.ge [sflag:s17], $0x80  }
0x132: {  	[sflag:s17] =	ssyncset.done $0x0  }
0x133: {  	[sflag:s17] =	ssyncadd.s32 $0xFFFFFF80  }
0x134: {  	_ =	swait.ge [sflag:s17], $0x80  }
0x135: {  	[sflag:s17] =	ssyncset.done $0x0  }
0x136: {  	[sflag:s17] =	ssyncadd.s32 $0xFFFFFF80  }
0x137: {  	[tilespmem:s22], [sflag:$0x7] =	stream.indirect.gather [hbm4b:s29+s18], $0x80, s3, s18, $0xb8;
	[tilespmem:$0x1FA00] =	vst v63  }
0x138: {  	_ =	swait.ge [sflag:s0], $0x3C00  }
0x139: {  	[sflag:s0] =	ssyncset.done $0x0  }
0x13a: {  	[sflag:s0] =	ssyncadd.s32 $0xFFFFC400  }
0x13b: {  	[spmem:s2] =	stream.indirect.scatter.add.f32 [tilespmem:s20], [sflag:$0xA], $0x80, s26, s18, $0xb8;
	[tilespmem:$0x1FA00] =	vst v63  }
0x13c: {  	_ =	swait.ge [sflag:s9], $0x3C00  }
0x13d: {  	[sflag:s9] =	ssyncset.done $0x0  }
0x13e: {  	s6 =	sadd.s32 $0x30, s6;
	[sflag:s9] =	ssyncadd.s32 $0xFFFFC400  }
0x13f: {  	[tilespmem:s16], [sflag:$0x4] =	stream.linear.gather [hbm4b:s6+s3], $0x80, $0x38;
	[tilespmem:$0x1FA00] =	vst v63  }
0x140: {  	s28 =	sadd.s32 $0x30, s7  }
0x141: {  	[tilespmem:s21], [sflag:$0x4] =	stream.linear.gather [hbm4b:s28+s3], $0x80, $0x38;
	[tilespmem:$0x1FA00] =	vst v63  }
0x142: {  	_ =	swait.ge [sflag:s19], $0x80  }
0x143: {  	[sflag:s19] =	ssyncset.done $0x0  }
0x144: {  	[sflag:s19] =	ssyncadd.s32 $0xFFFFFF80  }
0x145: {  	_ =	swait.ge [sflag:s19], $0x80  }
0x146: {  	[sflag:s19] =	ssyncset.done $0x0  }
0x147: {  	[sflag:s19] =	ssyncadd.s32 $0xFFFFFF80  }
0x148: {  	[tilespmem:s20], [sflag:$0x8] =	stream.indirect.gather [hbm4b:s29+s18], $0x80, s12, s18, $0xb8;
	[tilespmem:$0x1FA00] =	vst v63  }
0x149: {  	_ =	swait.ge [sflag:s4], $0x3C00  }
0x14a: {  	[sflag:s4] =	ssyncset.done $0x0  }
0x14b: {  	s7 =	simm.s32 $0x60;
	[sflag:s4] =	ssyncadd.s32 $0xFFFFC400  }
0x14c: {  	[spmem:s2] =	stream.indirect.scatter.add.f32 [tilespmem:s24], [sflag:$0xA], $0x80, s30, s18, $0xb8;
	[tilespmem:$0x1FA00] =	vst v63  }
0x14d: {  	s14 =	simm.s32 $0x80;
	s16 =	simm.s32 $0x100;
	_ =	swait.ge [sflag:s9], $0x3C00  }
0x14e: {  	s30 =	simm.s32 $0xC0;
	s10 =	rddreg [dreg:$0xa];
	[sflag:s9] =	ssyncset.done $0x0  }
.LBB2_4:
0x14f: {  	[sflag:s9] =	ssyncadd.s32 $0xFFFFC400  }
0x150: {  	s11 =	rddreg [dreg:$0x9];
	s10 =	sadd.s32 s7, s10;
	s12 =	simm.s32 $0x200  }
0x151: {  	[tilespmem:s12], [sflag:$0x5] =	stream.linear.gather [hbm4b:s10+s3], $0x80, $0x38;
	[tilespmem:$0x1FA00] =	vst v63  }
0x152: {  	s21 =	simm.s32 $0x500;
	s11 =	sadd.s32 s7, s11  }
0x153: {  	[tilespmem:s21], [sflag:$0x5] =	stream.linear.gather [hbm4b:s11+s3], $0x80, $0x38;
	[tilespmem:$0x1FA00] =	vst v63  }
0x154: {  	_ =	swait.ge [sflag:s23], $0x80  }
0x155: {  	[sflag:s23] =	ssyncset.done $0x0  }
0x156: {  	[sflag:s23] =	ssyncadd.s32 $0xFFFFFF80  }
0x157: {  	_ =	swait.ge [sflag:s23], $0x80  }
0x158: {  	[sflag:s23] =	ssyncset.done $0x0  }
0x159: {  	[sflag:s23] =	ssyncadd.s32 $0xFFFFFF80  }
0x15a: {  	[tilespmem:s24], [sflag:$0x9] =	stream.indirect.gather [hbm4b:s29+s18], $0x80, s16, s18, $0xb8;
	[tilespmem:$0x1FA00] =	vst v63  }
0x15b: {  	_ =	swait.ge [sflag:s25], $0x3C00  }
0x15c: {  	[sflag:s25] =	ssyncset.done $0x0  }
0x15d: {  	[sflag:s25] =	ssyncadd.s32 $0xFFFFC400  }
0x15e: {  	[spmem:s2] =	stream.indirect.scatter.add.f32 [tilespmem:s22], [sflag:$0xA], $0x80, s13, s18, $0xb8;
	[tilespmem:$0x1FA00] =	vst v63  }
0x15f: {  	_ =	swait.ge [sflag:s9], $0x3C00  }
0x160: {  	s28 =	simm.s32 $0x280;
	s15 =	rddreg [dreg:$0x8];
	[sflag:s9] =	ssyncset.done $0x0  }
0x161: {  	s26 =	rddreg [dreg:$0x7];
	[sflag:s9] =	ssyncadd.s32 $0xFFFFC400;
	s10 =	sadd.s32 s7, s15  }
0x162: {  	[tilespmem:s28], [sflag:$0x6] =	stream.linear.gather [hbm4b:s10+s3], $0x80, $0x38;
	[tilespmem:$0x1FA00] =	vst v63  }
0x163: {  	s8 =	sadd.s32 s7, s26;
	s26 =	simm.s32 $0x580  }
0x164: {  	[tilespmem:s26], [sflag:$0x6] =	stream.linear.gather [hbm4b:s8+s3], $0x80, $0x38;
	[tilespmem:$0x1FA00] =	vst v63  }
0x165: {  	_ =	swait.ge [sflag:s31], $0x80  }
0x166: {  	[sflag:s31] =	ssyncset.done $0x0  }
0x167: {  	[sflag:s31] =	ssyncadd.s32 $0xFFFFFF80  }
0x168: {  	_ =	swait.ge [sflag:s31], $0x80  }
0x169: {  	[sflag:s31] =	ssyncset.done $0x0  }
0x16a: {  	s8 =	simm.s32 $0x180;
	[sflag:s31] =	ssyncadd.s32 $0xFFFFFF80  }
0x16b: {  	[tilespmem:s22], [sflag:$0x7] =	stream.indirect.gather [hbm4b:s29+s18], $0x80, s8, s18, $0xb8;
	[tilespmem:$0x1FA00] =	vst v63  }
0x16c: {  	_ =	swait.ge [sflag:s0], $0x3C00  }
0x16d: {  	[sflag:s0] =	ssyncset.done $0x0  }
0x16e: {  	s22 =	simm.s32 $0x380;
	[sflag:s0] =	ssyncadd.s32 $0xFFFFC400  }
0x16f: {  	[spmem:s2] =	stream.indirect.scatter.add.f32 [tilespmem:s20], [sflag:$0xA], $0x80, s22, s18, $0xb8;
	[tilespmem:$0x1FA00] =	vst v63  }
0x170: {  	_ =	swait.ge [sflag:s9], $0x3C00  }
0x171: {  	s11 =	rddreg [dreg:$0x4];
	[sflag:s9] =	ssyncset.done $0x0  }
0x172: {  	s15 =	rddreg [dreg:$0x3];
	[sflag:s9] =	ssyncadd.s32 $0xFFFFC400;
	s10 =	sadd.s32 s7, s11  }
0x173: {  	[tilespmem:s3], [sflag:$0x1] =	stream.linear.gather [hbm4b:s10+s3], $0x80, $0x38;
	[tilespmem:$0x1FA00] =	vst v63  }
0x174: {  	s11 =	sadd.s32 s7, s15  }
0x175: {  	[tilespmem:s13], [sflag:$0x1] =	stream.linear.gather [hbm4b:s11+s3], $0x80, $0x38;
	[tilespmem:$0x1FA00] =	vst v63  }
0x176: {  	_ =	swait.ge [sflag:s1], $0x80  }
0x177: {  	[sflag:s1] =	ssyncset.done $0x0  }
0x178: {  	[sflag:s1] =	ssyncadd.s32 $0xFFFFFF80  }
0x179: {  	_ =	swait.ge [sflag:s1], $0x80  }
0x17a: {  	[sflag:s1] =	ssyncset.done $0x0  }
0x17b: {  	[sflag:s1] =	ssyncadd.s32 $0xFFFFFF80  }
0x17c: {  	[tilespmem:s20], [sflag:$0x8] =	stream.indirect.gather [hbm4b:s29+s18], $0x80, s12, s18, $0xb8;
	[tilespmem:$0x1FA00] =	vst v63  }
0x17d: {  	_ =	swait.ge [sflag:s4], $0x3C00  }
0x17e: {  	[sflag:s4] =	ssyncset.done $0x0  }
0x17f: {  	s15 =	simm.s32 $0x400;
	[sflag:s4] =	ssyncadd.s32 $0xFFFFC400  }
0x180: {  	[spmem:s2] =	stream.indirect.scatter.add.f32 [tilespmem:s24], [sflag:$0xA], $0x80, s15, s18, $0xb8;
	[tilespmem:$0x1FA00] =	vst v63  }
0x181: {  	_ =	swait.ge [sflag:s9], $0x3C00  }
0x182: {  	[sflag:s9] =	ssyncset.done $0x0  }
0x183: {  	s13 =	sadd.s32 $0x10, s10;
	[sflag:s9] =	ssyncadd.s32 $0xFFFFC400  }
0x184: {  	[tilespmem:s14], [sflag:$0x2] =	stream.linear.gather [hbm4b:s13+s3], $0x80, $0x38;
	[tilespmem:$0x1FA00] =	vst v63  }
0x185: {  	s13 =	sadd.s32 $0x10, s11  }
0x186: {  	[tilespmem:s22], [sflag:$0x2] =	stream.linear.gather [hbm4b:s13+s3], $0x80, $0x38;
	[tilespmem:$0x1FA00] =	vst v63  }
0x187: {  	_ =	swait.ge [sflag:s5], $0x80  }
0x188: {  	[sflag:s5] =	ssyncset.done $0x0  }
0x189: {  	[sflag:s5] =	ssyncadd.s32 $0xFFFFFF80  }
0x18a: {  	_ =	swait.ge [sflag:s5], $0x80  }
0x18b: {  	[sflag:s5] =	ssyncset.done $0x0  }
0x18c: {  	[sflag:s5] =	ssyncadd.s32 $0xFFFFFF80  }
0x18d: {  	[tilespmem:s24], [sflag:$0x9] =	stream.indirect.gather [hbm4b:s29+s18], $0x80, s28, s18, $0xb8;
	[tilespmem:$0x1FA00] =	vst v63  }
0x18e: {  	_ =	swait.ge [sflag:s25], $0x3C00  }
0x18f: {  	[sflag:s25] =	ssyncset.done $0x0  }
0x190: {  	s22 =	simm.s32 $0x600;
	s28 =	simm.s32 $0x480;
	[sflag:s25] =	ssyncadd.s32 $0xFFFFC400  }
0x191: {  	[spmem:s2] =	stream.indirect.scatter.add.f32 [tilespmem:s22], [sflag:$0xA], $0x80, s28, s18, $0xb8;
	[tilespmem:$0x1FA00] =	vst v63  }
0x192: {  	_ =	swait.ge [sflag:s9], $0x3C00  }
0x193: {  	s12 =	rddreg [dreg:$0x6];
	[sflag:s9] =	ssyncset.done $0x0  }
0x194: {  	s13 =	rddreg [dreg:$0x5];
	[sflag:s9] =	ssyncadd.s32 $0xFFFFC400;
	s12 =	sadd.s32 s7, s12  }
0x195: {  	[tilespmem:s16], [sflag:$0x3] =	stream.linear.gather [hbm4b:s12+s3], $0x80, $0x38;
	[tilespmem:$0x1FA00] =	vst v63  }
0x196: {  	s12 =	sadd.s32 s7, s13  }
0x197: {  	[tilespmem:s15], [sflag:$0x3] =	stream.linear.gather [hbm4b:s12+s3], $0x80, $0x38;
	[tilespmem:$0x1FA00] =	vst v63  }
0x198: {  	_ =	swait.ge [sflag:s17], $0x80  }
0x199: {  	[sflag:s17] =	ssyncset.done $0x0  }
0x19a: {  	[sflag:s17] =	ssyncadd.s32 $0xFFFFFF80  }
0x19b: {  	_ =	swait.ge [sflag:s17], $0x80  }
0x19c: {  	[sflag:s17] =	ssyncset.done $0x0  }
0x19d: {  	[sflag:s17] =	ssyncadd.s32 $0xFFFFFF80  }
0x19e: {  	[tilespmem:s22], [sflag:$0x7] =	stream.indirect.gather [hbm4b:s29+s18], $0x80, s3, s18, $0xb8;
	[tilespmem:$0x1FA00] =	vst v63  }
0x19f: {  	_ =	swait.ge [sflag:s0], $0x3C00  }
0x1a0: {  	[sflag:s0] =	ssyncset.done $0x0  }
0x1a1: {  	[sflag:s0] =	ssyncadd.s32 $0xFFFFC400  }
0x1a2: {  	[spmem:s2] =	stream.indirect.scatter.add.f32 [tilespmem:s20], [sflag:$0xA], $0x80, s21, s18, $0xb8;
	[tilespmem:$0x1FA00] =	vst v63  }
0x1a3: {  	_ =	swait.ge [sflag:s9], $0x3C00  }
0x1a4: {  	[sflag:s9] =	ssyncset.done $0x0  }
0x1a5: {  	s15 =	sadd.s32 $0x30, s10;
	[sflag:s9] =	ssyncadd.s32 $0xFFFFC400  }
0x1a6: {  	[tilespmem:s8], [sflag:$0x4] =	stream.linear.gather [hbm4b:s15+s3], $0x80, $0x38;
	[tilespmem:$0x1FA00] =	vst v63  }
0x1a7: {  	s21 =	sadd.s32 $0x30, s11  }
0x1a8: {  	[tilespmem:s28], [sflag:$0x4] =	stream.linear.gather [hbm4b:s21+s3], $0x80, $0x38;
	[tilespmem:$0x1FA00] =	vst v63  }
0x1a9: {  	_ =	swait.ge [sflag:s19], $0x80  }
0x1aa: {  	[sflag:s19] =	ssyncset.done $0x0  }
0x1ab: {  	[sflag:s19] =	ssyncadd.s32 $0xFFFFFF80  }
0x1ac: {  	_ =	swait.ge [sflag:s19], $0x80  }
0x1ad: {  	[sflag:s19] =	ssyncset.done $0x0  }
0x1ae: {  	[sflag:s19] =	ssyncadd.s32 $0xFFFFFF80  }
0x1af: {  	[tilespmem:s20], [sflag:$0x8] =	stream.indirect.gather [hbm4b:s29+s18], $0x80, s14, s18, $0xb8;
	[tilespmem:$0x1FA00] =	vst v63  }
0x1b0: {  	p0 =	sne.s32 s30, $0x420;
	_ =	swait.ge [sflag:s4], $0x3C00  }
.Ltmp1:
0x1b1: {  	[sflag:s4] =	ssyncset.done $0x0;
	(pc) =	sbr.rel @p0 .LBB2_4-.Ltmp1, $4  }
0x1b2: {  	s6 =	smov.u32 s30;
	[sflag:s4] =	ssyncadd.s32 $0xFFFFC400  }
0x1b3: {  	[spmem:s2] =	stream.indirect.scatter.add.f32 [tilespmem:s24], [sflag:$0xA], $0x80, s26, s18, $0xb8;
	[tilespmem:$0x1FA00] =	vst v63  }
0x1b4: {  	s30 =	sadd.s32 $0x60, s30;
	s13 =	simm.s32 $0x300;
	_ =	swait.ge [sflag:s9], $0x3C00  }
0x1b5: {  	s7 =	smov.u32 s6;
	s10 =	rddreg [dreg:$0xa];
	[sflag:s9] =	ssyncset.done $0x0  }
0x1b6: {  	s6 =	rddreg [dreg:$0x9]  }
0x1b7: {  	[sflag:s9] =	ssyncadd.s32 $0xFFFFC400;
	s10 =	sadd.s32 s7, s10;
	s26 =	simm.s32 $0x200  }
0x1b8: {  	[tilespmem:s26], [sflag:$0x5] =	stream.linear.gather [hbm4b:s10+s3], $0x80, $0x38;
	[tilespmem:$0x1FA00] =	vst v63  }
0x1b9: {  	s8 =	simm.s32 $0x500;
	s6 =	sadd.s32 s7, s6  }
0x1ba: {  	[tilespmem:s8], [sflag:$0x5] =	stream.linear.gather [hbm4b:s6+s3], $0x80, $0x38;
	[tilespmem:$0x1FA00] =	vst v63  }
0x1bb: {  	_ =	swait.ge [sflag:s23], $0x80  }
0x1bc: {  	[sflag:s23] =	ssyncset.done $0x0  }
0x1bd: {  	[sflag:s23] =	ssyncadd.s32 $0xFFFFFF80  }
0x1be: {  	_ =	swait.ge [sflag:s23], $0x80  }
0x1bf: {  	[sflag:s23] =	ssyncset.done $0x0  }
0x1c0: {  	[sflag:s23] =	ssyncadd.s32 $0xFFFFFF80  }
0x1c1: {  	[tilespmem:s24], [sflag:$0x9] =	stream.indirect.gather [hbm4b:s29+s18], $0x80, s16, s18, $0xb8;
	[tilespmem:$0x1FA00] =	vst v63  }
0x1c2: {  	_ =	swait.ge [sflag:s25], $0x3C00  }
0x1c3: {  	[sflag:s25] =	ssyncset.done $0x0  }
0x1c4: {  	[sflag:s25] =	ssyncadd.s32 $0xFFFFC400  }
0x1c5: {  	[spmem:s2] =	stream.indirect.scatter.add.f32 [tilespmem:s22], [sflag:$0xA], $0x80, s13, s18, $0xb8;
	[tilespmem:$0x1FA00] =	vst v63  }
0x1c6: {  	_ =	swait.ge [sflag:s9], $0x3C00  }
0x1c7: {  	s28 =	simm.s32 $0x280;
	s11 =	rddreg [dreg:$0x8];
	[sflag:s9] =	ssyncset.done $0x0  }
0x1c8: {  	s12 =	rddreg [dreg:$0x7];
	[sflag:s9] =	ssyncadd.s32 $0xFFFFC400;
	s6 =	sadd.s32 s7, s11  }
0x1c9: {  	[tilespmem:s28], [sflag:$0x6] =	stream.linear.gather [hbm4b:s6+s3], $0x80, $0x38;
	[tilespmem:$0x1FA00] =	vst v63  }
0x1ca: {  	s21 =	simm.s32 $0x580;
	s15 =	sadd.s32 s7, s12  }
0x1cb: {  	[tilespmem:s21], [sflag:$0x6] =	stream.linear.gather [hbm4b:s15+s3], $0x80, $0x38;
	[tilespmem:$0x1FA00] =	vst v63  }
0x1cc: {  	_ =	swait.ge [sflag:s31], $0x80  }
0x1cd: {  	[sflag:s31] =	ssyncset.done $0x0  }
0x1ce: {  	[sflag:s31] =	ssyncadd.s32 $0xFFFFFF80  }
0x1cf: {  	_ =	swait.ge [sflag:s31], $0x80  }
0x1d0: {  	[sflag:s31] =	ssyncset.done $0x0  }
0x1d1: {  	s8 =	simm.s32 $0x180;
	[sflag:s31] =	ssyncadd.s32 $0xFFFFFF80  }
0x1d2: {  	[tilespmem:s22], [sflag:$0x7] =	stream.indirect.gather [hbm4b:s29+s18], $0x80, s8, s18, $0xb8;
	[tilespmem:$0x1FA00] =	vst v63  }
0x1d3: {  	_ =	swait.ge [sflag:s0], $0x3C00  }
0x1d4: {  	[sflag:s0] =	ssyncset.done $0x0  }
0x1d5: {  	s15 =	simm.s32 $0x380;
	[sflag:s0] =	ssyncadd.s32 $0xFFFFC400  }
0x1d6: {  	[spmem:s2] =	stream.indirect.scatter.add.f32 [tilespmem:s20], [sflag:$0xA], $0x80, s15, s18, $0xb8;
	[tilespmem:$0x1FA00] =	vst v63  }
0x1d7: {  	_ =	swait.ge [sflag:s9], $0x3C00  }
0x1d8: {  	s10 =	rddreg [dreg:$0x4];
	[sflag:s9] =	ssyncset.done $0x0  }
0x1d9: {  	s11 =	rddreg [dreg:$0x3];
	[sflag:s9] =	ssyncadd.s32 $0xFFFFC400;
	s6 =	sadd.s32 s7, s10  }
0x1da: {  	[tilespmem:s3], [sflag:$0x1] =	stream.linear.gather [hbm4b:s6+s3], $0x80, $0x38;
	[tilespmem:$0x1FA00] =	vst v63  }
0x1db: {  	s10 =	sadd.s32 s7, s11  }
0x1dc: {  	[tilespmem:s13], [sflag:$0x1] =	stream.linear.gather [hbm4b:s10+s3], $0x80, $0x38;
	[tilespmem:$0x1FA00] =	vst v63  }
0x1dd: {  	_ =	swait.ge [sflag:s1], $0x80  }
0x1de: {  	[sflag:s1] =	ssyncset.done $0x0  }
0x1df: {  	[sflag:s1] =	ssyncadd.s32 $0xFFFFFF80  }
0x1e0: {  	_ =	swait.ge [sflag:s1], $0x80  }
0x1e1: {  	[sflag:s1] =	ssyncset.done $0x0  }
0x1e2: {  	[sflag:s1] =	ssyncadd.s32 $0xFFFFFF80  }
0x1e3: {  	[tilespmem:s20], [sflag:$0x8] =	stream.indirect.gather [hbm4b:s29+s18], $0x80, s26, s18, $0xb8;
	[tilespmem:$0x1FA00] =	vst v63  }
0x1e4: {  	_ =	swait.ge [sflag:s4], $0x3C00  }
0x1e5: {  	[sflag:s4] =	ssyncset.done $0x0  }
0x1e6: {  	s21 =	simm.s32 $0x400;
	[sflag:s4] =	ssyncadd.s32 $0xFFFFC400  }
0x1e7: {  	[spmem:s2] =	stream.indirect.scatter.add.f32 [tilespmem:s24], [sflag:$0xA], $0x80, s21, s18, $0xb8;
	[tilespmem:$0x1FA00] =	vst v63  }
0x1e8: {  	_ =	swait.ge [sflag:s9], $0x3C00  }
0x1e9: {  	[sflag:s9] =	ssyncset.done $0x0  }
0x1ea: {  	s11 =	sadd.s32 $0x10, s6;
	[sflag:s9] =	ssyncadd.s32 $0xFFFFC400  }
0x1eb: {  	[tilespmem:s14], [sflag:$0x2] =	stream.linear.gather [hbm4b:s11+s3], $0x80, $0x38;
	[tilespmem:$0x1FA00] =	vst v63  }
0x1ec: {  	s12 =	sadd.s32 $0x10, s10  }
0x1ed: {  	[tilespmem:s15], [sflag:$0x2] =	stream.linear.gather [hbm4b:s12+s3], $0x80, $0x38;
	[tilespmem:$0x1FA00] =	vst v63  }
0x1ee: {  	_ =	swait.ge [sflag:s5], $0x80  }
0x1ef: {  	[sflag:s5] =	ssyncset.done $0x0  }
0x1f0: {  	[sflag:s5] =	ssyncadd.s32 $0xFFFFFF80  }
0x1f1: {  	_ =	swait.ge [sflag:s5], $0x80  }
0x1f2: {  	[sflag:s5] =	ssyncset.done $0x0  }
0x1f3: {  	[sflag:s5] =	ssyncadd.s32 $0xFFFFFF80  }
0x1f4: {  	[tilespmem:s24], [sflag:$0x9] =	stream.indirect.gather [hbm4b:s29+s18], $0x80, s28, s18, $0xb8;
	[tilespmem:$0x1FA00] =	vst v63  }
0x1f5: {  	_ =	swait.ge [sflag:s25], $0x3C00  }
0x1f6: {  	[sflag:s25] =	ssyncset.done $0x0  }
0x1f7: {  	s30 =	simm.s32 $0x480;
	[sflag:s25] =	ssyncadd.s32 $0xFFFFC400  }
0x1f8: {  	[spmem:s2] =	stream.indirect.scatter.add.f32 [tilespmem:s22], [sflag:$0xA], $0x80, s30, s18, $0xb8;
	[tilespmem:$0x1FA00] =	vst v63  }
0x1f9: {  	_ =	swait.ge [sflag:s9], $0x3C00  }
0x1fa: {  	s11 =	rddreg [dreg:$0x6];
	[sflag:s9] =	ssyncset.done $0x0  }
0x1fb: {  	s12 =	rddreg [dreg:$0x5];
	[sflag:s9] =	ssyncadd.s32 $0xFFFFC400;
	s11 =	sadd.s32 s7, s11  }
0x1fc: {  	[tilespmem:s16], [sflag:$0x3] =	stream.linear.gather [hbm4b:s11+s3], $0x80, $0x38;
	[tilespmem:$0x1FA00] =	vst v63  }
0x1fd: {  	s12 =	sadd.s32 s7, s12  }
0x1fe: {  	[tilespmem:s21], [sflag:$0x3] =	stream.linear.gather [hbm4b:s12+s3], $0x80, $0x38;
	[tilespmem:$0x1FA00] =	vst v63  }
0x1ff: {  	_ =	swait.ge [sflag:s17], $0x80  }
0x200: {  	[sflag:s17] =	ssyncset.done $0x0  }
0x201: {  	[sflag:s17] =	ssyncadd.s32 $0xFFFFFF80  }
0x202: {  	_ =	swait.ge [sflag:s17], $0x80  }
0x203: {  	[sflag:s17] =	ssyncset.done $0x0  }
0x204: {  	[sflag:s17] =	ssyncadd.s32 $0xFFFFFF80  }
0x205: {  	[tilespmem:s22], [sflag:$0x7] =	stream.indirect.gather [hbm4b:s29+s18], $0x80, s3, s18, $0xb8;
	[tilespmem:$0x1FA00] =	vst v63  }
0x206: {  	_ =	swait.ge [sflag:s0], $0x3C00  }
0x207: {  	[sflag:s0] =	ssyncset.done $0x0  }
0x208: {  	s7 =	simm.s32 $0x500;
	[sflag:s0] =	ssyncadd.s32 $0xFFFFC400  }
0x209: {  	[spmem:s2] =	stream.indirect.scatter.add.f32 [tilespmem:s20], [sflag:$0xA], $0x80, s7, s18, $0xb8;
	[tilespmem:$0x1FA00] =	vst v63  }
0x20a: {  	_ =	swait.ge [sflag:s9], $0x3C00  }
0x20b: {  	[sflag:s9] =	ssyncset.done $0x0  }
0x20c: {  	s6 =	sadd.s32 $0x30, s6;
	[sflag:s9] =	ssyncadd.s32 $0xFFFFC400  }
0x20d: {  	[tilespmem:s8], [sflag:$0x4] =	stream.linear.gather [hbm4b:s6+s3], $0x80, $0x38;
	[tilespmem:$0x1FA00] =	vst v63  }
0x20e: {  	s11 =	sadd.s32 $0x30, s10  }
0x20f: {  	[tilespmem:s30], [sflag:$0x4] =	stream.linear.gather [hbm4b:s11+s3], $0x80, $0x38;
	[tilespmem:$0x1FA00] =	vst v63  }
0x210: {  	_ =	swait.ge [sflag:s19], $0x80  }
0x211: {  	[sflag:s19] =	ssyncset.done $0x0  }
0x212: {  	[sflag:s19] =	ssyncadd.s32 $0xFFFFFF80  }
0x213: {  	_ =	swait.ge [sflag:s19], $0x80  }
0x214: {  	[sflag:s19] =	ssyncset.done $0x0  }
0x215: {  	[sflag:s19] =	ssyncadd.s32 $0xFFFFFF80  }
0x216: {  	[tilespmem:s20], [sflag:$0x8] =	stream.indirect.gather [hbm4b:s29+s18], $0x80, s14, s18, $0xb8;
	[tilespmem:$0x1FA00] =	vst v63  }
0x217: {  	_ =	swait.ge [sflag:s4], $0x3C00  }
0x218: {  	[sflag:s4] =	ssyncset.done $0x0  }
0x219: {  	s10 =	simm.s32 $0x580;
	[sflag:s4] =	ssyncadd.s32 $0xFFFFC400  }
0x21a: {  	[spmem:s2] =	stream.indirect.scatter.add.f32 [tilespmem:s24], [sflag:$0xA], $0x80, s10, s18, $0xb8;
	[tilespmem:$0x1FA00] =	vst v63  }
0x21b: {  	_ =	swait.ge [sflag:s9], $0x3C00  }
0x21c: {  	[sflag:s9] =	ssyncset.done $0x0;
	s12 =	rddreg [dreg:$0x1f]  }
0x21d: {  	s14 =	sld [smem:$0x7F3];
	[sflag:s9] =	ssyncadd.s32 $0xFFFFC400  }
0x21e: {  	[tilespmem:s26], [sflag:$0x5] =	stream.linear.gather [hbm4b:s12+s3], $0x80, $0x38;
	[tilespmem:$0x1FA00] =	vst v63  }
0x21f: {  	_ = 	snop  }
0x220: {  	[tilespmem:s7], [sflag:$0x5] =	stream.linear.gather [hbm4b:s14+s3], $0x80, $0x38;
	[tilespmem:$0x1FA00] =	vst v63  }
0x221: {  	_ =	swait.ge [sflag:s23], $0x80  }
0x222: {  	[sflag:s23] =	ssyncset.done $0x0  }
0x223: {  	[sflag:s23] =	ssyncadd.s32 $0xFFFFFF80  }
0x224: {  	_ =	swait.ge [sflag:s23], $0x80  }
0x225: {  	[sflag:s23] =	ssyncset.done $0x0  }
0x226: {  	[sflag:s23] =	ssyncadd.s32 $0xFFFFFF80  }
0x227: {  	[tilespmem:s24], [sflag:$0x9] =	stream.indirect.gather [hbm4b:s29+s18], $0x80, s16, s18, $0xb8;
	[tilespmem:$0x1FA00] =	vst v63  }
0x228: {  	_ =	swait.ge [sflag:s25], $0x3C00  }
0x229: {  	[sflag:s25] =	ssyncset.done $0x0  }
0x22a: {  	[sflag:s25] =	ssyncadd.s32 $0xFFFFC400  }
0x22b: {  	[spmem:s2] =	stream.indirect.scatter.add.f32 [tilespmem:s22], [sflag:$0xA], $0x80, s13, s18, $0xb8;
	[tilespmem:$0x1FA00] =	vst v63  }
0x22c: {  	_ =	swait.ge [sflag:s9], $0x3C00  }
0x22d: {  	s11 =	sld [smem:$0x7F5]  }
0x22e: {  	[sflag:s9] =	ssyncset.done $0x0  }
0x22f: {  	s12 =	sld [smem:$0x7F4];
	[sflag:s9] =	ssyncadd.s32 $0xFFFFC400  }
0x230: {  	[tilespmem:s28], [sflag:$0x6] =	stream.linear.gather [hbm4b:s11+s3], $0x80, $0x38;
	[tilespmem:$0x1FA00] =	vst v63  }
0x231: {  	_ = 	snop  }
0x232: {  	[tilespmem:s10], [sflag:$0x6] =	stream.linear.gather [hbm4b:s12+s3], $0x80, $0x38;
	[tilespmem:$0x1FA00] =	vst v63  }
0x233: {  	_ =	swait.ge [sflag:s31], $0x80  }
0x234: {  	[sflag:s31] =	ssyncset.done $0x0  }
0x235: {  	[sflag:s31] =	ssyncadd.s32 $0xFFFFFF80  }
0x236: {  	_ =	swait.ge [sflag:s31], $0x80  }
0x237: {  	[sflag:s31] =	ssyncset.done $0x0  }
0x238: {  	[sflag:s31] =	ssyncadd.s32 $0xFFFFFF80  }
0x239: {  	[tilespmem:s22], [sflag:$0x7] =	stream.indirect.gather [hbm4b:s29+s18], $0x80, s8, s18, $0xb8;
	[tilespmem:$0x1FA00] =	vst v63  }
0x23a: {  	_ =	swait.ge [sflag:s0], $0x3C00  }
0x23b: {  	[sflag:s0] =	ssyncset.done $0x0  }
0x23c: {  	[sflag:s0] =	ssyncadd.s32 $0xFFFFC400  }
0x23d: {  	[spmem:s2] =	stream.indirect.scatter.add.f32 [tilespmem:s20], [sflag:$0xA], $0x80, s15, s18, $0xb8;
	[tilespmem:$0x1FA00] =	vst v63  }
0x23e: {  	_ =	swait.ge [sflag:s9], $0x3C00  }
0x23f: {  	[sflag:s9] =	ssyncset.done $0x0  }
0x240: {  	[sflag:s9] =	ssyncadd.s32 $0xFFFFC400  }
0x241: {  	_ =	swait.ge [sflag:s1], $0x80  }
0x242: {  	[sflag:s1] =	ssyncset.done $0x0  }
0x243: {  	[sflag:s1] =	ssyncadd.s32 $0xFFFFFF80  }
0x244: {  	_ =	swait.ge [sflag:s1], $0x80  }
0x245: {  	[sflag:s1] =	ssyncset.done $0x0  }
0x246: {  	[sflag:s1] =	ssyncadd.s32 $0xFFFFFF80  }
0x247: {  	[tilespmem:s20], [sflag:$0x8] =	stream.indirect.gather [hbm4b:s29+s18], $0x80, s26, s18, $0xb8;
	[tilespmem:$0x1FA00] =	vst v63  }
0x248: {  	_ =	swait.ge [sflag:s4], $0x3C00  }
0x249: {  	[sflag:s4] =	ssyncset.done $0x0  }
0x24a: {  	[sflag:s4] =	ssyncadd.s32 $0xFFFFC400  }
0x24b: {  	[spmem:s2] =	stream.indirect.scatter.add.f32 [tilespmem:s24], [sflag:$0xA], $0x80, s21, s18, $0xb8;
	[tilespmem:$0x1FA00] =	vst v63  }
0x24c: {  	_ =	swait.ge [sflag:s9], $0x3C00  }
0x24d: {  	[sflag:s9] =	ssyncset.done $0x0  }
0x24e: {  	[sflag:s9] =	ssyncadd.s32 $0xFFFFC400  }
0x24f: {  	_ =	swait.ge [sflag:s5], $0x80  }
0x250: {  	[sflag:s5] =	ssyncset.done $0x0  }
0x251: {  	[sflag:s5] =	ssyncadd.s32 $0xFFFFFF80  }
0x252: {  	_ =	swait.ge [sflag:s5], $0x80  }
0x253: {  	[sflag:s5] =	ssyncset.done $0x0  }
0x254: {  	[sflag:s5] =	ssyncadd.s32 $0xFFFFFF80  }
0x255: {  	[tilespmem:s24], [sflag:$0x9] =	stream.indirect.gather [hbm4b:s29+s18], $0x80, s28, s18, $0xb8;
	[tilespmem:$0x1FA00] =	vst v63  }
0x256: {  	_ =	swait.ge [sflag:s25], $0x3C00  }
0x257: {  	[sflag:s25] =	ssyncset.done $0x0  }
0x258: {  	[sflag:s25] =	ssyncadd.s32 $0xFFFFC400  }
0x259: {  	[spmem:s2] =	stream.indirect.scatter.add.f32 [tilespmem:s22], [sflag:$0xA], $0x80, s30, s18, $0xb8;
	[tilespmem:$0x1FA00] =	vst v63  }
0x25a: {  	_ =	swait.ge [sflag:s9], $0x3C00  }
0x25b: {  	[sflag:s9] =	ssyncset.done $0x0  }
0x25c: {  	[sflag:s9] =	ssyncadd.s32 $0xFFFFC400  }
0x25d: {  	_ =	swait.ge [sflag:s0], $0x3C00  }
0x25e: {  	[sflag:s0] =	ssyncset.done $0x0  }
0x25f: {  	s7 =	simm.s32 $0x500;
	[sflag:s0] =	ssyncadd.s32 $0xFFFFC400  }
0x260: {  	[spmem:s2] =	stream.indirect.scatter.add.f32 [tilespmem:s20], [sflag:$0xA], $0x80, s7, s18, $0xb8;
	[tilespmem:$0x1FA00] =	vst v63  }
0x261: {  	_ =	swait.ge [sflag:s9], $0x3C00  }
0x262: {  	[sflag:s9] =	ssyncset.done $0x0  }
0x263: {  	[sflag:s9] =	ssyncadd.s32 $0xFFFFC400  }
0x264: {  	_ =	swait.ge [sflag:s4], $0x3C00  }
0x265: {  	[sflag:s4] =	ssyncset.done $0x0  }
0x266: {  	s14 =	simm.s32 $0x580;
	[sflag:s4] =	ssyncadd.s32 $0xFFFFC400  }
0x267: {  	[spmem:s2] =	stream.indirect.scatter.add.f32 [tilespmem:s24], [sflag:$0xA], $0x80, s14, s18, $0xb8;
	[tilespmem:$0x1FA00] =	vst v63  }
0x268: {  	_ =	swait.ge [sflag:s9], $0x3C00  }
0x269: {  	[sflag:s9] =	ssyncset.done $0x0  }
0x26a: {  	[sflag:s9] =	ssyncadd.s32 $0xFFFFC400  }
0x26b: {  	[bflag:$0x0] =	sbarrier.arrive $0xFFFF  }
0x26c: {  	s10 =	sld [smem:$0x7FD]  }
0x26d: {  	s15 =	stileid.u32;
	s21 =	sld [smem:$0x7F6]  }
0x26e: {  	s6 =	sshll.u32 s15, $0x6  }
0x26f: {  	s6 =	sor.u32 $0x1C0A, s6;
	s16 =	sshrl.u32 s10, $0x3  }
0x270: {  	[hbm:s21], [sflag:s6] =	dma.local [spmem:s16], $0x2800  }
0x271: {  	_ =	swait.ge [sflag:s9], $0x2800  }
0x272: {  	s22 =	sld [smem:$0x7F2]  }
0x273: {  	s26 =	sld [smem:$0x7F7];
	_ =	sdelay $0x1  }
0x274: {  	s7 =	sadd.s32 $0x1, s22  }
0x275: {  	p0 =	sne.s32 s7, s26  }
.Ltmp2:
0x276: {  	_ = 	snop;
	(pc) =	sbr.rel @p0 .LBB2_1-.Ltmp2, $4  }
0x277: {  	s11 =	simm.s32 $0x380;
	s12 =	simm.s32 $0x80;
	s15 =	simm.s32 $0x400  }
0x278: {  	s28 =	simm.s32 $0x280;
	s30 =	simm.s32 $0x580;
	s14 =	simm.s32 $0x100  }
0x279: {  	s16 =	simm.s32 $0x180;
	s21 =	simm.s32 $0x480;
	[sflag:s9] =	ssyncset.done $0x0  }
0x27a: {  	[sflag:s9] =	ssyncadd.s32 $0xFFFFD800;
	s22 =	simm.s32 $0x200;
	s26 =	simm.s32 $0x500  }
0x27b: {  	_ =	sfence.sel $0x180000  }
0x27c: {  	[bflag:$0x0] =	sbarrier.arrive $0xFFFF  }
0x27d: {  	_ =	strace $0x9000004D  }
0x27e: {  	s0 =	stileid.u32;
	[bflag:$0x2] =	sbarrier.arrive $0xFFFF  }
0x27f: {  	p0 =	sne.s32 s0, $0x0;
	s0 =	rddreg [dreg:$0x2]  }
0x280: {  	s0 =	sadd.s32 @!p0 $0x100000, s0  }
0x281: {  	[sflag:s0] =	ssyncadd.tile.s32 @!p0 $0x1;
	_ =	shalt  }
.Lfunc_end2:
_tile_overlayer_lowered:
.L_overlay_start_2:
0x282: {  	(tag) =	ssettag $0x2  }
0x283: {  	s0 =	rddreg [dreg:$0x0];
	s2 =	stileid.u32  }
0x284: {  	s1 =	rddreg [dreg:$0x1];
	p0 =	sne.s32 s2, $0x0  }
0x285: {  	s3 =	rddreg [dreg:$0x2];
	[bflag:$0x3] =	sbarrier.arrive $0xFFFF;
	s2 =	simm.s32 @!p0 $0x1C0A  }
0x286: {  	[timem:s3], [sflag:s2] =	dma.local @!p0 [hbm:s0], s1  }
0x287: {  	s0 =	simm.s32 @!p0 $0xA  }
0x288: {  	_ =	swait.ge @!p0 [sflag:s0], s1  }
0x289: {  	s1 =	ssub.s32 @!p0 $0x0, s1;
	[sflag:s0] =	ssyncset.done @!p0 $0x0  }
0x28a: {  	[sflag:s0] =	ssyncadd.s32 @!p0 s1  }
0x28b: {  	[bflag:$0x3] =	sbarrier.arrive $0xFFFF  }
0x28c: {  	_ =	shalt  }

// kernel: kernel.8.cloned.1.call-start
scs
__scs_entry_jumppad:
0x0: {  	(pc) =	sbr.rel $0x88, $3  }
0x1: {  	(tag) =	ssettag $0x0;
	lr =	simm.s32 $0x1  }
0x2: {  	[smem:$0x3F93] =	sst lr;
	_ =	strace $0xD0000000  }
0x3: {  	_ = 	snop  }
0x4: {  	_ = 	snop  }
0x5: {  	_ = 	snop  }
0x6: {  	_ = 	snop  }
0x7: {  	_ = 	snop  }
__scs_overlays_trampoline_lowered:
0x8: {  	[smem:$0x3FA2] =	sst s0  }
0x9: {  	[smem:$0x3FA3] =	sst s1  }
0xa: {  	[smem:$0x3FA4] =	sst s2  }
0xb: {  	[smem:$0x3FA5] =	sst s3  }
0xc: {  	[smem:$0x3FA6] =	sst s4  }
0xd: {  	[smem:$0x3FA7] =	sst s5  }
0xe: {  	[smem:$0x3FA8] =	sst s6  }
0xf: {  	[smem:$0x3FA9] =	sst s7  }
0x10: {  	[smem:$0x3FAA] =	sst s8  }
0x11: {  	[smem:$0x3FAB] =	sst s9;
	s0 =	simm.s32 @!p0 $0x0  }
0x12: {  	s1 =	sld [smem:$0x3F91];
	s0 =	simm.s32 @p0 $0x1  }
0x13: {  	[smem:$0x3FAC] =	sst s0;
	s0 =	simm.s32 @!p1 $0x0  }
0x14: {  	s2 =	sld [smem:$0x3F90];
	s0 =	simm.s32 @p1 $0x1  }
0x15: {  	[smem:$0x3FAD] =	sst s0;
	s0 =	simm.s32 @!p2 $0x0  }
0x16: {  	s3 =	sld [smem:$0x3FDB];
	s0 =	simm.s32 @p2 $0x1  }
0x17: {  	s4 =	simm.s32 $0x1BF5;
	[smem:$0x3FAF] =	sst s0  }
0x18: {  	s0 =	sld [smem:$0x3F92];
	_ =	swait.ge [sflag:s4], $0x0  }
0x19: {  	s7 =	sld [smem:$0x3F93]  }
0x1a: {  	s8 =	sadd.s32 $0xFFFFE003, lr  }
0x1b: {  	s9 =	sadd.s32 $0xFFFFFEF7, lr;
	s5 =	simm.s32 $0xFFFFFFFF;
	p2 =	slt.u32 s8, $0xFFFFF086  }
0x1c: {  	p1 =	slt.u32 s9, $0xF7A;
	s5 =	simm.s32 @!p2 $0x0  }
0x1d: {  	s5 =	simm.s32 @p1 $0x1;
	p0 =	seq.s32 s7, s2  }
0x1e: {  	s7 =	smul.u32 @!p0 $0xF7A, s2;
	p2 =	seq.s32 @!p0 s5, $0x0  }
0x1f: {  	s9 =	smul.u32 $0xF7A, s1;
	s8 =	simm.s32 @!p0 $0x1BF5;
	p2 =	por !p2, p0  }
0x20: {  	[sflag:s8] =	ssyncset.s32 @!p0 $0xFFFFF086;
	s6 =	sadd.s32 @!p0 s3, s7;
	s7 =	simm.s32 @!p0 $0x108  }
0x21: {  	s3 =	sadd.s32 s3, s9;
	s6 =	sadd.s32 @!p0 $0x88, s6;
	s7 =	simm.s32 @p2 $0x1082  }
0x22: {  	[simem:s7], [sflag:s8] =	dma.local @!p0 [hbm:s6], $0xF7A  }
0x23: {  	s9 =	sor.u32 $0xD0000000, s2;
	s6 =	simm.s32 $0x108;
	_ =	swait.ge @!p0 [sflag:s8], $0x0  }
0x24: {  	s3 =	sadd.s32 $0x88, s3;
	s6 =	simm.s32 @!p1 $0x1082;
	[sflag:s4] =	ssyncset.s32 $0xFFFFF086  }
0x25: {  	[simem:s6], [sflag:s4] =	dma.local [hbm:s3], $0xF7A  }
0x26: {  	[smem:$0x3F93] =	sst s1;
	(tag) =	ssettag s2;
	_ =	strace s9  }
0x27: {  	s1 =	sld [smem:$0x3FA3]  }
0x28: {  	s2 =	sld [smem:$0x3FA4]  }
0x29: {  	s4 =	sld [smem:$0x3FA6]  }
0x2a: {  	p0 =	seq.s32 s5, $0x0;
	s5 =	sld [smem:$0x3FA7]  }
0x2b: {  	s6 =	sld [smem:$0x3FA8]  }
0x2c: {  	s7 =	sld [smem:$0x3FA9]  }
0x2d: {  	s3 =	simm.s32 $0x108;
	s8 =	sld [smem:$0x3FAA]  }
0x2e: {  	s3 =	simm.s32 @!p0 $0x1082;
	s9 =	sld [smem:$0x3FAB]  }
0x2f: {  	lr =	sadd.s32 s0, s3;
	s0 =	sld [smem:$0x3FA2]  }
0x30: {  	s3 =	sld [smem:$0x3FA5]  }
0x31: {  	[smem:$0x3FAE] =	sst s10  }
0x32: {  	s10 =	sld [smem:$0x3FAC];
	_ =	sdelay $0x3  }
0x33: {  	p0 =	seq.s32 s10, $0x1;
	s10 =	sld [smem:$0x3FAE];
	_ =	sdelay $0x3  }
0x34: {  	[smem:$0x3FAE] =	sst s10  }
0x35: {  	s10 =	sld [smem:$0x3FAD];
	_ =	sdelay $0x3  }
0x36: {  	p1 =	seq.s32 s10, $0x1;
	s10 =	sld [smem:$0x3FAE];
	_ =	sdelay $0x3  }
0x37: {  	[smem:$0x3FAE] =	sst s10  }
0x38: {  	s10 =	sld [smem:$0x3FAF]  }
0x39: {  	_ = 	snop;
	(pc) =	sbr.ind lr, $3  }
0x3a: {  	_ = 	snop  }
0x3b: {  	_ = 	snop  }
0x3c: {  	p2 =	seq.s32 s10, $0x1;
	s10 =	sld [smem:$0x3FAE]  }
0x3d: {  	_ =	shalt  }
0x3e: {  	_ =	shalt  }
0x3f: {  	_ =	shalt  }
0x40: {  	_ =	shalt  }
0x41: {  	_ =	shalt  }
0x42: {  	_ =	shalt  }
0x43: {  	_ =	shalt  }
0x44: {  	_ =	shalt  }
0x45: {  	_ =	shalt  }
0x46: {  	_ =	shalt  }
0x47: {  	_ =	shalt  }
0x48: {  	_ =	shalt  }
0x49: {  	_ =	shalt  }
0x4a: {  	_ =	shalt  }
0x4b: {  	_ =	shalt  }
0x4c: {  	_ =	shalt  }
0x4d: {  	_ =	shalt  }
0x4e: {  	_ =	shalt  }
0x4f: {  	_ =	shalt  }
0x50: {  	_ =	shalt  }
0x51: {  	_ =	shalt  }
0x52: {  	_ =	shalt  }
0x53: {  	_ =	shalt  }
0x54: {  	_ =	shalt  }
0x55: {  	_ =	shalt  }
0x56: {  	_ =	shalt  }
0x57: {  	_ =	shalt  }
0x58: {  	_ =	shalt  }
0x59: {  	_ =	shalt  }
0x5a: {  	_ =	shalt  }
0x5b: {  	_ =	shalt  }
0x5c: {  	_ =	shalt  }
0x5d: {  	_ =	shalt  }
0x5e: {  	_ =	shalt  }
0x5f: {  	_ =	shalt  }
0x60: {  	_ =	shalt  }
0x61: {  	_ =	shalt  }
0x62: {  	_ =	shalt  }
0x63: {  	_ =	shalt  }
0x64: {  	_ =	shalt  }
0x65: {  	_ =	shalt  }
0x66: {  	_ =	shalt  }
0x67: {  	_ =	shalt  }
0x68: {  	_ =	shalt  }
0x69: {  	_ =	shalt  }
0x6a: {  	_ =	shalt  }
0x6b: {  	_ =	shalt  }
0x6c: {  	_ =	shalt  }
0x6d: {  	_ =	shalt  }
0x6e: {  	_ =	shalt  }
0x6f: {  	_ =	shalt  }
0x70: {  	_ =	shalt  }
0x71: {  	_ =	shalt  }
0x72: {  	_ =	shalt  }
0x73: {  	_ =	shalt  }
0x74: {  	_ =	shalt  }
0x75: {  	_ =	shalt  }
0x76: {  	_ =	shalt  }
0x77: {  	_ =	shalt  }
0x78: {  	_ =	shalt  }
0x79: {  	_ =	shalt  }
0x7a: {  	_ =	shalt  }
0x7b: {  	_ =	shalt  }
0x7c: {  	_ =	shalt  }
0x7d: {  	_ =	shalt  }
0x7e: {  	_ =	shalt  }
0x7f: {  	_ =	shalt  }
0x80: {  	_ =	shalt  }
0x81: {  	_ =	shalt  }
0x82: {  	_ =	shalt  }
0x83: {  	_ =	shalt  }
0x84: {  	_ =	shalt  }
0x85: {  	_ =	shalt  }
0x86: {  	_ =	shalt  }
0x87: {  	_ =	shalt  }
.Lfunc_end0:
.L_simem_size_0:
called_computation_lowered:
.L_overlay_start_0:
0x88: {  	s2 =	sld [smem:$0x3FD9]  }
0x89: {  	s3 =	sld [smem:$0x3FFE];
	_ =	sdelay $0x1  }
0x8a: {  	s1 =	srdreg.scid  }
0x8b: {  	s0 =	sand.u32 $0x1, s1  }
0x8c: {  	s16 =	sshll.u32 s0, $0xA;
	s2 =	sadd.s32 s3, s2  }
0x8d: {  	s2 =	sadd.s32 s2, s16  }
0x8e: {  	[smem:$0x3FBA] =	sst s2  }
0x8f: {  	_ = 	snop  }
0x90: {  	(tm) =	ssettm $0x1  }
0x91: {  	s17 =	sld [smem:$0x3FFB];
	_ =	sdelay $0x3  }
0x92: {  	_ =	strace s17  }
0x93: {  	s2 =	sld [smem:$0x3FFC];
	_ =	sdelay $0x3  }
0x94: {  	_ =	strace s2  }
0x95: {  	s2 =	sld [smem:$0x3FFD];
	_ =	sdelay $0x3  }
0x96: {  	_ =	strace s2  }
0x97: {  	_ =	strace $0x8FFFFFFF  }
0x98: {  	s18 =	sld [smem:$0x3FDB];
	_ =	sdelay $0x1  }
0x99: {  	s19 =	simm.s32 $_scs_section_size  }
0x9a: {  	s4 =	simm.s32 $_size__tile_overlayer_lowered;
	s5 =	simm.s32 $_tile_overlayer_lowered  }
0x9b: {  	s22 =	simm.s32 $0x1BFF;
	s21 =	sshll.u32 s5, $0x1;
	s2 =	sadd.s32 s19, s18  }
0x9c: {  	s6 =	simm.s32 $0x0;
	s20 =	sshll.u32 s4, $0x1;
	s4 =	sadd.s32 s21, s2  }
0x9d: {  	[timem:s6], [sflag:s22] =	dma.local [hbm:s4], s20  }
0x9e: {  	_ =	swait.ge [sflag:s22], s20  }
0x9f: {  	s3 =	ssub.s32 $0x0, s20;
	[sflag:s22] =	ssyncset.done $0x0  }
0xa0: {  	[sflag:s22] =	ssyncadd.s32 s3;
	_ =	sdelay $0x1  }
0xa1: {  	s23 =	simm.s32 $0x1B8B  }
0xa2: {  	_ =	swait.ge [sflag:s23], $0x1  }
0xa3: {  	[sflag:s23] =	ssyncset.done $0x0  }
0xa4: {  	s25 =	simm.s32 $0x1B8E;
	s24 =	sld [smem:$0x3FFE];
	[sflag:s23] =	ssyncadd.s32 $0xFFFFFFFF  }
0xa5: {  	s26 =	simm.s32 $execute0_lowered;
	[smem:$0x3FD2] =	sst s25  }
0xa6: {  	s4 =	sshll.u32 s26, $0x1;
	_ =	strace $0x80000046;
	[dreg:$0x1] =	wrdreg $0xFFFFFFFF  }
0xa7: {  	s28 =	simm.s32 $_size_execute0_lowered;
	s2 =	sadd.s32 s2, s4;
	[dreg:$0x0] =	wrdreg $0x0  }
0xa8: {  	s4 =	sshll.u32 s28, $0x1;
	[dreg:$0x2] =	wrdreg s2  }
0xa9: {  	[dreg:$0x3] =	wrdreg s4  }
0xaa: {  	[dreg:$0x4] =	wrdreg $0xC0  }
0xab: {  	_ =	task [dreg:s6], $0x5FFFF  }
0xac: {  	[dreg:$0x1] =	wrdreg $0xFFFFFFFF  }
0xad: {  	[dreg:$0x0] =	wrdreg $0x60  }
0xae: {  	[dreg:$0x2] =	wrdreg s24  }
0xaf: {  	[dreg:$0x3] =	wrdreg $0x42000  }
0xb0: {  	[dreg:$0x4] =	wrdreg $0x9  }
0xb1: {  	_ =	task.clear_ibuf [dreg:s6], $0x5FFFF;
	_ =	strace $0x90000046  }
0xb2: {  	s29 =	simm.s32 $0x9;
	_ =	strace $0x80000048  }
0xb3: {  	_ =	swait.ge [sflag:s29], $0x1  }
0xb4: {  	[sflag:s29] =	ssyncadd.s32 $0xFFFFFFFF  }
0xb5: {  	_ =	strace $0x90000048  }
0xb6: {  	_ =	sfence  }
0xb7: {  	s30 =	sld [smem:$0x0];
	_ =	sdelay $0x2  }
0xb8: {  	s31 =	sshll.u32 s1, $0xD;
	s1 =	sshrl.u32 s1, $0x2  }
0xb9: {  	s3 =	sand.u32 $0x4000, s31;
	s1 =	sadd.s32 s1, s30  }
0xba: {  	s0 =	sor.u32 s3, s0;
	s1 =	sshll.u32 s1, $0x11  }
0xbb: {  	s0 =	sor.u32 s1, s0  }
0xbc: {  	s0 =	sadd.s32 $0x8F2B, s0  }
0xbd: {  	[sflag:s0] =	ssyncadd.remote.s32 $0x1  }
0xbe: {  	_ =	sfence.sel $0xFFFF  }
0xbf: {  	[dreg:$0x0] =	wrdreg $0xFFFFFFFF;
	(pc) =	sbr.abs _section_cstart, $3  }
0xc0: {  	[dreg:$0x1] =	wrdreg $0xFFFFFFFF  }
0xc1: {  	_ =	task.clear_ibuf [dreg:s6], $0x2FFFF;
	_ =	strace $0x9FFFFFFF  }
0xc2: {  	(tm) =	ssettm $0x7FFFFFFF  }
0xc3: {  	_ =	shalt  }
tec
execute0_lowered:
.L_overlay_start_1:
0x0: {  	(tag) =	ssettag $0x1  }
0x1: {  	s5 =	rddreg [dreg:$0x0];
	s0 =	srdreg.scid  }
0x2: {  	s2 =	rddreg [dreg:$0x1];
	s26 =	stileid.u32  }
0x3: {  	s3 =	simm.s32 $0x0;
	s18 =	simm.s32 $0x80;
	s19 =	simm.s32 $0x100  }
0x4: {  	s20 =	simm.s32 $0x180;
	s21 =	simm.s32 $0x1;
	s6 =	smul.u32 $0x14000, s26  }
0x5: {  	s22 =	simm.s32 $0x2;
	s23 =	simm.s32 $0x3;
	s7 =	smul.u32 $0x50000, s26  }
0x6: {  	s24 =	simm.s32 $0x4;
	s11 =	sand.u32 $0x1, s0;
	s16 =	smul.u32 $0xA00, s26  }
0x7: {  	s25 =	simm.s32 $0x0;
	s29 =	sshll.u32 s26, $0x1;
	s4 =	smul.u32 $0x140000, s11  }
0x8: {  	[smem:$0x7FF] =	sst s3;
	s9 =	sor.u32 s11, s29;
	s17 =	smul.u32 $0x500, s11  }
0x9: {  	_ =	strace $0x80000047;
	s28 =	ssub.s32 $0x2, s11;
	s10 =	smul.u32 $0x500, s9  }
0xa: {  	s8 =	sshrl.u32 s28, $0x1;
	s30 =	sshrl.u32 s7, $0x2;
	s12 =	smul.u32 $0x2800, s9  }
0xb: {  	s6 =	sadd.s32 s6, s4;
	s4 =	sadd.s32 $0x2E00, s5;
	s15 =	ssub.s32 s28, s8  }
0xc: {  	s16 =	sadd.s32 s17, s16;
	s17 =	simm.s32 $0x5;
	s6 =	sshrl.u32 s6, $0x3  }
0xd: {  	s10 =	sadd.s32 s4, s10;
	s13 =	sshrl.u32 s12, $0x3;
	s15 =	smax.u32 s15, $0x1  }
0xe: {  	[dreg:$0x3] =	wrdreg s16;
	s16 =	simm.s32 $0x200;
	s14 =	sadd.s32 s6, s5  }
0xf: {  	s5 =	sadd.s32 s30, s2;
	s11 =	sadd.s32 $0x10, s10;
	s12 =	sadd.s32 $0x20, s10  }
0x10: {  	s13 =	sadd.s32 s4, s13;
	s1 =	sadd.s32 $0x4000, s5;
	s31 =	sadd.s32 $0x8000, s5  }
0x11: {  	v0 =	vimm.f32 $0.0e+00;
	vm0 =	vcmask $0x300;
	s8 =	sadd.s32 $0xC000, s5;
	s9 =	sadd.s32 $0x10000, s5;
	[dreg:$0x4] =	wrdreg s1  }
0x12: {  	v1 =	vsel vm0, $0x3F800000, v0;
	s13 =	sadd.s32 $0x4F0, s13;
	s14 =	sadd.s32 $0xCE00, s14;
	[dreg:$0x5] =	wrdreg s31  }
.LBB2_1:
0x13: {  	s26 =	simm.s32 $0x400  }
0x14: {  	[tilespmem:s26+$0xFFFFFE00] =	vst v0  }
0x15: {  	[tilespmem:s26+$0x180] =	vst v0  }
0x16: {  	[tilespmem:s26+$0x100] =	vst v0  }
0x17: {  	[tilespmem:s26+$0x80] =	vst v0  }
0x18: {  	[tilespmem:s26+$0x0] =	vst v0  }
0x19: {  	[tilespmem:s26+$0xFFFFFF80] =	vst v0  }
0x1a: {  	s28 =	simm.s32 $0x0;
	[tilespmem:s26+$0xFFFFFF00] =	vst v0  }
.LBB2_2:
0x1b: {  	s28 =	sadd.s32 $0x8, s28;
	[tilespmem:s26+$0xFFFFFE80] =	vst v0;
	s26 =	sadd.s32 $0x400, s26  }
0x1c: {  	[tilespmem:s26+$0xFFFFFE00] =	vst v0;
	p0 =	slt.u32 s28, $0x78  }
0x1d: {  	[tilespmem:s26+$0x180] =	vst v0  }
.Ltmp0:
0x1e: {  	[tilespmem:s26+$0x100] =	vst v0;
	(pc) =	sbr.rel @p0 .LBB2_2-.Ltmp0, $4  }
0x1f: {  	[tilespmem:s26+$0x80] =	vst v0  }
0x20: {  	[tilespmem:s26+$0x0] =	vst v0  }
0x21: {  	[tilespmem:s26+$0xFFFFFF80] =	vst v0  }
0x22: {  	[tilespmem:s26+$0xFFFFFF00] =	vst v0  }
0x23: {  	[tilespmem:s26+$0xFFFFFE80] =	vst v0  }
0x24: {  	[spmem:s5] =	stream.linear.scatter [tilespmem:s16], [sflag:$0x5], $0x4000, $0x38;
	[tilespmem:$0x6A00] =	vst v63  }
0x25: {  	_ =	swait.ge [sflag:s17], $0x4000  }
0x26: {  	[sflag:s17] =	ssyncset.done $0x0  }
0x27: {  	s0 =	rddreg [dreg:$0x4];
	[sflag:s17] =	ssyncadd.s32 $0xFFFFC000  }
0x28: {  	[spmem:s0] =	stream.linear.scatter [tilespmem:s16], [sflag:$0x5], $0x4000, $0x38;
	[tilespmem:$0x6A00] =	vst v63  }
0x29: {  	_ =	swait.ge [sflag:s17], $0x4000  }
0x2a: {  	[sflag:s17] =	ssyncset.done $0x0  }
0x2b: {  	s31 =	rddreg [dreg:$0x5];
	[sflag:s17] =	ssyncadd.s32 $0xFFFFC000  }
0x2c: {  	[spmem:s31] =	stream.linear.scatter [tilespmem:s16], [sflag:$0x5], $0x4000, $0x38;
	[tilespmem:$0x6A00] =	vst v63  }
0x2d: {  	_ =	swait.ge [sflag:s17], $0x4000  }
0x2e: {  	[sflag:s17] =	ssyncset.done $0x0  }
0x2f: {  	[sflag:s17] =	ssyncadd.s32 $0xFFFFC000  }
0x30: {  	[spmem:s8] =	stream.linear.scatter [tilespmem:s16], [sflag:$0x5], $0x4000, $0x38;
	[tilespmem:$0x6A00] =	vst v63  }
0x31: {  	_ =	swait.ge [sflag:s17], $0x4000  }
0x32: {  	[sflag:s17] =	ssyncset.done $0x0  }
0x33: {  	[sflag:s17] =	ssyncadd.s32 $0xFFFFC000  }
0x34: {  	[spmem:s9] =	stream.linear.scatter [tilespmem:s16], [sflag:$0x5], $0x4000, $0x38;
	[tilespmem:$0x6A00] =	vst v63  }
0x35: {  	_ =	swait.ge [sflag:s17], $0x4000  }
0x36: {  	[sflag:s17] =	ssyncset.done $0x0  }
0x37: {  	s26 =	simm.s32 $0x400;
	[sflag:s17] =	ssyncadd.s32 $0xFFFFC000  }
0x38: {  	[tilespmem:s26+$0xFFFFFE00] =	vst v1  }
0x39: {  	[tilespmem:s26+$0x180] =	vst v1  }
0x3a: {  	[tilespmem:s26+$0x100] =	vst v1  }
0x3b: {  	[tilespmem:s26+$0x80] =	vst v1  }
0x3c: {  	[tilespmem:s26+$0x0] =	vst v1  }
0x3d: {  	[tilespmem:s26+$0xFFFFFF80] =	vst v1  }
0x3e: {  	s28 =	simm.s32 $0x0;
	[tilespmem:s26+$0xFFFFFF00] =	vst v1  }
.LBB2_4:
0x3f: {  	s28 =	sadd.s32 $0x8, s28;
	[tilespmem:s26+$0xFFFFFE80] =	vst v1;
	s26 =	sadd.s32 $0x400, s26  }
0x40: {  	[tilespmem:s26+$0xFFFFFE00] =	vst v1;
	p0 =	slt.u32 s28, $0x78  }
0x41: {  	[tilespmem:s26+$0x180] =	vst v1  }
.Ltmp1:
0x42: {  	[tilespmem:s26+$0x100] =	vst v1;
	(pc) =	sbr.rel @p0 .LBB2_4-.Ltmp1, $4  }
0x43: {  	[tilespmem:s26+$0x80] =	vst v1  }
0x44: {  	[tilespmem:s26+$0x0] =	vst v1  }
0x45: {  	[tilespmem:s26+$0xFFFFFF80] =	vst v1  }
0x46: {  	[tilespmem:s26+$0xFFFFFF00] =	vst v1  }
0x47: {  	[tilespmem:s26+$0xFFFFFE80] =	vst v1  }
0x48: {  	s0 =	simm.s32 $0x0;
	[bflag:$0x0] =	sbarrier.arrive $0xFFFF  }
0x49: {  	[tilespmem:s0], [sflag:$0x1] =	stream.linear.gather [hbm4b:s10+s0], $0x80, $0x38;
	[tilespmem:$0x6A00] =	vst v63  }
0x4a: {  	s28 =	rddreg [dreg:$0x3]  }
0x4b: {  	s26 =	sand.u32 $0x40, s0;
	s28 =	sadd.s32 $0x0, s28  }
0x4c: {  	[tilespmem:s18], [sflag:$0x2] =	stream.linear.gather [hbm4b:s11+s0], $0x80, $0x38;
	[tilespmem:$0x6A00] =	vst v63  }
0x4d: {  	s26 =	sadd.s32 s26, s4;
	s29 =	sand.u32 $0xFFFFF80, s28  }
0x4e: {  	s26 =	sadd.s32 s29, s26  }
0x4f: {  	[tilespmem:s19], [sflag:$0x3] =	stream.linear.gather [hbm4b:s12+s0], $0x80, $0x38;
	[tilespmem:$0x6A00] =	vst v63  }
0x50: {  	s26 =	sadd.s32 $0x30, s26  }
0x51: {  	[tilespmem:s20], [sflag:$0x4] =	stream.linear.gather [hbm4b:s26+s3], $0x80, $0x38;
	[tilespmem:$0x6A00] =	vst v63  }
0x52: {  	_ =	swait.ge [sflag:s21], $0x80  }
0x53: {  	[sflag:s21] =	ssyncset.done $0x0  }
0x54: {  	s26 =	simm.s32 $0x40;
	[sflag:s21] =	ssyncadd.s32 $0xFFFFFF80  }
0x55: {  	[spmem:s2] =	stream.indirect.scatter.add.f32 [tilespmem:s16], [sflag:$0x5], $0x10, s3, s18, $0xb8;
	[tilespmem:$0x6A00] =	vst v63  }
0x56: {  	s30 =	sadd.s32 $0x40, s28;
	s1 =	sand.u32 $0x40, s26;
	_ =	swait.ge [sflag:s17], $0x800  }
0x57: {  	s30 =	sand.u32 $0xFFFFF80, s30;
	s29 =	sadd.s32 s4, s1;
	[sflag:s17] =	ssyncset.done $0x0  }
0x58: {  	s29 =	sadd.s32 s30, s29;
	[sflag:s17] =	ssyncadd.s32 $0xFFFFF800  }
0x59: {  	[tilespmem:s3], [sflag:$0x1] =	stream.linear.gather [hbm4b:s29+s3], $0x80, $0x38;
	[tilespmem:$0x6A00] =	vst v63  }
0x5a: {  	_ =	swait.ge [sflag:s22], $0x80  }
0x5b: {  	[sflag:s22] =	ssyncset.done $0x0  }
0x5c: {  	s6 =	simm.s32 $0x50;
	[sflag:s22] =	ssyncadd.s32 $0xFFFFFF80  }
0x5d: {  	[spmem:s2] =	stream.indirect.scatter.add.f32 [tilespmem:s16], [sflag:$0x5], $0x10, s18, s18, $0xb8;
	[tilespmem:$0x6A00] =	vst v63  }
0x5e: {  	s7 =	sadd.s32 $0x50, s28;
	s29 =	sand.u32 $0x50, s6;
	_ =	swait.ge [sflag:s17], $0x800  }
0x5f: {  	s30 =	sand.u32 $0xFFFFF80, s7;
	s29 =	sadd.s32 s4, s29;
	[sflag:s17] =	ssyncset.done $0x0  }
0x60: {  	s29 =	sadd.s32 s30, s29;
	[sflag:s17] =	ssyncadd.s32 $0xFFFFF800  }
0x61: {  	[tilespmem:s18], [sflag:$0x2] =	stream.linear.gather [hbm4b:s29+s3], $0x80, $0x38;
	[tilespmem:$0x6A00] =	vst v63  }
0x62: {  	_ =	swait.ge [sflag:s23], $0x80  }
0x63: {  	[sflag:s23] =	ssyncset.done $0x0  }
0x64: {  	s30 =	simm.s32 $0x60;
	[sflag:s23] =	ssyncadd.s32 $0xFFFFFF80  }
0x65: {  	[spmem:s2] =	stream.indirect.scatter.add.f32 [tilespmem:s16], [sflag:$0x5], $0x10, s19, s18, $0xb8;
	[tilespmem:$0x6A00] =	vst v63  }
0x66: {  	s28 =	sadd.s32 $0x60, s28;
	s29 =	sand.u32 $0x60, s30;
	_ =	swait.ge [sflag:s17], $0x800  }
0x67: {  	s28 =	sand.u32 $0xFFFFF80, s28;
	s29 =	sadd.s32 s4, s29;
	[sflag:s17] =	ssyncset.done $0x0  }
0x68: {  	s28 =	sadd.s32 s28, s29;
	[sflag:s17] =	ssyncadd.s32 $0xFFFFF800  }
0x69: {  	[tilespmem:s19], [sflag:$0x3] =	stream.linear.gather [hbm4b:s28+s3], $0x80, $0x38;
	[tilespmem:$0x6A00] =	vst v63  }
0x6a: {  	_ =	swait.ge [sflag:s24], $0x80  }
0x6b: {  	[sflag:s24] =	ssyncset.done $0x0  }
0x6c: {  	s31 =	simm.s32 $0x80;
	[sflag:s24] =	ssyncadd.s32 $0xFFFFFF80  }
0x6d: {  	[spmem:s2] =	stream.indirect.scatter.add.f32 [tilespmem:s16], [sflag:$0x5], $0x10, s20, s18, $0xb8;
	[tilespmem:$0x6A00] =	vst v63  }
0x6e: {  	s28 =	sand.u32 $0x40, s31;
	_ =	swait.ge [sflag:s17], $0x800  }
.LBB2_6:
0x6f: {  	s0 =	rddreg [dreg:$0x3];
	s30 =	smov.u32 s31;
	s29 =	sadd.s32 $0x40, s31  }
0x70: {  	p0 =	sne.s32 s31, $0x480;
	s31 =	sand.u32 $0x40, s26;
	s0 =	sadd.s32 s26, s0  }
0x71: {  	s31 =	sadd.s32 s31, s4;
	s6 =	sand.u32 $0xFFFFF80, s0  }
0x72: {  	[sflag:s17] =	ssyncset.done $0x0;
	s6 =	sadd.s32 s6, s31  }
0x73: {  	[sflag:s17] =	ssyncadd.s32 $0xFFFFF800;
	s6 =	sadd.s32 $0x30, s6  }
0x74: {  	[tilespmem:s20], [sflag:$0x4] =	stream.linear.gather [hbm4b:s6+s3], $0x80, $0x38;
	[tilespmem:$0x6A00] =	vst v63  }
0x75: {  	_ =	swait.ge [sflag:s21], $0x80  }
0x76: {  	[sflag:s21] =	ssyncset.done $0x0  }
0x77: {  	[sflag:s21] =	ssyncadd.s32 $0xFFFFFF80  }
0x78: {  	[spmem:s2] =	stream.indirect.scatter.add.f32 [tilespmem:s16], [sflag:$0x5], $0x10, s3, s18, $0xb8;
	[tilespmem:$0x6A00] =	vst v63  }
0x79: {  	s7 =	sadd.s32 $0x40, s0;
	_ =	swait.ge [sflag:s17], $0x800  }
0x7a: {  	s7 =	sand.u32 $0xFFFFF80, s7;
	s6 =	sadd.s32 s4, s28;
	[sflag:s17] =	ssyncset.done $0x0  }
0x7b: {  	s7 =	sadd.s32 s7, s6;
	[sflag:s17] =	ssyncadd.s32 $0xFFFFF800  }
0x7c: {  	[tilespmem:s3], [sflag:$0x1] =	stream.linear.gather [hbm4b:s7+s3], $0x80, $0x38;
	[tilespmem:$0x6A00] =	vst v63  }
0x7d: {  	_ =	swait.ge [sflag:s22], $0x80  }
0x7e: {  	s1 =	sand.u32 $0x40, s29;
	[sflag:s22] =	ssyncset.done $0x0  }
0x7f: {  	s31 =	sadd.s32 $0x50, s0;
	s6 =	sadd.s32 $0x50, s26;
	[sflag:s22] =	ssyncadd.s32 $0xFFFFFF80  }
0x80: {  	[spmem:s2] =	stream.indirect.scatter.add.f32 [tilespmem:s16], [sflag:$0x5], $0x10, s18, s18, $0xb8;
	[tilespmem:$0x6A00] =	vst v63  }
0x81: {  	s28 =	smov.u32 s1;
	s1 =	sand.u32 $0x50, s6;
	_ =	swait.ge [sflag:s17], $0x800  }
0x82: {  	s31 =	sand.u32 $0xFFFFF80, s31;
	s1 =	sadd.s32 s4, s1;
	[sflag:s17] =	ssyncset.done $0x0  }
0x83: {  	s1 =	sadd.s32 s31, s1;
	[sflag:s17] =	ssyncadd.s32 $0xFFFFF800  }
0x84: {  	[tilespmem:s18], [sflag:$0x2] =	stream.linear.gather [hbm4b:s1+s3], $0x80, $0x38;
	[tilespmem:$0x6A00] =	vst v63  }
0x85: {  	_ =	swait.ge [sflag:s23], $0x80  }
0x86: {  	[sflag:s23] =	ssyncset.done $0x0  }
0x87: {  	s7 =	sadd.s32 $0x60, s26;
	[sflag:s23] =	ssyncadd.s32 $0xFFFFFF80  }
0x88: {  	[spmem:s2] =	stream.indirect.scatter.add.f32 [tilespmem:s16], [sflag:$0x5], $0x10, s19, s18, $0xb8;
	[tilespmem:$0x6A00] =	vst v63  }
0x89: {  	s0 =	sadd.s32 $0x60, s0;
	s1 =	sand.u32 $0x60, s7;
	_ =	swait.ge [sflag:s17], $0x800  }
0x8a: {  	s0 =	sand.u32 $0xFFFFF80, s0;
	s1 =	sadd.s32 s4, s1;
	[sflag:s17] =	ssyncset.done $0x0  }
0x8b: {  	s0 =	sadd.s32 s0, s1;
	[sflag:s17] =	ssyncadd.s32 $0xFFFFF800  }
0x8c: {  	[tilespmem:s19], [sflag:$0x3] =	stream.linear.gather [hbm4b:s0+s3], $0x80, $0x38;
	[tilespmem:$0x6A00] =	vst v63  }
.Ltmp2:
0x8d: {  	_ =	swait.ge [sflag:s24], $0x80;
	(pc) =	sbr.rel @p0 .LBB2_6-.Ltmp2, $4  }
0x8e: {  	[sflag:s24] =	ssyncset.done $0x0  }
0x8f: {  	[sflag:s24] =	ssyncadd.s32 $0xFFFFFF80  }
0x90: {  	[spmem:s2] =	stream.indirect.scatter.add.f32 [tilespmem:s16], [sflag:$0x5], $0x10, s20, s18, $0xb8;
	[tilespmem:$0x6A00] =	vst v63  }
0x91: {  	s31 =	smov.u32 s29;
	s26 =	smov.u32 s30;
	_ =	swait.ge [sflag:s17], $0x800  }
0x92: {  	s0 =	rddreg [dreg:$0x3]  }
0x93: {  	s1 =	sand.u32 $0x40, s26;
	s0 =	sadd.s32 s26, s0  }
0x94: {  	s1 =	sadd.s32 s1, s4;
	s6 =	sand.u32 $0xFFFFF80, s0  }
0x95: {  	[sflag:s17] =	ssyncset.done $0x0;
	s1 =	sadd.s32 s6, s1  }
0x96: {  	[sflag:s17] =	ssyncadd.s32 $0xFFFFF800;
	s1 =	sadd.s32 $0x30, s1  }
0x97: {  	[tilespmem:s20], [sflag:$0x4] =	stream.linear.gather [hbm4b:s1+s3], $0x80, $0x38;
	[tilespmem:$0x6A00] =	vst v63  }
0x98: {  	_ =	swait.ge [sflag:s21], $0x80  }
0x99: {  	[sflag:s21] =	ssyncset.done $0x0  }
0x9a: {  	[sflag:s21] =	ssyncadd.s32 $0xFFFFFF80  }
0x9b: {  	[spmem:s2] =	stream.indirect.scatter.add.f32 [tilespmem:s16], [sflag:$0x5], $0x10, s3, s18, $0xb8;
	[tilespmem:$0x6A00] =	vst v63  }
0x9c: {  	s30 =	sadd.s32 $0x40, s0;
	_ =	swait.ge [sflag:s17], $0x800  }
0x9d: {  	s31 =	sadd.s32 s4, s28;
	s1 =	sand.u32 $0xFFFFF80, s30;
	[sflag:s17] =	ssyncset.done $0x0  }
0x9e: {  	s1 =	sadd.s32 s1, s31;
	[sflag:s17] =	ssyncadd.s32 $0xFFFFF800  }
0x9f: {  	[tilespmem:s3], [sflag:$0x1] =	stream.linear.gather [hbm4b:s1+s3], $0x80, $0x38;
	[tilespmem:$0x6A00] =	vst v63  }
0xa0: {  	_ =	swait.ge [sflag:s22], $0x80  }
0xa1: {  	[sflag:s22] =	ssyncset.done $0x0  }
0xa2: {  	s7 =	sadd.s32 $0x50, s26;
	[sflag:s22] =	ssyncadd.s32 $0xFFFFFF80  }
0xa3: {  	[spmem:s2] =	stream.indirect.scatter.add.f32 [tilespmem:s16], [sflag:$0x5], $0x10, s18, s18, $0xb8;
	[tilespmem:$0x6A00] =	vst v63  }
0xa4: {  	s28 =	sadd.s32 $0x50, s0;
	s1 =	sand.u32 $0x50, s7;
	_ =	swait.ge [sflag:s17], $0x800  }
0xa5: {  	s6 =	sand.u32 $0xFFFFF80, s28;
	s1 =	sadd.s32 s4, s1;
	[sflag:s17] =	ssyncset.done $0x0  }
0xa6: {  	s1 =	sadd.s32 s6, s1;
	[sflag:s17] =	ssyncadd.s32 $0xFFFFF800  }
0xa7: {  	[tilespmem:s18], [sflag:$0x2] =	stream.linear.gather [hbm4b:s1+s3], $0x80, $0x38;
	[tilespmem:$0x6A00] =	vst v63  }
0xa8: {  	_ =	swait.ge [sflag:s23], $0x80  }
0xa9: {  	[sflag:s23] =	ssyncset.done $0x0  }
0xaa: {  	s29 =	sadd.s32 $0x60, s26;
	[sflag:s23] =	ssyncadd.s32 $0xFFFFFF80  }
0xab: {  	[spmem:s2] =	stream.indirect.scatter.add.f32 [tilespmem:s16], [sflag:$0x5], $0x10, s19, s18, $0xb8;
	[tilespmem:$0x6A00] =	vst v63  }
0xac: {  	s0 =	sadd.s32 $0x60, s0;
	s1 =	sand.u32 $0x60, s29;
	_ =	swait.ge [sflag:s17], $0x800  }
0xad: {  	s0 =	sand.u32 $0xFFFFF80, s0;
	s1 =	sadd.s32 s4, s1;
	[sflag:s17] =	ssyncset.done $0x0  }
0xae: {  	s0 =	sadd.s32 s0, s1;
	[sflag:s17] =	ssyncadd.s32 $0xFFFFF800  }
0xaf: {  	[tilespmem:s19], [sflag:$0x3] =	stream.linear.gather [hbm4b:s0+s3], $0x80, $0x38;
	[tilespmem:$0x6A00] =	vst v63  }
0xb0: {  	_ =	swait.ge [sflag:s24], $0x80  }
0xb1: {  	[sflag:s24] =	ssyncset.done $0x0  }
0xb2: {  	[sflag:s24] =	ssyncadd.s32 $0xFFFFFF80  }
0xb3: {  	[spmem:s2] =	stream.indirect.scatter.add.f32 [tilespmem:s16], [sflag:$0x5], $0x10, s20, s18, $0xb8;
	[tilespmem:$0x6A00] =	vst v63  }
0xb4: {  	_ =	swait.ge [sflag:s17], $0x800  }
0xb5: {  	[sflag:s17] =	ssyncset.done $0x0  }
0xb6: {  	[sflag:s17] =	ssyncadd.s32 $0xFFFFF800  }
0xb7: {  	[tilespmem:s20], [sflag:$0x4] =	stream.linear.gather [hbm4b:s13+s3], $0x80, $0x38;
	[tilespmem:$0x6A00] =	vst v63  }
0xb8: {  	_ =	swait.ge [sflag:s21], $0x80  }
0xb9: {  	[sflag:s21] =	ssyncset.done $0x0  }
0xba: {  	[sflag:s21] =	ssyncadd.s32 $0xFFFFFF80  }
0xbb: {  	[spmem:s2] =	stream.indirect.scatter.add.f32 [tilespmem:s16], [sflag:$0x5], $0x10, s3, s18, $0xb8;
	[tilespmem:$0x6A00] =	vst v63  }
0xbc: {  	_ =	swait.ge [sflag:s17], $0x800  }
0xbd: {  	[sflag:s17] =	ssyncset.done $0x0  }
0xbe: {  	[sflag:s17] =	ssyncadd.s32 $0xFFFFF800  }
0xbf: {  	_ =	swait.ge [sflag:s22], $0x80  }
0xc0: {  	[sflag:s22] =	ssyncset.done $0x0  }
0xc1: {  	[sflag:s22] =	ssyncadd.s32 $0xFFFFFF80  }
0xc2: {  	[spmem:s2] =	stream.indirect.scatter.add.f32 [tilespmem:s16], [sflag:$0x5], $0x10, s18, s18, $0xb8;
	[tilespmem:$0x6A00] =	vst v63  }
0xc3: {  	_ =	swait.ge [sflag:s17], $0x800  }
0xc4: {  	[sflag:s17] =	ssyncset.done $0x0  }
0xc5: {  	[sflag:s17] =	ssyncadd.s32 $0xFFFFF800  }
0xc6: {  	_ =	swait.ge [sflag:s23], $0x80  }
0xc7: {  	[sflag:s23] =	ssyncset.done $0x0  }
0xc8: {  	[sflag:s23] =	ssyncadd.s32 $0xFFFFFF80  }
0xc9: {  	[spmem:s2] =	stream.indirect.scatter.add.f32 [tilespmem:s16], [sflag:$0x5], $0x10, s19, s18, $0xb8;
	[tilespmem:$0x6A00] =	vst v63  }
0xca: {  	_ =	swait.ge [sflag:s17], $0x800  }
0xcb: {  	[sflag:s17] =	ssyncset.done $0x0  }
0xcc: {  	[sflag:s17] =	ssyncadd.s32 $0xFFFFF800  }
0xcd: {  	_ =	swait.ge [sflag:s24], $0x80  }
0xce: {  	[sflag:s24] =	ssyncset.done $0x0  }
0xcf: {  	[sflag:s24] =	ssyncadd.s32 $0xFFFFFF80  }
0xd0: {  	[spmem:s2] =	stream.indirect.scatter.add.f32 [tilespmem:s16], [sflag:$0x5], $0x10, s20, s18, $0xb8;
	[tilespmem:$0x6A00] =	vst v63  }
0xd1: {  	s25 =	sadd.s32 $0x1, s25;
	_ =	swait.ge [sflag:s17], $0x800  }
0xd2: {  	p0 =	sne.s32 s25, s15;
	s30 =	stileid.u32;
	[sflag:s17] =	ssyncset.done $0x0  }
0xd3: {  	s31 =	sshrl.u32 s5, $0x3;
	s0 =	sshll.u32 s30, $0x6;
	[sflag:s17] =	ssyncadd.s32 $0xFFFFF800  }
.Ltmp3:
0xd4: {  	s0 =	sor.u32 $0x1C05, s0;
	[bflag:$0x0] =	sbarrier.arrive $0xFFFF;
	(pc) =	sbr.rel @p0 .LBB2_1-.Ltmp3, $4  }
0xd5: {  	[hbm:s14], [sflag:s0] =	dma.local [spmem:s31], $0x2800  }
0xd6: {  	_ =	swait.ge [sflag:s17], $0x2800  }
0xd7: {  	[sflag:s17] =	ssyncset.done $0x0  }
0xd8: {  	[sflag:s17] =	ssyncadd.s32 $0xFFFFD800  }
0xd9: {  	_ =	sfence.sel $0x180000  }
0xda: {  	[bflag:$0x0] =	sbarrier.arrive $0xFFFF  }
0xdb: {  	_ =	strace $0x90000047  }
0xdc: {  	s0 =	stileid.u32;
	[bflag:$0x2] =	sbarrier.arrive $0xFFFF  }
0xdd: {  	p0 =	sne.s32 s0, $0x0;
	s0 =	rddreg [dreg:$0x2]  }
0xde: {  	s0 =	sadd.s32 @!p0 $0x100000, s0  }
0xdf: {  	[sflag:s0] =	ssyncadd.tile.s32 @!p0 $0x1;
	_ =	shalt  }
.Lfunc_end2:
_tile_overlayer_lowered:
.L_overlay_start_2:
0xe0: {  	(tag) =	ssettag $0x2  }
0xe1: {  	s0 =	rddreg [dreg:$0x0];
	s2 =	stileid.u32  }
0xe2: {  	s1 =	rddreg [dreg:$0x1];
	p0 =	sne.s32 s2, $0x0  }
0xe3: {  	s3 =	rddreg [dreg:$0x2];
	[bflag:$0x3] =	sbarrier.arrive $0xFFFF;
	s2 =	simm.s32 @!p0 $0x1C05  }
0xe4: {  	[timem:s3], [sflag:s2] =	dma.local @!p0 [hbm:s0], s1  }
0xe5: {  	s0 =	simm.s32 @!p0 $0x5  }
0xe6: {  	_ =	swait.ge @!p0 [sflag:s0], s1  }
0xe7: {  	s1 =	ssub.s32 @!p0 $0x0, s1;
	[sflag:s0] =	ssyncset.done @!p0 $0x0  }
0xe8: {  	[sflag:s0] =	ssyncadd.s32 @!p0 s1  }
0xe9: {  	[bflag:$0x3] =	sbarrier.arrive $0xFFFF  }
0xea: {  	_ =	shalt  }

</sc_bundles>
